<compile_context>
chip_gen: v7x
topology: tpu7x:2x2x1
jax: 0.10.2.dev20260603
libtpu: 0.0.44.dev20260713+nightly
codegen_flags: <defaults>
</compile_context>

<pallas_src>
import jax
import jax.numpy as jnp
from jax import lax
from jax.experimental import pallas as pl
from jax.experimental.pallas import tpu as pltpu
from jax.experimental.pallas import tpu_sc as plsc

N = 100000
E = 1600000
H = 64
BN = 2048
BE = 2048
EP = 1638400
GEP = EP // BE
PADE = EP - E
NC, NS = 2, 16
NW = NC * NS
EPW = EP // NW
KA = 2048
EPT = EP // NS
KC = 1024
NPAD = 100352
SPT = NPAD // NS
GNP = NPAD // BN
ZW = 1568

_F32 = jnp.float32


def _lrelu(v):
    return jnp.maximum(v, 0.01 * v)


def _sigm(v):
    return 1.0 / (1.0 + jnp.exp(-v))


def _elu(v):
    return jnp.where(v > 0, v, jnp.exp(jnp.minimum(v, 0.0)) - 1.0)


def _xT(na_ref, w1, b1):
    return _lrelu(w1[...] * na_ref[0, 0][None, :] + b1[...])


def _gru_new(h, xT, Wih, Whh, bih, bhh):
    gi = jnp.dot(Wih[...], h, preferred_element_type=_F32) + bih[...]
    gh = jnp.dot(Whh[...], xT, preferred_element_type=_F32) + bhh[...]
    rg = _sigm(gi[0:H] + gh[0:H])
    zg = _sigm(gi[H:2 * H] + gh[H:2 * H])
    ng = jnp.tanh(gi[2 * H:3 * H] + rg * gh[2 * H:3 * H])
    return (1.0 - zg) * ng + zg * xT


def _xnew(hn0, hn1, hn2, hn3, ssum, na, W2, gb, Wih, Whh, bih, bhh, w1, b1):
    hT = jnp.concatenate(
        [hn0[...], hn1[...], hn2[...], hn3[...]], axis=0)
    hpre = hT / (ssum[0, 0][None, :] + 1e-16)
    h = _elu(jnp.dot(W2[...], hpre, preferred_element_type=_F32) + gb[...])
    xT = _xT(na, w1, b1)
    return jnp.maximum(_gru_new(h, xT, Wih, Whh, bih, bhh), 0.0)


def _mask2d(i):
    return (lax.broadcasted_iota(jnp.int32, (1, BN), 1) + i * BN) < N



def _pre_body(na, w1, b1, attr, u_out):
    xT = _xT(na, w1, b1)
    u_out[...] = jnp.sum(xT * attr[...], axis=0).reshape(1, 1, BN)



def _gather_body(na, u, src, dst, asrc, udst, idx_v, val_v, sem):
    c = lax.axis_index("c")
    s = lax.axis_index("s")
    wid = s * NC + c
    base = wid * EPW

    def chunk(i, carry):
        off = base + i * KA
        pltpu.sync_copy(src.at[pl.ds(off, KA)], idx_v)
        pltpu.async_copy(na.at[idx_v], val_v, sem).wait()
        pltpu.sync_copy(val_v, asrc.at[pl.ds(off, KA)])
        pltpu.sync_copy(dst.at[pl.ds(off, KA)], idx_v)
        pltpu.async_copy(u.at[idx_v], val_v, sem).wait()
        pltpu.sync_copy(val_v, udst.at[pl.ds(off, KA)])
        return carry

    lax.fori_loop(0, EPW // KA, chunk, 0)



def _edge_body(asrc, udst, t, w1, b1, W1a, we, attl,
               e_out, m0, m1, m2, m3):
    xT = _xT(asrc, w1, b1)
    cT = jnp.dot(W1a[...], xT, preferred_element_type=_F32)
    mT = _lrelu(cT + we[...] * t[0, 0][None, :])
    sv = jnp.sum(mT * attl[...], axis=0)
    alpha = _lrelu(sv + udst[0, 0])
    ev = jnp.exp(alpha)
    e_out[...] = ev.reshape(1, 1, BE)
    msgT = mT * ev[None, :]
    outs = (m0, m1, m2, m3)
    for g in range(4):
        outs[g][...] = msgT[g * 16:(g + 1) * 16, :]



def _scatter_body(msg0, msg1, msg2, msg3, e, dst,
                  hn0, hn1, hn2, hn3, ss,
                  acc, sacc, data_v, idx_v, idx2_v, e_v, zbuf, sem):
    del sem
    c = lax.axis_index("c")
    s = lax.axis_index("s")
    msgs = (msg0, msg1, msg2, msg3)
    hns = (hn0, hn1, hn2, hn3)
    zeros16 = jnp.zeros((16,), _F32)

    def zrow(i, carry):
        zbuf[pl.ds(i * 16, 16)] = zeros16
        return carry

    lax.fori_loop(0, ZW // 16, zrow, 0)

    APT = 16 * NPAD // NS

    for core in range(NC):
        @pl.when(c == core)
        def _(core=core):
            for r in range(2):
                g = core * 2 + r

                def zacc(j, carry):
                    pltpu.sync_copy(zbuf, acc.at[pl.ds(s * APT + j * ZW, ZW)])
                    return carry

                lax.fori_loop(0, APT // ZW, zacc, 0)
                if g == 0:
                    def zsacc(j, carry):
                        pltpu.sync_copy(
                            zbuf, sacc.at[pl.ds(s * SPT + j * ZW, ZW)])
                        return carry
                    lax.fori_loop(0, SPT // ZW, zsacc, 0)
                plsc.subcore_barrier()

                def chunk(i, carry, g=g):
                    eb = s * EPT + i * KC
                    pltpu.sync_copy(dst.at[pl.ds(eb, KC)], idx_v)
                    pltpu.sync_copy(msgs[g].at[:, pl.ds(eb, KC)], data_v)
                    if g == 0:
                        pltpu.sync_copy(e.at[pl.ds(eb, KC)], e_v)
                        pltpu.sync_copy(e_v, sacc.at[idx_v], add=True)
                    for ch in range(16):
                        def addoff(j, carry, ch=ch):
                            idx2_v[pl.ds(j * 16, 16)] = (
                                idx_v[pl.ds(j * 16, 16)] + ch * NPAD)
                            return carry
                        lax.fori_loop(0, KC // 16, addoff, 0)
                        pltpu.sync_copy(data_v.at[ch], acc.at[idx2_v],
                                        add=True)
                    return carry

                lax.fori_loop(0, EPT // KC, chunk, 0)
                plsc.subcore_barrier()
                pltpu.sync_copy(acc.at[pl.ds(s * APT, APT)],
                                hns[g].at[pl.ds(s * APT, APT)])
                if g == 0:
                    pltpu.sync_copy(sacc.at[pl.ds(s * SPT, SPT)],
                                    ss.at[pl.ds(s * SPT, SPT)])
                plsc.subcore_barrier()



def _nodesum_body(hn0, hn1, hn2, hn3, ssum, na, W2, gb, Wih, Whh, bih, bhh,
                  w1, b1, sumx):
    i = pl.program_id(0)
    xn = _xnew(hn0, hn1, hn2, hn3, ssum, na, W2, gb, Wih, Whh, bih, bhh,
               w1, b1)
    xn = jnp.where(_mask2d(i), xn, 0.0)

    @pl.when(i == 0)
    def _():
        sumx[...] = jnp.zeros_like(sumx)

    sumx[...] += jnp.sum(xn, axis=1, keepdims=True)



def _readout_body(hn0, hn1, hn2, hn3, ssum, na, W2, gb, Wih, Whh, bih, bhh,
                  w1, b1, sumx, molW, atts, attd, num, den):
    i = pl.program_id(0)
    xn = _xnew(hn0, hn1, hn2, hn3, ssum, na, W2, gb, Wih, Whh, bih, bhh,
               w1, b1)
    xs = jnp.dot(molW[...], xn, preferred_element_type=_F32)
    out0 = jnp.maximum(sumx[...], 0.0)
    xd = jnp.dot(molW[...], out0, preferred_element_type=_F32)
    const = jnp.sum(xd * attd[...])
    ap = _lrelu(jnp.sum(xs * atts[...], axis=0) + const)
    w = jnp.where(_mask2d(i), jnp.exp(ap)[None, :], 0.0)

    @pl.when(i == 0)
    def _():
        num[...] = jnp.zeros_like(num)
        den[...] = jnp.zeros_like(den)

    num[...] += jnp.sum(xs * w, axis=1, keepdims=True)
    den[...] += jnp.sum(w).reshape(1, 1)



def _final_body(sumx, num, den, molb, mWih, mWhh, mbih, mbhh, l2W, l2b, out):
    out0 = jnp.maximum(sumx[...], 0.0)
    g = _elu(num[...] / den[0, 0] + molb[...])
    o = jnp.maximum(_gru_new(g, out0, mWih, mWhh, mbih, mbhh), 0.0)
    out[...] = jnp.dot(l2W[...], o, preferred_element_type=_F32) + l2b[...]


def _wspec(shape):
    return pl.BlockSpec(shape, lambda *_: tuple(0 for _ in shape))


_N3 = pl.BlockSpec((1, 1, BN), lambda i: (i, 0, 0))
_E3 = pl.BlockSpec((1, 1, BE), lambda i: (i, 0, 0))


def kernel(node_attr, edge_index, edge_attr, lin1_W, lin1_b, gate_lin1_W,
           gate_lin2_W, gate_att_l, gate_att_r, gate_bias, gru_W_ih, gru_W_hh,
           gru_b_ih, gru_b_hh, mol_W, mol_att_src, mol_att_dst, mol_bias,
           mgru_W_ih, mgru_W_hh, mgru_b_ih, mgru_b_hh, lin2_W, lin2_b):
    f32 = _F32
    na = jnp.concatenate([node_attr.reshape(N),
                          jnp.zeros((NPAD - N,), jnp.float32)])
    izeros = jnp.zeros((PADE,), jnp.int32)
    src = jnp.concatenate([edge_index[0], izeros])
    dst = jnp.concatenate([edge_index[1],
                           N + (jnp.arange(PADE, dtype=jnp.int32)
                                % (NPAD - N))])
    t_pad = jnp.concatenate([edge_attr.reshape(E),
                             jnp.zeros((PADE,), jnp.float32)])

    b1 = lin1_b.reshape(H, 1)
    W1a = gate_lin1_W[:, :H]
    we = gate_lin1_W[:, H:H + 1]
    attl = gate_att_l.reshape(H, 1)
    attr_ = gate_att_r.reshape(H, 1)
    gb = gate_bias.reshape(H, 1)
    bih = gru_b_ih.reshape(3 * H, 1)
    bhh = gru_b_hh.reshape(3 * H, 1)
    atts = mol_att_src.reshape(H, 1)
    attd = mol_att_dst.reshape(H, 1)
    molb = mol_bias.reshape(H, 1)
    mbih = mgru_b_ih.reshape(3 * H, 1)
    mbhh = mgru_b_hh.reshape(3 * H, 1)
    l2b = lin2_b.reshape(H, 1)

    u3 = pl.pallas_call(
        _pre_body,
        grid=(GNP,),
        in_specs=[_N3, _wspec((H, 1)), _wspec((H, 1)), _wspec((H, 1))],
        out_specs=_N3,
        out_shape=jax.ShapeDtypeStruct((GNP, 1, BN), f32),
    )(na.reshape(GNP, 1, BN), lin1_W, b1, attr_)

    asrc, udst = pl.kernel(
        _gather_body,
        out_type=(jax.ShapeDtypeStruct((EP,), f32),
                  jax.ShapeDtypeStruct((EP,), f32)),
        mesh=plsc.VectorSubcoreMesh(core_axis_name="c", subcore_axis_name="s"),
        scratch_types=(pltpu.VMEM((KA,), jnp.int32),
                       pltpu.VMEM((KA,), f32),
                       pltpu.SemaphoreType.DMA),
    )(na, u3.reshape(NPAD), src, dst)

    e3, m0, m1, m2, m3 = pl.pallas_call(
        _edge_body,
        grid=(GEP,),
        in_specs=[_E3, _E3, _E3,
                  _wspec((H, 1)), _wspec((H, 1)), _wspec((H, H)),
                  _wspec((H, 1)), _wspec((H, 1))],
        out_specs=[_E3] + [pl.BlockSpec((16, BE), lambda i: (0, i))] * 4,
        out_shape=[jax.ShapeDtypeStruct((GEP, 1, BE), f32)] +
                  [jax.ShapeDtypeStruct((16, EP), f32)] * 4,
    )(asrc.reshape(GEP, 1, BE), udst.reshape(GEP, 1, BE),
      t_pad.reshape(GEP, 1, BE), lin1_W, b1, W1a, we, attl)

    hn0, hn1, hn2, hn3, ssum_pad = pl.kernel(
        _scatter_body,
        out_type=tuple([jax.ShapeDtypeStruct((16 * NPAD,), f32)] * 4) +
                 (jax.ShapeDtypeStruct((NPAD,), f32),),
        mesh=plsc.VectorSubcoreMesh(core_axis_name="c", subcore_axis_name="s"),
        compiler_params=pltpu.CompilerParams(use_tc_tiling_on_sc=False),
        scratch_types=(pltpu.VMEM_SHARED((16 * NPAD,), f32),
                       pltpu.VMEM_SHARED((NPAD,), f32),
                       pltpu.VMEM((16, KC), f32),
                       pltpu.VMEM((KC,), jnp.int32),
                       pltpu.VMEM((KC,), jnp.int32),
                       pltpu.VMEM((KC,), f32),
                       pltpu.VMEM((ZW,), f32),
                       pltpu.SemaphoreType.DMA),
    )(m0, m1, m2, m3, e3.reshape(EP), dst)

    hnspec = [pl.BlockSpec((16, BN), lambda i: (0, i))] * 4
    node_ins = [hn0.reshape(16, NPAD), hn1.reshape(16, NPAD),
                hn2.reshape(16, NPAD), hn3.reshape(16, NPAD),
                ssum_pad.reshape(GNP, 1, BN), na.reshape(GNP, 1, BN),
                gate_lin2_W, gb, gru_W_ih, gru_W_hh, bih, bhh, lin1_W, b1]
    node_specs = hnspec + [_N3, _N3, _wspec((H, H)), _wspec((H, 1)),
                           _wspec((3 * H, H)), _wspec((3 * H, H)),
                           _wspec((3 * H, 1)), _wspec((3 * H, 1)),
                           _wspec((H, 1)), _wspec((H, 1))]

    sumx = pl.pallas_call(
        _nodesum_body,
        grid=(GNP,),
        in_specs=node_specs,
        out_specs=pl.BlockSpec((H, 1), lambda i: (0, 0)),
        out_shape=jax.ShapeDtypeStruct((H, 1), f32),
    )(*node_ins)

    num, den = pl.pallas_call(
        _readout_body,
        grid=(GNP,),
        in_specs=node_specs + [_wspec((H, 1)), _wspec((H, H)),
                               _wspec((H, 1)), _wspec((H, 1))],
        out_specs=[pl.BlockSpec((H, 1), lambda i: (0, 0)),
                   pl.BlockSpec((1, 1), lambda i: (0, 0))],
        out_shape=[jax.ShapeDtypeStruct((H, 1), f32),
                   jax.ShapeDtypeStruct((1, 1), f32)],
    )(*node_ins, sumx, mol_W, atts, attd)

    res = pl.pallas_call(
        _final_body,
        in_specs=[_wspec((H, 1)), _wspec((H, 1)), _wspec((1, 1)),
                  _wspec((H, 1)), _wspec((3 * H, H)), _wspec((3 * H, H)),
                  _wspec((3 * H, 1)), _wspec((3 * H, 1)),
                  _wspec((H, H)), _wspec((H, 1))],
        out_specs=_wspec((H, 1)),
        out_shape=jax.ShapeDtypeStruct((H, 1), f32),
    )(sumx, num, den, molb, mgru_W_ih, mgru_W_hh, mbih, mbhh, lin2_W, l2b)
    return res.reshape(1, H)

# --- scband reference (transcript-rebuilt; emitter-appended) ---
"""Pipeline reference for scband-attentive-fpmodel-11733850653137 (READ-ONLY COPY).

The authoritative reference and input builder live on the scoring server;
editing this copy changes nothing except your own understanding.
"""

import jax, jax.numpy as jnp
import numpy as np

N = 100000
E = 1600000
IN_DIM = 1
EDGE_DIM = 1
H = 64

def _gru(x, h, W_ih, W_hh, b_ih, b_hh):
    gi = x @ W_ih.T + b_ih
    gh = h @ W_hh.T + b_hh
    i_r, i_z, i_n = jnp.split(gi, 3, axis=-1)
    h_r, h_z, h_n = jnp.split(gh, 3, axis=-1)
    r = jax.nn.sigmoid(i_r + h_r)
    z = jax.nn.sigmoid(i_z + h_z)
    n = jnp.tanh(i_n + r * h_n)
    return (1.0 - z) * n + z * h

def _segment_softmax(alpha, index, num_segments):
    amax = jax.ops.segment_max(alpha, index, num_segments=num_segments)
    amax = jax.lax.stop_gradient(jnp.where(jnp.isfinite(amax), amax, 0.0))
    e = jnp.exp(alpha - amax[index])
    s = jax.ops.segment_sum(e, index, num_segments=num_segments)
    return e / (s[index] + 1e-16)

def setup_inputs(seed: int = 0):
    key = jax.random.key(seed)
    ks = jax.random.split(key, 30)
    def p(k, shape, scale=0.1):
        return jax.random.normal(k, shape, dtype=jnp.float32) * scale
    return {
        "node_attr": jax.random.normal(ks[0], (N, IN_DIM), dtype=jnp.float32),
        "edge_index": jax.random.randint(ks[1], (2, E), 0, N, dtype=jnp.int32),
        "edge_attr": jax.random.normal(ks[2], (E, EDGE_DIM), dtype=jnp.float32),
        "lin1_W": p(ks[3], (H, IN_DIM)),
        "lin1_b": p(ks[4], (H,)),
        "gate_lin1_W": p(ks[5], (H, H + EDGE_DIM)),
        "gate_lin2_W": p(ks[6], (H, H)),
        "gate_att_l": p(ks[7], (H,)),
        "gate_att_r": p(ks[8], (H,)),
        "gate_bias": p(ks[9], (H,)),
        "gru_W_ih": p(ks[10], (3 * H, H)),
        "gru_W_hh": p(ks[11], (3 * H, H)),
        "gru_b_ih": p(ks[12], (3 * H,)),
        "gru_b_hh": p(ks[13], (3 * H,)),
        "mol_W": p(ks[14], (H, H)),
        "mol_att_src": p(ks[15], (H,)),
        "mol_att_dst": p(ks[16], (H,)),
        "mol_bias": p(ks[17], (H,)),
        "mgru_W_ih": p(ks[18], (3 * H, H)),
        "mgru_W_hh": p(ks[19], (3 * H, H)),
        "mgru_b_ih": p(ks[20], (3 * H,)),
        "mgru_b_hh": p(ks[21], (3 * H,)),
        "lin2_W": p(ks[22], (H, H)),
        "lin2_b": p(ks[23], (H,)),
    }

def reference(node_attr, edge_index, edge_attr, lin1_W, lin1_b, gate_lin1_W, gate_lin2_W, gate_att_l, gate_att_r, gate_bias, gru_W_ih, gru_W_hh, gru_b_ih, gru_b_hh, mol_W, mol_att_src, mol_att_dst, mol_bias, mgru_W_ih, mgru_W_hh, mgru_b_ih, mgru_b_hh, lin2_W, lin2_b):
    src = edge_index[0]
    dst = edge_index[1]
    n = node_attr.shape[0]
    # AttentiveFP: x = leaky_relu(lin1(x))
    x = jax.nn.leaky_relu(node_attr @ lin1_W.T + lin1_b, 0.01)
    # GATEConv (edge attention with edge features)
    x_j = x[src]
    x_i = x[dst]
    m = jax.nn.leaky_relu(jnp.concatenate([x_j, edge_attr], axis=-1) @ gate_lin1_W.T, 0.01)
    alpha = jax.nn.leaky_relu(m @ gate_att_l + x_i @ gate_att_r, 0.01)
    alpha = _segment_softmax(alpha, dst, n)
    msg = (m @ gate_lin2_W.T) * alpha[:, None]
    h = jax.ops.segment_sum(msg, dst, num_segments=n) + gate_bias
    h = jax.nn.elu(h)
    x = jax.nn.relu(_gru(h, x, gru_W_ih, gru_W_hh, gru_b_ih, gru_b_hh))
    # Molecule readout (batch = all zeros -> single graph), num_timesteps = 1
    out = jax.nn.relu(jnp.sum(x, axis=0, keepdims=True))
    xs = x @ mol_W.T
    xd = out @ mol_W.T
    a = jax.nn.leaky_relu(xs @ mol_att_src + (xd @ mol_att_dst)[0], 0.01)
    a = jax.nn.softmax(a)
    g = jax.nn.elu(jnp.sum(xs * a[:, None], axis=0, keepdims=True) + mol_bias)
    out = jax.nn.relu(_gru(g, out, mgru_W_ih, mgru_W_hh, mgru_b_ih, mgru_b_hh))
    return out @ lin2_W.T + lin2_b

if __name__ == "__main__":
    import jax
    _d = setup_inputs()
    print(jax.jit(kernel)(*tuple(_d.values())))

</pallas_src>

<mosaic_0001>
#map = affine_map<(d0, d1) -> (0)>
module attributes {stable_mosaic.version = 14 : i64} {
  func.func @_gather_body(%arg0: i32, %arg1: i32, %arg2: memref<100352xf32, #tpu.memory_space<hbm>>, %arg3: memref<100352xf32, #tpu.memory_space<hbm>>, %arg4: memref<1638400xi32, #tpu.memory_space<hbm>>, %arg5: memref<1638400xi32, #tpu.memory_space<hbm>>, %arg6: memref<1638400xf32, #tpu.memory_space<hbm>>, %arg7: memref<1638400xf32, #tpu.memory_space<hbm>>, %arg8: memref<2048xi32, #tpu.memory_space<vmem>>, %arg9: memref<2048xf32, #tpu.memory_space<vmem>>, %arg10: memref<!tpu.dma_semaphore, #tpu.memory_space<semaphore_mem>>) attributes {dimension_semantics = [#tpu.dimension_semantics<core_parallel>, #tpu.dimension_semantics<subcore_parallel>], iteration_bounds = array<i64: 2, 16>, scalar_prefetch = 0 : i64, scratch_operands = 3 : i64, tpu.core_type = #tpu.core_type<sc_vector_subcore>, window_params = [{transform_indices = #map}, {transform_indices = #map}, {transform_indices = #map}, {transform_indices = #map}, {transform_indices = #map}, {transform_indices = #map}]} {
    %mul3A = arith.constant 2 : i32
    %mul3A_0 = arith.muli %arg1, %mul3A : i32
    %add3A = arith.addi %mul3A_0, %arg0 : i32
    %mul3A_1 = arith.constant 51200 : i32
    %mul3A_2 = arith.muli %add3A, %mul3A_1 : i32
    %scan3A = arith.constant 0 : i32
    %scan3A_3 = arith.constant 0 : i32
    %scan3A_4 = arith.constant 25 : i32
    %scan3A_5 = arith.addi %scan3A_3, %scan3A_4 : i32
    %scan3A_6 = arith.constant 1 : i32
    scf.for %scan3A_8 = %scan3A_3 to %scan3A_5 step %scan3A_6  : i32 {
      %mul3A_9 = arith.constant 2048 : i32
      %mul3A_10 = arith.muli %scan3A_8, %mul3A_9 : i32
      %add3A_11 = arith.addi %mul3A_2, %mul3A_10 : i32
      "tpu.region"() ({
        %run_scoped3A = tpu.sem_alloc : memref<!tpu.dma_semaphore, #tpu.memory_space<semaphore_mem>>
        %dma_start3A_18 = tpu.memref_slice %arg4[%add3A_11] : memref<1638400xi32, #tpu.memory_space<hbm>> -> memref<2048xi32, #tpu.memory_space<hbm>>
        %dma_start3A_19 = tpu.memref_slice %arg4[%add3A_11] : memref<1638400xi32, #tpu.memory_space<hbm>> -> memref<2048xi32, #tpu.memory_space<hbm>>
        tpu.enqueue_dma source(%dma_start3A_19 : memref<2048xi32, #tpu.memory_space<hbm>>) target(%arg8 : memref<2048xi32, #tpu.memory_space<vmem>>) target_semaphore(%run_scoped3A : memref<!tpu.dma_semaphore, #tpu.memory_space<semaphore_mem>>)
        %dma_wait3A_20 = tpu.memref_slice %arg4[%add3A_11] : memref<1638400xi32, #tpu.memory_space<hbm>> -> memref<2048xi32, #tpu.memory_space<hbm>>
        %dma_wait3A_21 = tpu.memref_slice %arg4[%add3A_11] : memref<1638400xi32, #tpu.memory_space<hbm>> -> memref<2048xi32, #tpu.memory_space<hbm>>
        tpu.wait_dma2 semaphore(%run_scoped3A : memref<!tpu.dma_semaphore, #tpu.memory_space<semaphore_mem>>) src(%dma_wait3A_21 : memref<2048xi32, #tpu.memory_space<hbm>>) dst(%arg8 : memref<2048xi32, #tpu.memory_space<vmem>>)
        tpu.yield
      }) : () -> ()
      %dma_start3A = arith.constant 0 : i32
      %dma_start3A_12 = tpu.memref_slice %arg2[%dma_start3A] : memref<100352xf32, #tpu.memory_space<hbm>> -> memref<100352xf32, #tpu.memory_space<hbm>>
      tpu.enqueue_indirect_dma source(%dma_start3A_12 : memref<100352xf32, #tpu.memory_space<hbm>>) target(%arg9 : memref<2048xf32, #tpu.memory_space<vmem>>) offsets(%arg8 : memref<2048xi32, #tpu.memory_space<vmem>>) semaphore(%arg10 : memref<!tpu.dma_semaphore, #tpu.memory_space<semaphore_mem>>)
      %dma_wait3A = arith.constant 0 : i32
      %dma_wait3A_13 = tpu.memref_slice %arg2[%dma_wait3A] : memref<100352xf32, #tpu.memory_space<hbm>> -> memref<100352xf32, #tpu.memory_space<hbm>>
      tpu.wait_indirect_dma semaphore(%arg10 : memref<!tpu.dma_semaphore, #tpu.memory_space<semaphore_mem>>) src(%dma_wait3A_13 : memref<100352xf32, #tpu.memory_space<hbm>>) dst(%arg9 : memref<2048xf32, #tpu.memory_space<vmem>>)
      "tpu.region"() ({
        %run_scoped3A = tpu.sem_alloc : memref<!tpu.dma_semaphore, #tpu.memory_space<semaphore_mem>>
        %dma_start3A_18 = tpu.memref_slice %arg6[%add3A_11] : memref<1638400xf32, #tpu.memory_space<hbm>> -> memref<2048xf32, #tpu.memory_space<hbm>>
        %dma_start3A_19 = tpu.memref_slice %arg6[%add3A_11] : memref<1638400xf32, #tpu.memory_space<hbm>> -> memref<2048xf32, #tpu.memory_space<hbm>>
        tpu.enqueue_dma source(%arg9 : memref<2048xf32, #tpu.memory_space<vmem>>) target(%dma_start3A_19 : memref<2048xf32, #tpu.memory_space<hbm>>) target_semaphore(%run_scoped3A : memref<!tpu.dma_semaphore, #tpu.memory_space<semaphore_mem>>)
        %dma_wait3A_20 = tpu.memref_slice %arg6[%add3A_11] : memref<1638400xf32, #tpu.memory_space<hbm>> -> memref<2048xf32, #tpu.memory_space<hbm>>
        %dma_wait3A_21 = tpu.memref_slice %arg6[%add3A_11] : memref<1638400xf32, #tpu.memory_space<hbm>> -> memref<2048xf32, #tpu.memory_space<hbm>>
        tpu.wait_dma2 semaphore(%run_scoped3A : memref<!tpu.dma_semaphore, #tpu.memory_space<semaphore_mem>>) src(%arg9 : memref<2048xf32, #tpu.memory_space<vmem>>) dst(%dma_wait3A_21 : memref<2048xf32, #tpu.memory_space<hbm>>)
        tpu.yield
      }) : () -> ()
      "tpu.region"() ({
        %run_scoped3A = tpu.sem_alloc : memref<!tpu.dma_semaphore, #tpu.memory_space<semaphore_mem>>
        %dma_start3A_18 = tpu.memref_slice %arg5[%add3A_11] : memref<1638400xi32, #tpu.memory_space<hbm>> -> memref<2048xi32, #tpu.memory_space<hbm>>
        %dma_start3A_19 = tpu.memref_slice %arg5[%add3A_11] : memref<1638400xi32, #tpu.memory_space<hbm>> -> memref<2048xi32, #tpu.memory_space<hbm>>
        tpu.enqueue_dma source(%dma_start3A_19 : memref<2048xi32, #tpu.memory_space<hbm>>) target(%arg8 : memref<2048xi32, #tpu.memory_space<vmem>>) target_semaphore(%run_scoped3A : memref<!tpu.dma_semaphore, #tpu.memory_space<semaphore_mem>>)
        %dma_wait3A_20 = tpu.memref_slice %arg5[%add3A_11] : memref<1638400xi32, #tpu.memory_space<hbm>> -> memref<2048xi32, #tpu.memory_space<hbm>>
        %dma_wait3A_21 = tpu.memref_slice %arg5[%add3A_11] : memref<1638400xi32, #tpu.memory_space<hbm>> -> memref<2048xi32, #tpu.memory_space<hbm>>
        tpu.wait_dma2 semaphore(%run_scoped3A : memref<!tpu.dma_semaphore, #tpu.memory_space<semaphore_mem>>) src(%dma_wait3A_21 : memref<2048xi32, #tpu.memory_space<hbm>>) dst(%arg8 : memref<2048xi32, #tpu.memory_space<vmem>>)
        tpu.yield
      }) : () -> ()
      %dma_start3A_14 = arith.constant 0 : i32
      %dma_start3A_15 = tpu.memref_slice %arg3[%dma_start3A_14] : memref<100352xf32, #tpu.memory_space<hbm>> -> memref<100352xf32, #tpu.memory_space<hbm>>
      tpu.enqueue_indirect_dma source(%dma_start3A_15 : memref<100352xf32, #tpu.memory_space<hbm>>) target(%arg9 : memref<2048xf32, #tpu.memory_space<vmem>>) offsets(%arg8 : memref<2048xi32, #tpu.memory_space<vmem>>) semaphore(%arg10 : memref<!tpu.dma_semaphore, #tpu.memory_space<semaphore_mem>>)
      %dma_wait3A_16 = arith.constant 0 : i32
      %dma_wait3A_17 = tpu.memref_slice %arg3[%dma_wait3A_16] : memref<100352xf32, #tpu.memory_space<hbm>> -> memref<100352xf32, #tpu.memory_space<hbm>>
      tpu.wait_indirect_dma semaphore(%arg10 : memref<!tpu.dma_semaphore, #tpu.memory_space<semaphore_mem>>) src(%dma_wait3A_17 : memref<100352xf32, #tpu.memory_space<hbm>>) dst(%arg9 : memref<2048xf32, #tpu.memory_space<vmem>>)
      "tpu.region"() ({
        %run_scoped3A = tpu.sem_alloc : memref<!tpu.dma_semaphore, #tpu.memory_space<semaphore_mem>>
        %dma_start3A_18 = tpu.memref_slice %arg7[%add3A_11] : memref<1638400xf32, #tpu.memory_space<hbm>> -> memref<2048xf32, #tpu.memory_space<hbm>>
        %dma_start3A_19 = tpu.memref_slice %arg7[%add3A_11] : memref<1638400xf32, #tpu.memory_space<hbm>> -> memref<2048xf32, #tpu.memory_space<hbm>>
        tpu.enqueue_dma source(%arg9 : memref<2048xf32, #tpu.memory_space<vmem>>) target(%dma_start3A_19 : memref<2048xf32, #tpu.memory_space<hbm>>) target_semaphore(%run_scoped3A : memref<!tpu.dma_semaphore, #tpu.memory_space<semaphore_mem>>)
        %dma_wait3A_20 = tpu.memref_slice %arg7[%add3A_11] : memref<1638400xf32, #tpu.memory_space<hbm>> -> memref<2048xf32, #tpu.memory_space<hbm>>
        %dma_wait3A_21 = tpu.memref_slice %arg7[%add3A_11] : memref<1638400xf32, #tpu.memory_space<hbm>> -> memref<2048xf32, #tpu.memory_space<hbm>>
        tpu.wait_dma2 semaphore(%run_scoped3A : memref<!tpu.dma_semaphore, #tpu.memory_space<semaphore_mem>>) src(%arg9 : memref<2048xf32, #tpu.memory_space<vmem>>) dst(%dma_wait3A_21 : memref<2048xf32, #tpu.memory_space<hbm>>)
        tpu.yield
      }) : () -> ()
    }
    %scan3A_7 = arith.constant 25 : i32
    return
  }
}

#map = affine_map<(d0, d1) -> (0, 0)>
#map1 = affine_map<(d0, d1) -> (0)>
module attributes {stable_mosaic.version = 14 : i64} {
  func.func @_scatter_body(%arg0: i32, %arg1: i32, %arg2: memref<16x1638400xf32, #tpu.memory_space<hbm>>, %arg3: memref<16x1638400xf32, #tpu.memory_space<hbm>>, %arg4: memref<16x1638400xf32, #tpu.memory_space<hbm>>, %arg5: memref<16x1638400xf32, #tpu.memory_space<hbm>>, %arg6: memref<1638400xf32, #tpu.memory_space<hbm>>, %arg7: memref<1638400xi32, #tpu.memory_space<hbm>>, %arg8: memref<1605632xf32, #tpu.memory_space<hbm>>, %arg9: memref<1605632xf32, #tpu.memory_space<hbm>>, %arg10: memref<1605632xf32, #tpu.memory_space<hbm>>, %arg11: memref<1605632xf32, #tpu.memory_space<hbm>>, %arg12: memref<100352xf32, #tpu.memory_space<hbm>>, %arg13: memref<1605632xf32, #tpu.memory_space<vmem_shared>>, %arg14: memref<100352xf32, #tpu.memory_space<vmem_shared>>, %arg15: memref<16x1024xf32, #tpu.memory_space<vmem>>, %arg16: memref<1024xi32, #tpu.memory_space<vmem>>, %arg17: memref<1024xi32, #tpu.memory_space<vmem>>, %arg18: memref<1024xf32, #tpu.memory_space<vmem>>, %arg19: memref<1568xf32, #tpu.memory_space<vmem>>, %arg20: memref<!tpu.dma_semaphore, #tpu.memory_space<semaphore_mem>>) attributes {dimension_semantics = [#tpu.dimension_semantics<core_parallel>, #tpu.dimension_semantics<subcore_parallel>], iteration_bounds = array<i64: 2, 16>, scalar_prefetch = 0 : i64, scratch_operands = 8 : i64, tpu.core_type = #tpu.core_type<sc_vector_subcore>, window_params = [{transform_indices = #map}, {transform_indices = #map}, {transform_indices = #map}, {transform_indices = #map}, {transform_indices = #map1}, {transform_indices = #map1}, {transform_indices = #map1}, {transform_indices = #map1}, {transform_indices = #map1}, {transform_indices = #map1}, {transform_indices = #map1}]} {
    %broadcast_in_dim3A = arith.constant 0.000000e+00 : f32
    %broadcast_in_dim3A_0 = vector.broadcast %broadcast_in_dim3A : f32 to vector<16xf32>
    %scan3A = arith.constant 0 : i32
    %scan3A_1 = arith.constant 0 : i32
    %scan3A_2 = arith.constant 98 : i32
    %scan3A_3 = arith.addi %scan3A_1, %scan3A_2 : i32
    %scan3A_4 = arith.constant 1 : i32
    scf.for %scan3A_13 = %scan3A_1 to %scan3A_3 step %scan3A_4  : i32 {
      %mul3A = arith.constant 16 : i32
      %mul3A_14 = arith.muli %scan3A_13, %mul3A : i32
      %swap3A = arith.index_cast %mul3A_14 : i32 to index
      %swap3A_15 = tpu.vector_load %arg19[%swap3A] {strides = array<i32>} : memref<1568xf32, #tpu.memory_space<vmem>>, vector<16xf32>,
      %swap3A_16 = vector.shape_cast %swap3A_15 : vector<16xf32> to vector<16xf32>
      %swap3A_17 = vector.shape_cast %broadcast_in_dim3A_0 : vector<16xf32> to vector<16xf32>
      tpu.vector_store %arg19[%swap3A], %swap3A_17 {strides = array<i32>} : memref<1568xf32, #tpu.memory_space<vmem>>, vector<16xf32>,
    }
    %scan3A_5 = arith.constant 98 : i32
    %eq3A = arith.constant 0 : i32
    %eq3A_6 = arith.cmpi eq, %arg0, %eq3A : i32
    %convert_element_type3A = arith.extui %eq3A_6 : i1 to i32
    %cond3A = arith.constant 0 : i32
    %cond3A_7 = arith.cmpi ne, %convert_element_type3A, %cond3A : i32
    scf.if %cond3A_7 {
      %scan3A_13 = arith.constant 0 : i32
      %scan3A_14 = arith.constant 0 : i32
      %scan3A_15 = arith.constant 64 : i32
      %scan3A_16 = arith.addi %scan3A_14, %scan3A_15 : i32
      %scan3A_17 = arith.constant 1 : i32
      scf.for %scan3A_59 = %scan3A_14 to %scan3A_16 step %scan3A_17  : i32 {
        %mul3A_60 = arith.constant 100352 : i32
        %mul3A_61 = arith.muli %arg1, %mul3A_60 : i32
        %mul3A_62 = arith.constant 1568 : i32
        %mul3A_63 = arith.muli %scan3A_59, %mul3A_62 : i32
        %add3A = arith.addi %mul3A_61, %mul3A_63 : i32
        "tpu.region"() ({
          %run_scoped3A = tpu.sem_alloc : memref<!tpu.dma_semaphore, #tpu.memory_space<semaphore_mem>>
          %dma_start3A = tpu.memref_slice %arg13[%add3A] : memref<1605632xf32, #tpu.memory_space<vmem_shared>> -> memref<1568xf32, #tpu.memory_space<vmem_shared>>
          %dma_start3A_64 = tpu.memref_slice %arg13[%add3A] : memref<1605632xf32, #tpu.memory_space<vmem_shared>> -> memref<1568xf32, #tpu.memory_space<vmem_shared>>
          tpu.enqueue_dma source(%arg19 : memref<1568xf32, #tpu.memory_space<vmem>>) target(%dma_start3A_64 : memref<1568xf32, #tpu.memory_space<vmem_shared>>) target_semaphore(%run_scoped3A : memref<!tpu.dma_semaphore, #tpu.memory_space<semaphore_mem>>)
          %dma_wait3A = tpu.memref_slice %arg13[%add3A] : memref<1605632xf32, #tpu.memory_space<vmem_shared>> -> memref<1568xf32, #tpu.memory_space<vmem_shared>>
          %dma_wait3A_65 = tpu.memref_slice %arg13[%add3A] : memref<1605632xf32, #tpu.memory_space<vmem_shared>> -> memref<1568xf32, #tpu.memory_space<vmem_shared>>
          tpu.wait_dma2 semaphore(%run_scoped3A : memref<!tpu.dma_semaphore, #tpu.memory_space<semaphore_mem>>) src(%arg19 : memref<1568xf32, #tpu.memory_space<vmem>>) dst(%dma_wait3A_65 : memref<1568xf32, #tpu.memory_space<vmem_shared>>)
          tpu.yield
        }) : () -> ()
      }
      %scan3A_18 = arith.constant 64 : i32
      %scan3A_19 = arith.constant 0 : i32
      %scan3A_20 = arith.constant 0 : i32
      %scan3A_21 = arith.constant 4 : i32
      %scan3A_22 = arith.addi %scan3A_20, %scan3A_21 : i32
      %scan3A_23 = arith.constant 1 : i32
      scf.for %scan3A_59 = %scan3A_20 to %scan3A_22 step %scan3A_23  : i32 {
        %mul3A_60 = arith.constant 6272 : i32
        %mul3A_61 = arith.muli %arg1, %mul3A_60 : i32
        %mul3A_62 = arith.constant 1568 : i32
        %mul3A_63 = arith.muli %scan3A_59, %mul3A_62 : i32
        %add3A = arith.addi %mul3A_61, %mul3A_63 : i32
        "tpu.region"() ({
          %run_scoped3A = tpu.sem_alloc : memref<!tpu.dma_semaphore, #tpu.memory_space<semaphore_mem>>
          %dma_start3A = tpu.memref_slice %arg14[%add3A] : memref<100352xf32, #tpu.memory_space<vmem_shared>> -> memref<1568xf32, #tpu.memory_space<vmem_shared>>
          %dma_start3A_64 = tpu.memref_slice %arg14[%add3A] : memref<100352xf32, #tpu.memory_space<vmem_shared>> -> memref<1568xf32, #tpu.memory_space<vmem_shared>>
          tpu.enqueue_dma source(%arg19 : memref<1568xf32, #tpu.memory_space<vmem>>) target(%dma_start3A_64 : memref<1568xf32, #tpu.memory_space<vmem_shared>>) target_semaphore(%run_scoped3A : memref<!tpu.dma_semaphore, #tpu.memory_space<semaphore_mem>>)
          %dma_wait3A = tpu.memref_slice %arg14[%add3A] : memref<100352xf32, #tpu.memory_space<vmem_shared>> -> memref<1568xf32, #tpu.memory_space<vmem_shared>>
          %dma_wait3A_65 = tpu.memref_slice %arg14[%add3A] : memref<100352xf32, #tpu.memory_space<vmem_shared>> -> memref<1568xf32, #tpu.memory_space<vmem_shared>>
          tpu.wait_dma2 semaphore(%run_scoped3A : memref<!tpu.dma_semaphore, #tpu.memory_space<semaphore_mem>>) src(%arg19 : memref<1568xf32, #tpu.memory_space<vmem>>) dst(%dma_wait3A_65 : memref<1568xf32, #tpu.memory_space<vmem_shared>>)
          tpu.yield
        }) : () -> ()
      }
      %scan3A_24 = arith.constant 4 : i32
      %barrier3A = arith.constant 0 : index
      tpu.barrier barrier_id(%barrier3A)
      %scan3A_25 = arith.constant 0 : i32
      %scan3A_26 = arith.constant 0 : i32
      %scan3A_27 = arith.constant 100 : i32
      %scan3A_28 = arith.addi %scan3A_26, %scan3A_27 : i32
      %scan3A_29 = arith.constant 1 : i32
      scf.for %scan3A_59 = %scan3A_26 to %scan3A_28 step %scan3A_29  : i32 {
        %mul3A_60 = arith.constant 102400 : i32
        %mul3A_61 = arith.muli %arg1, %mul3A_60 : i32
        %mul3A_62 = arith.constant 1024 : i32
        %mul3A_63 = arith.muli %scan3A_59, %mul3A_62 : i32
        %add3A = arith.addi %mul3A_61, %mul3A_63 : i32
        "tpu.region"() ({
          %run_scoped3A_175 = tpu.sem_alloc : memref<!tpu.dma_semaphore, #tpu.memory_space<semaphore_mem>>
          %dma_start3A = tpu.memref_slice %arg7[%add3A] : memref<1638400xi32, #tpu.memory_space<hbm>> -> memref<1024xi32, #tpu.memory_space<hbm>>
          %dma_start3A_176 = tpu.memref_slice %arg7[%add3A] : memref<1638400xi32, #tpu.memory_space<hbm>> -> memref<1024xi32, #tpu.memory_space<hbm>>
          tpu.enqueue_dma source(%dma_start3A_176 : memref<1024xi32, #tpu.memory_space<hbm>>) target(%arg16 : memref<1024xi32, #tpu.memory_space<vmem>>) target_semaphore(%run_scoped3A_175 : memref<!tpu.dma_semaphore, #tpu.memory_space<semaphore_mem>>)
          %dma_wait3A = tpu.memref_slice %arg7[%add3A] : memref<1638400xi32, #tpu.memory_space<hbm>> -> memref<1024xi32, #tpu.memory_space<hbm>>
          %dma_wait3A_177 = tpu.memref_slice %arg7[%add3A] : memref<1638400xi32, #tpu.memory_space<hbm>> -> memref<1024xi32, #tpu.memory_space<hbm>>
          tpu.wait_dma2 semaphore(%run_scoped3A_175 : memref<!tpu.dma_semaphore, #tpu.memory_space<semaphore_mem>>) src(%dma_wait3A_177 : memref<1024xi32, #tpu.memory_space<hbm>>) dst(%arg16 : memref<1024xi32, #tpu.memory_space<vmem>>)
          tpu.yield
        }) : () -> ()
        "tpu.region"() ({
          %run_scoped3A_175 = tpu.sem_alloc : memref<!tpu.dma_semaphore, #tpu.memory_space<semaphore_mem>>
          %dma_start3A = arith.constant 0 : i32
          %dma_start3A_176 = tpu.memref_slice %arg2[%dma_start3A, %add3A] : memref<16x1638400xf32, #tpu.memory_space<hbm>> -> memref<16x1024xf32, #tpu.memory_space<hbm>>
          %dma_start3A_177 = arith.constant 0 : i32
          %dma_start3A_178 = tpu.memref_slice %arg2[%dma_start3A_177, %add3A] : memref<16x1638400xf32, #tpu.memory_space<hbm>> -> memref<16x1024xf32, #tpu.memory_space<hbm>>
          tpu.enqueue_dma source(%dma_start3A_178 : memref<16x1024xf32, #tpu.memory_space<hbm>>) target(%arg15 : memref<16x1024xf32, #tpu.memory_space<vmem>>) target_semaphore(%run_scoped3A_175 : memref<!tpu.dma_semaphore, #tpu.memory_space<semaphore_mem>>)
          %dma_wait3A = arith.constant 0 : i32
          %dma_wait3A_179 = tpu.memref_slice %arg2[%dma_wait3A, %add3A] : memref<16x1638400xf32, #tpu.memory_space<hbm>> -> memref<16x1024xf32, #tpu.memory_space<hbm>>
          %dma_wait3A_180 = arith.constant 0 : i32
          %dma_wait3A_181 = tpu.memref_slice %arg2[%dma_wait3A_180, %add3A] : memref<16x1638400xf32, #tpu.memory_space<hbm>> -> memref<16x1024xf32, #tpu.memory_space<hbm>>
          tpu.wait_dma2 semaphore(%run_scoped3A_175 : memref<!tpu.dma_semaphore, #tpu.memory_space<semaphore_mem>>) src(%dma_wait3A_181 : memref<16x1024xf32, #tpu.memory_space<hbm>>) dst(%arg15 : memref<16x1024xf32, #tpu.memory_space<vmem>>)
          tpu.yield
        }) : () -> ()
        "tpu.region"() ({
          %run_scoped3A_175 = tpu.sem_alloc : memref<!tpu.dma_semaphore, #tpu.memory_space<semaphore_mem>>
          %dma_start3A = tpu.memref_slice %arg6[%add3A] : memref<1638400xf32, #tpu.memory_space<hbm>> -> memref<1024xf32, #tpu.memory_space<hbm>>
          %dma_start3A_176 = tpu.memref_slice %arg6[%add3A] : memref<1638400xf32, #tpu.memory_space<hbm>> -> memref<1024xf32, #tpu.memory_space<hbm>>
          tpu.enqueue_dma source(%dma_start3A_176 : memref<1024xf32, #tpu.memory_space<hbm>>) target(%arg18 : memref<1024xf32, #tpu.memory_space<vmem>>) target_semaphore(%run_scoped3A_175 : memref<!tpu.dma_semaphore, #tpu.memory_space<semaphore_mem>>)
          %dma_wait3A = tpu.memref_slice %arg6[%add3A] : memref<1638400xf32, #tpu.memory_space<hbm>> -> memref<1024xf32, #tpu.memory_space<hbm>>
          %dma_wait3A_177 = tpu.memref_slice %arg6[%add3A] : memref<1638400xf32, #tpu.memory_space<hbm>> -> memref<1024xf32, #tpu.memory_space<hbm>>
          tpu.wait_dma2 semaphore(%run_scoped3A_175 : memref<!tpu.dma_semaphore, #tpu.memory_space<semaphore_mem>>) src(%dma_wait3A_177 : memref<1024xf32, #tpu.memory_space<hbm>>) dst(%arg18 : memref<1024xf32, #tpu.memory_space<vmem>>)
          tpu.yield
        }) : () -> ()
        "tpu.region"() ({
          %run_scoped3A_175 = tpu.sem_alloc : memref<!tpu.dma_semaphore, #tpu.memory_space<semaphore_mem>>
          %dma_start3A = arith.constant 0 : i32
          %dma_start3A_176 = tpu.memref_slice %arg14[%dma_start3A] : memref<100352xf32, #tpu.memory_space<vmem_shared>> -> memref<100352xf32, #tpu.memory_space<vmem_shared>>
          tpu.enqueue_indirect_dma source(%arg18 : memref<1024xf32, #tpu.memory_space<vmem>>) target(%dma_start3A_176 : memref<100352xf32, #tpu.memory_space<vmem_shared>>) offsets(%arg16 : memref<1024xi32, #tpu.memory_space<vmem>>) semaphore(%run_scoped3A_175 : memref<!tpu.dma_semaphore, #tpu.memory_space<semaphore_mem>>) {add = true}
          %dma_wait3A = arith.constant 0 : i32
          %dma_wait3A_177 = tpu.memref_slice %arg14[%dma_wait3A] : memref<100352xf32, #tpu.memory_space<vmem_shared>> -> memref<100352xf32, #tpu.memory_space<vmem_shared>>
          tpu.wait_indirect_dma semaphore(%run_scoped3A_175 : memref<!tpu.dma_semaphore, #tpu.memory_space<semaphore_mem>>) src(%arg18 : memref<1024xf32, #tpu.memory_space<vmem>>) dst(%dma_wait3A_177 : memref<100352xf32, #tpu.memory_space<vmem_shared>>)
          tpu.yield
        }) : () -> ()
        %scan3A_64 = arith.constant 0 : i32
        %scan3A_65 = arith.constant 0 : i32
        %scan3A_66 = arith.constant 64 : i32
        %scan3A_67 = arith.addi %scan3A_65, %scan3A_66 : i32
        %scan3A_68 = arith.constant 1 : i32
        scf.for %scan3A_175 = %scan3A_65 to %scan3A_67 step %scan3A_68  : i32 {
          %mul3A_176 = arith.constant 16 : i32
          %mul3A_177 = arith.muli %scan3A_175, %mul3A_176 : i32
          %get3A = arith.index_cast %mul3A_177 : i32 to index
          %get3A_178 = tpu.vector_load %arg16[%get3A] {strides = array<i32>} : memref<1024xi32, #tpu.memory_space<vmem>>, vector<16xi32>,
          %get3A_179 = vector.shape_cast %get3A_178 : vector<16xi32> to vector<16xi32>
          %add3A_180 = arith.constant 0 : i32
          %add3A_181 = vector.broadcast %add3A_180 : i32 to vector<16xi32>
          %add3A_182 = arith.addi %get3A_179, %add3A_181 : vector<16xi32>
          %mul3A_183 = arith.constant 16 : i32
          %mul3A_184 = arith.muli %scan3A_175, %mul3A_183 : i32
          %swap3A = arith.index_cast %mul3A_184 : i32 to index
          %swap3A_185 = tpu.vector_load %arg17[%swap3A] {strides = array<i32>} : memref<1024xi32, #tpu.memory_space<vmem>>, vector<16xi32>,
          %swap3A_186 = vector.shape_cast %swap3A_185 : vector<16xi32> to vector<16xi32>
          %swap3A_187 = vector.shape_cast %add3A_182 : vector<16xi32> to vector<16xi32>
          tpu.vector_store %arg17[%swap3A], %swap3A_187 {strides = array<i32>} : memref<1024xi32, #tpu.memory_space<vmem>>, vector<16xi32>,
        }
        %scan3A_69 = arith.constant 64 : i32
        %run_scoped3A = arith.constant 0 : i32
        "tpu.region"() ({
          %run_scoped3A_175 = tpu.sem_alloc : memref<!tpu.dma_semaphore, #tpu.memory_space<semaphore_mem>>
          %dma_start3A = arith.constant 0 : i32
          %dma_start3A_176 = tpu.memref_slice %arg15[%run_scoped3A, %dma_start3A] : memref<16x1024xf32, #tpu.memory_space<vmem>> -> memref<1x1024xf32, #tpu.memory_space<vmem>>
          %dma_start3A_177 = tpu.memref_squeeze %dma_start3A_176 : memref<1x1024xf32, #tpu.memory_space<vmem>> -> memref<1024xf32, #tpu.memory_space<vmem>>
          %dma_start3A_178 = arith.constant 0 : i32
          %dma_start3A_179 = tpu.memref_slice %arg13[%dma_start3A_178] : memref<1605632xf32, #tpu.memory_space<vmem_shared>> -> memref<1605632xf32, #tpu.memory_space<vmem_shared>>
          tpu.enqueue_indirect_dma source(%dma_start3A_177 : memref<1024xf32, #tpu.memory_space<vmem>>) target(%dma_start3A_179 : memref<1605632xf32, #tpu.memory_space<vmem_shared>>) offsets(%arg17 : memref<1024xi32, #tpu.memory_space<vmem>>) semaphore(%run_scoped3A_175 : memref<!tpu.dma_semaphore, #tpu.memory_space<semaphore_mem>>) {add = true}
          %dma_wait3A = arith.constant 0 : i32
          %dma_wait3A_180 = tpu.memref_slice %arg15[%run_scoped3A, %dma_wait3A] : memref<16x1024xf32, #tpu.memory_space<vmem>> -> memref<1x1024xf32, #tpu.memory_space<vmem>>
          %dma_wait3A_181 = tpu.memref_squeeze %dma_wait3A_180 : memref<1x1024xf32, #tpu.memory_space<vmem>> -> memref<1024xf32, #tpu.memory_space<vmem>>
          %dma_wait3A_182 = arith.constant 0 : i32
          %dma_wait3A_183 = tpu.memref_slice %arg13[%dma_wait3A_182] : memref<1605632xf32, #tpu.memory_space<vmem_shared>> -> memref<1605632xf32, #tpu.memory_space<vmem_shared>>
          tpu.wait_indirect_dma semaphore(%run_scoped3A_175 : memref<!tpu.dma_semaphore, #tpu.memory_space<semaphore_mem>>) src(%dma_wait3A_181 : memref<1024xf32, #tpu.memory_space<vmem>>) dst(%dma_wait3A_183 : memref<1605632xf32, #tpu.memory_space<vmem_shared>>)
          tpu.yield
        }) : () -> ()
        %scan3A_70 = arith.constant 0 : i32
        %scan3A_71 = arith.constant 0 : i32
        %scan3A_72 = arith.constant 64 : i32
        %scan3A_73 = arith.addi %scan3A_71, %scan3A_72 : i32
        %scan3A_74 = arith.constant 1 : i32
        scf.for %scan3A_175 = %scan3A_71 to %scan3A_73 step %scan3A_74  : i32 {
          %mul3A_176 = arith.constant 16 : i32
          %mul3A_177 = arith.muli %scan3A_175, %mul3A_176 : i32
          %get3A = arith.index_cast %mul3A_177 : i32 to index
          %get3A_178 = tpu.vector_load %arg16[%get3A] {strides = array<i32>} : memref<1024xi32, #tpu.memory_space<vmem>>, vector<16xi32>,
          %get3A_179 = vector.shape_cast %get3A_178 : vector<16xi32> to vector<16xi32>
          %add3A_180 = arith.constant 100352 : i32
          %add3A_181 = vector.broadcast %add3A_180 : i32 to vector<16xi32>
          %add3A_182 = arith.addi %get3A_179, %add3A_181 : vector<16xi32>
          %mul3A_183 = arith.constant 16 : i32
          %mul3A_184 = arith.muli %scan3A_175, %mul3A_183 : i32
          %swap3A = arith.index_cast %mul3A_184 : i32 to index
          %swap3A_185 = tpu.vector_load %arg17[%swap3A] {strides = array<i32>} : memref<1024xi32, #tpu.memory_space<vmem>>, vector<16xi32>,
          %swap3A_186 = vector.shape_cast %swap3A_185 : vector<16xi32> to vector<16xi32>
          %swap3A_187 = vector.shape_cast %add3A_182 : vector<16xi32> to vector<16xi32>
          tpu.vector_store %arg17[%swap3A], %swap3A_187 {strides = array<i32>} : memref<1024xi32, #tpu.memory_space<vmem>>, vector<16xi32>,
        }
        %scan3A_75 = arith.constant 64 : i32
        %run_scoped3A_76 = arith.constant 1 : i32
        "tpu.region"() ({
          %run_scoped3A_175 = tpu.sem_alloc : memref<!tpu.dma_semaphore, #tpu.memory_space<semaphore_mem>>
          %dma_start3A = arith.constant 0 : i32
          %dma_start3A_176 = tpu.memref_slice %arg15[%run_scoped3A_76, %dma_start3A] : memref<16x1024xf32, #tpu.memory_space<vmem>> -> memref<1x1024xf32, #tpu.memory_space<vmem>>
          %dma_start3A_177 = tpu.memref_squeeze %dma_start3A_176 : memref<1x1024xf32, #tpu.memory_space<vmem>> -> memref<1024xf32, #tpu.memory_space<vmem>>
          %dma_start3A_178 = arith.constant 0 : i32
          %dma_start3A_179 = tpu.memref_slice %arg13[%dma_start3A_178] : memref<1605632xf32, #tpu.memory_space<vmem_shared>> -> memref<1605632xf32, #tpu.memory_space<vmem_shared>>
          tpu.enqueue_indirect_dma source(%dma_start3A_177 : memref<1024xf32, #tpu.memory_space<vmem>>) target(%dma_start3A_179 : memref<1605632xf32, #tpu.memory_space<vmem_shared>>) offsets(%arg17 : memref<1024xi32, #tpu.memory_space<vmem>>) semaphore(%run_scoped3A_175 : memref<!tpu.dma_semaphore, #tpu.memory_space<semaphore_mem>>) {add = true}
          %dma_wait3A = arith.constant 0 : i32
          %dma_wait3A_180 = tpu.memref_slice %arg15[%run_scoped3A_76, %dma_wait3A] : memref<16x1024xf32, #tpu.memory_space<vmem>> -> memref<1x1024xf32, #tpu.memory_space<vmem>>
          %dma_wait3A_181 = tpu.memref_squeeze %dma_wait3A_180 : memref<1x1024xf32, #tpu.memory_space<vmem>> -> memref<1024xf32, #tpu.memory_space<vmem>>
          %dma_wait3A_182 = arith.constant 0 : i32
          %dma_wait3A_183 = tpu.memref_slice %arg13[%dma_wait3A_182] : memref<1605632xf32, #tpu.memory_space<vmem_shared>> -> memref<1605632xf32, #tpu.memory_space<vmem_shared>>
          tpu.wait_indirect_dma semaphore(%run_scoped3A_175 : memref<!tpu.dma_semaphore, #tpu.memory_space<semaphore_mem>>) src(%dma_wait3A_181 : memref<1024xf32, #tpu.memory_space<vmem>>) dst(%dma_wait3A_183 : memref<1605632xf32, #tpu.memory_space<vmem_shared>>)
          tpu.yield
        }) : () -> ()
        %scan3A_77 = arith.constant 0 : i32
        %scan3A_78 = arith.constant 0 : i32
        %scan3A_79 = arith.constant 64 : i32
        %scan3A_80 = arith.addi %scan3A_78, %scan3A_79 : i32
        %scan3A_81 = arith.constant 1 : i32
        scf.for %scan3A_175 = %scan3A_78 to %scan3A_80 step %scan3A_81  : i32 {
          %mul3A_176 = arith.constant 16 : i32
          %mul3A_177 = arith.muli %scan3A_175, %mul3A_176 : i32
          %get3A = arith.index_cast %mul3A_177 : i32 to index
          %get3A_178 = tpu.vector_load %arg16[%get3A] {strides = array<i32>} : memref<1024xi32, #tpu.memory_space<vmem>>, vector<16xi32>,
          %get3A_179 = vector.shape_cast %get3A_178 : vector<16xi32> to vector<16xi32>
          %add3A_180 = arith.constant 200704 : i32
          %add3A_181 = vector.broadcast %add3A_180 : i32 to vector<16xi32>
          %add3A_182 = arith.addi %get3A_179, %add3A_181 : vector<16xi32>
          %mul3A_183 = arith.constant 16 : i32
          %mul3A_184 = arith.muli %scan3A_175, %mul3A_183 : i32
          %swap3A = arith.index_cast %mul3A_184 : i32 to index
          %swap3A_185 = tpu.vector_load %arg17[%swap3A] {strides = array<i32>} : memref<1024xi32, #tpu.memory_space<vmem>>, vector<16xi32>,
          %swap3A_186 = vector.shape_cast %swap3A_185 : vector<16xi32> to vector<16xi32>
          %swap3A_187 = vector.shape_cast %add3A_182 : vector<16xi32> to vector<16xi32>
          tpu.vector_store %arg17[%swap3A], %swap3A_187 {strides = array<i32>} : memref<1024xi32, #tpu.memory_space<vmem>>, vector<16xi32>,
        }
        %scan3A_82 = arith.constant 64 : i32
        %run_scoped3A_83 = arith.constant 2 : i32
        "tpu.region"() ({
          %run_scoped3A_175 = tpu.sem_alloc : memref<!tpu.dma_semaphore, #tpu.memory_space<semaphore_mem>>
          %dma_start3A = arith.constant 0 : i32
          %dma_start3A_176 = tpu.memref_slice %arg15[%run_scoped3A_83, %dma_start3A] : memref<16x1024xf32, #tpu.memory_space<vmem>> -> memref<1x1024xf32, #tpu.memory_space<vmem>>
          %dma_start3A_177 = tpu.memref_squeeze %dma_start3A_176 : memref<1x1024xf32, #tpu.memory_space<vmem>> -> memref<1024xf32, #tpu.memory_space<vmem>>
          %dma_start3A_178 = arith.constant 0 : i32
          %dma_start3A_179 = tpu.memref_slice %arg13[%dma_start3A_178] : memref<1605632xf32, #tpu.memory_space<vmem_shared>> -> memref<1605632xf32, #tpu.memory_space<vmem_shared>>
          tpu.enqueue_indirect_dma source(%dma_start3A_177 : memref<1024xf32, #tpu.memory_space<vmem>>) target(%dma_start3A_179 : memref<1605632xf32, #tpu.memory_space<vmem_shared>>) offsets(%arg17 : memref<1024xi32, #tpu.memory_space<vmem>>) semaphore(%run_scoped3A_175 : memref<!tpu.dma_semaphore, #tpu.memory_space<semaphore_mem>>) {add = true}
          %dma_wait3A = arith.constant 0 : i32
          %dma_wait3A_180 = tpu.memref_slice %arg15[%run_scoped3A_83, %dma_wait3A] : memref<16x1024xf32, #tpu.memory_space<vmem>> -> memref<1x1024xf32, #tpu.memory_space<vmem>>
          %dma_wait3A_181 = tpu.memref_squeeze %dma_wait3A_180 : memref<1x1024xf32, #tpu.memory_space<vmem>> -> memref<1024xf32, #tpu.memory_space<vmem>>
          %dma_wait3A_182 = arith.constant 0 : i32
          %dma_wait3A_183 = tpu.memref_slice %arg13[%dma_wait3A_182] : memref<1605632xf32, #tpu.memory_space<vmem_shared>> -> memref<1605632xf32, #tpu.memory_space<vmem_shared>>
          tpu.wait_indirect_dma semaphore(%run_scoped3A_175 : memref<!tpu.dma_semaphore, #tpu.memory_space<semaphore_mem>>) src(%dma_wait3A_181 : memref<1024xf32, #tpu.memory_space<vmem>>) dst(%dma_wait3A_183 : memref<1605632xf32, #tpu.memory_space<vmem_shared>>)
          tpu.yield
        }) : () -> ()
        %scan3A_84 = arith.constant 0 : i32
        %scan3A_85 = arith.constant 0 : i32
        %scan3A_86 = arith.constant 64 : i32
        %scan3A_87 = arith.addi %scan3A_85, %scan3A_86 : i32
        %scan3A_88 = arith.constant 1 : i32
        scf.for %scan3A_175 = %scan3A_85 to %scan3A_87 step %scan3A_88  : i32 {
          %mul3A_176 = arith.constant 16 : i32
          %mul3A_177 = arith.muli %scan3A_175, %mul3A_176 : i32
          %get3A = arith.index_cast %mul3A_177 : i32 to index
          %get3A_178 = tpu.vector_load %arg16[%get3A] {strides = array<i32>} : memref<1024xi32, #tpu.memory_space<vmem>>, vector<16xi32>,
          %get3A_179 = vector.shape_cast %get3A_178 : vector<16xi32> to vector<16xi32>
          %add3A_180 = arith.constant 301056 : i32
          %add3A_181 = vector.broadcast %add3A_180 : i32 to vector<16xi32>
          %add3A_182 = arith.addi %get3A_179, %add3A_181 : vector<16xi32>
          %mul3A_183 = arith.constant 16 : i32
          %mul3A_184 = arith.muli %scan3A_175, %mul3A_183 : i32
          %swap3A = arith.index_cast %mul3A_184 : i32 to index
          %swap3A_185 = tpu.vector_load %arg17[%swap3A] {strides = array<i32>} : memref<1024xi32, #tpu.memory_space<vmem>>, vector<16xi32>,
          %swap3A_186 = vector.shape_cast %swap3A_185 : vector<16xi32> to vector<16xi32>
          %swap3A_187 = vector.shape_cast %add3A_182 : vector<16xi32> to vector<16xi32>
          tpu.vector_store %arg17[%swap3A], %swap3A_187 {strides = array<i32>} : memref<1024xi32, #tpu.memory_space<vmem>>, vector<16xi32>,
        }
        %scan3A_89 = arith.constant 64 : i32
        %run_scoped3A_90 = arith.constant 3 : i32
        "tpu.region"() ({
          %run_scoped3A_175 = tpu.sem_alloc : memref<!tpu.dma_semaphore, #tpu.memory_space<semaphore_mem>>
          %dma_start3A = arith.constant 0 : i32
          %dma_start3A_176 = tpu.memref_slice %arg15[%run_scoped3A_90, %dma_start3A] : memref<16x1024xf32, #tpu.memory_space<vmem>> -> memref<1x1024xf32, #tpu.memory_space<vmem>>
          %dma_start3A_177 = tpu.memref_squeeze %dma_start3A_176 : memref<1x1024xf32, #tpu.memory_space<vmem>> -> memref<1024xf32, #tpu.memory_space<vmem>>
          %dma_start3A_178 = arith.constant 0 : i32
          %dma_start3A_179 = tpu.memref_slice %arg13[%dma_start3A_178] : memref<1605632xf32, #tpu.memory_space<vmem_shared>> -> memref<1605632xf32, #tpu.memory_space<vmem_shared>>
          tpu.enqueue_indirect_dma source(%dma_start3A_177 : memref<1024xf32, #tpu.memory_space<vmem>>) target(%dma_start3A_179 : memref<1605632xf32, #tpu.memory_space<vmem_shared>>) offsets(%arg17 : memref<1024xi32, #tpu.memory_space<vmem>>) semaphore(%run_scoped3A_175 : memref<!tpu.dma_semaphore, #tpu.memory_space<semaphore_mem>>) {add = true}
          %dma_wait3A = arith.constant 0 : i32
          %dma_wait3A_180 = tpu.memref_slice %arg15[%run_scoped3A_90, %dma_wait3A] : memref<16x1024xf32, #tpu.memory_space<vmem>> -> memref<1x1024xf32, #tpu.memory_space<vmem>>
          %dma_wait3A_181 = tpu.memref_squeeze %dma_wait3A_180 : memref<1x1024xf32, #tpu.memory_space<vmem>> -> memref<1024xf32, #tpu.memory_space<vmem>>
          %dma_wait3A_182 = arith.constant 0 : i32
          %dma_wait3A_183 = tpu.memref_slice %arg13[%dma_wait3A_182] : memref<1605632xf32, #tpu.memory_space<vmem_shared>> -> memref<1605632xf32, #tpu.memory_space<vmem_shared>>
          tpu.wait_indirect_dma semaphore(%run_scoped3A_175 : memref<!tpu.dma_semaphore, #tpu.memory_space<semaphore_mem>>) src(%dma_wait3A_181 : memref<1024xf32, #tpu.memory_space<vmem>>) dst(%dma_wait3A_183 : memref<1605632xf32, #tpu.memory_space<vmem_shared>>)
          tpu.yield
        }) : () -> ()
        %scan3A_91 = arith.constant 0 : i32
        %scan3A_92 = arith.constant 0 : i32
        %scan3A_93 = arith.constant 64 : i32
        %scan3A_94 = arith.addi %scan3A_92, %scan3A_93 : i32
        %scan3A_95 = arith.constant 1 : i32
        scf.for %scan3A_175 = %scan3A_92 to %scan3A_94 step %scan3A_95  : i32 {
          %mul3A_176 = arith.constant 16 : i32
          %mul3A_177 = arith.muli %scan3A_175, %mul3A_176 : i32
          %get3A = arith.index_cast %mul3A_177 : i32 to index
          %get3A_178 = tpu.vector_load %arg16[%get3A] {strides = array<i32>} : memref<1024xi32, #tpu.memory_space<vmem>>, vector<16xi32>,
          %get3A_179 = vector.shape_cast %get3A_178 : vector<16xi32> to vector<16xi32>
          %add3A_180 = arith.constant 401408 : i32
          %add3A_181 = vector.broadcast %add3A_180 : i32 to vector<16xi32>
          %add3A_182 = arith.addi %get3A_179, %add3A_181 : vector<16xi32>
          %mul3A_183 = arith.constant 16 : i32
          %mul3A_184 = arith.muli %scan3A_175, %mul3A_183 : i32
          %swap3A = arith.index_cast %mul3A_184 : i32 to index
          %swap3A_185 = tpu.vector_load %arg17[%swap3A] {strides = array<i32>} : memref<1024xi32, #tpu.memory_space<vmem>>, vector<16xi32>,
          %swap3A_186 = vector.shape_cast %swap3A_185 : vector<16xi32> to vector<16xi32>
          %swap3A_187 = vector.shape_cast %add3A_182 : vector<16xi32> to vector<16xi32>
          tpu.vector_store %arg17[%swap3A], %swap3A_187 {strides = array<i32>} : memref<1024xi32, #tpu.memory_space<vmem>>, vector<16xi32>,
        }
        %scan3A_96 = arith.constant 64 : i32
        %run_scoped3A_97 = arith.constant 4 : i32
        "tpu.region"() ({
          %run_scoped3A_175 = tpu.sem_alloc : memref<!tpu.dma_semaphore, #tpu.memory_space<semaphore_mem>>
          %dma_start3A = arith.constant 0 : i32
          %dma_start3A_176 = tpu.memref_slice %arg15[%run_scoped3A_97, %dma_start3A] : memref<16x1024xf32, #tpu.memory_space<vmem>> -> memref<1x1024xf32, #tpu.memory_space<vmem>>
          %dma_start3A_177 = tpu.memref_squeeze %dma_start3A_176 : memref<1x1024xf32, #tpu.memory_space<vmem>> -> memref<1024xf32, #tpu.memory_space<vmem>>
          %dma_start3A_178 = arith.constant 0 : i32
          %dma_start3A_179 = tpu.memref_slice %arg13[%dma_start3A_178] : memref<1605632xf32, #tpu.memory_space<vmem_shared>> -> memref<1605632xf32, #tpu.memory_space<vmem_shared>>
          tpu.enqueue_indirect_dma source(%dma_start3A_177 : memref<1024xf32, #tpu.memory_space<vmem>>) target(%dma_start3A_179 : memref<1605632xf32, #tpu.memory_space<vmem_shared>>) offsets(%arg17 : memref<1024xi32, #tpu.memory_space<vmem>>) semaphore(%run_scoped3A_175 : memref<!tpu.dma_semaphore, #tpu.memory_space<semaphore_mem>>) {add = true}
          %dma_wait3A = arith.constant 0 : i32
          %dma_wait3A_180 = tpu.memref_slice %arg15[%run_scoped3A_97, %dma_wait3A] : memref<16x1024xf32, #tpu.memory_space<vmem>> -> memref<1x1024xf32, #tpu.memory_space<vmem>>
          %dma_wait3A_181 = tpu.memref_squeeze %dma_wait3A_180 : memref<1x1024xf32, #tpu.memory_space<vmem>> -> memref<1024xf32, #tpu.memory_space<vmem>>
          %dma_wait3A_182 = arith.constant 0 : i32
          %dma_wait3A_183 = tpu.memref_slice %arg13[%dma_wait3A_182] : memref<1605632xf32, #tpu.memory_space<vmem_shared>> -> memref<1605632xf32, #tpu.memory_space<vmem_shared>>
          tpu.wait_indirect_dma semaphore(%run_scoped3A_175 : memref<!tpu.dma_semaphore, #tpu.memory_space<semaphore_mem>>) src(%dma_wait3A_181 : memref<1024xf32, #tpu.memory_space<vmem>>) dst(%dma_wait3A_183 : memref<1605632xf32, #tpu.memory_space<vmem_shared>>)
          tpu.yield
        }) : () -> ()
        %scan3A_98 = arith.constant 0 : i32
        %scan3A_99 = arith.constant 0 : i32
        %scan3A_100 = arith.constant 64 : i32
        %scan3A_101 = arith.addi %scan3A_99, %scan3A_100 : i32
        %scan3A_102 = arith.constant 1 : i32
        scf.for %scan3A_175 = %scan3A_99 to %scan3A_101 step %scan3A_102  : i32 {
          %mul3A_176 = arith.constant 16 : i32
          %mul3A_177 = arith.muli %scan3A_175, %mul3A_176 : i32
          %get3A = arith.index_cast %mul3A_177 : i32 to index
          %get3A_178 = tpu.vector_load %arg16[%get3A] {strides = array<i32>} : memref<1024xi32, #tpu.memory_space<vmem>>, vector<16xi32>,
          %get3A_179 = vector.shape_cast %get3A_178 : vector<16xi32> to vector<16xi32>
          %add3A_180 = arith.constant 501760 : i32
          %add3A_181 = vector.broadcast %add3A_180 : i32 to vector<16xi32>
          %add3A_182 = arith.addi %get3A_179, %add3A_181 : vector<16xi32>
          %mul3A_183 = arith.constant 16 : i32
          %mul3A_184 = arith.muli %scan3A_175, %mul3A_183 : i32
          %swap3A = arith.index_cast %mul3A_184 : i32 to index
          %swap3A_185 = tpu.vector_load %arg17[%swap3A] {strides = array<i32>} : memref<1024xi32, #tpu.memory_space<vmem>>, vector<16xi32>,
          %swap3A_186 = vector.shape_cast %swap3A_185 : vector<16xi32> to vector<16xi32>
          %swap3A_187 = vector.shape_cast %add3A_182 : vector<16xi32> to vector<16xi32>
          tpu.vector_store %arg17[%swap3A], %swap3A_187 {strides = array<i32>} : memref<1024xi32, #tpu.memory_space<vmem>>, vector<16xi32>,
        }
        %scan3A_103 = arith.constant 64 : i32
        %run_scoped3A_104 = arith.constant 5 : i32
        "tpu.region"() ({
          %run_scoped3A_175 = tpu.sem_alloc : memref<!tpu.dma_semaphore, #tpu.memory_space<semaphore_mem>>
          %dma_start3A = arith.constant 0 : i32
          %dma_start3A_176 = tpu.memref_slice %arg15[%run_scoped3A_104, %dma_start3A] : memref<16x1024xf32, #tpu.memory_space<vmem>> -> memref<1x1024xf32, #tpu.memory_space<vmem>>
          %dma_start3A_177 = tpu.memref_squeeze %dma_start3A_176 : memref<1x1024xf32, #tpu.memory_space<vmem>> -> memref<1024xf32, #tpu.memory_space<vmem>>
          %dma_start3A_178 = arith.constant 0 : i32
          %dma_start3A_179 = tpu.memref_slice %arg13[%dma_start3A_178] : memref<1605632xf32, #tpu.memory_space<vmem_shared>> -> memref<1605632xf32, #tpu.memory_space<vmem_shared>>
          tpu.enqueue_indirect_dma source(%dma_start3A_177 : memref<1024xf32, #tpu.memory_space<vmem>>) target(%dma_start3A_179 : memref<1605632xf32, #tpu.memory_space<vmem_shared>>) offsets(%arg17 : memref<1024xi32, #tpu.memory_space<vmem>>) semaphore(%run_scoped3A_175 : memref<!tpu.dma_semaphore, #tpu.memory_space<semaphore_mem>>) {add = true}
          %dma_wait3A = arith.constant 0 : i32
          %dma_wait3A_180 = tpu.memref_slice %arg15[%run_scoped3A_104, %dma_wait3A] : memref<16x1024xf32, #tpu.memory_space<vmem>> -> memref<1x1024xf32, #tpu.memory_space<vmem>>
          %dma_wait3A_181 = tpu.memref_squeeze %dma_wait3A_180 : memref<1x1024xf32, #tpu.memory_space<vmem>> -> memref<1024xf32, #tpu.memory_space<vmem>>
          %dma_wait3A_182 = arith.constant 0 : i32
          %dma_wait3A_183 = tpu.memref_slice %arg13[%dma_wait3A_182] : memref<1605632xf32, #tpu.memory_space<vmem_shared>> -> memref<1605632xf32, #tpu.memory_space<vmem_shared>>
          tpu.wait_indirect_dma semaphore(%run_scoped3A_175 : memref<!tpu.dma_semaphore, #tpu.memory_space<semaphore_mem>>) src(%dma_wait3A_181 : memref<1024xf32, #tpu.memory_space<vmem>>) dst(%dma_wait3A_183 : memref<1605632xf32, #tpu.memory_space<vmem_shared>>)
          tpu.yield
        }) : () -> ()
        %scan3A_105 = arith.constant 0 : i32
        %scan3A_106 = arith.constant 0 : i32
        %scan3A_107 = arith.constant 64 : i32
        %scan3A_108 = arith.addi %scan3A_106, %scan3A_107 : i32
        %scan3A_109 = arith.constant 1 : i32
        scf.for %scan3A_175 = %scan3A_106 to %scan3A_108 step %scan3A_109  : i32 {
          %mul3A_176 = arith.constant 16 : i32
          %mul3A_177 = arith.muli %scan3A_175, %mul3A_176 : i32
          %get3A = arith.index_cast %mul3A_177 : i32 to index
          %get3A_178 = tpu.vector_load %arg16[%get3A] {strides = array<i32>} : memref<1024xi32, #tpu.memory_space<vmem>>, vector<16xi32>,
          %get3A_179 = vector.shape_cast %get3A_178 : vector<16xi32> to vector<16xi32>
          %add3A_180 = arith.constant 602112 : i32
          %add3A_181 = vector.broadcast %add3A_180 : i32 to vector<16xi32>
          %add3A_182 = arith.addi %get3A_179, %add3A_181 : vector<16xi32>
          %mul3A_183 = arith.constant 16 : i32
          %mul3A_184 = arith.muli %scan3A_175, %mul3A_183 : i32
          %swap3A = arith.index_cast %mul3A_184 : i32 to index
          %swap3A_185 = tpu.vector_load %arg17[%swap3A] {strides = array<i32>} : memref<1024xi32, #tpu.memory_space<vmem>>, vector<16xi32>,
          %swap3A_186 = vector.shape_cast %swap3A_185 : vector<16xi32> to vector<16xi32>
          %swap3A_187 = vector.shape_cast %add3A_182 : vector<16xi32> to vector<16xi32>
          tpu.vector_store %arg17[%swap3A], %swap3A_187 {strides = array<i32>} : memref<1024xi32, #tpu.memory_space<vmem>>, vector<16xi32>,
        }
        %scan3A_110 = arith.constant 64 : i32
        %run_scoped3A_111 = arith.constant 6 : i32
        "tpu.region"() ({
          %run_scoped3A_175 = tpu.sem_alloc : memref<!tpu.dma_semaphore, #tpu.memory_space<semaphore_mem>>
          %dma_start3A = arith.constant 0 : i32
          %dma_start3A_176 = tpu.memref_slice %arg15[%run_scoped3A_111, %dma_start3A] : memref<16x1024xf32, #tpu.memory_space<vmem>> -> memref<1x1024xf32, #tpu.memory_space<vmem>>
          %dma_start3A_177 = tpu.memref_squeeze %dma_start3A_176 : memref<1x1024xf32, #tpu.memory_space<vmem>> -> memref<1024xf32, #tpu.memory_space<vmem>>
          %dma_start3A_178 = arith.constant 0 : i32
          %dma_start3A_179 = tpu.memref_slice %arg13[%dma_start3A_178] : memref<1605632xf32, #tpu.memory_space<vmem_shared>> -> memref<1605632xf32, #tpu.memory_space<vmem_shared>>
          tpu.enqueue_indirect_dma source(%dma_start3A_177 : memref<1024xf32, #tpu.memory_space<vmem>>) target(%dma_start3A_179 : memref<1605632xf32, #tpu.memory_space<vmem_shared>>) offsets(%arg17 : memref<1024xi32, #tpu.memory_space<vmem>>) semaphore(%run_scoped3A_175 : memref<!tpu.dma_semaphore, #tpu.memory_space<semaphore_mem>>) {add = true}
          %dma_wait3A = arith.constant 0 : i32
          %dma_wait3A_180 = tpu.memref_slice %arg15[%run_scoped3A_111, %dma_wait3A] : memref<16x1024xf32, #tpu.memory_space<vmem>> -> memref<1x1024xf32, #tpu.memory_space<vmem>>
          %dma_wait3A_181 = tpu.memref_squeeze %dma_wait3A_180 : memref<1x1024xf32, #tpu.memory_space<vmem>> -> memref<1024xf32, #tpu.memory_space<vmem>>
          %dma_wait3A_182 = arith.constant 0 : i32
          %dma_wait3A_183 = tpu.memref_slice %arg13[%dma_wait3A_182] : memref<1605632xf32, #tpu.memory_space<vmem_shared>> -> memref<1605632xf32, #tpu.memory_space<vmem_shared>>
          tpu.wait_indirect_dma semaphore(%run_scoped3A_175 : memref<!tpu.dma_semaphore, #tpu.memory_space<semaphore_mem>>) src(%dma_wait3A_181 : memref<1024xf32, #tpu.memory_space<vmem>>) dst(%dma_wait3A_183 : memref<1605632xf32, #tpu.memory_space<vmem_shared>>)
          tpu.yield
        }) : () -> ()
        %scan3A_112 = arith.constant 0 : i32
        %scan3A_113 = arith.constant 0 : i32
        %scan3A_114 = arith.constant 64 : i32
        %scan3A_115 = arith.addi %scan3A_113, %scan3A_114 : i32
        %scan3A_116 = arith.constant 1 : i32
        scf.for %scan3A_175 = %scan3A_113 to %scan3A_115 step %scan3A_116  : i32 {
          %mul3A_176 = arith.constant 16 : i32
          %mul3A_177 = arith.muli %scan3A_175, %mul3A_176 : i32
          %get3A = arith.index_cast %mul3A_177 : i32 to index
          %get3A_178 = tpu.vector_load %arg16[%get3A] {strides = array<i32>} : memref<1024xi32, #tpu.memory_space<vmem>>, vector<16xi32>,
          %get3A_179 = vector.shape_cast %get3A_178 : vector<16xi32> to vector<16xi32>
          %add3A_180 = arith.constant 702464 : i32
          %add3A_181 = vector.broadcast %add3A_180 : i32 to vector<16xi32>
          %add3A_182 = arith.addi %get3A_179, %add3A_181 : vector<16xi32>
          %mul3A_183 = arith.constant 16 : i32
          %mul3A_184 = arith.muli %scan3A_175, %mul3A_183 : i32
          %swap3A = arith.index_cast %mul3A_184 : i32 to index
          %swap3A_185 = tpu.vector_load %arg17[%swap3A] {strides = array<i32>} : memref<1024xi32, #tpu.memory_space<vmem>>, vector<16xi32>,
          %swap3A_186 = vector.shape_cast %swap3A_185 : vector<16xi32> to vector<16xi32>
          %swap3A_187 = vector.shape_cast %add3A_182 : vector<16xi32> to vector<16xi32>
          tpu.vector_store %arg17[%swap3A], %swap3A_187 {strides = array<i32>} : memref<1024xi32, #tpu.memory_space<vmem>>, vector<16xi32>,
        }
        %scan3A_117 = arith.constant 64 : i32
        %run_scoped3A_118 = arith.constant 7 : i32
        "tpu.region"() ({
          %run_scoped3A_175 = tpu.sem_alloc : memref<!tpu.dma_semaphore, #tpu.memory_space<semaphore_mem>>
          %dma_start3A = arith.constant 0 : i32
          %dma_start3A_176 = tpu.memref_slice %arg15[%run_scoped3A_118, %dma_start3A] : memref<16x1024xf32, #tpu.memory_space<vmem>> -> memref<1x1024xf32, #tpu.memory_space<vmem>>
          %dma_start3A_177 = tpu.memref_squeeze %dma_start3A_176 : memref<1x1024xf32, #tpu.memory_space<vmem>> -> memref<1024xf32, #tpu.memory_space<vmem>>
          %dma_start3A_178 = arith.constant 0 : i32
          %dma_start3A_179 = tpu.memref_slice %arg13[%dma_start3A_178] : memref<1605632xf32, #tpu.memory_space<vmem_shared>> -> memref<1605632xf32, #tpu.memory_space<vmem_shared>>
          tpu.enqueue_indirect_dma source(%dma_start3A_177 : memref<1024xf32, #tpu.memory_space<vmem>>) target(%dma_start3A_179 : memref<1605632xf32, #tpu.memory_space<vmem_shared>>) offsets(%arg17 : memref<1024xi32, #tpu.memory_space<vmem>>) semaphore(%run_scoped3A_175 : memref<!tpu.dma_semaphore, #tpu.memory_space<semaphore_mem>>) {add = true}
          %dma_wait3A = arith.constant 0 : i32
          %dma_wait3A_180 = tpu.memref_slice %arg15[%run_scoped3A_118, %dma_wait3A] : memref<16x1024xf32, #tpu.memory_space<vmem>> -> memref<1x1024xf32, #tpu.memory_space<vmem>>
          %dma_wait3A_181 = tpu.memref_squeeze %dma_wait3A_180 : memref<1x1024xf32, #tpu.memory_space<vmem>> -> memref<1024xf32, #tpu.memory_space<vmem>>
          %dma_wait3A_182 = arith.constant 0 : i32
          %dma_wait3A_183 = tpu.memref_slice %arg13[%dma_wait3A_182] : memref<1605632xf32, #tpu.memory_space<vmem_shared>> -> memref<1605632xf32, #tpu.memory_space<vmem_shared>>
          tpu.wait_indirect_dma semaphore(%run_scoped3A_175 : memref<!tpu.dma_semaphore, #tpu.memory_space<semaphore_mem>>) src(%dma_wait3A_181 : memref<1024xf32, #tpu.memory_space<vmem>>) dst(%dma_wait3A_183 : memref<1605632xf32, #tpu.memory_space<vmem_shared>>)
          tpu.yield
        }) : () -> ()
        %scan3A_119 = arith.constant 0 : i32
        %scan3A_120 = arith.constant 0 : i32
        %scan3A_121 = arith.constant 64 : i32
        %scan3A_122 = arith.addi %scan3A_120, %scan3A_121 : i32
        %scan3A_123 = arith.constant 1 : i32
        scf.for %scan3A_175 = %scan3A_120 to %scan3A_122 step %scan3A_123  : i32 {
          %mul3A_176 = arith.constant 16 : i32
          %mul3A_177 = arith.muli %scan3A_175, %mul3A_176 : i32
          %get3A = arith.index_cast %mul3A_177 : i32 to index
          %get3A_178 = tpu.vector_load %arg16[%get3A] {strides = array<i32>} : memref<1024xi32, #tpu.memory_space<vmem>>, vector<16xi32>,
          %get3A_179 = vector.shape_cast %get3A_178 : vector<16xi32> to vector<16xi32>
          %add3A_180 = arith.constant 802816 : i32
          %add3A_181 = vector.broadcast %add3A_180 : i32 to vector<16xi32>
          %add3A_182 = arith.addi %get3A_179, %add3A_181 : vector<16xi32>
          %mul3A_183 = arith.constant 16 : i32
          %mul3A_184 = arith.muli %scan3A_175, %mul3A_183 : i32
          %swap3A = arith.index_cast %mul3A_184 : i32 to index
          %swap3A_185 = tpu.vector_load %arg17[%swap3A] {strides = array<i32>} : memref<1024xi32, #tpu.memory_space<vmem>>, vector<16xi32>,
          %swap3A_186 = vector.shape_cast %swap3A_185 : vector<16xi32> to vector<16xi32>
          %swap3A_187 = vector.shape_cast %add3A_182 : vector<16xi32> to vector<16xi32>
          tpu.vector_store %arg17[%swap3A], %swap3A_187 {strides = array<i32>} : memref<1024xi32, #tpu.memory_space<vmem>>, vector<16xi32>,
        }
        %scan3A_124 = arith.constant 64 : i32
        %run_scoped3A_125 = arith.constant 8 : i32
        "tpu.region"() ({
          %run_scoped3A_175 = tpu.sem_alloc : memref<!tpu.dma_semaphore, #tpu.memory_space<semaphore_mem>>
          %dma_start3A = arith.constant 0 : i32
          %dma_start3A_176 = tpu.memref_slice %arg15[%run_scoped3A_125, %dma_start3A] : memref<16x1024xf32, #tpu.memory_space<vmem>> -> memref<1x1024xf32, #tpu.memory_space<vmem>>
          %dma_start3A_177 = tpu.memref_squeeze %dma_start3A_176 : memref<1x1024xf32, #tpu.memory_space<vmem>> -> memref<1024xf32, #tpu.memory_space<vmem>>
          %dma_start3A_178 = arith.constant 0 : i32
          %dma_start3A_179 = tpu.memref_slice %arg13[%dma_start3A_178] : memref<1605632xf32, #tpu.memory_space<vmem_shared>> -> memref<1605632xf32, #tpu.memory_space<vmem_shared>>
          tpu.enqueue_indirect_dma source(%dma_start3A_177 : memref<1024xf32, #tpu.memory_space<vmem>>) target(%dma_start3A_179 : memref<1605632xf32, #tpu.memory_space<vmem_shared>>) offsets(%arg17 : memref<1024xi32, #tpu.memory_space<vmem>>) semaphore(%run_scoped3A_175 : memref<!tpu.dma_semaphore, #tpu.memory_space<semaphore_mem>>) {add = true}
          %dma_wait3A = arith.constant 0 : i32
          %dma_wait3A_180 = tpu.memref_slice %arg15[%run_scoped3A_125, %dma_wait3A] : memref<16x1024xf32, #tpu.memory_space<vmem>> -> memref<1x1024xf32, #tpu.memory_space<vmem>>
          %dma_wait3A_181 = tpu.memref_squeeze %dma_wait3A_180 : memref<1x1024xf32, #tpu.memory_space<vmem>> -> memref<1024xf32, #tpu.memory_space<vmem>>
          %dma_wait3A_182 = arith.constant 0 : i32
          %dma_wait3A_183 = tpu.memref_slice %arg13[%dma_wait3A_182] : memref<1605632xf32, #tpu.memory_space<vmem_shared>> -> memref<1605632xf32, #tpu.memory_space<vmem_shared>>
          tpu.wait_indirect_dma semaphore(%run_scoped3A_175 : memref<!tpu.dma_semaphore, #tpu.memory_space<semaphore_mem>>) src(%dma_wait3A_181 : memref<1024xf32, #tpu.memory_space<vmem>>) dst(%dma_wait3A_183 : memref<1605632xf32, #tpu.memory_space<vmem_shared>>)
          tpu.yield
        }) : () -> ()
        %scan3A_126 = arith.constant 0 : i32
        %scan3A_127 = arith.constant 0 : i32
        %scan3A_128 = arith.constant 64 : i32
        %scan3A_129 = arith.addi %scan3A_127, %scan3A_128 : i32
        %scan3A_130 = arith.constant 1 : i32
        scf.for %scan3A_175 = %scan3A_127 to %scan3A_129 step %scan3A_130  : i32 {
          %mul3A_176 = arith.constant 16 : i32
          %mul3A_177 = arith.muli %scan3A_175, %mul3A_176 : i32
          %get3A = arith.index_cast %mul3A_177 : i32 to index
          %get3A_178 = tpu.vector_load %arg16[%get3A] {strides = array<i32>} : memref<1024xi32, #tpu.memory_space<vmem>>, vector<16xi32>,
          %get3A_179 = vector.shape_cast %get3A_178 : vector<16xi32> to vector<16xi32>
          %add3A_180 = arith.constant 903168 : i32
          %add3A_181 = vector.broadcast %add3A_180 : i32 to vector<16xi32>
          %add3A_182 = arith.addi %get3A_179, %add3A_181 : vector<16xi32>
          %mul3A_183 = arith.constant 16 : i32
          %mul3A_184 = arith.muli %scan3A_175, %mul3A_183 : i32
          %swap3A = arith.index_cast %mul3A_184 : i32 to index
          %swap3A_185 = tpu.vector_load %arg17[%swap3A] {strides = array<i32>} : memref<1024xi32, #tpu.memory_space<vmem>>, vector<16xi32>,
          %swap3A_186 = vector.shape_cast %swap3A_185 : vector<16xi32> to vector<16xi32>
          %swap3A_187 = vector.shape_cast %add3A_182 : vector<16xi32> to vector<16xi32>
          tpu.vector_store %arg17[%swap3A], %swap3A_187 {strides = array<i32>} : memref<1024xi32, #tpu.memory_space<vmem>>, vector<16xi32>,
        }
        %scan3A_131 = arith.constant 64 : i32
        %run_scoped3A_132 = arith.constant 9 : i32
        "tpu.region"() ({
          %run_scoped3A_175 = tpu.sem_alloc : memref<!tpu.dma_semaphore, #tpu.memory_space<semaphore_mem>>
          %dma_start3A = arith.constant 0 : i32
          %dma_start3A_176 = tpu.memref_slice %arg15[%run_scoped3A_132, %dma_start3A] : memref<16x1024xf32, #tpu.memory_space<vmem>> -> memref<1x1024xf32, #tpu.memory_space<vmem>>
          %dma_start3A_177 = tpu.memref_squeeze %dma_start3A_176 : memref<1x1024xf32, #tpu.memory_space<vmem>> -> memref<1024xf32, #tpu.memory_space<vmem>>
          %dma_start3A_178 = arith.constant 0 : i32
          %dma_start3A_179 = tpu.memref_slice %arg13[%dma_start3A_178] : memref<1605632xf32, #tpu.memory_space<vmem_shared>> -> memref<1605632xf32, #tpu.memory_space<vmem_shared>>
          tpu.enqueue_indirect_dma source(%dma_start3A_177 : memref<1024xf32, #tpu.memory_space<vmem>>) target(%dma_start3A_179 : memref<1605632xf32, #tpu.memory_space<vmem_shared>>) offsets(%arg17 : memref<1024xi32, #tpu.memory_space<vmem>>) semaphore(%run_scoped3A_175 : memref<!tpu.dma_semaphore, #tpu.memory_space<semaphore_mem>>) {add = true}
          %dma_wait3A = arith.constant 0 : i32
          %dma_wait3A_180 = tpu.memref_slice %arg15[%run_scoped3A_132, %dma_wait3A] : memref<16x1024xf32, #tpu.memory_space<vmem>> -> memref<1x1024xf32, #tpu.memory_space<vmem>>
          %dma_wait3A_181 = tpu.memref_squeeze %dma_wait3A_180 : memref<1x1024xf32, #tpu.memory_space<vmem>> -> memref<1024xf32, #tpu.memory_space<vmem>>
          %dma_wait3A_182 = arith.constant 0 : i32
          %dma_wait3A_183 = tpu.memref_slice %arg13[%dma_wait3A_182] : memref<1605632xf32, #tpu.memory_space<vmem_shared>> -> memref<1605632xf32, #tpu.memory_space<vmem_shared>>
          tpu.wait_indirect_dma semaphore(%run_scoped3A_175 : memref<!tpu.dma_semaphore, #tpu.memory_space<semaphore_mem>>) src(%dma_wait3A_181 : memref<1024xf32, #tpu.memory_space<vmem>>) dst(%dma_wait3A_183 : memref<1605632xf32, #tpu.memory_space<vmem_shared>>)
          tpu.yield
        }) : () -> ()
        %scan3A_133 = arith.constant 0 : i32
        %scan3A_134 = arith.constant 0 : i32
        %scan3A_135 = arith.constant 64 : i32
        %scan3A_136 = arith.addi %scan3A_134, %scan3A_135 : i32
        %scan3A_137 = arith.constant 1 : i32
        scf.for %scan3A_175 = %scan3A_134 to %scan3A_136 step %scan3A_137  : i32 {
          %mul3A_176 = arith.constant 16 : i32
          %mul3A_177 = arith.muli %scan3A_175, %mul3A_176 : i32
          %get3A = arith.index_cast %mul3A_177 : i32 to index
          %get3A_178 = tpu.vector_load %arg16[%get3A] {strides = array<i32>} : memref<1024xi32, #tpu.memory_space<vmem>>, vector<16xi32>,
          %get3A_179 = vector.shape_cast %get3A_178 : vector<16xi32> to vector<16xi32>
          %add3A_180 = arith.constant 1003520 : i32
          %add3A_181 = vector.broadcast %add3A_180 : i32 to vector<16xi32>
          %add3A_182 = arith.addi %get3A_179, %add3A_181 : vector<16xi32>
          %mul3A_183 = arith.constant 16 : i32
          %mul3A_184 = arith.muli %scan3A_175, %mul3A_183 : i32
          %swap3A = arith.index_cast %mul3A_184 : i32 to index
          %swap3A_185 = tpu.vector_load %arg17[%swap3A] {strides = array<i32>} : memref<1024xi32, #tpu.memory_space<vmem>>, vector<16xi32>,
          %swap3A_186 = vector.shape_cast %swap3A_185 : vector<16xi32> to vector<16xi32>
          %swap3A_187 = vector.shape_cast %add3A_182 : vector<16xi32> to vector<16xi32>
          tpu.vector_store %arg17[%swap3A], %swap3A_187 {strides = array<i32>} : memref<1024xi32, #tpu.memory_space<vmem>>, vector<16xi32>,
        }
        %scan3A_138 = arith.constant 64 : i32
        %run_scoped3A_139 = arith.constant 10 : i32
        "tpu.region"() ({
          %run_scoped3A_175 = tpu.sem_alloc : memref<!tpu.dma_semaphore, #tpu.memory_space<semaphore_mem>>
          %dma_start3A = arith.constant 0 : i32
          %dma_start3A_176 = tpu.memref_slice %arg15[%run_scoped3A_139, %dma_start3A] : memref<16x1024xf32, #tpu.memory_space<vmem>> -> memref<1x1024xf32, #tpu.memory_space<vmem>>
          %dma_start3A_177 = tpu.memref_squeeze %dma_start3A_176 : memref<1x1024xf32, #tpu.memory_space<vmem>> -> memref<1024xf32, #tpu.memory_space<vmem>>
          %dma_start3A_178 = arith.constant 0 : i32
          %dma_start3A_179 = tpu.memref_slice %arg13[%dma_start3A_178] : memref<1605632xf32, #tpu.memory_space<vmem_shared>> -> memref<1605632xf32, #tpu.memory_space<vmem_shared>>
          tpu.enqueue_indirect_dma source(%dma_start3A_177 : memref<1024xf32, #tpu.memory_space<vmem>>) target(%dma_start3A_179 : memref<1605632xf32, #tpu.memory_space<vmem_shared>>) offsets(%arg17 : memref<1024xi32, #tpu.memory_space<vmem>>) semaphore(%run_scoped3A_175 : memref<!tpu.dma_semaphore, #tpu.memory_space<semaphore_mem>>) {add = true}
          %dma_wait3A = arith.constant 0 : i32
          %dma_wait3A_180 = tpu.memref_slice %arg15[%run_scoped3A_139, %dma_wait3A] : memref<16x1024xf32, #tpu.memory_space<vmem>> -> memref<1x1024xf32, #tpu.memory_space<vmem>>
          %dma_wait3A_181 = tpu.memref_squeeze %dma_wait3A_180 : memref<1x1024xf32, #tpu.memory_space<vmem>> -> memref<1024xf32, #tpu.memory_space<vmem>>
          %dma_wait3A_182 = arith.constant 0 : i32
          %dma_wait3A_183 = tpu.memref_slice %arg13[%dma_wait3A_182] : memref<1605632xf32, #tpu.memory_space<vmem_shared>> -> memref<1605632xf32, #tpu.memory_space<vmem_shared>>
          tpu.wait_indirect_dma semaphore(%run_scoped3A_175 : memref<!tpu.dma_semaphore, #tpu.memory_space<semaphore_mem>>) src(%dma_wait3A_181 : memref<1024xf32, #tpu.memory_space<vmem>>) dst(%dma_wait3A_183 : memref<1605632xf32, #tpu.memory_space<vmem_shared>>)
          tpu.yield
        }) : () -> ()
        %scan3A_140 = arith.constant 0 : i32
        %scan3A_141 = arith.constant 0 : i32
        %scan3A_142 = arith.constant 64 : i32
        %scan3A_143 = arith.addi %scan3A_141, %scan3A_142 : i32
        %scan3A_144 = arith.constant 1 : i32
        scf.for %scan3A_175 = %scan3A_141 to %scan3A_143 step %scan3A_144  : i32 {
          %mul3A_176 = arith.constant 16 : i32
          %mul3A_177 = arith.muli %scan3A_175, %mul3A_176 : i32
          %get3A = arith.index_cast %mul3A_177 : i32 to index
          %get3A_178 = tpu.vector_load %arg16[%get3A] {strides = array<i32>} : memref<1024xi32, #tpu.memory_space<vmem>>, vector<16xi32>,
          %get3A_179 = vector.shape_cast %get3A_178 : vector<16xi32> to vector<16xi32>
          %add3A_180 = arith.constant 1103872 : i32
          %add3A_181 = vector.broadcast %add3A_180 : i32 to vector<16xi32>
          %add3A_182 = arith.addi %get3A_179, %add3A_181 : vector<16xi32>
          %mul3A_183 = arith.constant 16 : i32
          %mul3A_184 = arith.muli %scan3A_175, %mul3A_183 : i32
          %swap3A = arith.index_cast %mul3A_184 : i32 to index
          %swap3A_185 = tpu.vector_load %arg17[%swap3A] {strides = array<i32>} : memref<1024xi32, #tpu.memory_space<vmem>>, vector<16xi32>,
          %swap3A_186 = vector.shape_cast %swap3A_185 : vector<16xi32> to vector<16xi32>
          %swap3A_187 = vector.shape_cast %add3A_182 : vector<16xi32> to vector<16xi32>
          tpu.vector_store %arg17[%swap3A], %swap3A_187 {strides = array<i32>} : memref<1024xi32, #tpu.memory_space<vmem>>, vector<16xi32>,
        }
        %scan3A_145 = arith.constant 64 : i32
        %run_scoped3A_146 = arith.constant 11 : i32
        "tpu.region"() ({
          %run_scoped3A_175 = tpu.sem_alloc : memref<!tpu.dma_semaphore, #tpu.memory_space<semaphore_mem>>
          %dma_start3A = arith.constant 0 : i32
          %dma_start3A_176 = tpu.memref_slice %arg15[%run_scoped3A_146, %dma_start3A] : memref<16x1024xf32, #tpu.memory_space<vmem>> -> memref<1x1024xf32, #tpu.memory_space<vmem>>
          %dma_start3A_177 = tpu.memref_squeeze %dma_start3A_176 : memref<1x1024xf32, #tpu.memory_space<vmem>> -> memref<1024xf32, #tpu.memory_space<vmem>>
          %dma_start3A_178 = arith.constant 0 : i32
          %dma_start3A_179 = tpu.memref_slice %arg13[%dma_start3A_178] : memref<1605632xf32, #tpu.memory_space<vmem_shared>> -> memref<1605632xf32, #tpu.memory_space<vmem_shared>>
          tpu.enqueue_indirect_dma source(%dma_start3A_177 : memref<1024xf32, #tpu.memory_space<vmem>>) target(%dma_start3A_179 : memref<1605632xf32, #tpu.memory_space<vmem_shared>>) offsets(%arg17 : memref<1024xi32, #tpu.memory_space<vmem>>) semaphore(%run_scoped3A_175 : memref<!tpu.dma_semaphore, #tpu.memory_space<semaphore_mem>>) {add = true}
          %dma_wait3A = arith.constant 0 : i32
          %dma_wait3A_180 = tpu.memref_slice %arg15[%run_scoped3A_146, %dma_wait3A] : memref<16x1024xf32, #tpu.memory_space<vmem>> -> memref<1x1024xf32, #tpu.memory_space<vmem>>
          %dma_wait3A_181 = tpu.memref_squeeze %dma_wait3A_180 : memref<1x1024xf32, #tpu.memory_space<vmem>> -> memref<1024xf32, #tpu.memory_space<vmem>>
          %dma_wait3A_182 = arith.constant 0 : i32
          %dma_wait3A_183 = tpu.memref_slice %arg13[%dma_wait3A_182] : memref<1605632xf32, #tpu.memory_space<vmem_shared>> -> memref<1605632xf32, #tpu.memory_space<vmem_shared>>
          tpu.wait_indirect_dma semaphore(%run_scoped3A_175 : memref<!tpu.dma_semaphore, #tpu.memory_space<semaphore_mem>>) src(%dma_wait3A_181 : memref<1024xf32, #tpu.memory_space<vmem>>) dst(%dma_wait3A_183 : memref<1605632xf32, #tpu.memory_space<vmem_shared>>)
          tpu.yield
        }) : () -> ()
        %scan3A_147 = arith.constant 0 : i32
        %scan3A_148 = arith.constant 0 : i32
        %scan3A_149 = arith.constant 64 : i32
        %scan3A_150 = arith.addi %scan3A_148, %scan3A_149 : i32
        %scan3A_151 = arith.constant 1 : i32
        scf.for %scan3A_175 = %scan3A_148 to %scan3A_150 step %scan3A_151  : i32 {
          %mul3A_176 = arith.constant 16 : i32
          %mul3A_177 = arith.muli %scan3A_175, %mul3A_176 : i32
          %get3A = arith.index_cast %mul3A_177 : i32 to index
          %get3A_178 = tpu.vector_load %arg16[%get3A] {strides = array<i32>} : memref<1024xi32, #tpu.memory_space<vmem>>, vector<16xi32>,
          %get3A_179 = vector.shape_cast %get3A_178 : vector<16xi32> to vector<16xi32>
          %add3A_180 = arith.constant 1204224 : i32
          %add3A_181 = vector.broadcast %add3A_180 : i32 to vector<16xi32>
          %add3A_182 = arith.addi %get3A_179, %add3A_181 : vector<16xi32>
          %mul3A_183 = arith.constant 16 : i32
          %mul3A_184 = arith.muli %scan3A_175, %mul3A_183 : i32
          %swap3A = arith.index_cast %mul3A_184 : i32 to index
          %swap3A_185 = tpu.vector_load %arg17[%swap3A] {strides = array<i32>} : memref<1024xi32, #tpu.memory_space<vmem>>, vector<16xi32>,
          %swap3A_186 = vector.shape_cast %swap3A_185 : vector<16xi32> to vector<16xi32>
          %swap3A_187 = vector.shape_cast %add3A_182 : vector<16xi32> to vector<16xi32>
          tpu.vector_store %arg17[%swap3A], %swap3A_187 {strides = array<i32>} : memref<1024xi32, #tpu.memory_space<vmem>>, vector<16xi32>,
        }
        %scan3A_152 = arith.constant 64 : i32
        %run_scoped3A_153 = arith.constant 12 : i32
        "tpu.region"() ({
          %run_scoped3A_175 = tpu.sem_alloc : memref<!tpu.dma_semaphore, #tpu.memory_space<semaphore_mem>>
          %dma_start3A = arith.constant 0 : i32
          %dma_start3A_176 = tpu.memref_slice %arg15[%run_scoped3A_153, %dma_start3A] : memref<16x1024xf32, #tpu.memory_space<vmem>> -> memref<1x1024xf32, #tpu.memory_space<vmem>>
          %dma_start3A_177 = tpu.memref_squeeze %dma_start3A_176 : memref<1x1024xf32, #tpu.memory_space<vmem>> -> memref<1024xf32, #tpu.memory_space<vmem>>
          %dma_start3A_178 = arith.constant 0 : i32
          %dma_start3A_179 = tpu.memref_slice %arg13[%dma_start3A_178] : memref<1605632xf32, #tpu.memory_space<vmem_shared>> -> memref<1605632xf32, #tpu.memory_space<vmem_shared>>
          tpu.enqueue_indirect_dma source(%dma_start3A_177 : memref<1024xf32, #tpu.memory_space<vmem>>) target(%dma_start3A_179 : memref<1605632xf32, #tpu.memory_space<vmem_shared>>) offsets(%arg17 : memref<1024xi32, #tpu.memory_space<vmem>>) semaphore(%run_scoped3A_175 : memref<!tpu.dma_semaphore, #tpu.memory_space<semaphore_mem>>) {add = true}
          %dma_wait3A = arith.constant 0 : i32
          %dma_wait3A_180 = tpu.memref_slice %arg15[%run_scoped3A_153, %dma_wait3A] : memref<16x1024xf32, #tpu.memory_space<vmem>> -> memref<1x1024xf32, #tpu.memory_space<vmem>>
          %dma_wait3A_181 = tpu.memref_squeeze %dma_wait3A_180 : memref<1x1024xf32, #tpu.memory_space<vmem>> -> memref<1024xf32, #tpu.memory_space<vmem>>
          %dma_wait3A_182 = arith.constant 0 : i32
          %dma_wait3A_183 = tpu.memref_slice %arg13[%dma_wait3A_182] : memref<1605632xf32, #tpu.memory_space<vmem_shared>> -> memref<1605632xf32, #tpu.memory_space<vmem_shared>>
          tpu.wait_indirect_dma semaphore(%run_scoped3A_175 : memref<!tpu.dma_semaphore, #tpu.memory_space<semaphore_mem>>) src(%dma_wait3A_181 : memref<1024xf32, #tpu.memory_space<vmem>>) dst(%dma_wait3A_183 : memref<1605632xf32, #tpu.memory_space<vmem_shared>>)
          tpu.yield
        }) : () -> ()
        %scan3A_154 = arith.constant 0 : i32
        %scan3A_155 = arith.constant 0 : i32
        %scan3A_156 = arith.constant 64 : i32
        %scan3A_157 = arith.addi %scan3A_155, %scan3A_156 : i32
        %scan3A_158 = arith.constant 1 : i32
        scf.for %scan3A_175 = %scan3A_155 to %scan3A_157 step %scan3A_158  : i32 {
          %mul3A_176 = arith.constant 16 : i32
          %mul3A_177 = arith.muli %scan3A_175, %mul3A_176 : i32
          %get3A = arith.index_cast %mul3A_177 : i32 to index
          %get3A_178 = tpu.vector_load %arg16[%get3A] {strides = array<i32>} : memref<1024xi32, #tpu.memory_space<vmem>>, vector<16xi32>,
          %get3A_179 = vector.shape_cast %get3A_178 : vector<16xi32> to vector<16xi32>
          %add3A_180 = arith.constant 1304576 : i32
          %add3A_181 = vector.broadcast %add3A_180 : i32 to vector<16xi32>
          %add3A_182 = arith.addi %get3A_179, %add3A_181 : vector<16xi32>
          %mul3A_183 = arith.constant 16 : i32
          %mul3A_184 = arith.muli %scan3A_175, %mul3A_183 : i32
          %swap3A = arith.index_cast %mul3A_184 : i32 to index
          %swap3A_185 = tpu.vector_load %arg17[%swap3A] {strides = array<i32>} : memref<1024xi32, #tpu.memory_space<vmem>>, vector<16xi32>,
          %swap3A_186 = vector.shape_cast %swap3A_185 : vector<16xi32> to vector<16xi32>
          %swap3A_187 = vector.shape_cast %add3A_182 : vector<16xi32> to vector<16xi32>
          tpu.vector_store %arg17[%swap3A], %swap3A_187 {strides = array<i32>} : memref<1024xi32, #tpu.memory_space<vmem>>, vector<16xi32>,
        }
        %scan3A_159 = arith.constant 64 : i32
        %run_scoped3A_160 = arith.constant 13 : i32
        "tpu.region"() ({
          %run_scoped3A_175 = tpu.sem_alloc : memref<!tpu.dma_semaphore, #tpu.memory_space<semaphore_mem>>
          %dma_start3A = arith.constant 0 : i32
          %dma_start3A_176 = tpu.memref_slice %arg15[%run_scoped3A_160, %dma_start3A] : memref<16x1024xf32, #tpu.memory_space<vmem>> -> memref<1x1024xf32, #tpu.memory_space<vmem>>
          %dma_start3A_177 = tpu.memref_squeeze %dma_start3A_176 : memref<1x1024xf32, #tpu.memory_space<vmem>> -> memref<1024xf32, #tpu.memory_space<vmem>>
          %dma_start3A_178 = arith.constant 0 : i32
          %dma_start3A_179 = tpu.memref_slice %arg13[%dma_start3A_178] : memref<1605632xf32, #tpu.memory_space<vmem_shared>> -> memref<1605632xf32, #tpu.memory_space<vmem_shared>>
          tpu.enqueue_indirect_dma source(%dma_start3A_177 : memref<1024xf32, #tpu.memory_space<vmem>>) target(%dma_start3A_179 : memref<1605632xf32, #tpu.memory_space<vmem_shared>>) offsets(%arg17 : memref<1024xi32, #tpu.memory_space<vmem>>) semaphore(%run_scoped3A_175 : memref<!tpu.dma_semaphore, #tpu.memory_space<semaphore_mem>>) {add = true}
          %dma_wait3A = arith.constant 0 : i32
          %dma_wait3A_180 = tpu.memref_slice %arg15[%run_scoped3A_160, %dma_wait3A] : memref<16x1024xf32, #tpu.memory_space<vmem>> -> memref<1x1024xf32, #tpu.memory_space<vmem>>
          %dma_wait3A_181 = tpu.memref_squeeze %dma_wait3A_180 : memref<1x1024xf32, #tpu.memory_space<vmem>> -> memref<1024xf32, #tpu.memory_space<vmem>>
          %dma_wait3A_182 = arith.constant 0 : i32
          %dma_wait3A_183 = tpu.memref_slice %arg13[%dma_wait3A_182] : memref<1605632xf32, #tpu.memory_space<vmem_shared>> -> memref<1605632xf32, #tpu.memory_space<vmem_shared>>
          tpu.wait_indirect_dma semaphore(%run_scoped3A_175 : memref<!tpu.dma_semaphore, #tpu.memory_space<semaphore_mem>>) src(%dma_wait3A_181 : memref<1024xf32, #tpu.memory_space<vmem>>) dst(%dma_wait3A_183 : memref<1605632xf32, #tpu.memory_space<vmem_shared>>)
          tpu.yield
        }) : () -> ()
        %scan3A_161 = arith.constant 0 : i32
        %scan3A_162 = arith.constant 0 : i32
        %scan3A_163 = arith.constant 64 : i32
        %scan3A_164 = arith.addi %scan3A_162, %scan3A_163 : i32
        %scan3A_165 = arith.constant 1 : i32
        scf.for %scan3A_175 = %scan3A_162 to %scan3A_164 step %scan3A_165  : i32 {
          %mul3A_176 = arith.constant 16 : i32
          %mul3A_177 = arith.muli %scan3A_175, %mul3A_176 : i32
          %get3A = arith.index_cast %mul3A_177 : i32 to index
          %get3A_178 = tpu.vector_load %arg16[%get3A] {strides = array<i32>} : memref<1024xi32, #tpu.memory_space<vmem>>, vector<16xi32>,
          %get3A_179 = vector.shape_cast %get3A_178 : vector<16xi32> to vector<16xi32>
          %add3A_180 = arith.constant 1404928 : i32
          %add3A_181 = vector.broadcast %add3A_180 : i32 to vector<16xi32>
          %add3A_182 = arith.addi %get3A_179, %add3A_181 : vector<16xi32>
          %mul3A_183 = arith.constant 16 : i32
          %mul3A_184 = arith.muli %scan3A_175, %mul3A_183 : i32
          %swap3A = arith.index_cast %mul3A_184 : i32 to index
          %swap3A_185 = tpu.vector_load %arg17[%swap3A] {strides = array<i32>} : memref<1024xi32, #tpu.memory_space<vmem>>, vector<16xi32>,
          %swap3A_186 = vector.shape_cast %swap3A_185 : vector<16xi32> to vector<16xi32>
          %swap3A_187 = vector.shape_cast %add3A_182 : vector<16xi32> to vector<16xi32>
          tpu.vector_store %arg17[%swap3A], %swap3A_187 {strides = array<i32>} : memref<1024xi32, #tpu.memory_space<vmem>>, vector<16xi32>,
        }
        %scan3A_166 = arith.constant 64 : i32
        %run_scoped3A_167 = arith.constant 14 : i32
        "tpu.region"() ({
          %run_scoped3A_175 = tpu.sem_alloc : memref<!tpu.dma_semaphore, #tpu.memory_space<semaphore_mem>>
          %dma_start3A = arith.constant 0 : i32
          %dma_start3A_176 = tpu.memref_slice %arg15[%run_scoped3A_167, %dma_start3A] : memref<16x1024xf32, #tpu.memory_space<vmem>> -> memref<1x1024xf32, #tpu.memory_space<vmem>>
          %dma_start3A_177 = tpu.memref_squeeze %dma_start3A_176 : memref<1x1024xf32, #tpu.memory_space<vmem>> -> memref<1024xf32, #tpu.memory_space<vmem>>
          %dma_start3A_178 = arith.constant 0 : i32
          %dma_start3A_179 = tpu.memref_slice %arg13[%dma_start3A_178] : memref<1605632xf32, #tpu.memory_space<vmem_shared>> -> memref<1605632xf32, #tpu.memory_space<vmem_shared>>
          tpu.enqueue_indirect_dma source(%dma_start3A_177 : memref<1024xf32, #tpu.memory_space<vmem>>) target(%dma_start3A_179 : memref<1605632xf32, #tpu.memory_space<vmem_shared>>) offsets(%arg17 : memref<1024xi32, #tpu.memory_space<vmem>>) semaphore(%run_scoped3A_175 : memref<!tpu.dma_semaphore, #tpu.memory_space<semaphore_mem>>) {add = true}
          %dma_wait3A = arith.constant 0 : i32
          %dma_wait3A_180 = tpu.memref_slice %arg15[%run_scoped3A_167, %dma_wait3A] : memref<16x1024xf32, #tpu.memory_space<vmem>> -> memref<1x1024xf32, #tpu.memory_space<vmem>>
          %dma_wait3A_181 = tpu.memref_squeeze %dma_wait3A_180 : memref<1x1024xf32, #tpu.memory_space<vmem>> -> memref<1024xf32, #tpu.memory_space<vmem>>
          %dma_wait3A_182 = arith.constant 0 : i32
          %dma_wait3A_183 = tpu.memref_slice %arg13[%dma_wait3A_182] : memref<1605632xf32, #tpu.memory_space<vmem_shared>> -> memref<1605632xf32, #tpu.memory_space<vmem_shared>>
          tpu.wait_indirect_dma semaphore(%run_scoped3A_175 : memref<!tpu.dma_semaphore, #tpu.memory_space<semaphore_mem>>) src(%dma_wait3A_181 : memref<1024xf32, #tpu.memory_space<vmem>>) dst(%dma_wait3A_183 : memref<1605632xf32, #tpu.memory_space<vmem_shared>>)
          tpu.yield
        }) : () -> ()
        %scan3A_168 = arith.constant 0 : i32
        %scan3A_169 = arith.constant 0 : i32
        %scan3A_170 = arith.constant 64 : i32
        %scan3A_171 = arith.addi %scan3A_169, %scan3A_170 : i32
        %scan3A_172 = arith.constant 1 : i32
        scf.for %scan3A_175 = %scan3A_169 to %scan3A_171 step %scan3A_172  : i32 {
          %mul3A_176 = arith.constant 16 : i32
          %mul3A_177 = arith.muli %scan3A_175, %mul3A_176 : i32
          %get3A = arith.index_cast %mul3A_177 : i32 to index
          %get3A_178 = tpu.vector_load %arg16[%get3A] {strides = array<i32>} : memref<1024xi32, #tpu.memory_space<vmem>>, vector<16xi32>,
          %get3A_179 = vector.shape_cast %get3A_178 : vector<16xi32> to vector<16xi32>
          %add3A_180 = arith.constant 1505280 : i32
          %add3A_181 = vector.broadcast %add3A_180 : i32 to vector<16xi32>
          %add3A_182 = arith.addi %get3A_179, %add3A_181 : vector<16xi32>
          %mul3A_183 = arith.constant 16 : i32
          %mul3A_184 = arith.muli %scan3A_175, %mul3A_183 : i32
          %swap3A = arith.index_cast %mul3A_184 : i32 to index
          %swap3A_185 = tpu.vector_load %arg17[%swap3A] {strides = array<i32>} : memref<1024xi32, #tpu.memory_space<vmem>>, vector<16xi32>,
          %swap3A_186 = vector.shape_cast %swap3A_185 : vector<16xi32> to vector<16xi32>
          %swap3A_187 = vector.shape_cast %add3A_182 : vector<16xi32> to vector<16xi32>
          tpu.vector_store %arg17[%swap3A], %swap3A_187 {strides = array<i32>} : memref<1024xi32, #tpu.memory_space<vmem>>, vector<16xi32>,
        }
        %scan3A_173 = arith.constant 64 : i32
        %run_scoped3A_174 = arith.constant 15 : i32
        "tpu.region"() ({
          %run_scoped3A_175 = tpu.sem_alloc : memref<!tpu.dma_semaphore, #tpu.memory_space<semaphore_mem>>
          %dma_start3A = arith.constant 0 : i32
          %dma_start3A_176 = tpu.memref_slice %arg15[%run_scoped3A_174, %dma_start3A] : memref<16x1024xf32, #tpu.memory_space<vmem>> -> memref<1x1024xf32, #tpu.memory_space<vmem>>
          %dma_start3A_177 = tpu.memref_squeeze %dma_start3A_176 : memref<1x1024xf32, #tpu.memory_space<vmem>> -> memref<1024xf32, #tpu.memory_space<vmem>>
          %dma_start3A_178 = arith.constant 0 : i32
          %dma_start3A_179 = tpu.memref_slice %arg13[%dma_start3A_178] : memref<1605632xf32, #tpu.memory_space<vmem_shared>> -> memref<1605632xf32, #tpu.memory_space<vmem_shared>>
          tpu.enqueue_indirect_dma source(%dma_start3A_177 : memref<1024xf32, #tpu.memory_space<vmem>>) target(%dma_start3A_179 : memref<1605632xf32, #tpu.memory_space<vmem_shared>>) offsets(%arg17 : memref<1024xi32, #tpu.memory_space<vmem>>) semaphore(%run_scoped3A_175 : memref<!tpu.dma_semaphore, #tpu.memory_space<semaphore_mem>>) {add = true}
          %dma_wait3A = arith.constant 0 : i32
          %dma_wait3A_180 = tpu.memref_slice %arg15[%run_scoped3A_174, %dma_wait3A] : memref<16x1024xf32, #tpu.memory_space<vmem>> -> memref<1x1024xf32, #tpu.memory_space<vmem>>
          %dma_wait3A_181 = tpu.memref_squeeze %dma_wait3A_180 : memref<1x1024xf32, #tpu.memory_space<vmem>> -> memref<1024xf32, #tpu.memory_space<vmem>>
          %dma_wait3A_182 = arith.constant 0 : i32
          %dma_wait3A_183 = tpu.memref_slice %arg13[%dma_wait3A_182] : memref<1605632xf32, #tpu.memory_space<vmem_shared>> -> memref<1605632xf32, #tpu.memory_space<vmem_shared>>
          tpu.wait_indirect_dma semaphore(%run_scoped3A_175 : memref<!tpu.dma_semaphore, #tpu.memory_space<semaphore_mem>>) src(%dma_wait3A_181 : memref<1024xf32, #tpu.memory_space<vmem>>) dst(%dma_wait3A_183 : memref<1605632xf32, #tpu.memory_space<vmem_shared>>)
          tpu.yield
        }) : () -> ()
      }
      %scan3A_30 = arith.constant 100 : i32
      %barrier3A_31 = arith.constant 0 : index
      tpu.barrier barrier_id(%barrier3A_31)
      %mul3A = arith.constant 100352 : i32
      %mul3A_32 = arith.muli %arg1, %mul3A : i32
      %mul3A_33 = arith.constant 100352 : i32
      %mul3A_34 = arith.muli %arg1, %mul3A_33 : i32
      "tpu.region"() ({
        %run_scoped3A = tpu.sem_alloc : memref<!tpu.dma_semaphore, #tpu.memory_space<semaphore_mem>>
        %dma_start3A = tpu.memref_slice %arg8[%mul3A_34] : memref<1605632xf32, #tpu.memory_space<hbm>> -> memref<100352xf32, #tpu.memory_space<hbm>>
        %dma_start3A_59 = tpu.memref_slice %arg13[%mul3A_32] : memref<1605632xf32, #tpu.memory_space<vmem_shared>> -> memref<100352xf32, #tpu.memory_space<vmem_shared>>
        tpu.enqueue_dma source(%dma_start3A_59 : memref<100352xf32, #tpu.memory_space<vmem_shared>>) target(%dma_start3A : memref<100352xf32, #tpu.memory_space<hbm>>) target_semaphore(%run_scoped3A : memref<!tpu.dma_semaphore, #tpu.memory_space<semaphore_mem>>)
        %dma_wait3A = tpu.memref_slice %arg8[%mul3A_34] : memref<1605632xf32, #tpu.memory_space<hbm>> -> memref<100352xf32, #tpu.memory_space<hbm>>
        %dma_wait3A_60 = tpu.memref_slice %arg13[%mul3A_32] : memref<1605632xf32, #tpu.memory_space<vmem_shared>> -> memref<100352xf32, #tpu.memory_space<vmem_shared>>
        tpu.wait_dma2 semaphore(%run_scoped3A : memref<!tpu.dma_semaphore, #tpu.memory_space<semaphore_mem>>) src(%dma_wait3A_60 : memref<100352xf32, #tpu.memory_space<vmem_shared>>) dst(%dma_wait3A : memref<100352xf32, #tpu.memory_space<hbm>>)
        tpu.yield
      }) : () -> ()
      %mul3A_35 = arith.constant 6272 : i32
      %mul3A_36 = arith.muli %arg1, %mul3A_35 : i32
      %mul3A_37 = arith.constant 6272 : i32
      %mul3A_38 = arith.muli %arg1, %mul3A_37 : i32
      "tpu.region"() ({
        %run_scoped3A = tpu.sem_alloc : memref<!tpu.dma_semaphore, #tpu.memory_space<semaphore_mem>>
        %dma_start3A = tpu.memref_slice %arg12[%mul3A_38] : memref<100352xf32, #tpu.memory_space<hbm>> -> memref<6272xf32, #tpu.memory_space<hbm>>
        %dma_start3A_59 = tpu.memref_slice %arg14[%mul3A_36] : memref<100352xf32, #tpu.memory_space<vmem_shared>> -> memref<6272xf32, #tpu.memory_space<vmem_shared>>
        tpu.enqueue_dma source(%dma_start3A_59 : memref<6272xf32, #tpu.memory_space<vmem_shared>>) target(%dma_start3A : memref<6272xf32, #tpu.memory_space<hbm>>) target_semaphore(%run_scoped3A : memref<!tpu.dma_semaphore, #tpu.memory_space<semaphore_mem>>)
        %dma_wait3A = tpu.memref_slice %arg12[%mul3A_38] : memref<100352xf32, #tpu.memory_space<hbm>> -> memref<6272xf32, #tpu.memory_space<hbm>>
        %dma_wait3A_60 = tpu.memref_slice %arg14[%mul3A_36] : memref<100352xf32, #tpu.memory_space<vmem_shared>> -> memref<6272xf32, #tpu.memory_space<vmem_shared>>
        tpu.wait_dma2 semaphore(%run_scoped3A : memref<!tpu.dma_semaphore, #tpu.memory_space<semaphore_mem>>) src(%dma_wait3A_60 : memref<6272xf32, #tpu.memory_space<vmem_shared>>) dst(%dma_wait3A : memref<6272xf32, #tpu.memory_space<hbm>>)
        tpu.yield
      }) : () -> ()
      %barrier3A_39 = arith.constant 0 : index
      tpu.barrier barrier_id(%barrier3A_39)
      %scan3A_40 = arith.constant 0 : i32
      %scan3A_41 = arith.constant 0 : i32
      %scan3A_42 = arith.constant 64 : i32
      %scan3A_43 = arith.addi %scan3A_41, %scan3A_42 : i32
      %scan3A_44 = arith.constant 1 : i32
      scf.for %scan3A_59 = %scan3A_41 to %scan3A_43 step %scan3A_44  : i32 {
        %mul3A_60 = arith.constant 100352 : i32
        %mul3A_61 = arith.muli %arg1, %mul3A_60 : i32
        %mul3A_62 = arith.constant 1568 : i32
        %mul3A_63 = arith.muli %scan3A_59, %mul3A_62 : i32
        %add3A = arith.addi %mul3A_61, %mul3A_63 : i32
        "tpu.region"() ({
          %run_scoped3A = tpu.sem_alloc : memref<!tpu.dma_semaphore, #tpu.memory_space<semaphore_mem>>
          %dma_start3A = tpu.memref_slice %arg13[%add3A] : memref<1605632xf32, #tpu.memory_space<vmem_shared>> -> memref<1568xf32, #tpu.memory_space<vmem_shared>>
          %dma_start3A_64 = tpu.memref_slice %arg13[%add3A] : memref<1605632xf32, #tpu.memory_space<vmem_shared>> -> memref<1568xf32, #tpu.memory_space<vmem_shared>>
          tpu.enqueue_dma source(%arg19 : memref<1568xf32, #tpu.memory_space<vmem>>) target(%dma_start3A_64 : memref<1568xf32, #tpu.memory_space<vmem_shared>>) target_semaphore(%run_scoped3A : memref<!tpu.dma_semaphore, #tpu.memory_space<semaphore_mem>>)
          %dma_wait3A = tpu.memref_slice %arg13[%add3A] : memref<1605632xf32, #tpu.memory_space<vmem_shared>> -> memref<1568xf32, #tpu.memory_space<vmem_shared>>
          %dma_wait3A_65 = tpu.memref_slice %arg13[%add3A] : memref<1605632xf32, #tpu.memory_space<vmem_shared>> -> memref<1568xf32, #tpu.memory_space<vmem_shared>>
          tpu.wait_dma2 semaphore(%run_scoped3A : memref<!tpu.dma_semaphore, #tpu.memory_space<semaphore_mem>>) src(%arg19 : memref<1568xf32, #tpu.memory_space<vmem>>) dst(%dma_wait3A_65 : memref<1568xf32, #tpu.memory_space<vmem_shared>>)
          tpu.yield
        }) : () -> ()
      }
      %scan3A_45 = arith.constant 64 : i32
      %barrier3A_46 = arith.constant 0 : index
      tpu.barrier barrier_id(%barrier3A_46)
      %scan3A_47 = arith.constant 0 : i32
      %scan3A_48 = arith.constant 0 : i32
      %scan3A_49 = arith.constant 100 : i32
      %scan3A_50 = arith.addi %scan3A_48, %scan3A_49 : i32
      %scan3A_51 = arith.constant 1 : i32
      scf.for %scan3A_59 = %scan3A_48 to %scan3A_50 step %scan3A_51  : i32 {
        %mul3A_60 = arith.constant 102400 : i32
        %mul3A_61 = arith.muli %arg1, %mul3A_60 : i32
        %mul3A_62 = arith.constant 1024 : i32
        %mul3A_63 = arith.muli %scan3A_59, %mul3A_62 : i32
        %add3A = arith.addi %mul3A_61, %mul3A_63 : i32
        "tpu.region"() ({
          %run_scoped3A_175 = tpu.sem_alloc : memref<!tpu.dma_semaphore, #tpu.memory_space<semaphore_mem>>
          %dma_start3A = tpu.memref_slice %arg7[%add3A] : memref<1638400xi32, #tpu.memory_space<hbm>> -> memref<1024xi32, #tpu.memory_space<hbm>>
          %dma_start3A_176 = tpu.memref_slice %arg7[%add3A] : memref<1638400xi32, #tpu.memory_space<hbm>> -> memref<1024xi32, #tpu.memory_space<hbm>>
          tpu.enqueue_dma source(%dma_start3A_176 : memref<1024xi32, #tpu.memory_space<hbm>>) target(%arg16 : memref<1024xi32, #tpu.memory_space<vmem>>) target_semaphore(%run_scoped3A_175 : memref<!tpu.dma_semaphore, #tpu.memory_space<semaphore_mem>>)
          %dma_wait3A = tpu.memref_slice %arg7[%add3A] : memref<1638400xi32, #tpu.memory_space<hbm>> -> memref<1024xi32, #tpu.memory_space<hbm>>
          %dma_wait3A_177 = tpu.memref_slice %arg7[%add3A] : memref<1638400xi32, #tpu.memory_space<hbm>> -> memref<1024xi32, #tpu.memory_space<hbm>>
          tpu.wait_dma2 semaphore(%run_scoped3A_175 : memref<!tpu.dma_semaphore, #tpu.memory_space<semaphore_mem>>) src(%dma_wait3A_177 : memref<1024xi32, #tpu.memory_space<hbm>>) dst(%arg16 : memref<1024xi32, #tpu.memory_space<vmem>>)
          tpu.yield
        }) : () -> ()
        "tpu.region"() ({
          %run_scoped3A_175 = tpu.sem_alloc : memref<!tpu.dma_semaphore, #tpu.memory_space<semaphore_mem>>
          %dma_start3A = arith.constant 0 : i32
          %dma_start3A_176 = tpu.memref_slice %arg3[%dma_start3A, %add3A] : memref<16x1638400xf32, #tpu.memory_space<hbm>> -> memref<16x1024xf32, #tpu.memory_space<hbm>>
          %dma_start3A_177 = arith.constant 0 : i32
          %dma_start3A_178 = tpu.memref_slice %arg3[%dma_start3A_177, %add3A] : memref<16x1638400xf32, #tpu.memory_space<hbm>> -> memref<16x1024xf32, #tpu.memory_space<hbm>>
          tpu.enqueue_dma source(%dma_start3A_178 : memref<16x1024xf32, #tpu.memory_space<hbm>>) target(%arg15 : memref<16x1024xf32, #tpu.memory_space<vmem>>) target_semaphore(%run_scoped3A_175 : memref<!tpu.dma_semaphore, #tpu.memory_space<semaphore_mem>>)
          %dma_wait3A = arith.constant 0 : i32
          %dma_wait3A_179 = tpu.memref_slice %arg3[%dma_wait3A, %add3A] : memref<16x1638400xf32, #tpu.memory_space<hbm>> -> memref<16x1024xf32, #tpu.memory_space<hbm>>
          %dma_wait3A_180 = arith.constant 0 : i32
          %dma_wait3A_181 = tpu.memref_slice %arg3[%dma_wait3A_180, %add3A] : memref<16x1638400xf32, #tpu.memory_space<hbm>> -> memref<16x1024xf32, #tpu.memory_space<hbm>>
          tpu.wait_dma2 semaphore(%run_scoped3A_175 : memref<!tpu.dma_semaphore, #tpu.memory_space<semaphore_mem>>) src(%dma_wait3A_181 : memref<16x1024xf32, #tpu.memory_space<hbm>>) dst(%arg15 : memref<16x1024xf32, #tpu.memory_space<vmem>>)
          tpu.yield
        }) : () -> ()
        %scan3A_64 = arith.constant 0 : i32
        %scan3A_65 = arith.constant 0 : i32
        %scan3A_66 = arith.constant 64 : i32
        %scan3A_67 = arith.addi %scan3A_65, %scan3A_66 : i32
        %scan3A_68 = arith.constant 1 : i32
        scf.for %scan3A_175 = %scan3A_65 to %scan3A_67 step %scan3A_68  : i32 {
          %mul3A_176 = arith.constant 16 : i32
          %mul3A_177 = arith.muli %scan3A_175, %mul3A_176 : i32
          %get3A = arith.index_cast %mul3A_177 : i32 to index
          %get3A_178 = tpu.vector_load %arg16[%get3A] {strides = array<i32>} : memref<1024xi32, #tpu.memory_space<vmem>>, vector<16xi32>,
          %get3A_179 = vector.shape_cast %get3A_178 : vector<16xi32> to vector<16xi32>
          %add3A_180 = arith.constant 0 : i32
          %add3A_181 = vector.broadcast %add3A_180 : i32 to vector<16xi32>
          %add3A_182 = arith.addi %get3A_179, %add3A_181 : vector<16xi32>
          %mul3A_183 = arith.constant 16 : i32
          %mul3A_184 = arith.muli %scan3A_175, %mul3A_183 : i32
          %swap3A = arith.index_cast %mul3A_184 : i32 to index
          %swap3A_185 = tpu.vector_load %arg17[%swap3A] {strides = array<i32>} : memref<1024xi32, #tpu.memory_space<vmem>>, vector<16xi32>,
          %swap3A_186 = vector.shape_cast %swap3A_185 : vector<16xi32> to vector<16xi32>
          %swap3A_187 = vector.shape_cast %add3A_182 : vector<16xi32> to vector<16xi32>
          tpu.vector_store %arg17[%swap3A], %swap3A_187 {strides = array<i32>} : memref<1024xi32, #tpu.memory_space<vmem>>, vector<16xi32>,
        }
        %scan3A_69 = arith.constant 64 : i32
        %run_scoped3A = arith.constant 0 : i32
        "tpu.region"() ({
          %run_scoped3A_175 = tpu.sem_alloc : memref<!tpu.dma_semaphore, #tpu.memory_space<semaphore_mem>>
          %dma_start3A = arith.constant 0 : i32
          %dma_start3A_176 = tpu.memref_slice %arg15[%run_scoped3A, %dma_start3A] : memref<16x1024xf32, #tpu.memory_space<vmem>> -> memref<1x1024xf32, #tpu.memory_space<vmem>>
          %dma_start3A_177 = tpu.memref_squeeze %dma_start3A_176 : memref<1x1024xf32, #tpu.memory_space<vmem>> -> memref<1024xf32, #tpu.memory_space<vmem>>
          %dma_start3A_178 = arith.constant 0 : i32
          %dma_start3A_179 = tpu.memref_slice %arg13[%dma_start3A_178] : memref<1605632xf32, #tpu.memory_space<vmem_shared>> -> memref<1605632xf32, #tpu.memory_space<vmem_shared>>
          tpu.enqueue_indirect_dma source(%dma_start3A_177 : memref<1024xf32, #tpu.memory_space<vmem>>) target(%dma_start3A_179 : memref<1605632xf32, #tpu.memory_space<vmem_shared>>) offsets(%arg17 : memref<1024xi32, #tpu.memory_space<vmem>>) semaphore(%run_scoped3A_175 : memref<!tpu.dma_semaphore, #tpu.memory_space<semaphore_mem>>) {add = true}
          %dma_wait3A = arith.constant 0 : i32
          %dma_wait3A_180 = tpu.memref_slice %arg15[%run_scoped3A, %dma_wait3A] : memref<16x1024xf32, #tpu.memory_space<vmem>> -> memref<1x1024xf32, #tpu.memory_space<vmem>>
          %dma_wait3A_181 = tpu.memref_squeeze %dma_wait3A_180 : memref<1x1024xf32, #tpu.memory_space<vmem>> -> memref<1024xf32, #tpu.memory_space<vmem>>
          %dma_wait3A_182 = arith.constant 0 : i32
          %dma_wait3A_183 = tpu.memref_slice %arg13[%dma_wait3A_182] : memref<1605632xf32, #tpu.memory_space<vmem_shared>> -> memref<1605632xf32, #tpu.memory_space<vmem_shared>>
          tpu.wait_indirect_dma semaphore(%run_scoped3A_175 : memref<!tpu.dma_semaphore, #tpu.memory_space<semaphore_mem>>) src(%dma_wait3A_181 : memref<1024xf32, #tpu.memory_space<vmem>>) dst(%dma_wait3A_183 : memref<1605632xf32, #tpu.memory_space<vmem_shared>>)
          tpu.yield
        }) : () -> ()
        %scan3A_70 = arith.constant 0 : i32
        %scan3A_71 = arith.constant 0 : i32
        %scan3A_72 = arith.constant 64 : i32
        %scan3A_73 = arith.addi %scan3A_71, %scan3A_72 : i32
        %scan3A_74 = arith.constant 1 : i32
        scf.for %scan3A_175 = %scan3A_71 to %scan3A_73 step %scan3A_74  : i32 {
          %mul3A_176 = arith.constant 16 : i32
          %mul3A_177 = arith.muli %scan3A_175, %mul3A_176 : i32
          %get3A = arith.index_cast %mul3A_177 : i32 to index
          %get3A_178 = tpu.vector_load %arg16[%get3A] {strides = array<i32>} : memref<1024xi32, #tpu.memory_space<vmem>>, vector<16xi32>,
          %get3A_179 = vector.shape_cast %get3A_178 : vector<16xi32> to vector<16xi32>
          %add3A_180 = arith.constant 100352 : i32
          %add3A_181 = vector.broadcast %add3A_180 : i32 to vector<16xi32>
          %add3A_182 = arith.addi %get3A_179, %add3A_181 : vector<16xi32>
          %mul3A_183 = arith.constant 16 : i32
          %mul3A_184 = arith.muli %scan3A_175, %mul3A_183 : i32
          %swap3A = arith.index_cast %mul3A_184 : i32 to index
          %swap3A_185 = tpu.vector_load %arg17[%swap3A] {strides = array<i32>} : memref<1024xi32, #tpu.memory_space<vmem>>, vector<16xi32>,
          %swap3A_186 = vector.shape_cast %swap3A_185 : vector<16xi32> to vector<16xi32>
          %swap3A_187 = vector.shape_cast %add3A_182 : vector<16xi32> to vector<16xi32>
          tpu.vector_store %arg17[%swap3A], %swap3A_187 {strides = array<i32>} : memref<1024xi32, #tpu.memory_space<vmem>>, vector<16xi32>,
        }
        %scan3A_75 = arith.constant 64 : i32
        %run_scoped3A_76 = arith.constant 1 : i32
        "tpu.region"() ({
          %run_scoped3A_175 = tpu.sem_alloc : memref<!tpu.dma_semaphore, #tpu.memory_space<semaphore_mem>>
          %dma_start3A = arith.constant 0 : i32
          %dma_start3A_176 = tpu.memref_slice %arg15[%run_scoped3A_76, %dma_start3A] : memref<16x1024xf32, #tpu.memory_space<vmem>> -> memref<1x1024xf32, #tpu.memory_space<vmem>>
          %dma_start3A_177 = tpu.memref_squeeze %dma_start3A_176 : memref<1x1024xf32, #tpu.memory_space<vmem>> -> memref<1024xf32, #tpu.memory_space<vmem>>
          %dma_start3A_178 = arith.constant 0 : i32
          %dma_start3A_179 = tpu.memref_slice %arg13[%dma_start3A_178] : memref<1605632xf32, #tpu.memory_space<vmem_shared>> -> memref<1605632xf32, #tpu.memory_space<vmem_shared>>
          tpu.enqueue_indirect_dma source(%dma_start3A_177 : memref<1024xf32, #tpu.memory_space<vmem>>) target(%dma_start3A_179 : memref<1605632xf32, #tpu.memory_space<vmem_shared>>) offsets(%arg17 : memref<1024xi32, #tpu.memory_space<vmem>>) semaphore(%run_scoped3A_175 : memref<!tpu.dma_semaphore, #tpu.memory_space<semaphore_mem>>) {add = true}
          %dma_wait3A = arith.constant 0 : i32
          %dma_wait3A_180 = tpu.memref_slice %arg15[%run_scoped3A_76, %dma_wait3A] : memref<16x1024xf32, #tpu.memory_space<vmem>> -> memref<1x1024xf32, #tpu.memory_space<vmem>>
          %dma_wait3A_181 = tpu.memref_squeeze %dma_wait3A_180 : memref<1x1024xf32, #tpu.memory_space<vmem>> -> memref<1024xf32, #tpu.memory_space<vmem>>
          %dma_wait3A_182 = arith.constant 0 : i32
          %dma_wait3A_183 = tpu.memref_slice %arg13[%dma_wait3A_182] : memref<1605632xf32, #tpu.memory_space<vmem_shared>> -> memref<1605632xf32, #tpu.memory_space<vmem_shared>>
          tpu.wait_indirect_dma semaphore(%run_scoped3A_175 : memref<!tpu.dma_semaphore, #tpu.memory_space<semaphore_mem>>) src(%dma_wait3A_181 : memref<1024xf32, #tpu.memory_space<vmem>>) dst(%dma_wait3A_183 : memref<1605632xf32, #tpu.memory_space<vmem_shared>>)
          tpu.yield
        }) : () -> ()
        %scan3A_77 = arith.constant 0 : i32
        %scan3A_78 = arith.constant 0 : i32
        %scan3A_79 = arith.constant 64 : i32
        %scan3A_80 = arith.addi %scan3A_78, %scan3A_79 : i32
        %scan3A_81 = arith.constant 1 : i32
        scf.for %scan3A_175 = %scan3A_78 to %scan3A_80 step %scan3A_81  : i32 {
          %mul3A_176 = arith.constant 16 : i32
          %mul3A_177 = arith.muli %scan3A_175, %mul3A_176 : i32
          %get3A = arith.index_cast %mul3A_177 : i32 to index
          %get3A_178 = tpu.vector_load %arg16[%get3A] {strides = array<i32>} : memref<1024xi32, #tpu.memory_space<vmem>>, vector<16xi32>,
          %get3A_179 = vector.shape_cast %get3A_178 : vector<16xi32> to vector<16xi32>
          %add3A_180 = arith.constant 200704 : i32
          %add3A_181 = vector.broadcast %add3A_180 : i32 to vector<16xi32>
          %add3A_182 = arith.addi %get3A_179, %add3A_181 : vector<16xi32>
          %mul3A_183 = arith.constant 16 : i32
          %mul3A_184 = arith.muli %scan3A_175, %mul3A_183 : i32
          %swap3A = arith.index_cast %mul3A_184 : i32 to index
          %swap3A_185 = tpu.vector_load %arg17[%swap3A] {strides = array<i32>} : memref<1024xi32, #tpu.memory_space<vmem>>, vector<16xi32>,
          %swap3A_186 = vector.shape_cast %swap3A_185 : vector<16xi32> to vector<16xi32>
          %swap3A_187 = vector.shape_cast %add3A_182 : vector<16xi32> to vector<16xi32>
          tpu.vector_store %arg17[%swap3A], %swap3A_187 {strides = array<i32>} : memref<1024xi32, #tpu.memory_space<vmem>>, vector<16xi32>,
        }
        %scan3A_82 = arith.constant 64 : i32
        %run_scoped3A_83 = arith.constant 2 : i32
        "tpu.region"() ({
          %run_scoped3A_175 = tpu.sem_alloc : memref<!tpu.dma_semaphore, #tpu.memory_space<semaphore_mem>>
          %dma_start3A = arith.constant 0 : i32
          %dma_start3A_176 = tpu.memref_slice %arg15[%run_scoped3A_83, %dma_start3A] : memref<16x1024xf32, #tpu.memory_space<vmem>> -> memref<1x1024xf32, #tpu.memory_space<vmem>>
          %dma_start3A_177 = tpu.memref_squeeze %dma_start3A_176 : memref<1x1024xf32, #tpu.memory_space<vmem>> -> memref<1024xf32, #tpu.memory_space<vmem>>
          %dma_start3A_178 = arith.constant 0 : i32
          %dma_start3A_179 = tpu.memref_slice %arg13[%dma_start3A_178] : memref<1605632xf32, #tpu.memory_space<vmem_shared>> -> memref<1605632xf32, #tpu.memory_space<vmem_shared>>
          tpu.enqueue_indirect_dma source(%dma_start3A_177 : memref<1024xf32, #tpu.memory_space<vmem>>) target(%dma_start3A_179 : memref<1605632xf32, #tpu.memory_space<vmem_shared>>) offsets(%arg17 : memref<1024xi32, #tpu.memory_space<vmem>>) semaphore(%run_scoped3A_175 : memref<!tpu.dma_semaphore, #tpu.memory_space<semaphore_mem>>) {add = true}
          %dma_wait3A = arith.constant 0 : i32
          %dma_wait3A_180 = tpu.memref_slice %arg15[%run_scoped3A_83, %dma_wait3A] : memref<16x1024xf32, #tpu.memory_space<vmem>> -> memref<1x1024xf32, #tpu.memory_space<vmem>>
          %dma_wait3A_181 = tpu.memref_squeeze %dma_wait3A_180 : memref<1x1024xf32, #tpu.memory_space<vmem>> -> memref<1024xf32, #tpu.memory_space<vmem>>
          %dma_wait3A_182 = arith.constant 0 : i32
          %dma_wait3A_183 = tpu.memref_slice %arg13[%dma_wait3A_182] : memref<1605632xf32, #tpu.memory_space<vmem_shared>> -> memref<1605632xf32, #tpu.memory_space<vmem_shared>>
          tpu.wait_indirect_dma semaphore(%run_scoped3A_175 : memref<!tpu.dma_semaphore, #tpu.memory_space<semaphore_mem>>) src(%dma_wait3A_181 : memref<1024xf32, #tpu.memory_space<vmem>>) dst(%dma_wait3A_183 : memref<1605632xf32, #tpu.memory_space<vmem_shared>>)
          tpu.yield
        }) : () -> ()
        %scan3A_84 = arith.constant 0 : i32
        %scan3A_85 = arith.constant 0 : i32
        %scan3A_86 = arith.constant 64 : i32
        %scan3A_87 = arith.addi %scan3A_85, %scan3A_86 : i32
        %scan3A_88 = arith.constant 1 : i32
        scf.for %scan3A_175 = %scan3A_85 to %scan3A_87 step %scan3A_88  : i32 {
          %mul3A_176 = arith.constant 16 : i32
          %mul3A_177 = arith.muli %scan3A_175, %mul3A_176 : i32
          %get3A = arith.index_cast %mul3A_177 : i32 to index
          %get3A_178 = tpu.vector_load %arg16[%get3A] {strides = array<i32>} : memref<1024xi32, #tpu.memory_space<vmem>>, vector<16xi32>,
          %get3A_179 = vector.shape_cast %get3A_178 : vector<16xi32> to vector<16xi32>
          %add3A_180 = arith.constant 301056 : i32
          %add3A_181 = vector.broadcast %add3A_180 : i32 to vector<16xi32>
          %add3A_182 = arith.addi %get3A_179, %add3A_181 : vector<16xi32>
          %mul3A_183 = arith.constant 16 : i32
          %mul3A_184 = arith.muli %scan3A_175, %mul3A_183 : i32
          %swap3A = arith.index_cast %mul3A_184 : i32 to index
          %swap3A_185 = tpu.vector_load %arg17[%swap3A] {strides = array<i32>} : memref<1024xi32, #tpu.memory_space<vmem>>, vector<16xi32>,
          %swap3A_186 = vector.shape_cast %swap3A_185 : vector<16xi32> to vector<16xi32>
          %swap3A_187 = vector.shape_cast %add3A_182 : vector<16xi32> to vector<16xi32>
          tpu.vector_store %arg17[%swap3A], %swap3A_187 {strides = array<i32>} : memref<1024xi32, #tpu.memory_space<vmem>>, vector<16xi32>,
        }
        %scan3A_89 = arith.constant 64 : i32
        %run_scoped3A_90 = arith.constant 3 : i32
        "tpu.region"() ({
          %run_scoped3A_175 = tpu.sem_alloc : memref<!tpu.dma_semaphore, #tpu.memory_space<semaphore_mem>>
          %dma_start3A = arith.constant 0 : i32
          %dma_start3A_176 = tpu.memref_slice %arg15[%run_scoped3A_90, %dma_start3A] : memref<16x1024xf32, #tpu.memory_space<vmem>> -> memref<1x1024xf32, #tpu.memory_space<vmem>>
          %dma_start3A_177 = tpu.memref_squeeze %dma_start3A_176 : memref<1x1024xf32, #tpu.memory_space<vmem>> -> memref<1024xf32, #tpu.memory_space<vmem>>
          %dma_start3A_178 = arith.constant 0 : i32
          %dma_start3A_179 = tpu.memref_slice %arg13[%dma_start3A_178] : memref<1605632xf32, #tpu.memory_space<vmem_shared>> -> memref<1605632xf32, #tpu.memory_space<vmem_shared>>
          tpu.enqueue_indirect_dma source(%dma_start3A_177 : memref<1024xf32, #tpu.memory_space<vmem>>) target(%dma_start3A_179 : memref<1605632xf32, #tpu.memory_space<vmem_shared>>) offsets(%arg17 : memref<1024xi32, #tpu.memory_space<vmem>>) semaphore(%run_scoped3A_175 : memref<!tpu.dma_semaphore, #tpu.memory_space<semaphore_mem>>) {add = true}
          %dma_wait3A = arith.constant 0 : i32
          %dma_wait3A_180 = tpu.memref_slice %arg15[%run_scoped3A_90, %dma_wait3A] : memref<16x1024xf32, #tpu.memory_space<vmem>> -> memref<1x1024xf32, #tpu.memory_space<vmem>>
          %dma_wait3A_181 = tpu.memref_squeeze %dma_wait3A_180 : memref<1x1024xf32, #tpu.memory_space<vmem>> -> memref<1024xf32, #tpu.memory_space<vmem>>
          %dma_wait3A_182 = arith.constant 0 : i32
          %dma_wait3A_183 = tpu.memref_slice %arg13[%dma_wait3A_182] : memref<1605632xf32, #tpu.memory_space<vmem_shared>> -> memref<1605632xf32, #tpu.memory_space<vmem_shared>>
          tpu.wait_indirect_dma semaphore(%run_scoped3A_175 : memref<!tpu.dma_semaphore, #tpu.memory_space<semaphore_mem>>) src(%dma_wait3A_181 : memref<1024xf32, #tpu.memory_space<vmem>>) dst(%dma_wait3A_183 : memref<1605632xf32, #tpu.memory_space<vmem_shared>>)
          tpu.yield
        }) : () -> ()
        %scan3A_91 = arith.constant 0 : i32
        %scan3A_92 = arith.constant 0 : i32
        %scan3A_93 = arith.constant 64 : i32
        %scan3A_94 = arith.addi %scan3A_92, %scan3A_93 : i32
        %scan3A_95 = arith.constant 1 : i32
        scf.for %scan3A_175 = %scan3A_92 to %scan3A_94 step %scan3A_95  : i32 {
          %mul3A_176 = arith.constant 16 : i32
          %mul3A_177 = arith.muli %scan3A_175, %mul3A_176 : i32
          %get3A = arith.index_cast %mul3A_177 : i32 to index
          %get3A_178 = tpu.vector_load %arg16[%get3A] {strides = array<i32>} : memref<1024xi32, #tpu.memory_space<vmem>>, vector<16xi32>,
          %get3A_179 = vector.shape_cast %get3A_178 : vector<16xi32> to vector<16xi32>
          %add3A_180 = arith.constant 401408 : i32
          %add3A_181 = vector.broadcast %add3A_180 : i32 to vector<16xi32>
          %add3A_182 = arith.addi %get3A_179, %add3A_181 : vector<16xi32>
          %mul3A_183 = arith.constant 16 : i32
          %mul3A_184 = arith.muli %scan3A_175, %mul3A_183 : i32
          %swap3A = arith.index_cast %mul3A_184 : i32 to index
          %swap3A_185 = tpu.vector_load %arg17[%swap3A] {strides = array<i32>} : memref<1024xi32, #tpu.memory_space<vmem>>, vector<16xi32>,
          %swap3A_186 = vector.shape_cast %swap3A_185 : vector<16xi32> to vector<16xi32>
          %swap3A_187 = vector.shape_cast %add3A_182 : vector<16xi32> to vector<16xi32>
          tpu.vector_store %arg17[%swap3A], %swap3A_187 {strides = array<i32>} : memref<1024xi32, #tpu.memory_space<vmem>>, vector<16xi32>,
        }
        %scan3A_96 = arith.constant 64 : i32
        %run_scoped3A_97 = arith.constant 4 : i32
        "tpu.region"() ({
          %run_scoped3A_175 = tpu.sem_alloc : memref<!tpu.dma_semaphore, #tpu.memory_space<semaphore_mem>>
          %dma_start3A = arith.constant 0 : i32
          %dma_start3A_176 = tpu.memref_slice %arg15[%run_scoped3A_97, %dma_start3A] : memref<16x1024xf32, #tpu.memory_space<vmem>> -> memref<1x1024xf32, #tpu.memory_space<vmem>>
          %dma_start3A_177 = tpu.memref_squeeze %dma_start3A_176 : memref<1x1024xf32, #tpu.memory_space<vmem>> -> memref<1024xf32, #tpu.memory_space<vmem>>
          %dma_start3A_178 = arith.constant 0 : i32
          %dma_start3A_179 = tpu.memref_slice %arg13[%dma_start3A_178] : memref<1605632xf32, #tpu.memory_space<vmem_shared>> -> memref<1605632xf32, #tpu.memory_space<vmem_shared>>
          tpu.enqueue_indirect_dma source(%dma_start3A_177 : memref<1024xf32, #tpu.memory_space<vmem>>) target(%dma_start3A_179 : memref<1605632xf32, #tpu.memory_space<vmem_shared>>) offsets(%arg17 : memref<1024xi32, #tpu.memory_space<vmem>>) semaphore(%run_scoped3A_175 : memref<!tpu.dma_semaphore, #tpu.memory_space<semaphore_mem>>) {add = true}
          %dma_wait3A = arith.constant 0 : i32
          %dma_wait3A_180 = tpu.memref_slice %arg15[%run_scoped3A_97, %dma_wait3A] : memref<16x1024xf32, #tpu.memory_space<vmem>> -> memref<1x1024xf32, #tpu.memory_space<vmem>>
          %dma_wait3A_181 = tpu.memref_squeeze %dma_wait3A_180 : memref<1x1024xf32, #tpu.memory_space<vmem>> -> memref<1024xf32, #tpu.memory_space<vmem>>
          %dma_wait3A_182 = arith.constant 0 : i32
          %dma_wait3A_183 = tpu.memref_slice %arg13[%dma_wait3A_182] : memref<1605632xf32, #tpu.memory_space<vmem_shared>> -> memref<1605632xf32, #tpu.memory_space<vmem_shared>>
          tpu.wait_indirect_dma semaphore(%run_scoped3A_175 : memref<!tpu.dma_semaphore, #tpu.memory_space<semaphore_mem>>) src(%dma_wait3A_181 : memref<1024xf32, #tpu.memory_space<vmem>>) dst(%dma_wait3A_183 : memref<1605632xf32, #tpu.memory_space<vmem_shared>>)
          tpu.yield
        }) : () -> ()
        %scan3A_98 = arith.constant 0 : i32
        %scan3A_99 = arith.constant 0 : i32
        %scan3A_100 = arith.constant 64 : i32
        %scan3A_101 = arith.addi %scan3A_99, %scan3A_100 : i32
        %scan3A_102 = arith.constant 1 : i32
        scf.for %scan3A_175 = %scan3A_99 to %scan3A_101 step %scan3A_102  : i32 {
          %mul3A_176 = arith.constant 16 : i32
          %mul3A_177 = arith.muli %scan3A_175, %mul3A_176 : i32
          %get3A = arith.index_cast %mul3A_177 : i32 to index
          %get3A_178 = tpu.vector_load %arg16[%get3A] {strides = array<i32>} : memref<1024xi32, #tpu.memory_space<vmem>>, vector<16xi32>,
          %get3A_179 = vector.shape_cast %get3A_178 : vector<16xi32> to vector<16xi32>
          %add3A_180 = arith.constant 501760 : i32
          %add3A_181 = vector.broadcast %add3A_180 : i32 to vector<16xi32>
          %add3A_182 = arith.addi %get3A_179, %add3A_181 : vector<16xi32>
          %mul3A_183 = arith.constant 16 : i32
          %mul3A_184 = arith.muli %scan3A_175, %mul3A_183 : i32
          %swap3A = arith.index_cast %mul3A_184 : i32 to index
          %swap3A_185 = tpu.vector_load %arg17[%swap3A] {strides = array<i32>} : memref<1024xi32, #tpu.memory_space<vmem>>, vector<16xi32>,
          %swap3A_186 = vector.shape_cast %swap3A_185 : vector<16xi32> to vector<16xi32>
          %swap3A_187 = vector.shape_cast %add3A_182 : vector<16xi32> to vector<16xi32>
          tpu.vector_store %arg17[%swap3A], %swap3A_187 {strides = array<i32>} : memref<1024xi32, #tpu.memory_space<vmem>>, vector<16xi32>,
        }
        %scan3A_103 = arith.constant 64 : i32
        %run_scoped3A_104 = arith.constant 5 : i32
        "tpu.region"() ({
          %run_scoped3A_175 = tpu.sem_alloc : memref<!tpu.dma_semaphore, #tpu.memory_space<semaphore_mem>>
          %dma_start3A = arith.constant 0 : i32
          %dma_start3A_176 = tpu.memref_slice %arg15[%run_scoped3A_104, %dma_start3A] : memref<16x1024xf32, #tpu.memory_space<vmem>> -> memref<1x1024xf32, #tpu.memory_space<vmem>>
          %dma_start3A_177 = tpu.memref_squeeze %dma_start3A_176 : memref<1x1024xf32, #tpu.memory_space<vmem>> -> memref<1024xf32, #tpu.memory_space<vmem>>
          %dma_start3A_178 = arith.constant 0 : i32
          %dma_start3A_179 = tpu.memref_slice %arg13[%dma_start3A_178] : memref<1605632xf32, #tpu.memory_space<vmem_shared>> -> memref<1605632xf32, #tpu.memory_space<vmem_shared>>
          tpu.enqueue_indirect_dma source(%dma_start3A_177 : memref<1024xf32, #tpu.memory_space<vmem>>) target(%dma_start3A_179 : memref<1605632xf32, #tpu.memory_space<vmem_shared>>) offsets(%arg17 : memref<1024xi32, #tpu.memory_space<vmem>>) semaphore(%run_scoped3A_175 : memref<!tpu.dma_semaphore, #tpu.memory_space<semaphore_mem>>) {add = true}
          %dma_wait3A = arith.constant 0 : i32
          %dma_wait3A_180 = tpu.memref_slice %arg15[%run_scoped3A_104, %dma_wait3A] : memref<16x1024xf32, #tpu.memory_space<vmem>> -> memref<1x1024xf32, #tpu.memory_space<vmem>>
          %dma_wait3A_181 = tpu.memref_squeeze %dma_wait3A_180 : memref<1x1024xf32, #tpu.memory_space<vmem>> -> memref<1024xf32, #tpu.memory_space<vmem>>
          %dma_wait3A_182 = arith.constant 0 : i32
          %dma_wait3A_183 = tpu.memref_slice %arg13[%dma_wait3A_182] : memref<1605632xf32, #tpu.memory_space<vmem_shared>> -> memref<1605632xf32, #tpu.memory_space<vmem_shared>>
          tpu.wait_indirect_dma semaphore(%run_scoped3A_175 : memref<!tpu.dma_semaphore, #tpu.memory_space<semaphore_mem>>) src(%dma_wait3A_181 : memref<1024xf32, #tpu.memory_space<vmem>>) dst(%dma_wait3A_183 : memref<1605632xf32, #tpu.memory_space<vmem_shared>>)
          tpu.yield
        }) : () -> ()
        %scan3A_105 = arith.constant 0 : i32
        %scan3A_106 = arith.constant 0 : i32
        %scan3A_107 = arith.constant 64 : i32
        %scan3A_108 = arith.addi %scan3A_106, %scan3A_107 : i32
        %scan3A_109 = arith.constant 1 : i32
        scf.for %scan3A_175 = %scan3A_106 to %scan3A_108 step %scan3A_109  : i32 {
          %mul3A_176 = arith.constant 16 : i32
          %mul3A_177 = arith.muli %scan3A_175, %mul3A_176 : i32
          %get3A = arith.index_cast %mul3A_177 : i32 to index
          %get3A_178 = tpu.vector_load %arg16[%get3A] {strides = array<i32>} : memref<1024xi32, #tpu.memory_space<vmem>>, vector<16xi32>,
          %get3A_179 = vector.shape_cast %get3A_178 : vector<16xi32> to vector<16xi32>
          %add3A_180 = arith.constant 602112 : i32
          %add3A_181 = vector.broadcast %add3A_180 : i32 to vector<16xi32>
          %add3A_182 = arith.addi %get3A_179, %add3A_181 : vector<16xi32>
          %mul3A_183 = arith.constant 16 : i32
          %mul3A_184 = arith.muli %scan3A_175, %mul3A_183 : i32
          %swap3A = arith.index_cast %mul3A_184 : i32 to index
          %swap3A_185 = tpu.vector_load %arg17[%swap3A] {strides = array<i32>} : memref<1024xi32, #tpu.memory_space<vmem>>, vector<16xi32>,
          %swap3A_186 = vector.shape_cast %swap3A_185 : vector<16xi32> to vector<16xi32>
          %swap3A_187 = vector.shape_cast %add3A_182 : vector<16xi32> to vector<16xi32>
          tpu.vector_store %arg17[%swap3A], %swap3A_187 {strides = array<i32>} : memref<1024xi32, #tpu.memory_space<vmem>>, vector<16xi32>,
        }
        %scan3A_110 = arith.constant 64 : i32
        %run_scoped3A_111 = arith.constant 6 : i32
        "tpu.region"() ({
          %run_scoped3A_175 = tpu.sem_alloc : memref<!tpu.dma_semaphore, #tpu.memory_space<semaphore_mem>>
          %dma_start3A = arith.constant 0 : i32
          %dma_start3A_176 = tpu.memref_slice %arg15[%run_scoped3A_111, %dma_start3A] : memref<16x1024xf32, #tpu.memory_space<vmem>> -> memref<1x1024xf32, #tpu.memory_space<vmem>>
          %dma_start3A_177 = tpu.memref_squeeze %dma_start3A_176 : memref<1x1024xf32, #tpu.memory_space<vmem>> -> memref<1024xf32, #tpu.memory_space<vmem>>
          %dma_start3A_178 = arith.constant 0 : i32
          %dma_start3A_179 = tpu.memref_slice %arg13[%dma_start3A_178] : memref<1605632xf32, #tpu.memory_space<vmem_shared>> -> memref<1605632xf32, #tpu.memory_space<vmem_shared>>
          tpu.enqueue_indirect_dma source(%dma_start3A_177 : memref<1024xf32, #tpu.memory_space<vmem>>) target(%dma_start3A_179 : memref<1605632xf32, #tpu.memory_space<vmem_shared>>) offsets(%arg17 : memref<1024xi32, #tpu.memory_space<vmem>>) semaphore(%run_scoped3A_175 : memref<!tpu.dma_semaphore, #tpu.memory_space<semaphore_mem>>) {add = true}
          %dma_wait3A = arith.constant 0 : i32
          %dma_wait3A_180 = tpu.memref_slice %arg15[%run_scoped3A_111, %dma_wait3A] : memref<16x1024xf32, #tpu.memory_space<vmem>> -> memref<1x1024xf32, #tpu.memory_space<vmem>>
          %dma_wait3A_181 = tpu.memref_squeeze %dma_wait3A_180 : memref<1x1024xf32, #tpu.memory_space<vmem>> -> memref<1024xf32, #tpu.memory_space<vmem>>
          %dma_wait3A_182 = arith.constant 0 : i32
          %dma_wait3A_183 = tpu.memref_slice %arg13[%dma_wait3A_182] : memref<1605632xf32, #tpu.memory_space<vmem_shared>> -> memref<1605632xf32, #tpu.memory_space<vmem_shared>>
          tpu.wait_indirect_dma semaphore(%run_scoped3A_175 : memref<!tpu.dma_semaphore, #tpu.memory_space<semaphore_mem>>) src(%dma_wait3A_181 : memref<1024xf32, #tpu.memory_space<vmem>>) dst(%dma_wait3A_183 : memref<1605632xf32, #tpu.memory_space<vmem_shared>>)
          tpu.yield
        }) : () -> ()
        %scan3A_112 = arith.constant 0 : i32
        %scan3A_113 = arith.constant 0 : i32
        %scan3A_114 = arith.constant 64 : i32
        %scan3A_115 = arith.addi %scan3A_113, %scan3A_114 : i32
        %scan3A_116 = arith.constant 1 : i32
        scf.for %scan3A_175 = %scan3A_113 to %scan3A_115 step %scan3A_116  : i32 {
          %mul3A_176 = arith.constant 16 : i32
          %mul3A_177 = arith.muli %scan3A_175, %mul3A_176 : i32
          %get3A = arith.index_cast %mul3A_177 : i32 to index
          %get3A_178 = tpu.vector_load %arg16[%get3A] {strides = array<i32>} : memref<1024xi32, #tpu.memory_space<vmem>>, vector<16xi32>,
          %get3A_179 = vector.shape_cast %get3A_178 : vector<16xi32> to vector<16xi32>
          %add3A_180 = arith.constant 702464 : i32
          %add3A_181 = vector.broadcast %add3A_180 : i32 to vector<16xi32>
          %add3A_182 = arith.addi %get3A_179, %add3A_181 : vector<16xi32>
          %mul3A_183 = arith.constant 16 : i32
          %mul3A_184 = arith.muli %scan3A_175, %mul3A_183 : i32
          %swap3A = arith.index_cast %mul3A_184 : i32 to index
          %swap3A_185 = tpu.vector_load %arg17[%swap3A] {strides = array<i32>} : memref<1024xi32, #tpu.memory_space<vmem>>, vector<16xi32>,
          %swap3A_186 = vector.shape_cast %swap3A_185 : vector<16xi32> to vector<16xi32>
          %swap3A_187 = vector.shape_cast %add3A_182 : vector<16xi32> to vector<16xi32>
          tpu.vector_store %arg17[%swap3A], %swap3A_187 {strides = array<i32>} : memref<1024xi32, #tpu.memory_space<vmem>>, vector<16xi32>,
        }
        %scan3A_117 = arith.constant 64 : i32
        %run_scoped3A_118 = arith.constant 7 : i32
        "tpu.region"() ({
          %run_scoped3A_175 = tpu.sem_alloc : memref<!tpu.dma_semaphore, #tpu.memory_space<semaphore_mem>>
          %dma_start3A = arith.constant 0 : i32
          %dma_start3A_176 = tpu.memref_slice %arg15[%run_scoped3A_118, %dma_start3A] : memref<16x1024xf32, #tpu.memory_space<vmem>> -> memref<1x1024xf32, #tpu.memory_space<vmem>>
          %dma_start3A_177 = tpu.memref_squeeze %dma_start3A_176 : memref<1x1024xf32, #tpu.memory_space<vmem>> -> memref<1024xf32, #tpu.memory_space<vmem>>
          %dma_start3A_178 = arith.constant 0 : i32
          %dma_start3A_179 = tpu.memref_slice %arg13[%dma_start3A_178] : memref<1605632xf32, #tpu.memory_space<vmem_shared>> -> memref<1605632xf32, #tpu.memory_space<vmem_shared>>
          tpu.enqueue_indirect_dma source(%dma_start3A_177 : memref<1024xf32, #tpu.memory_space<vmem>>) target(%dma_start3A_179 : memref<1605632xf32, #tpu.memory_space<vmem_shared>>) offsets(%arg17 : memref<1024xi32, #tpu.memory_space<vmem>>) semaphore(%run_scoped3A_175 : memref<!tpu.dma_semaphore, #tpu.memory_space<semaphore_mem>>) {add = true}
          %dma_wait3A = arith.constant 0 : i32
          %dma_wait3A_180 = tpu.memref_slice %arg15[%run_scoped3A_118, %dma_wait3A] : memref<16x1024xf32, #tpu.memory_space<vmem>> -> memref<1x1024xf32, #tpu.memory_space<vmem>>
          %dma_wait3A_181 = tpu.memref_squeeze %dma_wait3A_180 : memref<1x1024xf32, #tpu.memory_space<vmem>> -> memref<1024xf32, #tpu.memory_space<vmem>>
          %dma_wait3A_182 = arith.constant 0 : i32
          %dma_wait3A_183 = tpu.memref_slice %arg13[%dma_wait3A_182] : memref<1605632xf32, #tpu.memory_space<vmem_shared>> -> memref<1605632xf32, #tpu.memory_space<vmem_shared>>
          tpu.wait_indirect_dma semaphore(%run_scoped3A_175 : memref<!tpu.dma_semaphore, #tpu.memory_space<semaphore_mem>>) src(%dma_wait3A_181 : memref<1024xf32, #tpu.memory_space<vmem>>) dst(%dma_wait3A_183 : memref<1605632xf32, #tpu.memory_space<vmem_shared>>)
          tpu.yield
        }) : () -> ()
        %scan3A_119 = arith.constant 0 : i32
        %scan3A_120 = arith.constant 0 : i32
        %scan3A_121 = arith.constant 64 : i32
        %scan3A_122 = arith.addi %scan3A_120, %scan3A_121 : i32
        %scan3A_123 = arith.constant 1 : i32
        scf.for %scan3A_175 = %scan3A_120 to %scan3A_122 step %scan3A_123  : i32 {
          %mul3A_176 = arith.constant 16 : i32
          %mul3A_177 = arith.muli %scan3A_175, %mul3A_176 : i32
          %get3A = arith.index_cast %mul3A_177 : i32 to index
          %get3A_178 = tpu.vector_load %arg16[%get3A] {strides = array<i32>} : memref<1024xi32, #tpu.memory_space<vmem>>, vector<16xi32>,
          %get3A_179 = vector.shape_cast %get3A_178 : vector<16xi32> to vector<16xi32>
          %add3A_180 = arith.constant 802816 : i32
          %add3A_181 = vector.broadcast %add3A_180 : i32 to vector<16xi32>
          %add3A_182 = arith.addi %get3A_179, %add3A_181 : vector<16xi32>
          %mul3A_183 = arith.constant 16 : i32
          %mul3A_184 = arith.muli %scan3A_175, %mul3A_183 : i32
          %swap3A = arith.index_cast %mul3A_184 : i32 to index
          %swap3A_185 = tpu.vector_load %arg17[%swap3A] {strides = array<i32>} : memref<1024xi32, #tpu.memory_space<vmem>>, vector<16xi32>,
          %swap3A_186 = vector.shape_cast %swap3A_185 : vector<16xi32> to vector<16xi32>
          %swap3A_187 = vector.shape_cast %add3A_182 : vector<16xi32> to vector<16xi32>
          tpu.vector_store %arg17[%swap3A], %swap3A_187 {strides = array<i32>} : memref<1024xi32, #tpu.memory_space<vmem>>, vector<16xi32>,
        }
        %scan3A_124 = arith.constant 64 : i32
        %run_scoped3A_125 = arith.constant 8 : i32
        "tpu.region"() ({
          %run_scoped3A_175 = tpu.sem_alloc : memref<!tpu.dma_semaphore, #tpu.memory_space<semaphore_mem>>
          %dma_start3A = arith.constant 0 : i32
          %dma_start3A_176 = tpu.memref_slice %arg15[%run_scoped3A_125, %dma_start3A] : memref<16x1024xf32, #tpu.memory_space<vmem>> -> memref<1x1024xf32, #tpu.memory_space<vmem>>
          %dma_start3A_177 = tpu.memref_squeeze %dma_start3A_176 : memref<1x1024xf32, #tpu.memory_space<vmem>> -> memref<1024xf32, #tpu.memory_space<vmem>>
          %dma_start3A_178 = arith.constant 0 : i32
          %dma_start3A_179 = tpu.memref_slice %arg13[%dma_start3A_178] : memref<1605632xf32, #tpu.memory_space<vmem_shared>> -> memref<1605632xf32, #tpu.memory_space<vmem_shared>>
          tpu.enqueue_indirect_dma source(%dma_start3A_177 : memref<1024xf32, #tpu.memory_space<vmem>>) target(%dma_start3A_179 : memref<1605632xf32, #tpu.memory_space<vmem_shared>>) offsets(%arg17 : memref<1024xi32, #tpu.memory_space<vmem>>) semaphore(%run_scoped3A_175 : memref<!tpu.dma_semaphore, #tpu.memory_space<semaphore_mem>>) {add = true}
          %dma_wait3A = arith.constant 0 : i32
          %dma_wait3A_180 = tpu.memref_slice %arg15[%run_scoped3A_125, %dma_wait3A] : memref<16x1024xf32, #tpu.memory_space<vmem>> -> memref<1x1024xf32, #tpu.memory_space<vmem>>
          %dma_wait3A_181 = tpu.memref_squeeze %dma_wait3A_180 : memref<1x1024xf32, #tpu.memory_space<vmem>> -> memref<1024xf32, #tpu.memory_space<vmem>>
          %dma_wait3A_182 = arith.constant 0 : i32
          %dma_wait3A_183 = tpu.memref_slice %arg13[%dma_wait3A_182] : memref<1605632xf32, #tpu.memory_space<vmem_shared>> -> memref<1605632xf32, #tpu.memory_space<vmem_shared>>
          tpu.wait_indirect_dma semaphore(%run_scoped3A_175 : memref<!tpu.dma_semaphore, #tpu.memory_space<semaphore_mem>>) src(%dma_wait3A_181 : memref<1024xf32, #tpu.memory_space<vmem>>) dst(%dma_wait3A_183 : memref<1605632xf32, #tpu.memory_space<vmem_shared>>)
          tpu.yield
        }) : () -> ()
        %scan3A_126 = arith.constant 0 : i32
        %scan3A_127 = arith.constant 0 : i32
        %scan3A_128 = arith.constant 64 : i32
        %scan3A_129 = arith.addi %scan3A_127, %scan3A_128 : i32
        %scan3A_130 = arith.constant 1 : i32
        scf.for %scan3A_175 = %scan3A_127 to %scan3A_129 step %scan3A_130  : i32 {
          %mul3A_176 = arith.constant 16 : i32
          %mul3A_177 = arith.muli %scan3A_175, %mul3A_176 : i32
          %get3A = arith.index_cast %mul3A_177 : i32 to index
          %get3A_178 = tpu.vector_load %arg16[%get3A] {strides = array<i32>} : memref<1024xi32, #tpu.memory_space<vmem>>, vector<16xi32>,
          %get3A_179 = vector.shape_cast %get3A_178 : vector<16xi32> to vector<16xi32>
          %add3A_180 = arith.constant 903168 : i32
          %add3A_181 = vector.broadcast %add3A_180 : i32 to vector<16xi32>
          %add3A_182 = arith.addi %get3A_179, %add3A_181 : vector<16xi32>
          %mul3A_183 = arith.constant 16 : i32
          %mul3A_184 = arith.muli %scan3A_175, %mul3A_183 : i32
          %swap3A = arith.index_cast %mul3A_184 : i32 to index
          %swap3A_185 = tpu.vector_load %arg17[%swap3A] {strides = array<i32>} : memref<1024xi32, #tpu.memory_space<vmem>>, vector<16xi32>,
          %swap3A_186 = vector.shape_cast %swap3A_185 : vector<16xi32> to vector<16xi32>
          %swap3A_187 = vector.shape_cast %add3A_182 : vector<16xi32> to vector<16xi32>
          tpu.vector_store %arg17[%swap3A], %swap3A_187 {strides = array<i32>} : memref<1024xi32, #tpu.memory_space<vmem>>, vector<16xi32>,
        }
        %scan3A_131 = arith.constant 64 : i32
        %run_scoped3A_132 = arith.constant 9 : i32
        "tpu.region"() ({
          %run_scoped3A_175 = tpu.sem_alloc : memref<!tpu.dma_semaphore, #tpu.memory_space<semaphore_mem>>
          %dma_start3A = arith.constant 0 : i32
          %dma_start3A_176 = tpu.memref_slice %arg15[%run_scoped3A_132, %dma_start3A] : memref<16x1024xf32, #tpu.memory_space<vmem>> -> memref<1x1024xf32, #tpu.memory_space<vmem>>
          %dma_start3A_177 = tpu.memref_squeeze %dma_start3A_176 : memref<1x1024xf32, #tpu.memory_space<vmem>> -> memref<1024xf32, #tpu.memory_space<vmem>>
          %dma_start3A_178 = arith.constant 0 : i32
          %dma_start3A_179 = tpu.memref_slice %arg13[%dma_start3A_178] : memref<1605632xf32, #tpu.memory_space<vmem_shared>> -> memref<1605632xf32, #tpu.memory_space<vmem_shared>>
          tpu.enqueue_indirect_dma source(%dma_start3A_177 : memref<1024xf32, #tpu.memory_space<vmem>>) target(%dma_start3A_179 : memref<1605632xf32, #tpu.memory_space<vmem_shared>>) offsets(%arg17 : memref<1024xi32, #tpu.memory_space<vmem>>) semaphore(%run_scoped3A_175 : memref<!tpu.dma_semaphore, #tpu.memory_space<semaphore_mem>>) {add = true}
          %dma_wait3A = arith.constant 0 : i32
          %dma_wait3A_180 = tpu.memref_slice %arg15[%run_scoped3A_132, %dma_wait3A] : memref<16x1024xf32, #tpu.memory_space<vmem>> -> memref<1x1024xf32, #tpu.memory_space<vmem>>
          %dma_wait3A_181 = tpu.memref_squeeze %dma_wait3A_180 : memref<1x1024xf32, #tpu.memory_space<vmem>> -> memref<1024xf32, #tpu.memory_space<vmem>>
          %dma_wait3A_182 = arith.constant 0 : i32
          %dma_wait3A_183 = tpu.memref_slice %arg13[%dma_wait3A_182] : memref<1605632xf32, #tpu.memory_space<vmem_shared>> -> memref<1605632xf32, #tpu.memory_space<vmem_shared>>
          tpu.wait_indirect_dma semaphore(%run_scoped3A_175 : memref<!tpu.dma_semaphore, #tpu.memory_space<semaphore_mem>>) src(%dma_wait3A_181 : memref<1024xf32, #tpu.memory_space<vmem>>) dst(%dma_wait3A_183 : memref<1605632xf32, #tpu.memory_space<vmem_shared>>)
          tpu.yield
        }) : () -> ()
        %scan3A_133 = arith.constant 0 : i32
        %scan3A_134 = arith.constant 0 : i32
        %scan3A_135 = arith.constant 64 : i32
        %scan3A_136 = arith.addi %scan3A_134, %scan3A_135 : i32
        %scan3A_137 = arith.constant 1 : i32
        scf.for %scan3A_175 = %scan3A_134 to %scan3A_136 step %scan3A_137  : i32 {
          %mul3A_176 = arith.constant 16 : i32
          %mul3A_177 = arith.muli %scan3A_175, %mul3A_176 : i32
          %get3A = arith.index_cast %mul3A_177 : i32 to index
          %get3A_178 = tpu.vector_load %arg16[%get3A] {strides = array<i32>} : memref<1024xi32, #tpu.memory_space<vmem>>, vector<16xi32>,
          %get3A_179 = vector.shape_cast %get3A_178 : vector<16xi32> to vector<16xi32>
          %add3A_180 = arith.constant 1003520 : i32
          %add3A_181 = vector.broadcast %add3A_180 : i32 to vector<16xi32>
          %add3A_182 = arith.addi %get3A_179, %add3A_181 : vector<16xi32>
          %mul3A_183 = arith.constant 16 : i32
          %mul3A_184 = arith.muli %scan3A_175, %mul3A_183 : i32
          %swap3A = arith.index_cast %mul3A_184 : i32 to index
          %swap3A_185 = tpu.vector_load %arg17[%swap3A] {strides = array<i32>} : memref<1024xi32, #tpu.memory_space<vmem>>, vector<16xi32>,
          %swap3A_186 = vector.shape_cast %swap3A_185 : vector<16xi32> to vector<16xi32>
          %swap3A_187 = vector.shape_cast %add3A_182 : vector<16xi32> to vector<16xi32>
          tpu.vector_store %arg17[%swap3A], %swap3A_187 {strides = array<i32>} : memref<1024xi32, #tpu.memory_space<vmem>>, vector<16xi32>,
        }
        %scan3A_138 = arith.constant 64 : i32
        %run_scoped3A_139 = arith.constant 10 : i32
        "tpu.region"() ({
          %run_scoped3A_175 = tpu.sem_alloc : memref<!tpu.dma_semaphore, #tpu.memory_space<semaphore_mem>>
          %dma_start3A = arith.constant 0 : i32
          %dma_start3A_176 = tpu.memref_slice %arg15[%run_scoped3A_139, %dma_start3A] : memref<16x1024xf32, #tpu.memory_space<vmem>> -> memref<1x1024xf32, #tpu.memory_space<vmem>>
          %dma_start3A_177 = tpu.memref_squeeze %dma_start3A_176 : memref<1x1024xf32, #tpu.memory_space<vmem>> -> memref<1024xf32, #tpu.memory_space<vmem>>
          %dma_start3A_178 = arith.constant 0 : i32
          %dma_start3A_179 = tpu.memref_slice %arg13[%dma_start3A_178] : memref<1605632xf32, #tpu.memory_space<vmem_shared>> -> memref<1605632xf32, #tpu.memory_space<vmem_shared>>
          tpu.enqueue_indirect_dma source(%dma_start3A_177 : memref<1024xf32, #tpu.memory_space<vmem>>) target(%dma_start3A_179 : memref<1605632xf32, #tpu.memory_space<vmem_shared>>) offsets(%arg17 : memref<1024xi32, #tpu.memory_space<vmem>>) semaphore(%run_scoped3A_175 : memref<!tpu.dma_semaphore, #tpu.memory_space<semaphore_mem>>) {add = true}
          %dma_wait3A = arith.constant 0 : i32
          %dma_wait3A_180 = tpu.memref_slice %arg15[%run_scoped3A_139, %dma_wait3A] : memref<16x1024xf32, #tpu.memory_space<vmem>> -> memref<1x1024xf32, #tpu.memory_space<vmem>>
          %dma_wait3A_181 = tpu.memref_squeeze %dma_wait3A_180 : memref<1x1024xf32, #tpu.memory_space<vmem>> -> memref<1024xf32, #tpu.memory_space<vmem>>
          %dma_wait3A_182 = arith.constant 0 : i32
          %dma_wait3A_183 = tpu.memref_slice %arg13[%dma_wait3A_182] : memref<1605632xf32, #tpu.memory_space<vmem_shared>> -> memref<1605632xf32, #tpu.memory_space<vmem_shared>>
          tpu.wait_indirect_dma semaphore(%run_scoped3A_175 : memref<!tpu.dma_semaphore, #tpu.memory_space<semaphore_mem>>) src(%dma_wait3A_181 : memref<1024xf32, #tpu.memory_space<vmem>>) dst(%dma_wait3A_183 : memref<1605632xf32, #tpu.memory_space<vmem_shared>>)
          tpu.yield
        }) : () -> ()
        %scan3A_140 = arith.constant 0 : i32
        %scan3A_141 = arith.constant 0 : i32
        %scan3A_142 = arith.constant 64 : i32
        %scan3A_143 = arith.addi %scan3A_141, %scan3A_142 : i32
        %scan3A_144 = arith.constant 1 : i32
        scf.for %scan3A_175 = %scan3A_141 to %scan3A_143 step %scan3A_144  : i32 {
          %mul3A_176 = arith.constant 16 : i32
          %mul3A_177 = arith.muli %scan3A_175, %mul3A_176 : i32
          %get3A = arith.index_cast %mul3A_177 : i32 to index
          %get3A_178 = tpu.vector_load %arg16[%get3A] {strides = array<i32>} : memref<1024xi32, #tpu.memory_space<vmem>>, vector<16xi32>,
          %get3A_179 = vector.shape_cast %get3A_178 : vector<16xi32> to vector<16xi32>
          %add3A_180 = arith.constant 1103872 : i32
          %add3A_181 = vector.broadcast %add3A_180 : i32 to vector<16xi32>
          %add3A_182 = arith.addi %get3A_179, %add3A_181 : vector<16xi32>
          %mul3A_183 = arith.constant 16 : i32
          %mul3A_184 = arith.muli %scan3A_175, %mul3A_183 : i32
          %swap3A = arith.index_cast %mul3A_184 : i32 to index
          %swap3A_185 = tpu.vector_load %arg17[%swap3A] {strides = array<i32>} : memref<1024xi32, #tpu.memory_space<vmem>>, vector<16xi32>,
          %swap3A_186 = vector.shape_cast %swap3A_185 : vector<16xi32> to vector<16xi32>
          %swap3A_187 = vector.shape_cast %add3A_182 : vector<16xi32> to vector<16xi32>
          tpu.vector_store %arg17[%swap3A], %swap3A_187 {strides = array<i32>} : memref<1024xi32, #tpu.memory_space<vmem>>, vector<16xi32>,
        }
        %scan3A_145 = arith.constant 64 : i32
        %run_scoped3A_146 = arith.constant 11 : i32
        "tpu.region"() ({
          %run_scoped3A_175 = tpu.sem_alloc : memref<!tpu.dma_semaphore, #tpu.memory_space<semaphore_mem>>
          %dma_start3A = arith.constant 0 : i32
          %dma_start3A_176 = tpu.memref_slice %arg15[%run_scoped3A_146, %dma_start3A] : memref<16x1024xf32, #tpu.memory_space<vmem>> -> memref<1x1024xf32, #tpu.memory_space<vmem>>
          %dma_start3A_177 = tpu.memref_squeeze %dma_start3A_176 : memref<1x1024xf32, #tpu.memory_space<vmem>> -> memref<1024xf32, #tpu.memory_space<vmem>>
          %dma_start3A_178 = arith.constant 0 : i32
          %dma_start3A_179 = tpu.memref_slice %arg13[%dma_start3A_178] : memref<1605632xf32, #tpu.memory_space<vmem_shared>> -> memref<1605632xf32, #tpu.memory_space<vmem_shared>>
          tpu.enqueue_indirect_dma source(%dma_start3A_177 : memref<1024xf32, #tpu.memory_space<vmem>>) target(%dma_start3A_179 : memref<1605632xf32, #tpu.memory_space<vmem_shared>>) offsets(%arg17 : memref<1024xi32, #tpu.memory_space<vmem>>) semaphore(%run_scoped3A_175 : memref<!tpu.dma_semaphore, #tpu.memory_space<semaphore_mem>>) {add = true}
          %dma_wait3A = arith.constant 0 : i32
          %dma_wait3A_180 = tpu.memref_slice %arg15[%run_scoped3A_146, %dma_wait3A] : memref<16x1024xf32, #tpu.memory_space<vmem>> -> memref<1x1024xf32, #tpu.memory_space<vmem>>
          %dma_wait3A_181 = tpu.memref_squeeze %dma_wait3A_180 : memref<1x1024xf32, #tpu.memory_space<vmem>> -> memref<1024xf32, #tpu.memory_space<vmem>>
          %dma_wait3A_182 = arith.constant 0 : i32
          %dma_wait3A_183 = tpu.memref_slice %arg13[%dma_wait3A_182] : memref<1605632xf32, #tpu.memory_space<vmem_shared>> -> memref<1605632xf32, #tpu.memory_space<vmem_shared>>
          tpu.wait_indirect_dma semaphore(%run_scoped3A_175 : memref<!tpu.dma_semaphore, #tpu.memory_space<semaphore_mem>>) src(%dma_wait3A_181 : memref<1024xf32, #tpu.memory_space<vmem>>) dst(%dma_wait3A_183 : memref<1605632xf32, #tpu.memory_space<vmem_shared>>)
          tpu.yield
        }) : () -> ()
        %scan3A_147 = arith.constant 0 : i32
        %scan3A_148 = arith.constant 0 : i32
        %scan3A_149 = arith.constant 64 : i32
        %scan3A_150 = arith.addi %scan3A_148, %scan3A_149 : i32
        %scan3A_151 = arith.constant 1 : i32
        scf.for %scan3A_175 = %scan3A_148 to %scan3A_150 step %scan3A_151  : i32 {
          %mul3A_176 = arith.constant 16 : i32
          %mul3A_177 = arith.muli %scan3A_175, %mul3A_176 : i32
          %get3A = arith.index_cast %mul3A_177 : i32 to index
          %get3A_178 = tpu.vector_load %arg16[%get3A] {strides = array<i32>} : memref<1024xi32, #tpu.memory_space<vmem>>, vector<16xi32>,
          %get3A_179 = vector.shape_cast %get3A_178 : vector<16xi32> to vector<16xi32>
          %add3A_180 = arith.constant 1204224 : i32
          %add3A_181 = vector.broadcast %add3A_180 : i32 to vector<16xi32>
          %add3A_182 = arith.addi %get3A_179, %add3A_181 : vector<16xi32>
          %mul3A_183 = arith.constant 16 : i32
          %mul3A_184 = arith.muli %scan3A_175, %mul3A_183 : i32
          %swap3A = arith.index_cast %mul3A_184 : i32 to index
          %swap3A_185 = tpu.vector_load %arg17[%swap3A] {strides = array<i32>} : memref<1024xi32, #tpu.memory_space<vmem>>, vector<16xi32>,
          %swap3A_186 = vector.shape_cast %swap3A_185 : vector<16xi32> to vector<16xi32>
          %swap3A_187 = vector.shape_cast %add3A_182 : vector<16xi32> to vector<16xi32>
          tpu.vector_store %arg17[%swap3A], %swap3A_187 {strides = array<i32>} : memref<1024xi32, #tpu.memory_space<vmem>>, vector<16xi32>,
        }
        %scan3A_152 = arith.constant 64 : i32
        %run_scoped3A_153 = arith.constant 12 : i32
        "tpu.region"() ({
          %run_scoped3A_175 = tpu.sem_alloc : memref<!tpu.dma_semaphore, #tpu.memory_space<semaphore_mem>>
          %dma_start3A = arith.constant 0 : i32
          %dma_start3A_176 = tpu.memref_slice %arg15[%run_scoped3A_153, %dma_start3A] : memref<16x1024xf32, #tpu.memory_space<vmem>> -> memref<1x1024xf32, #tpu.memory_space<vmem>>
          %dma_start3A_177 = tpu.memref_squeeze %dma_start3A_176 : memref<1x1024xf32, #tpu.memory_space<vmem>> -> memref<1024xf32, #tpu.memory_space<vmem>>
          %dma_start3A_178 = arith.constant 0 : i32
          %dma_start3A_179 = tpu.memref_slice %arg13[%dma_start3A_178] : memref<1605632xf32, #tpu.memory_space<vmem_shared>> -> memref<1605632xf32, #tpu.memory_space<vmem_shared>>
          tpu.enqueue_indirect_dma source(%dma_start3A_177 : memref<1024xf32, #tpu.memory_space<vmem>>) target(%dma_start3A_179 : memref<1605632xf32, #tpu.memory_space<vmem_shared>>) offsets(%arg17 : memref<1024xi32, #tpu.memory_space<vmem>>) semaphore(%run_scoped3A_175 : memref<!tpu.dma_semaphore, #tpu.memory_space<semaphore_mem>>) {add = true}
          %dma_wait3A = arith.constant 0 : i32
          %dma_wait3A_180 = tpu.memref_slice %arg15[%run_scoped3A_153, %dma_wait3A] : memref<16x1024xf32, #tpu.memory_space<vmem>> -> memref<1x1024xf32, #tpu.memory_space<vmem>>
          %dma_wait3A_181 = tpu.memref_squeeze %dma_wait3A_180 : memref<1x1024xf32, #tpu.memory_space<vmem>> -> memref<1024xf32, #tpu.memory_space<vmem>>
          %dma_wait3A_182 = arith.constant 0 : i32
          %dma_wait3A_183 = tpu.memref_slice %arg13[%dma_wait3A_182] : memref<1605632xf32, #tpu.memory_space<vmem_shared>> -> memref<1605632xf32, #tpu.memory_space<vmem_shared>>
          tpu.wait_indirect_dma semaphore(%run_scoped3A_175 : memref<!tpu.dma_semaphore, #tpu.memory_space<semaphore_mem>>) src(%dma_wait3A_181 : memref<1024xf32, #tpu.memory_space<vmem>>) dst(%dma_wait3A_183 : memref<1605632xf32, #tpu.memory_space<vmem_shared>>)
          tpu.yield
        }) : () -> ()
        %scan3A_154 = arith.constant 0 : i32
        %scan3A_155 = arith.constant 0 : i32
        %scan3A_156 = arith.constant 64 : i32
        %scan3A_157 = arith.addi %scan3A_155, %scan3A_156 : i32
        %scan3A_158 = arith.constant 1 : i32
        scf.for %scan3A_175 = %scan3A_155 to %scan3A_157 step %scan3A_158  : i32 {
          %mul3A_176 = arith.constant 16 : i32
          %mul3A_177 = arith.muli %scan3A_175, %mul3A_176 : i32
          %get3A = arith.index_cast %mul3A_177 : i32 to index
          %get3A_178 = tpu.vector_load %arg16[%get3A] {strides = array<i32>} : memref<1024xi32, #tpu.memory_space<vmem>>, vector<16xi32>,
          %get3A_179 = vector.shape_cast %get3A_178 : vector<16xi32> to vector<16xi32>
          %add3A_180 = arith.constant 1304576 : i32
          %add3A_181 = vector.broadcast %add3A_180 : i32 to vector<16xi32>
          %add3A_182 = arith.addi %get3A_179, %add3A_181 : vector<16xi32>
          %mul3A_183 = arith.constant 16 : i32
          %mul3A_184 = arith.muli %scan3A_175, %mul3A_183 : i32
          %swap3A = arith.index_cast %mul3A_184 : i32 to index
          %swap3A_185 = tpu.vector_load %arg17[%swap3A] {strides = array<i32>} : memref<1024xi32, #tpu.memory_space<vmem>>, vector<16xi32>,
          %swap3A_186 = vector.shape_cast %swap3A_185 : vector<16xi32> to vector<16xi32>
          %swap3A_187 = vector.shape_cast %add3A_182 : vector<16xi32> to vector<16xi32>
          tpu.vector_store %arg17[%swap3A], %swap3A_187 {strides = array<i32>} : memref<1024xi32, #tpu.memory_space<vmem>>, vector<16xi32>,
        }
        %scan3A_159 = arith.constant 64 : i32
        %run_scoped3A_160 = arith.constant 13 : i32
        "tpu.region"() ({
          %run_scoped3A_175 = tpu.sem_alloc : memref<!tpu.dma_semaphore, #tpu.memory_space<semaphore_mem>>
          %dma_start3A = arith.constant 0 : i32
          %dma_start3A_176 = tpu.memref_slice %arg15[%run_scoped3A_160, %dma_start3A] : memref<16x1024xf32, #tpu.memory_space<vmem>> -> memref<1x1024xf32, #tpu.memory_space<vmem>>
          %dma_start3A_177 = tpu.memref_squeeze %dma_start3A_176 : memref<1x1024xf32, #tpu.memory_space<vmem>> -> memref<1024xf32, #tpu.memory_space<vmem>>
          %dma_start3A_178 = arith.constant 0 : i32
          %dma_start3A_179 = tpu.memref_slice %arg13[%dma_start3A_178] : memref<1605632xf32, #tpu.memory_space<vmem_shared>> -> memref<1605632xf32, #tpu.memory_space<vmem_shared>>
          tpu.enqueue_indirect_dma source(%dma_start3A_177 : memref<1024xf32, #tpu.memory_space<vmem>>) target(%dma_start3A_179 : memref<1605632xf32, #tpu.memory_space<vmem_shared>>) offsets(%arg17 : memref<1024xi32, #tpu.memory_space<vmem>>) semaphore(%run_scoped3A_175 : memref<!tpu.dma_semaphore, #tpu.memory_space<semaphore_mem>>) {add = true}
          %dma_wait3A = arith.constant 0 : i32
          %dma_wait3A_180 = tpu.memref_slice %arg15[%run_scoped3A_160, %dma_wait3A] : memref<16x1024xf32, #tpu.memory_space<vmem>> -> memref<1x1024xf32, #tpu.memory_space<vmem>>
          %dma_wait3A_181 = tpu.memref_squeeze %dma_wait3A_180 : memref<1x1024xf32, #tpu.memory_space<vmem>> -> memref<1024xf32, #tpu.memory_space<vmem>>
          %dma_wait3A_182 = arith.constant 0 : i32
          %dma_wait3A_183 = tpu.memref_slice %arg13[%dma_wait3A_182] : memref<1605632xf32, #tpu.memory_space<vmem_shared>> -> memref<1605632xf32, #tpu.memory_space<vmem_shared>>
          tpu.wait_indirect_dma semaphore(%run_scoped3A_175 : memref<!tpu.dma_semaphore, #tpu.memory_space<semaphore_mem>>) src(%dma_wait3A_181 : memref<1024xf32, #tpu.memory_space<vmem>>) dst(%dma_wait3A_183 : memref<1605632xf32, #tpu.memory_space<vmem_shared>>)
          tpu.yield
        }) : () -> ()
        %scan3A_161 = arith.constant 0 : i32
        %scan3A_162 = arith.constant 0 : i32
        %scan3A_163 = arith.constant 64 : i32
        %scan3A_164 = arith.addi %scan3A_162, %scan3A_163 : i32
        %scan3A_165 = arith.constant 1 : i32
        scf.for %scan3A_175 = %scan3A_162 to %scan3A_164 step %scan3A_165  : i32 {
          %mul3A_176 = arith.constant 16 : i32
          %mul3A_177 = arith.muli %scan3A_175, %mul3A_176 : i32
          %get3A = arith.index_cast %mul3A_177 : i32 to index
          %get3A_178 = tpu.vector_load %arg16[%get3A] {strides = array<i32>} : memref<1024xi32, #tpu.memory_space<vmem>>, vector<16xi32>,
          %get3A_179 = vector.shape_cast %get3A_178 : vector<16xi32> to vector<16xi32>
          %add3A_180 = arith.constant 1404928 : i32
          %add3A_181 = vector.broadcast %add3A_180 : i32 to vector<16xi32>
          %add3A_182 = arith.addi %get3A_179, %add3A_181 : vector<16xi32>
          %mul3A_183 = arith.constant 16 : i32
          %mul3A_184 = arith.muli %scan3A_175, %mul3A_183 : i32
          %swap3A = arith.index_cast %mul3A_184 : i32 to index
          %swap3A_185 = tpu.vector_load %arg17[%swap3A] {strides = array<i32>} : memref<1024xi32, #tpu.memory_space<vmem>>, vector<16xi32>,
          %swap3A_186 = vector.shape_cast %swap3A_185 : vector<16xi32> to vector<16xi32>
          %swap3A_187 = vector.shape_cast %add3A_182 : vector<16xi32> to vector<16xi32>
          tpu.vector_store %arg17[%swap3A], %swap3A_187 {strides = array<i32>} : memref<1024xi32, #tpu.memory_space<vmem>>, vector<16xi32>,
        }
        %scan3A_166 = arith.constant 64 : i32
        %run_scoped3A_167 = arith.constant 14 : i32
        "tpu.region"() ({
          %run_scoped3A_175 = tpu.sem_alloc : memref<!tpu.dma_semaphore, #tpu.memory_space<semaphore_mem>>
          %dma_start3A = arith.constant 0 : i32
          %dma_start3A_176 = tpu.memref_slice %arg15[%run_scoped3A_167, %dma_start3A] : memref<16x1024xf32, #tpu.memory_space<vmem>> -> memref<1x1024xf32, #tpu.memory_space<vmem>>
          %dma_start3A_177 = tpu.memref_squeeze %dma_start3A_176 : memref<1x1024xf32, #tpu.memory_space<vmem>> -> memref<1024xf32, #tpu.memory_space<vmem>>
          %dma_start3A_178 = arith.constant 0 : i32
          %dma_start3A_179 = tpu.memref_slice %arg13[%dma_start3A_178] : memref<1605632xf32, #tpu.memory_space<vmem_shared>> -> memref<1605632xf32, #tpu.memory_space<vmem_shared>>
          tpu.enqueue_indirect_dma source(%dma_start3A_177 : memref<1024xf32, #tpu.memory_space<vmem>>) target(%dma_start3A_179 : memref<1605632xf32, #tpu.memory_space<vmem_shared>>) offsets(%arg17 : memref<1024xi32, #tpu.memory_space<vmem>>) semaphore(%run_scoped3A_175 : memref<!tpu.dma_semaphore, #tpu.memory_space<semaphore_mem>>) {add = true}
          %dma_wait3A = arith.constant 0 : i32
          %dma_wait3A_180 = tpu.memref_slice %arg15[%run_scoped3A_167, %dma_wait3A] : memref<16x1024xf32, #tpu.memory_space<vmem>> -> memref<1x1024xf32, #tpu.memory_space<vmem>>
          %dma_wait3A_181 = tpu.memref_squeeze %dma_wait3A_180 : memref<1x1024xf32, #tpu.memory_space<vmem>> -> memref<1024xf32, #tpu.memory_space<vmem>>
          %dma_wait3A_182 = arith.constant 0 : i32
          %dma_wait3A_183 = tpu.memref_slice %arg13[%dma_wait3A_182] : memref<1605632xf32, #tpu.memory_space<vmem_shared>> -> memref<1605632xf32, #tpu.memory_space<vmem_shared>>
          tpu.wait_indirect_dma semaphore(%run_scoped3A_175 : memref<!tpu.dma_semaphore, #tpu.memory_space<semaphore_mem>>) src(%dma_wait3A_181 : memref<1024xf32, #tpu.memory_space<vmem>>) dst(%dma_wait3A_183 : memref<1605632xf32, #tpu.memory_space<vmem_shared>>)
          tpu.yield
        }) : () -> ()
        %scan3A_168 = arith.constant 0 : i32
        %scan3A_169 = arith.constant 0 : i32
        %scan3A_170 = arith.constant 64 : i32
        %scan3A_171 = arith.addi %scan3A_169, %scan3A_170 : i32
        %scan3A_172 = arith.constant 1 : i32
        scf.for %scan3A_175 = %scan3A_169 to %scan3A_171 step %scan3A_172  : i32 {
          %mul3A_176 = arith.constant 16 : i32
          %mul3A_177 = arith.muli %scan3A_175, %mul3A_176 : i32
          %get3A = arith.index_cast %mul3A_177 : i32 to index
          %get3A_178 = tpu.vector_load %arg16[%get3A] {strides = array<i32>} : memref<1024xi32, #tpu.memory_space<vmem>>, vector<16xi32>,
          %get3A_179 = vector.shape_cast %get3A_178 : vector<16xi32> to vector<16xi32>
          %add3A_180 = arith.constant 1505280 : i32
          %add3A_181 = vector.broadcast %add3A_180 : i32 to vector<16xi32>
          %add3A_182 = arith.addi %get3A_179, %add3A_181 : vector<16xi32>
          %mul3A_183 = arith.constant 16 : i32
          %mul3A_184 = arith.muli %scan3A_175, %mul3A_183 : i32
          %swap3A = arith.index_cast %mul3A_184 : i32 to index
          %swap3A_185 = tpu.vector_load %arg17[%swap3A] {strides = array<i32>} : memref<1024xi32, #tpu.memory_space<vmem>>, vector<16xi32>,
          %swap3A_186 = vector.shape_cast %swap3A_185 : vector<16xi32> to vector<16xi32>
          %swap3A_187 = vector.shape_cast %add3A_182 : vector<16xi32> to vector<16xi32>
          tpu.vector_store %arg17[%swap3A], %swap3A_187 {strides = array<i32>} : memref<1024xi32, #tpu.memory_space<vmem>>, vector<16xi32>,
        }
        %scan3A_173 = arith.constant 64 : i32
        %run_scoped3A_174 = arith.constant 15 : i32
        "tpu.region"() ({
          %run_scoped3A_175 = tpu.sem_alloc : memref<!tpu.dma_semaphore, #tpu.memory_space<semaphore_mem>>
          %dma_start3A = arith.constant 0 : i32
          %dma_start3A_176 = tpu.memref_slice %arg15[%run_scoped3A_174, %dma_start3A] : memref<16x1024xf32, #tpu.memory_space<vmem>> -> memref<1x1024xf32, #tpu.memory_space<vmem>>
          %dma_start3A_177 = tpu.memref_squeeze %dma_start3A_176 : memref<1x1024xf32, #tpu.memory_space<vmem>> -> memref<1024xf32, #tpu.memory_space<vmem>>
          %dma_start3A_178 = arith.constant 0 : i32
          %dma_start3A_179 = tpu.memref_slice %arg13[%dma_start3A_178] : memref<1605632xf32, #tpu.memory_space<vmem_shared>> -> memref<1605632xf32, #tpu.memory_space<vmem_shared>>
          tpu.enqueue_indirect_dma source(%dma_start3A_177 : memref<1024xf32, #tpu.memory_space<vmem>>) target(%dma_start3A_179 : memref<1605632xf32, #tpu.memory_space<vmem_shared>>) offsets(%arg17 : memref<1024xi32, #tpu.memory_space<vmem>>) semaphore(%run_scoped3A_175 : memref<!tpu.dma_semaphore, #tpu.memory_space<semaphore_mem>>) {add = true}
          %dma_wait3A = arith.constant 0 : i32
          %dma_wait3A_180 = tpu.memref_slice %arg15[%run_scoped3A_174, %dma_wait3A] : memref<16x1024xf32, #tpu.memory_space<vmem>> -> memref<1x1024xf32, #tpu.memory_space<vmem>>
          %dma_wait3A_181 = tpu.memref_squeeze %dma_wait3A_180 : memref<1x1024xf32, #tpu.memory_space<vmem>> -> memref<1024xf32, #tpu.memory_space<vmem>>
          %dma_wait3A_182 = arith.constant 0 : i32
          %dma_wait3A_183 = tpu.memref_slice %arg13[%dma_wait3A_182] : memref<1605632xf32, #tpu.memory_space<vmem_shared>> -> memref<1605632xf32, #tpu.memory_space<vmem_shared>>
          tpu.wait_indirect_dma semaphore(%run_scoped3A_175 : memref<!tpu.dma_semaphore, #tpu.memory_space<semaphore_mem>>) src(%dma_wait3A_181 : memref<1024xf32, #tpu.memory_space<vmem>>) dst(%dma_wait3A_183 : memref<1605632xf32, #tpu.memory_space<vmem_shared>>)
          tpu.yield
        }) : () -> ()
      }
      %scan3A_52 = arith.constant 100 : i32
      %barrier3A_53 = arith.constant 0 : index
      tpu.barrier barrier_id(%barrier3A_53)
      %mul3A_54 = arith.constant 100352 : i32
      %mul3A_55 = arith.muli %arg1, %mul3A_54 : i32
      %mul3A_56 = arith.constant 100352 : i32
      %mul3A_57 = arith.muli %arg1, %mul3A_56 : i32
      "tpu.region"() ({
        %run_scoped3A = tpu.sem_alloc : memref<!tpu.dma_semaphore, #tpu.memory_space<semaphore_mem>>
        %dma_start3A = tpu.memref_slice %arg9[%mul3A_57] : memref<1605632xf32, #tpu.memory_space<hbm>> -> memref<100352xf32, #tpu.memory_space<hbm>>
        %dma_start3A_59 = tpu.memref_slice %arg13[%mul3A_55] : memref<1605632xf32, #tpu.memory_space<vmem_shared>> -> memref<100352xf32, #tpu.memory_space<vmem_shared>>
        tpu.enqueue_dma source(%dma_start3A_59 : memref<100352xf32, #tpu.memory_space<vmem_shared>>) target(%dma_start3A : memref<100352xf32, #tpu.memory_space<hbm>>) target_semaphore(%run_scoped3A : memref<!tpu.dma_semaphore, #tpu.memory_space<semaphore_mem>>)
        %dma_wait3A = tpu.memref_slice %arg9[%mul3A_57] : memref<1605632xf32, #tpu.memory_space<hbm>> -> memref<100352xf32, #tpu.memory_space<hbm>>
        %dma_wait3A_60 = tpu.memref_slice %arg13[%mul3A_55] : memref<1605632xf32, #tpu.memory_space<vmem_shared>> -> memref<100352xf32, #tpu.memory_space<vmem_shared>>
        tpu.wait_dma2 semaphore(%run_scoped3A : memref<!tpu.dma_semaphore, #tpu.memory_space<semaphore_mem>>) src(%dma_wait3A_60 : memref<100352xf32, #tpu.memory_space<vmem_shared>>) dst(%dma_wait3A : memref<100352xf32, #tpu.memory_space<hbm>>)
        tpu.yield
      }) : () -> ()
      %barrier3A_58 = arith.constant 0 : index
      tpu.barrier barrier_id(%barrier3A_58)
    } else {
    }
    %eq3A_8 = arith.constant 1 : i32
    %eq3A_9 = arith.cmpi eq, %arg0, %eq3A_8 : i32
    %convert_element_type3A_10 = arith.extui %eq3A_9 : i1 to i32
    %cond3A_11 = arith.constant 0 : i32
    %cond3A_12 = arith.cmpi ne, %convert_element_type3A_10, %cond3A_11 : i32
    scf.if %cond3A_12 {
      %scan3A_13 = arith.constant 0 : i32
      %scan3A_14 = arith.constant 0 : i32
      %scan3A_15 = arith.constant 64 : i32
      %scan3A_16 = arith.addi %scan3A_14, %scan3A_15 : i32
      %scan3A_17 = arith.constant 1 : i32
      scf.for %scan3A_49 = %scan3A_14 to %scan3A_16 step %scan3A_17  : i32 {
        %mul3A_50 = arith.constant 100352 : i32
        %mul3A_51 = arith.muli %arg1, %mul3A_50 : i32
        %mul3A_52 = arith.constant 1568 : i32
        %mul3A_53 = arith.muli %scan3A_49, %mul3A_52 : i32
        %add3A = arith.addi %mul3A_51, %mul3A_53 : i32
        "tpu.region"() ({
          %run_scoped3A = tpu.sem_alloc : memref<!tpu.dma_semaphore, #tpu.memory_space<semaphore_mem>>
          %dma_start3A = tpu.memref_slice %arg13[%add3A] : memref<1605632xf32, #tpu.memory_space<vmem_shared>> -> memref<1568xf32, #tpu.memory_space<vmem_shared>>
          %dma_start3A_54 = tpu.memref_slice %arg13[%add3A] : memref<1605632xf32, #tpu.memory_space<vmem_shared>> -> memref<1568xf32, #tpu.memory_space<vmem_shared>>
          tpu.enqueue_dma source(%arg19 : memref<1568xf32, #tpu.memory_space<vmem>>) target(%dma_start3A_54 : memref<1568xf32, #tpu.memory_space<vmem_shared>>) target_semaphore(%run_scoped3A : memref<!tpu.dma_semaphore, #tpu.memory_space<semaphore_mem>>)
          %dma_wait3A = tpu.memref_slice %arg13[%add3A] : memref<1605632xf32, #tpu.memory_space<vmem_shared>> -> memref<1568xf32, #tpu.memory_space<vmem_shared>>
          %dma_wait3A_55 = tpu.memref_slice %arg13[%add3A] : memref<1605632xf32, #tpu.memory_space<vmem_shared>> -> memref<1568xf32, #tpu.memory_space<vmem_shared>>
          tpu.wait_dma2 semaphore(%run_scoped3A : memref<!tpu.dma_semaphore, #tpu.memory_space<semaphore_mem>>) src(%arg19 : memref<1568xf32, #tpu.memory_space<vmem>>) dst(%dma_wait3A_55 : memref<1568xf32, #tpu.memory_space<vmem_shared>>)
          tpu.yield
        }) : () -> ()
      }
      %scan3A_18 = arith.constant 64 : i32
      %barrier3A = arith.constant 0 : index
      tpu.barrier barrier_id(%barrier3A)
      %scan3A_19 = arith.constant 0 : i32
      %scan3A_20 = arith.constant 0 : i32
      %scan3A_21 = arith.constant 100 : i32
      %scan3A_22 = arith.addi %scan3A_20, %scan3A_21 : i32
      %scan3A_23 = arith.constant 1 : i32
      scf.for %scan3A_49 = %scan3A_20 to %scan3A_22 step %scan3A_23  : i32 {
        %mul3A_50 = arith.constant 102400 : i32
        %mul3A_51 = arith.muli %arg1, %mul3A_50 : i32
        %mul3A_52 = arith.constant 1024 : i32
        %mul3A_53 = arith.muli %scan3A_49, %mul3A_52 : i32
        %add3A = arith.addi %mul3A_51, %mul3A_53 : i32
        "tpu.region"() ({
          %run_scoped3A_165 = tpu.sem_alloc : memref<!tpu.dma_semaphore, #tpu.memory_space<semaphore_mem>>
          %dma_start3A = tpu.memref_slice %arg7[%add3A] : memref<1638400xi32, #tpu.memory_space<hbm>> -> memref<1024xi32, #tpu.memory_space<hbm>>
          %dma_start3A_166 = tpu.memref_slice %arg7[%add3A] : memref<1638400xi32, #tpu.memory_space<hbm>> -> memref<1024xi32, #tpu.memory_space<hbm>>
          tpu.enqueue_dma source(%dma_start3A_166 : memref<1024xi32, #tpu.memory_space<hbm>>) target(%arg16 : memref<1024xi32, #tpu.memory_space<vmem>>) target_semaphore(%run_scoped3A_165 : memref<!tpu.dma_semaphore, #tpu.memory_space<semaphore_mem>>)
          %dma_wait3A = tpu.memref_slice %arg7[%add3A] : memref<1638400xi32, #tpu.memory_space<hbm>> -> memref<1024xi32, #tpu.memory_space<hbm>>
          %dma_wait3A_167 = tpu.memref_slice %arg7[%add3A] : memref<1638400xi32, #tpu.memory_space<hbm>> -> memref<1024xi32, #tpu.memory_space<hbm>>
          tpu.wait_dma2 semaphore(%run_scoped3A_165 : memref<!tpu.dma_semaphore, #tpu.memory_space<semaphore_mem>>) src(%dma_wait3A_167 : memref<1024xi32, #tpu.memory_space<hbm>>) dst(%arg16 : memref<1024xi32, #tpu.memory_space<vmem>>)
          tpu.yield
        }) : () -> ()
        "tpu.region"() ({
          %run_scoped3A_165 = tpu.sem_alloc : memref<!tpu.dma_semaphore, #tpu.memory_space<semaphore_mem>>
          %dma_start3A = arith.constant 0 : i32
          %dma_start3A_166 = tpu.memref_slice %arg4[%dma_start3A, %add3A] : memref<16x1638400xf32, #tpu.memory_space<hbm>> -> memref<16x1024xf32, #tpu.memory_space<hbm>>
          %dma_start3A_167 = arith.constant 0 : i32
          %dma_start3A_168 = tpu.memref_slice %arg4[%dma_start3A_167, %add3A] : memref<16x1638400xf32, #tpu.memory_space<hbm>> -> memref<16x1024xf32, #tpu.memory_space<hbm>>
          tpu.enqueue_dma source(%dma_start3A_168 : memref<16x1024xf32, #tpu.memory_space<hbm>>) target(%arg15 : memref<16x1024xf32, #tpu.memory_space<vmem>>) target_semaphore(%run_scoped3A_165 : memref<!tpu.dma_semaphore, #tpu.memory_space<semaphore_mem>>)
          %dma_wait3A = arith.constant 0 : i32
          %dma_wait3A_169 = tpu.memref_slice %arg4[%dma_wait3A, %add3A] : memref<16x1638400xf32, #tpu.memory_space<hbm>> -> memref<16x1024xf32, #tpu.memory_space<hbm>>
          %dma_wait3A_170 = arith.constant 0 : i32
          %dma_wait3A_171 = tpu.memref_slice %arg4[%dma_wait3A_170, %add3A] : memref<16x1638400xf32, #tpu.memory_space<hbm>> -> memref<16x1024xf32, #tpu.memory_space<hbm>>
          tpu.wait_dma2 semaphore(%run_scoped3A_165 : memref<!tpu.dma_semaphore, #tpu.memory_space<semaphore_mem>>) src(%dma_wait3A_171 : memref<16x1024xf32, #tpu.memory_space<hbm>>) dst(%arg15 : memref<16x1024xf32, #tpu.memory_space<vmem>>)
          tpu.yield
        }) : () -> ()
        %scan3A_54 = arith.constant 0 : i32
        %scan3A_55 = arith.constant 0 : i32
        %scan3A_56 = arith.constant 64 : i32
        %scan3A_57 = arith.addi %scan3A_55, %scan3A_56 : i32
        %scan3A_58 = arith.constant 1 : i32
        scf.for %scan3A_165 = %scan3A_55 to %scan3A_57 step %scan3A_58  : i32 {
          %mul3A_166 = arith.constant 16 : i32
          %mul3A_167 = arith.muli %scan3A_165, %mul3A_166 : i32
          %get3A = arith.index_cast %mul3A_167 : i32 to index
          %get3A_168 = tpu.vector_load %arg16[%get3A] {strides = array<i32>} : memref<1024xi32, #tpu.memory_space<vmem>>, vector<16xi32>,
          %get3A_169 = vector.shape_cast %get3A_168 : vector<16xi32> to vector<16xi32>
          %add3A_170 = arith.constant 0 : i32
          %add3A_171 = vector.broadcast %add3A_170 : i32 to vector<16xi32>
          %add3A_172 = arith.addi %get3A_169, %add3A_171 : vector<16xi32>
          %mul3A_173 = arith.constant 16 : i32
          %mul3A_174 = arith.muli %scan3A_165, %mul3A_173 : i32
          %swap3A = arith.index_cast %mul3A_174 : i32 to index
          %swap3A_175 = tpu.vector_load %arg17[%swap3A] {strides = array<i32>} : memref<1024xi32, #tpu.memory_space<vmem>>, vector<16xi32>,
          %swap3A_176 = vector.shape_cast %swap3A_175 : vector<16xi32> to vector<16xi32>
          %swap3A_177 = vector.shape_cast %add3A_172 : vector<16xi32> to vector<16xi32>
          tpu.vector_store %arg17[%swap3A], %swap3A_177 {strides = array<i32>} : memref<1024xi32, #tpu.memory_space<vmem>>, vector<16xi32>,
        }
        %scan3A_59 = arith.constant 64 : i32
        %run_scoped3A = arith.constant 0 : i32
        "tpu.region"() ({
          %run_scoped3A_165 = tpu.sem_alloc : memref<!tpu.dma_semaphore, #tpu.memory_space<semaphore_mem>>
          %dma_start3A = arith.constant 0 : i32
          %dma_start3A_166 = tpu.memref_slice %arg15[%run_scoped3A, %dma_start3A] : memref<16x1024xf32, #tpu.memory_space<vmem>> -> memref<1x1024xf32, #tpu.memory_space<vmem>>
          %dma_start3A_167 = tpu.memref_squeeze %dma_start3A_166 : memref<1x1024xf32, #tpu.memory_space<vmem>> -> memref<1024xf32, #tpu.memory_space<vmem>>
          %dma_start3A_168 = arith.constant 0 : i32
          %dma_start3A_169 = tpu.memref_slice %arg13[%dma_start3A_168] : memref<1605632xf32, #tpu.memory_space<vmem_shared>> -> memref<1605632xf32, #tpu.memory_space<vmem_shared>>
          tpu.enqueue_indirect_dma source(%dma_start3A_167 : memref<1024xf32, #tpu.memory_space<vmem>>) target(%dma_start3A_169 : memref<1605632xf32, #tpu.memory_space<vmem_shared>>) offsets(%arg17 : memref<1024xi32, #tpu.memory_space<vmem>>) semaphore(%run_scoped3A_165 : memref<!tpu.dma_semaphore, #tpu.memory_space<semaphore_mem>>) {add = true}
          %dma_wait3A = arith.constant 0 : i32
          %dma_wait3A_170 = tpu.memref_slice %arg15[%run_scoped3A, %dma_wait3A] : memref<16x1024xf32, #tpu.memory_space<vmem>> -> memref<1x1024xf32, #tpu.memory_space<vmem>>
          %dma_wait3A_171 = tpu.memref_squeeze %dma_wait3A_170 : memref<1x1024xf32, #tpu.memory_space<vmem>> -> memref<1024xf32, #tpu.memory_space<vmem>>
          %dma_wait3A_172 = arith.constant 0 : i32
          %dma_wait3A_173 = tpu.memref_slice %arg13[%dma_wait3A_172] : memref<1605632xf32, #tpu.memory_space<vmem_shared>> -> memref<1605632xf32, #tpu.memory_space<vmem_shared>>
          tpu.wait_indirect_dma semaphore(%run_scoped3A_165 : memref<!tpu.dma_semaphore, #tpu.memory_space<semaphore_mem>>) src(%dma_wait3A_171 : memref<1024xf32, #tpu.memory_space<vmem>>) dst(%dma_wait3A_173 : memref<1605632xf32, #tpu.memory_space<vmem_shared>>)
          tpu.yield
        }) : () -> ()
        %scan3A_60 = arith.constant 0 : i32
        %scan3A_61 = arith.constant 0 : i32
        %scan3A_62 = arith.constant 64 : i32
        %scan3A_63 = arith.addi %scan3A_61, %scan3A_62 : i32
        %scan3A_64 = arith.constant 1 : i32
        scf.for %scan3A_165 = %scan3A_61 to %scan3A_63 step %scan3A_64  : i32 {
          %mul3A_166 = arith.constant 16 : i32
          %mul3A_167 = arith.muli %scan3A_165, %mul3A_166 : i32
          %get3A = arith.index_cast %mul3A_167 : i32 to index
          %get3A_168 = tpu.vector_load %arg16[%get3A] {strides = array<i32>} : memref<1024xi32, #tpu.memory_space<vmem>>, vector<16xi32>,
          %get3A_169 = vector.shape_cast %get3A_168 : vector<16xi32> to vector<16xi32>
          %add3A_170 = arith.constant 100352 : i32
          %add3A_171 = vector.broadcast %add3A_170 : i32 to vector<16xi32>
          %add3A_172 = arith.addi %get3A_169, %add3A_171 : vector<16xi32>
          %mul3A_173 = arith.constant 16 : i32
          %mul3A_174 = arith.muli %scan3A_165, %mul3A_173 : i32
          %swap3A = arith.index_cast %mul3A_174 : i32 to index
          %swap3A_175 = tpu.vector_load %arg17[%swap3A] {strides = array<i32>} : memref<1024xi32, #tpu.memory_space<vmem>>, vector<16xi32>,
          %swap3A_176 = vector.shape_cast %swap3A_175 : vector<16xi32> to vector<16xi32>
          %swap3A_177 = vector.shape_cast %add3A_172 : vector<16xi32> to vector<16xi32>
          tpu.vector_store %arg17[%swap3A], %swap3A_177 {strides = array<i32>} : memref<1024xi32, #tpu.memory_space<vmem>>, vector<16xi32>,
        }
        %scan3A_65 = arith.constant 64 : i32
        %run_scoped3A_66 = arith.constant 1 : i32
        "tpu.region"() ({
          %run_scoped3A_165 = tpu.sem_alloc : memref<!tpu.dma_semaphore, #tpu.memory_space<semaphore_mem>>
          %dma_start3A = arith.constant 0 : i32
          %dma_start3A_166 = tpu.memref_slice %arg15[%run_scoped3A_66, %dma_start3A] : memref<16x1024xf32, #tpu.memory_space<vmem>> -> memref<1x1024xf32, #tpu.memory_space<vmem>>
          %dma_start3A_167 = tpu.memref_squeeze %dma_start3A_166 : memref<1x1024xf32, #tpu.memory_space<vmem>> -> memref<1024xf32, #tpu.memory_space<vmem>>
          %dma_start3A_168 = arith.constant 0 : i32
          %dma_start3A_169 = tpu.memref_slice %arg13[%dma_start3A_168] : memref<1605632xf32, #tpu.memory_space<vmem_shared>> -> memref<1605632xf32, #tpu.memory_space<vmem_shared>>
          tpu.enqueue_indirect_dma source(%dma_start3A_167 : memref<1024xf32, #tpu.memory_space<vmem>>) target(%dma_start3A_169 : memref<1605632xf32, #tpu.memory_space<vmem_shared>>) offsets(%arg17 : memref<1024xi32, #tpu.memory_space<vmem>>) semaphore(%run_scoped3A_165 : memref<!tpu.dma_semaphore, #tpu.memory_space<semaphore_mem>>) {add = true}
          %dma_wait3A = arith.constant 0 : i32
          %dma_wait3A_170 = tpu.memref_slice %arg15[%run_scoped3A_66, %dma_wait3A] : memref<16x1024xf32, #tpu.memory_space<vmem>> -> memref<1x1024xf32, #tpu.memory_space<vmem>>
          %dma_wait3A_171 = tpu.memref_squeeze %dma_wait3A_170 : memref<1x1024xf32, #tpu.memory_space<vmem>> -> memref<1024xf32, #tpu.memory_space<vmem>>
          %dma_wait3A_172 = arith.constant 0 : i32
          %dma_wait3A_173 = tpu.memref_slice %arg13[%dma_wait3A_172] : memref<1605632xf32, #tpu.memory_space<vmem_shared>> -> memref<1605632xf32, #tpu.memory_space<vmem_shared>>
          tpu.wait_indirect_dma semaphore(%run_scoped3A_165 : memref<!tpu.dma_semaphore, #tpu.memory_space<semaphore_mem>>) src(%dma_wait3A_171 : memref<1024xf32, #tpu.memory_space<vmem>>) dst(%dma_wait3A_173 : memref<1605632xf32, #tpu.memory_space<vmem_shared>>)
          tpu.yield
        }) : () -> ()
        %scan3A_67 = arith.constant 0 : i32
        %scan3A_68 = arith.constant 0 : i32
        %scan3A_69 = arith.constant 64 : i32
        %scan3A_70 = arith.addi %scan3A_68, %scan3A_69 : i32
        %scan3A_71 = arith.constant 1 : i32
        scf.for %scan3A_165 = %scan3A_68 to %scan3A_70 step %scan3A_71  : i32 {
          %mul3A_166 = arith.constant 16 : i32
          %mul3A_167 = arith.muli %scan3A_165, %mul3A_166 : i32
          %get3A = arith.index_cast %mul3A_167 : i32 to index
          %get3A_168 = tpu.vector_load %arg16[%get3A] {strides = array<i32>} : memref<1024xi32, #tpu.memory_space<vmem>>, vector<16xi32>,
          %get3A_169 = vector.shape_cast %get3A_168 : vector<16xi32> to vector<16xi32>
          %add3A_170 = arith.constant 200704 : i32
          %add3A_171 = vector.broadcast %add3A_170 : i32 to vector<16xi32>
          %add3A_172 = arith.addi %get3A_169, %add3A_171 : vector<16xi32>
          %mul3A_173 = arith.constant 16 : i32
          %mul3A_174 = arith.muli %scan3A_165, %mul3A_173 : i32
          %swap3A = arith.index_cast %mul3A_174 : i32 to index
          %swap3A_175 = tpu.vector_load %arg17[%swap3A] {strides = array<i32>} : memref<1024xi32, #tpu.memory_space<vmem>>, vector<16xi32>,
          %swap3A_176 = vector.shape_cast %swap3A_175 : vector<16xi32> to vector<16xi32>
          %swap3A_177 = vector.shape_cast %add3A_172 : vector<16xi32> to vector<16xi32>
          tpu.vector_store %arg17[%swap3A], %swap3A_177 {strides = array<i32>} : memref<1024xi32, #tpu.memory_space<vmem>>, vector<16xi32>,
        }
        %scan3A_72 = arith.constant 64 : i32
        %run_scoped3A_73 = arith.constant 2 : i32
        "tpu.region"() ({
          %run_scoped3A_165 = tpu.sem_alloc : memref<!tpu.dma_semaphore, #tpu.memory_space<semaphore_mem>>
          %dma_start3A = arith.constant 0 : i32
          %dma_start3A_166 = tpu.memref_slice %arg15[%run_scoped3A_73, %dma_start3A] : memref<16x1024xf32, #tpu.memory_space<vmem>> -> memref<1x1024xf32, #tpu.memory_space<vmem>>
          %dma_start3A_167 = tpu.memref_squeeze %dma_start3A_166 : memref<1x1024xf32, #tpu.memory_space<vmem>> -> memref<1024xf32, #tpu.memory_space<vmem>>
          %dma_start3A_168 = arith.constant 0 : i32
          %dma_start3A_169 = tpu.memref_slice %arg13[%dma_start3A_168] : memref<1605632xf32, #tpu.memory_space<vmem_shared>> -> memref<1605632xf32, #tpu.memory_space<vmem_shared>>
          tpu.enqueue_indirect_dma source(%dma_start3A_167 : memref<1024xf32, #tpu.memory_space<vmem>>) target(%dma_start3A_169 : memref<1605632xf32, #tpu.memory_space<vmem_shared>>) offsets(%arg17 : memref<1024xi32, #tpu.memory_space<vmem>>) semaphore(%run_scoped3A_165 : memref<!tpu.dma_semaphore, #tpu.memory_space<semaphore_mem>>) {add = true}
          %dma_wait3A = arith.constant 0 : i32
          %dma_wait3A_170 = tpu.memref_slice %arg15[%run_scoped3A_73, %dma_wait3A] : memref<16x1024xf32, #tpu.memory_space<vmem>> -> memref<1x1024xf32, #tpu.memory_space<vmem>>
          %dma_wait3A_171 = tpu.memref_squeeze %dma_wait3A_170 : memref<1x1024xf32, #tpu.memory_space<vmem>> -> memref<1024xf32, #tpu.memory_space<vmem>>
          %dma_wait3A_172 = arith.constant 0 : i32
          %dma_wait3A_173 = tpu.memref_slice %arg13[%dma_wait3A_172] : memref<1605632xf32, #tpu.memory_space<vmem_shared>> -> memref<1605632xf32, #tpu.memory_space<vmem_shared>>
          tpu.wait_indirect_dma semaphore(%run_scoped3A_165 : memref<!tpu.dma_semaphore, #tpu.memory_space<semaphore_mem>>) src(%dma_wait3A_171 : memref<1024xf32, #tpu.memory_space<vmem>>) dst(%dma_wait3A_173 : memref<1605632xf32, #tpu.memory_space<vmem_shared>>)
          tpu.yield
        }) : () -> ()
        %scan3A_74 = arith.constant 0 : i32
        %scan3A_75 = arith.constant 0 : i32
        %scan3A_76 = arith.constant 64 : i32
        %scan3A_77 = arith.addi %scan3A_75, %scan3A_76 : i32
        %scan3A_78 = arith.constant 1 : i32
        scf.for %scan3A_165 = %scan3A_75 to %scan3A_77 step %scan3A_78  : i32 {
          %mul3A_166 = arith.constant 16 : i32
          %mul3A_167 = arith.muli %scan3A_165, %mul3A_166 : i32
          %get3A = arith.index_cast %mul3A_167 : i32 to index
          %get3A_168 = tpu.vector_load %arg16[%get3A] {strides = array<i32>} : memref<1024xi32, #tpu.memory_space<vmem>>, vector<16xi32>,
          %get3A_169 = vector.shape_cast %get3A_168 : vector<16xi32> to vector<16xi32>
          %add3A_170 = arith.constant 301056 : i32
          %add3A_171 = vector.broadcast %add3A_170 : i32 to vector<16xi32>
          %add3A_172 = arith.addi %get3A_169, %add3A_171 : vector<16xi32>
          %mul3A_173 = arith.constant 16 : i32
          %mul3A_174 = arith.muli %scan3A_165, %mul3A_173 : i32
          %swap3A = arith.index_cast %mul3A_174 : i32 to index
          %swap3A_175 = tpu.vector_load %arg17[%swap3A] {strides = array<i32>} : memref<1024xi32, #tpu.memory_space<vmem>>, vector<16xi32>,
          %swap3A_176 = vector.shape_cast %swap3A_175 : vector<16xi32> to vector<16xi32>
          %swap3A_177 = vector.shape_cast %add3A_172 : vector<16xi32> to vector<16xi32>
          tpu.vector_store %arg17[%swap3A], %swap3A_177 {strides = array<i32>} : memref<1024xi32, #tpu.memory_space<vmem>>, vector<16xi32>,
        }
        %scan3A_79 = arith.constant 64 : i32
        %run_scoped3A_80 = arith.constant 3 : i32
        "tpu.region"() ({
          %run_scoped3A_165 = tpu.sem_alloc : memref<!tpu.dma_semaphore, #tpu.memory_space<semaphore_mem>>
          %dma_start3A = arith.constant 0 : i32
          %dma_start3A_166 = tpu.memref_slice %arg15[%run_scoped3A_80, %dma_start3A] : memref<16x1024xf32, #tpu.memory_space<vmem>> -> memref<1x1024xf32, #tpu.memory_space<vmem>>
          %dma_start3A_167 = tpu.memref_squeeze %dma_start3A_166 : memref<1x1024xf32, #tpu.memory_space<vmem>> -> memref<1024xf32, #tpu.memory_space<vmem>>
          %dma_start3A_168 = arith.constant 0 : i32
          %dma_start3A_169 = tpu.memref_slice %arg13[%dma_start3A_168] : memref<1605632xf32, #tpu.memory_space<vmem_shared>> -> memref<1605632xf32, #tpu.memory_space<vmem_shared>>
          tpu.enqueue_indirect_dma source(%dma_start3A_167 : memref<1024xf32, #tpu.memory_space<vmem>>) target(%dma_start3A_169 : memref<1605632xf32, #tpu.memory_space<vmem_shared>>) offsets(%arg17 : memref<1024xi32, #tpu.memory_space<vmem>>) semaphore(%run_scoped3A_165 : memref<!tpu.dma_semaphore, #tpu.memory_space<semaphore_mem>>) {add = true}
          %dma_wait3A = arith.constant 0 : i32
          %dma_wait3A_170 = tpu.memref_slice %arg15[%run_scoped3A_80, %dma_wait3A] : memref<16x1024xf32, #tpu.memory_space<vmem>> -> memref<1x1024xf32, #tpu.memory_space<vmem>>
          %dma_wait3A_171 = tpu.memref_squeeze %dma_wait3A_170 : memref<1x1024xf32, #tpu.memory_space<vmem>> -> memref<1024xf32, #tpu.memory_space<vmem>>
          %dma_wait3A_172 = arith.constant 0 : i32
          %dma_wait3A_173 = tpu.memref_slice %arg13[%dma_wait3A_172] : memref<1605632xf32, #tpu.memory_space<vmem_shared>> -> memref<1605632xf32, #tpu.memory_space<vmem_shared>>
          tpu.wait_indirect_dma semaphore(%run_scoped3A_165 : memref<!tpu.dma_semaphore, #tpu.memory_space<semaphore_mem>>) src(%dma_wait3A_171 : memref<1024xf32, #tpu.memory_space<vmem>>) dst(%dma_wait3A_173 : memref<1605632xf32, #tpu.memory_space<vmem_shared>>)
          tpu.yield
        }) : () -> ()
        %scan3A_81 = arith.constant 0 : i32
        %scan3A_82 = arith.constant 0 : i32
        %scan3A_83 = arith.constant 64 : i32
        %scan3A_84 = arith.addi %scan3A_82, %scan3A_83 : i32
        %scan3A_85 = arith.constant 1 : i32
        scf.for %scan3A_165 = %scan3A_82 to %scan3A_84 step %scan3A_85  : i32 {
          %mul3A_166 = arith.constant 16 : i32
          %mul3A_167 = arith.muli %scan3A_165, %mul3A_166 : i32
          %get3A = arith.index_cast %mul3A_167 : i32 to index
          %get3A_168 = tpu.vector_load %arg16[%get3A] {strides = array<i32>} : memref<1024xi32, #tpu.memory_space<vmem>>, vector<16xi32>,
          %get3A_169 = vector.shape_cast %get3A_168 : vector<16xi32> to vector<16xi32>
          %add3A_170 = arith.constant 401408 : i32
          %add3A_171 = vector.broadcast %add3A_170 : i32 to vector<16xi32>
          %add3A_172 = arith.addi %get3A_169, %add3A_171 : vector<16xi32>
          %mul3A_173 = arith.constant 16 : i32
          %mul3A_174 = arith.muli %scan3A_165, %mul3A_173 : i32
          %swap3A = arith.index_cast %mul3A_174 : i32 to index
          %swap3A_175 = tpu.vector_load %arg17[%swap3A] {strides = array<i32>} : memref<1024xi32, #tpu.memory_space<vmem>>, vector<16xi32>,
          %swap3A_176 = vector.shape_cast %swap3A_175 : vector<16xi32> to vector<16xi32>
          %swap3A_177 = vector.shape_cast %add3A_172 : vector<16xi32> to vector<16xi32>
          tpu.vector_store %arg17[%swap3A], %swap3A_177 {strides = array<i32>} : memref<1024xi32, #tpu.memory_space<vmem>>, vector<16xi32>,
        }
        %scan3A_86 = arith.constant 64 : i32
        %run_scoped3A_87 = arith.constant 4 : i32
        "tpu.region"() ({
          %run_scoped3A_165 = tpu.sem_alloc : memref<!tpu.dma_semaphore, #tpu.memory_space<semaphore_mem>>
          %dma_start3A = arith.constant 0 : i32
          %dma_start3A_166 = tpu.memref_slice %arg15[%run_scoped3A_87, %dma_start3A] : memref<16x1024xf32, #tpu.memory_space<vmem>> -> memref<1x1024xf32, #tpu.memory_space<vmem>>
          %dma_start3A_167 = tpu.memref_squeeze %dma_start3A_166 : memref<1x1024xf32, #tpu.memory_space<vmem>> -> memref<1024xf32, #tpu.memory_space<vmem>>
          %dma_start3A_168 = arith.constant 0 : i32
          %dma_start3A_169 = tpu.memref_slice %arg13[%dma_start3A_168] : memref<1605632xf32, #tpu.memory_space<vmem_shared>> -> memref<1605632xf32, #tpu.memory_space<vmem_shared>>
          tpu.enqueue_indirect_dma source(%dma_start3A_167 : memref<1024xf32, #tpu.memory_space<vmem>>) target(%dma_start3A_169 : memref<1605632xf32, #tpu.memory_space<vmem_shared>>) offsets(%arg17 : memref<1024xi32, #tpu.memory_space<vmem>>) semaphore(%run_scoped3A_165 : memref<!tpu.dma_semaphore, #tpu.memory_space<semaphore_mem>>) {add = true}
          %dma_wait3A = arith.constant 0 : i32
          %dma_wait3A_170 = tpu.memref_slice %arg15[%run_scoped3A_87, %dma_wait3A] : memref<16x1024xf32, #tpu.memory_space<vmem>> -> memref<1x1024xf32, #tpu.memory_space<vmem>>
          %dma_wait3A_171 = tpu.memref_squeeze %dma_wait3A_170 : memref<1x1024xf32, #tpu.memory_space<vmem>> -> memref<1024xf32, #tpu.memory_space<vmem>>
          %dma_wait3A_172 = arith.constant 0 : i32
          %dma_wait3A_173 = tpu.memref_slice %arg13[%dma_wait3A_172] : memref<1605632xf32, #tpu.memory_space<vmem_shared>> -> memref<1605632xf32, #tpu.memory_space<vmem_shared>>
          tpu.wait_indirect_dma semaphore(%run_scoped3A_165 : memref<!tpu.dma_semaphore, #tpu.memory_space<semaphore_mem>>) src(%dma_wait3A_171 : memref<1024xf32, #tpu.memory_space<vmem>>) dst(%dma_wait3A_173 : memref<1605632xf32, #tpu.memory_space<vmem_shared>>)
          tpu.yield
        }) : () -> ()
        %scan3A_88 = arith.constant 0 : i32
        %scan3A_89 = arith.constant 0 : i32
        %scan3A_90 = arith.constant 64 : i32
        %scan3A_91 = arith.addi %scan3A_89, %scan3A_90 : i32
        %scan3A_92 = arith.constant 1 : i32
        scf.for %scan3A_165 = %scan3A_89 to %scan3A_91 step %scan3A_92  : i32 {
          %mul3A_166 = arith.constant 16 : i32
          %mul3A_167 = arith.muli %scan3A_165, %mul3A_166 : i32
          %get3A = arith.index_cast %mul3A_167 : i32 to index
          %get3A_168 = tpu.vector_load %arg16[%get3A] {strides = array<i32>} : memref<1024xi32, #tpu.memory_space<vmem>>, vector<16xi32>,
          %get3A_169 = vector.shape_cast %get3A_168 : vector<16xi32> to vector<16xi32>
          %add3A_170 = arith.constant 501760 : i32
          %add3A_171 = vector.broadcast %add3A_170 : i32 to vector<16xi32>
          %add3A_172 = arith.addi %get3A_169, %add3A_171 : vector<16xi32>
          %mul3A_173 = arith.constant 16 : i32
          %mul3A_174 = arith.muli %scan3A_165, %mul3A_173 : i32
          %swap3A = arith.index_cast %mul3A_174 : i32 to index
          %swap3A_175 = tpu.vector_load %arg17[%swap3A] {strides = array<i32>} : memref<1024xi32, #tpu.memory_space<vmem>>, vector<16xi32>,
          %swap3A_176 = vector.shape_cast %swap3A_175 : vector<16xi32> to vector<16xi32>
          %swap3A_177 = vector.shape_cast %add3A_172 : vector<16xi32> to vector<16xi32>
          tpu.vector_store %arg17[%swap3A], %swap3A_177 {strides = array<i32>} : memref<1024xi32, #tpu.memory_space<vmem>>, vector<16xi32>,
        }
        %scan3A_93 = arith.constant 64 : i32
        %run_scoped3A_94 = arith.constant 5 : i32
        "tpu.region"() ({
          %run_scoped3A_165 = tpu.sem_alloc : memref<!tpu.dma_semaphore, #tpu.memory_space<semaphore_mem>>
          %dma_start3A = arith.constant 0 : i32
          %dma_start3A_166 = tpu.memref_slice %arg15[%run_scoped3A_94, %dma_start3A] : memref<16x1024xf32, #tpu.memory_space<vmem>> -> memref<1x1024xf32, #tpu.memory_space<vmem>>
          %dma_start3A_167 = tpu.memref_squeeze %dma_start3A_166 : memref<1x1024xf32, #tpu.memory_space<vmem>> -> memref<1024xf32, #tpu.memory_space<vmem>>
          %dma_start3A_168 = arith.constant 0 : i32
          %dma_start3A_169 = tpu.memref_slice %arg13[%dma_start3A_168] : memref<1605632xf32, #tpu.memory_space<vmem_shared>> -> memref<1605632xf32, #tpu.memory_space<vmem_shared>>
          tpu.enqueue_indirect_dma source(%dma_start3A_167 : memref<1024xf32, #tpu.memory_space<vmem>>) target(%dma_start3A_169 : memref<1605632xf32, #tpu.memory_space<vmem_shared>>) offsets(%arg17 : memref<1024xi32, #tpu.memory_space<vmem>>) semaphore(%run_scoped3A_165 : memref<!tpu.dma_semaphore, #tpu.memory_space<semaphore_mem>>) {add = true}
          %dma_wait3A = arith.constant 0 : i32
          %dma_wait3A_170 = tpu.memref_slice %arg15[%run_scoped3A_94, %dma_wait3A] : memref<16x1024xf32, #tpu.memory_space<vmem>> -> memref<1x1024xf32, #tpu.memory_space<vmem>>
          %dma_wait3A_171 = tpu.memref_squeeze %dma_wait3A_170 : memref<1x1024xf32, #tpu.memory_space<vmem>> -> memref<1024xf32, #tpu.memory_space<vmem>>
          %dma_wait3A_172 = arith.constant 0 : i32
          %dma_wait3A_173 = tpu.memref_slice %arg13[%dma_wait3A_172] : memref<1605632xf32, #tpu.memory_space<vmem_shared>> -> memref<1605632xf32, #tpu.memory_space<vmem_shared>>
          tpu.wait_indirect_dma semaphore(%run_scoped3A_165 : memref<!tpu.dma_semaphore, #tpu.memory_space<semaphore_mem>>) src(%dma_wait3A_171 : memref<1024xf32, #tpu.memory_space<vmem>>) dst(%dma_wait3A_173 : memref<1605632xf32, #tpu.memory_space<vmem_shared>>)
          tpu.yield
        }) : () -> ()
        %scan3A_95 = arith.constant 0 : i32
        %scan3A_96 = arith.constant 0 : i32
        %scan3A_97 = arith.constant 64 : i32
        %scan3A_98 = arith.addi %scan3A_96, %scan3A_97 : i32
        %scan3A_99 = arith.constant 1 : i32
        scf.for %scan3A_165 = %scan3A_96 to %scan3A_98 step %scan3A_99  : i32 {
          %mul3A_166 = arith.constant 16 : i32
          %mul3A_167 = arith.muli %scan3A_165, %mul3A_166 : i32
          %get3A = arith.index_cast %mul3A_167 : i32 to index
          %get3A_168 = tpu.vector_load %arg16[%get3A] {strides = array<i32>} : memref<1024xi32, #tpu.memory_space<vmem>>, vector<16xi32>,
          %get3A_169 = vector.shape_cast %get3A_168 : vector<16xi32> to vector<16xi32>
          %add3A_170 = arith.constant 602112 : i32
          %add3A_171 = vector.broadcast %add3A_170 : i32 to vector<16xi32>
          %add3A_172 = arith.addi %get3A_169, %add3A_171 : vector<16xi32>
          %mul3A_173 = arith.constant 16 : i32
          %mul3A_174 = arith.muli %scan3A_165, %mul3A_173 : i32
          %swap3A = arith.index_cast %mul3A_174 : i32 to index
          %swap3A_175 = tpu.vector_load %arg17[%swap3A] {strides = array<i32>} : memref<1024xi32, #tpu.memory_space<vmem>>, vector<16xi32>,
          %swap3A_176 = vector.shape_cast %swap3A_175 : vector<16xi32> to vector<16xi32>
          %swap3A_177 = vector.shape_cast %add3A_172 : vector<16xi32> to vector<16xi32>
          tpu.vector_store %arg17[%swap3A], %swap3A_177 {strides = array<i32>} : memref<1024xi32, #tpu.memory_space<vmem>>, vector<16xi32>,
        }
        %scan3A_100 = arith.constant 64 : i32
        %run_scoped3A_101 = arith.constant 6 : i32
        "tpu.region"() ({
          %run_scoped3A_165 = tpu.sem_alloc : memref<!tpu.dma_semaphore, #tpu.memory_space<semaphore_mem>>
          %dma_start3A = arith.constant 0 : i32
          %dma_start3A_166 = tpu.memref_slice %arg15[%run_scoped3A_101, %dma_start3A] : memref<16x1024xf32, #tpu.memory_space<vmem>> -> memref<1x1024xf32, #tpu.memory_space<vmem>>
          %dma_start3A_167 = tpu.memref_squeeze %dma_start3A_166 : memref<1x1024xf32, #tpu.memory_space<vmem>> -> memref<1024xf32, #tpu.memory_space<vmem>>
          %dma_start3A_168 = arith.constant 0 : i32
          %dma_start3A_169 = tpu.memref_slice %arg13[%dma_start3A_168] : memref<1605632xf32, #tpu.memory_space<vmem_shared>> -> memref<1605632xf32, #tpu.memory_space<vmem_shared>>
          tpu.enqueue_indirect_dma source(%dma_start3A_167 : memref<1024xf32, #tpu.memory_space<vmem>>) target(%dma_start3A_169 : memref<1605632xf32, #tpu.memory_space<vmem_shared>>) offsets(%arg17 : memref<1024xi32, #tpu.memory_space<vmem>>) semaphore(%run_scoped3A_165 : memref<!tpu.dma_semaphore, #tpu.memory_space<semaphore_mem>>) {add = true}
          %dma_wait3A = arith.constant 0 : i32
          %dma_wait3A_170 = tpu.memref_slice %arg15[%run_scoped3A_101, %dma_wait3A] : memref<16x1024xf32, #tpu.memory_space<vmem>> -> memref<1x1024xf32, #tpu.memory_space<vmem>>
          %dma_wait3A_171 = tpu.memref_squeeze %dma_wait3A_170 : memref<1x1024xf32, #tpu.memory_space<vmem>> -> memref<1024xf32, #tpu.memory_space<vmem>>
          %dma_wait3A_172 = arith.constant 0 : i32
          %dma_wait3A_173 = tpu.memref_slice %arg13[%dma_wait3A_172] : memref<1605632xf32, #tpu.memory_space<vmem_shared>> -> memref<1605632xf32, #tpu.memory_space<vmem_shared>>
          tpu.wait_indirect_dma semaphore(%run_scoped3A_165 : memref<!tpu.dma_semaphore, #tpu.memory_space<semaphore_mem>>) src(%dma_wait3A_171 : memref<1024xf32, #tpu.memory_space<vmem>>) dst(%dma_wait3A_173 : memref<1605632xf32, #tpu.memory_space<vmem_shared>>)
          tpu.yield
        }) : () -> ()
        %scan3A_102 = arith.constant 0 : i32
        %scan3A_103 = arith.constant 0 : i32
        %scan3A_104 = arith.constant 64 : i32
        %scan3A_105 = arith.addi %scan3A_103, %scan3A_104 : i32
        %scan3A_106 = arith.constant 1 : i32
        scf.for %scan3A_165 = %scan3A_103 to %scan3A_105 step %scan3A_106  : i32 {
          %mul3A_166 = arith.constant 16 : i32
          %mul3A_167 = arith.muli %scan3A_165, %mul3A_166 : i32
          %get3A = arith.index_cast %mul3A_167 : i32 to index
          %get3A_168 = tpu.vector_load %arg16[%get3A] {strides = array<i32>} : memref<1024xi32, #tpu.memory_space<vmem>>, vector<16xi32>,
          %get3A_169 = vector.shape_cast %get3A_168 : vector<16xi32> to vector<16xi32>
          %add3A_170 = arith.constant 702464 : i32
          %add3A_171 = vector.broadcast %add3A_170 : i32 to vector<16xi32>
          %add3A_172 = arith.addi %get3A_169, %add3A_171 : vector<16xi32>
          %mul3A_173 = arith.constant 16 : i32
          %mul3A_174 = arith.muli %scan3A_165, %mul3A_173 : i32
          %swap3A = arith.index_cast %mul3A_174 : i32 to index
          %swap3A_175 = tpu.vector_load %arg17[%swap3A] {strides = array<i32>} : memref<1024xi32, #tpu.memory_space<vmem>>, vector<16xi32>,
          %swap3A_176 = vector.shape_cast %swap3A_175 : vector<16xi32> to vector<16xi32>
          %swap3A_177 = vector.shape_cast %add3A_172 : vector<16xi32> to vector<16xi32>
          tpu.vector_store %arg17[%swap3A], %swap3A_177 {strides = array<i32>} : memref<1024xi32, #tpu.memory_space<vmem>>, vector<16xi32>,
        }
        %scan3A_107 = arith.constant 64 : i32
        %run_scoped3A_108 = arith.constant 7 : i32
        "tpu.region"() ({
          %run_scoped3A_165 = tpu.sem_alloc : memref<!tpu.dma_semaphore, #tpu.memory_space<semaphore_mem>>
          %dma_start3A = arith.constant 0 : i32
          %dma_start3A_166 = tpu.memref_slice %arg15[%run_scoped3A_108, %dma_start3A] : memref<16x1024xf32, #tpu.memory_space<vmem>> -> memref<1x1024xf32, #tpu.memory_space<vmem>>
          %dma_start3A_167 = tpu.memref_squeeze %dma_start3A_166 : memref<1x1024xf32, #tpu.memory_space<vmem>> -> memref<1024xf32, #tpu.memory_space<vmem>>
          %dma_start3A_168 = arith.constant 0 : i32
          %dma_start3A_169 = tpu.memref_slice %arg13[%dma_start3A_168] : memref<1605632xf32, #tpu.memory_space<vmem_shared>> -> memref<1605632xf32, #tpu.memory_space<vmem_shared>>
          tpu.enqueue_indirect_dma source(%dma_start3A_167 : memref<1024xf32, #tpu.memory_space<vmem>>) target(%dma_start3A_169 : memref<1605632xf32, #tpu.memory_space<vmem_shared>>) offsets(%arg17 : memref<1024xi32, #tpu.memory_space<vmem>>) semaphore(%run_scoped3A_165 : memref<!tpu.dma_semaphore, #tpu.memory_space<semaphore_mem>>) {add = true}
          %dma_wait3A = arith.constant 0 : i32
          %dma_wait3A_170 = tpu.memref_slice %arg15[%run_scoped3A_108, %dma_wait3A] : memref<16x1024xf32, #tpu.memory_space<vmem>> -> memref<1x1024xf32, #tpu.memory_space<vmem>>
          %dma_wait3A_171 = tpu.memref_squeeze %dma_wait3A_170 : memref<1x1024xf32, #tpu.memory_space<vmem>> -> memref<1024xf32, #tpu.memory_space<vmem>>
          %dma_wait3A_172 = arith.constant 0 : i32
          %dma_wait3A_173 = tpu.memref_slice %arg13[%dma_wait3A_172] : memref<1605632xf32, #tpu.memory_space<vmem_shared>> -> memref<1605632xf32, #tpu.memory_space<vmem_shared>>
          tpu.wait_indirect_dma semaphore(%run_scoped3A_165 : memref<!tpu.dma_semaphore, #tpu.memory_space<semaphore_mem>>) src(%dma_wait3A_171 : memref<1024xf32, #tpu.memory_space<vmem>>) dst(%dma_wait3A_173 : memref<1605632xf32, #tpu.memory_space<vmem_shared>>)
          tpu.yield
        }) : () -> ()
        %scan3A_109 = arith.constant 0 : i32
        %scan3A_110 = arith.constant 0 : i32
        %scan3A_111 = arith.constant 64 : i32
        %scan3A_112 = arith.addi %scan3A_110, %scan3A_111 : i32
        %scan3A_113 = arith.constant 1 : i32
        scf.for %scan3A_165 = %scan3A_110 to %scan3A_112 step %scan3A_113  : i32 {
          %mul3A_166 = arith.constant 16 : i32
          %mul3A_167 = arith.muli %scan3A_165, %mul3A_166 : i32
          %get3A = arith.index_cast %mul3A_167 : i32 to index
          %get3A_168 = tpu.vector_load %arg16[%get3A] {strides = array<i32>} : memref<1024xi32, #tpu.memory_space<vmem>>, vector<16xi32>,
          %get3A_169 = vector.shape_cast %get3A_168 : vector<16xi32> to vector<16xi32>
          %add3A_170 = arith.constant 802816 : i32
          %add3A_171 = vector.broadcast %add3A_170 : i32 to vector<16xi32>
          %add3A_172 = arith.addi %get3A_169, %add3A_171 : vector<16xi32>
          %mul3A_173 = arith.constant 16 : i32
          %mul3A_174 = arith.muli %scan3A_165, %mul3A_173 : i32
          %swap3A = arith.index_cast %mul3A_174 : i32 to index
          %swap3A_175 = tpu.vector_load %arg17[%swap3A] {strides = array<i32>} : memref<1024xi32, #tpu.memory_space<vmem>>, vector<16xi32>,
          %swap3A_176 = vector.shape_cast %swap3A_175 : vector<16xi32> to vector<16xi32>
          %swap3A_177 = vector.shape_cast %add3A_172 : vector<16xi32> to vector<16xi32>
          tpu.vector_store %arg17[%swap3A], %swap3A_177 {strides = array<i32>} : memref<1024xi32, #tpu.memory_space<vmem>>, vector<16xi32>,
        }
        %scan3A_114 = arith.constant 64 : i32
        %run_scoped3A_115 = arith.constant 8 : i32
        "tpu.region"() ({
          %run_scoped3A_165 = tpu.sem_alloc : memref<!tpu.dma_semaphore, #tpu.memory_space<semaphore_mem>>
          %dma_start3A = arith.constant 0 : i32
          %dma_start3A_166 = tpu.memref_slice %arg15[%run_scoped3A_115, %dma_start3A] : memref<16x1024xf32, #tpu.memory_space<vmem>> -> memref<1x1024xf32, #tpu.memory_space<vmem>>
          %dma_start3A_167 = tpu.memref_squeeze %dma_start3A_166 : memref<1x1024xf32, #tpu.memory_space<vmem>> -> memref<1024xf32, #tpu.memory_space<vmem>>
          %dma_start3A_168 = arith.constant 0 : i32
          %dma_start3A_169 = tpu.memref_slice %arg13[%dma_start3A_168] : memref<1605632xf32, #tpu.memory_space<vmem_shared>> -> memref<1605632xf32, #tpu.memory_space<vmem_shared>>
          tpu.enqueue_indirect_dma source(%dma_start3A_167 : memref<1024xf32, #tpu.memory_space<vmem>>) target(%dma_start3A_169 : memref<1605632xf32, #tpu.memory_space<vmem_shared>>) offsets(%arg17 : memref<1024xi32, #tpu.memory_space<vmem>>) semaphore(%run_scoped3A_165 : memref<!tpu.dma_semaphore, #tpu.memory_space<semaphore_mem>>) {add = true}
          %dma_wait3A = arith.constant 0 : i32
          %dma_wait3A_170 = tpu.memref_slice %arg15[%run_scoped3A_115, %dma_wait3A] : memref<16x1024xf32, #tpu.memory_space<vmem>> -> memref<1x1024xf32, #tpu.memory_space<vmem>>
          %dma_wait3A_171 = tpu.memref_squeeze %dma_wait3A_170 : memref<1x1024xf32, #tpu.memory_space<vmem>> -> memref<1024xf32, #tpu.memory_space<vmem>>
          %dma_wait3A_172 = arith.constant 0 : i32
          %dma_wait3A_173 = tpu.memref_slice %arg13[%dma_wait3A_172] : memref<1605632xf32, #tpu.memory_space<vmem_shared>> -> memref<1605632xf32, #tpu.memory_space<vmem_shared>>
          tpu.wait_indirect_dma semaphore(%run_scoped3A_165 : memref<!tpu.dma_semaphore, #tpu.memory_space<semaphore_mem>>) src(%dma_wait3A_171 : memref<1024xf32, #tpu.memory_space<vmem>>) dst(%dma_wait3A_173 : memref<1605632xf32, #tpu.memory_space<vmem_shared>>)
          tpu.yield
        }) : () -> ()
        %scan3A_116 = arith.constant 0 : i32
        %scan3A_117 = arith.constant 0 : i32
        %scan3A_118 = arith.constant 64 : i32
        %scan3A_119 = arith.addi %scan3A_117, %scan3A_118 : i32
        %scan3A_120 = arith.constant 1 : i32
        scf.for %scan3A_165 = %scan3A_117 to %scan3A_119 step %scan3A_120  : i32 {
          %mul3A_166 = arith.constant 16 : i32
          %mul3A_167 = arith.muli %scan3A_165, %mul3A_166 : i32
          %get3A = arith.index_cast %mul3A_167 : i32 to index
          %get3A_168 = tpu.vector_load %arg16[%get3A] {strides = array<i32>} : memref<1024xi32, #tpu.memory_space<vmem>>, vector<16xi32>,
          %get3A_169 = vector.shape_cast %get3A_168 : vector<16xi32> to vector<16xi32>
          %add3A_170 = arith.constant 903168 : i32
          %add3A_171 = vector.broadcast %add3A_170 : i32 to vector<16xi32>
          %add3A_172 = arith.addi %get3A_169, %add3A_171 : vector<16xi32>
          %mul3A_173 = arith.constant 16 : i32
          %mul3A_174 = arith.muli %scan3A_165, %mul3A_173 : i32
          %swap3A = arith.index_cast %mul3A_174 : i32 to index
          %swap3A_175 = tpu.vector_load %arg17[%swap3A] {strides = array<i32>} : memref<1024xi32, #tpu.memory_space<vmem>>, vector<16xi32>,
          %swap3A_176 = vector.shape_cast %swap3A_175 : vector<16xi32> to vector<16xi32>
          %swap3A_177 = vector.shape_cast %add3A_172 : vector<16xi32> to vector<16xi32>
          tpu.vector_store %arg17[%swap3A], %swap3A_177 {strides = array<i32>} : memref<1024xi32, #tpu.memory_space<vmem>>, vector<16xi32>,
        }
        %scan3A_121 = arith.constant 64 : i32
        %run_scoped3A_122 = arith.constant 9 : i32
        "tpu.region"() ({
          %run_scoped3A_165 = tpu.sem_alloc : memref<!tpu.dma_semaphore, #tpu.memory_space<semaphore_mem>>
          %dma_start3A = arith.constant 0 : i32
          %dma_start3A_166 = tpu.memref_slice %arg15[%run_scoped3A_122, %dma_start3A] : memref<16x1024xf32, #tpu.memory_space<vmem>> -> memref<1x1024xf32, #tpu.memory_space<vmem>>
          %dma_start3A_167 = tpu.memref_squeeze %dma_start3A_166 : memref<1x1024xf32, #tpu.memory_space<vmem>> -> memref<1024xf32, #tpu.memory_space<vmem>>
          %dma_start3A_168 = arith.constant 0 : i32
          %dma_start3A_169 = tpu.memref_slice %arg13[%dma_start3A_168] : memref<1605632xf32, #tpu.memory_space<vmem_shared>> -> memref<1605632xf32, #tpu.memory_space<vmem_shared>>
          tpu.enqueue_indirect_dma source(%dma_start3A_167 : memref<1024xf32, #tpu.memory_space<vmem>>) target(%dma_start3A_169 : memref<1605632xf32, #tpu.memory_space<vmem_shared>>) offsets(%arg17 : memref<1024xi32, #tpu.memory_space<vmem>>) semaphore(%run_scoped3A_165 : memref<!tpu.dma_semaphore, #tpu.memory_space<semaphore_mem>>) {add = true}
          %dma_wait3A = arith.constant 0 : i32
          %dma_wait3A_170 = tpu.memref_slice %arg15[%run_scoped3A_122, %dma_wait3A] : memref<16x1024xf32, #tpu.memory_space<vmem>> -> memref<1x1024xf32, #tpu.memory_space<vmem>>
          %dma_wait3A_171 = tpu.memref_squeeze %dma_wait3A_170 : memref<1x1024xf32, #tpu.memory_space<vmem>> -> memref<1024xf32, #tpu.memory_space<vmem>>
          %dma_wait3A_172 = arith.constant 0 : i32
          %dma_wait3A_173 = tpu.memref_slice %arg13[%dma_wait3A_172] : memref<1605632xf32, #tpu.memory_space<vmem_shared>> -> memref<1605632xf32, #tpu.memory_space<vmem_shared>>
          tpu.wait_indirect_dma semaphore(%run_scoped3A_165 : memref<!tpu.dma_semaphore, #tpu.memory_space<semaphore_mem>>) src(%dma_wait3A_171 : memref<1024xf32, #tpu.memory_space<vmem>>) dst(%dma_wait3A_173 : memref<1605632xf32, #tpu.memory_space<vmem_shared>>)
          tpu.yield
        }) : () -> ()
        %scan3A_123 = arith.constant 0 : i32
        %scan3A_124 = arith.constant 0 : i32
        %scan3A_125 = arith.constant 64 : i32
        %scan3A_126 = arith.addi %scan3A_124, %scan3A_125 : i32
        %scan3A_127 = arith.constant 1 : i32
        scf.for %scan3A_165 = %scan3A_124 to %scan3A_126 step %scan3A_127  : i32 {
          %mul3A_166 = arith.constant 16 : i32
          %mul3A_167 = arith.muli %scan3A_165, %mul3A_166 : i32
          %get3A = arith.index_cast %mul3A_167 : i32 to index
          %get3A_168 = tpu.vector_load %arg16[%get3A] {strides = array<i32>} : memref<1024xi32, #tpu.memory_space<vmem>>, vector<16xi32>,
          %get3A_169 = vector.shape_cast %get3A_168 : vector<16xi32> to vector<16xi32>
          %add3A_170 = arith.constant 1003520 : i32
          %add3A_171 = vector.broadcast %add3A_170 : i32 to vector<16xi32>
          %add3A_172 = arith.addi %get3A_169, %add3A_171 : vector<16xi32>
          %mul3A_173 = arith.constant 16 : i32
          %mul3A_174 = arith.muli %scan3A_165, %mul3A_173 : i32
          %swap3A = arith.index_cast %mul3A_174 : i32 to index
          %swap3A_175 = tpu.vector_load %arg17[%swap3A] {strides = array<i32>} : memref<1024xi32, #tpu.memory_space<vmem>>, vector<16xi32>,
          %swap3A_176 = vector.shape_cast %swap3A_175 : vector<16xi32> to vector<16xi32>
          %swap3A_177 = vector.shape_cast %add3A_172 : vector<16xi32> to vector<16xi32>
          tpu.vector_store %arg17[%swap3A], %swap3A_177 {strides = array<i32>} : memref<1024xi32, #tpu.memory_space<vmem>>, vector<16xi32>,
        }
        %scan3A_128 = arith.constant 64 : i32
        %run_scoped3A_129 = arith.constant 10 : i32
        "tpu.region"() ({
          %run_scoped3A_165 = tpu.sem_alloc : memref<!tpu.dma_semaphore, #tpu.memory_space<semaphore_mem>>
          %dma_start3A = arith.constant 0 : i32
          %dma_start3A_166 = tpu.memref_slice %arg15[%run_scoped3A_129, %dma_start3A] : memref<16x1024xf32, #tpu.memory_space<vmem>> -> memref<1x1024xf32, #tpu.memory_space<vmem>>
          %dma_start3A_167 = tpu.memref_squeeze %dma_start3A_166 : memref<1x1024xf32, #tpu.memory_space<vmem>> -> memref<1024xf32, #tpu.memory_space<vmem>>
          %dma_start3A_168 = arith.constant 0 : i32
          %dma_start3A_169 = tpu.memref_slice %arg13[%dma_start3A_168] : memref<1605632xf32, #tpu.memory_space<vmem_shared>> -> memref<1605632xf32, #tpu.memory_space<vmem_shared>>
          tpu.enqueue_indirect_dma source(%dma_start3A_167 : memref<1024xf32, #tpu.memory_space<vmem>>) target(%dma_start3A_169 : memref<1605632xf32, #tpu.memory_space<vmem_shared>>) offsets(%arg17 : memref<1024xi32, #tpu.memory_space<vmem>>) semaphore(%run_scoped3A_165 : memref<!tpu.dma_semaphore, #tpu.memory_space<semaphore_mem>>) {add = true}
          %dma_wait3A = arith.constant 0 : i32
          %dma_wait3A_170 = tpu.memref_slice %arg15[%run_scoped3A_129, %dma_wait3A] : memref<16x1024xf32, #tpu.memory_space<vmem>> -> memref<1x1024xf32, #tpu.memory_space<vmem>>
          %dma_wait3A_171 = tpu.memref_squeeze %dma_wait3A_170 : memref<1x1024xf32, #tpu.memory_space<vmem>> -> memref<1024xf32, #tpu.memory_space<vmem>>
          %dma_wait3A_172 = arith.constant 0 : i32
          %dma_wait3A_173 = tpu.memref_slice %arg13[%dma_wait3A_172] : memref<1605632xf32, #tpu.memory_space<vmem_shared>> -> memref<1605632xf32, #tpu.memory_space<vmem_shared>>
          tpu.wait_indirect_dma semaphore(%run_scoped3A_165 : memref<!tpu.dma_semaphore, #tpu.memory_space<semaphore_mem>>) src(%dma_wait3A_171 : memref<1024xf32, #tpu.memory_space<vmem>>) dst(%dma_wait3A_173 : memref<1605632xf32, #tpu.memory_space<vmem_shared>>)
          tpu.yield
        }) : () -> ()
        %scan3A_130 = arith.constant 0 : i32
        %scan3A_131 = arith.constant 0 : i32
        %scan3A_132 = arith.constant 64 : i32
        %scan3A_133 = arith.addi %scan3A_131, %scan3A_132 : i32
        %scan3A_134 = arith.constant 1 : i32
        scf.for %scan3A_165 = %scan3A_131 to %scan3A_133 step %scan3A_134  : i32 {
          %mul3A_166 = arith.constant 16 : i32
          %mul3A_167 = arith.muli %scan3A_165, %mul3A_166 : i32
          %get3A = arith.index_cast %mul3A_167 : i32 to index
          %get3A_168 = tpu.vector_load %arg16[%get3A] {strides = array<i32>} : memref<1024xi32, #tpu.memory_space<vmem>>, vector<16xi32>,
          %get3A_169 = vector.shape_cast %get3A_168 : vector<16xi32> to vector<16xi32>
          %add3A_170 = arith.constant 1103872 : i32
          %add3A_171 = vector.broadcast %add3A_170 : i32 to vector<16xi32>
          %add3A_172 = arith.addi %get3A_169, %add3A_171 : vector<16xi32>
          %mul3A_173 = arith.constant 16 : i32
          %mul3A_174 = arith.muli %scan3A_165, %mul3A_173 : i32
          %swap3A = arith.index_cast %mul3A_174 : i32 to index
          %swap3A_175 = tpu.vector_load %arg17[%swap3A] {strides = array<i32>} : memref<1024xi32, #tpu.memory_space<vmem>>, vector<16xi32>,
          %swap3A_176 = vector.shape_cast %swap3A_175 : vector<16xi32> to vector<16xi32>
          %swap3A_177 = vector.shape_cast %add3A_172 : vector<16xi32> to vector<16xi32>
          tpu.vector_store %arg17[%swap3A], %swap3A_177 {strides = array<i32>} : memref<1024xi32, #tpu.memory_space<vmem>>, vector<16xi32>,
        }
        %scan3A_135 = arith.constant 64 : i32
        %run_scoped3A_136 = arith.constant 11 : i32
        "tpu.region"() ({
          %run_scoped3A_165 = tpu.sem_alloc : memref<!tpu.dma_semaphore, #tpu.memory_space<semaphore_mem>>
          %dma_start3A = arith.constant 0 : i32
          %dma_start3A_166 = tpu.memref_slice %arg15[%run_scoped3A_136, %dma_start3A] : memref<16x1024xf32, #tpu.memory_space<vmem>> -> memref<1x1024xf32, #tpu.memory_space<vmem>>
          %dma_start3A_167 = tpu.memref_squeeze %dma_start3A_166 : memref<1x1024xf32, #tpu.memory_space<vmem>> -> memref<1024xf32, #tpu.memory_space<vmem>>
          %dma_start3A_168 = arith.constant 0 : i32
          %dma_start3A_169 = tpu.memref_slice %arg13[%dma_start3A_168] : memref<1605632xf32, #tpu.memory_space<vmem_shared>> -> memref<1605632xf32, #tpu.memory_space<vmem_shared>>
          tpu.enqueue_indirect_dma source(%dma_start3A_167 : memref<1024xf32, #tpu.memory_space<vmem>>) target(%dma_start3A_169 : memref<1605632xf32, #tpu.memory_space<vmem_shared>>) offsets(%arg17 : memref<1024xi32, #tpu.memory_space<vmem>>) semaphore(%run_scoped3A_165 : memref<!tpu.dma_semaphore, #tpu.memory_space<semaphore_mem>>) {add = true}
          %dma_wait3A = arith.constant 0 : i32
          %dma_wait3A_170 = tpu.memref_slice %arg15[%run_scoped3A_136, %dma_wait3A] : memref<16x1024xf32, #tpu.memory_space<vmem>> -> memref<1x1024xf32, #tpu.memory_space<vmem>>
          %dma_wait3A_171 = tpu.memref_squeeze %dma_wait3A_170 : memref<1x1024xf32, #tpu.memory_space<vmem>> -> memref<1024xf32, #tpu.memory_space<vmem>>
          %dma_wait3A_172 = arith.constant 0 : i32
          %dma_wait3A_173 = tpu.memref_slice %arg13[%dma_wait3A_172] : memref<1605632xf32, #tpu.memory_space<vmem_shared>> -> memref<1605632xf32, #tpu.memory_space<vmem_shared>>
          tpu.wait_indirect_dma semaphore(%run_scoped3A_165 : memref<!tpu.dma_semaphore, #tpu.memory_space<semaphore_mem>>) src(%dma_wait3A_171 : memref<1024xf32, #tpu.memory_space<vmem>>) dst(%dma_wait3A_173 : memref<1605632xf32, #tpu.memory_space<vmem_shared>>)
          tpu.yield
        }) : () -> ()
        %scan3A_137 = arith.constant 0 : i32
        %scan3A_138 = arith.constant 0 : i32
        %scan3A_139 = arith.constant 64 : i32
        %scan3A_140 = arith.addi %scan3A_138, %scan3A_139 : i32
        %scan3A_141 = arith.constant 1 : i32
        scf.for %scan3A_165 = %scan3A_138 to %scan3A_140 step %scan3A_141  : i32 {
          %mul3A_166 = arith.constant 16 : i32
          %mul3A_167 = arith.muli %scan3A_165, %mul3A_166 : i32
          %get3A = arith.index_cast %mul3A_167 : i32 to index
          %get3A_168 = tpu.vector_load %arg16[%get3A] {strides = array<i32>} : memref<1024xi32, #tpu.memory_space<vmem>>, vector<16xi32>,
          %get3A_169 = vector.shape_cast %get3A_168 : vector<16xi32> to vector<16xi32>
          %add3A_170 = arith.constant 1204224 : i32
          %add3A_171 = vector.broadcast %add3A_170 : i32 to vector<16xi32>
          %add3A_172 = arith.addi %get3A_169, %add3A_171 : vector<16xi32>
          %mul3A_173 = arith.constant 16 : i32
          %mul3A_174 = arith.muli %scan3A_165, %mul3A_173 : i32
          %swap3A = arith.index_cast %mul3A_174 : i32 to index
          %swap3A_175 = tpu.vector_load %arg17[%swap3A] {strides = array<i32>} : memref<1024xi32, #tpu.memory_space<vmem>>, vector<16xi32>,
          %swap3A_176 = vector.shape_cast %swap3A_175 : vector<16xi32> to vector<16xi32>
          %swap3A_177 = vector.shape_cast %add3A_172 : vector<16xi32> to vector<16xi32>
          tpu.vector_store %arg17[%swap3A], %swap3A_177 {strides = array<i32>} : memref<1024xi32, #tpu.memory_space<vmem>>, vector<16xi32>,
        }
        %scan3A_142 = arith.constant 64 : i32
        %run_scoped3A_143 = arith.constant 12 : i32
        "tpu.region"() ({
          %run_scoped3A_165 = tpu.sem_alloc : memref<!tpu.dma_semaphore, #tpu.memory_space<semaphore_mem>>
          %dma_start3A = arith.constant 0 : i32
          %dma_start3A_166 = tpu.memref_slice %arg15[%run_scoped3A_143, %dma_start3A] : memref<16x1024xf32, #tpu.memory_space<vmem>> -> memref<1x1024xf32, #tpu.memory_space<vmem>>
          %dma_start3A_167 = tpu.memref_squeeze %dma_start3A_166 : memref<1x1024xf32, #tpu.memory_space<vmem>> -> memref<1024xf32, #tpu.memory_space<vmem>>
          %dma_start3A_168 = arith.constant 0 : i32
          %dma_start3A_169 = tpu.memref_slice %arg13[%dma_start3A_168] : memref<1605632xf32, #tpu.memory_space<vmem_shared>> -> memref<1605632xf32, #tpu.memory_space<vmem_shared>>
          tpu.enqueue_indirect_dma source(%dma_start3A_167 : memref<1024xf32, #tpu.memory_space<vmem>>) target(%dma_start3A_169 : memref<1605632xf32, #tpu.memory_space<vmem_shared>>) offsets(%arg17 : memref<1024xi32, #tpu.memory_space<vmem>>) semaphore(%run_scoped3A_165 : memref<!tpu.dma_semaphore, #tpu.memory_space<semaphore_mem>>) {add = true}
          %dma_wait3A = arith.constant 0 : i32
          %dma_wait3A_170 = tpu.memref_slice %arg15[%run_scoped3A_143, %dma_wait3A] : memref<16x1024xf32, #tpu.memory_space<vmem>> -> memref<1x1024xf32, #tpu.memory_space<vmem>>
          %dma_wait3A_171 = tpu.memref_squeeze %dma_wait3A_170 : memref<1x1024xf32, #tpu.memory_space<vmem>> -> memref<1024xf32, #tpu.memory_space<vmem>>
          %dma_wait3A_172 = arith.constant 0 : i32
          %dma_wait3A_173 = tpu.memref_slice %arg13[%dma_wait3A_172] : memref<1605632xf32, #tpu.memory_space<vmem_shared>> -> memref<1605632xf32, #tpu.memory_space<vmem_shared>>
          tpu.wait_indirect_dma semaphore(%run_scoped3A_165 : memref<!tpu.dma_semaphore, #tpu.memory_space<semaphore_mem>>) src(%dma_wait3A_171 : memref<1024xf32, #tpu.memory_space<vmem>>) dst(%dma_wait3A_173 : memref<1605632xf32, #tpu.memory_space<vmem_shared>>)
          tpu.yield
        }) : () -> ()
        %scan3A_144 = arith.constant 0 : i32
        %scan3A_145 = arith.constant 0 : i32
        %scan3A_146 = arith.constant 64 : i32
        %scan3A_147 = arith.addi %scan3A_145, %scan3A_146 : i32
        %scan3A_148 = arith.constant 1 : i32
        scf.for %scan3A_165 = %scan3A_145 to %scan3A_147 step %scan3A_148  : i32 {
          %mul3A_166 = arith.constant 16 : i32
          %mul3A_167 = arith.muli %scan3A_165, %mul3A_166 : i32
          %get3A = arith.index_cast %mul3A_167 : i32 to index
          %get3A_168 = tpu.vector_load %arg16[%get3A] {strides = array<i32>} : memref<1024xi32, #tpu.memory_space<vmem>>, vector<16xi32>,
          %get3A_169 = vector.shape_cast %get3A_168 : vector<16xi32> to vector<16xi32>
          %add3A_170 = arith.constant 1304576 : i32
          %add3A_171 = vector.broadcast %add3A_170 : i32 to vector<16xi32>
          %add3A_172 = arith.addi %get3A_169, %add3A_171 : vector<16xi32>
          %mul3A_173 = arith.constant 16 : i32
          %mul3A_174 = arith.muli %scan3A_165, %mul3A_173 : i32
          %swap3A = arith.index_cast %mul3A_174 : i32 to index
          %swap3A_175 = tpu.vector_load %arg17[%swap3A] {strides = array<i32>} : memref<1024xi32, #tpu.memory_space<vmem>>, vector<16xi32>,
          %swap3A_176 = vector.shape_cast %swap3A_175 : vector<16xi32> to vector<16xi32>
          %swap3A_177 = vector.shape_cast %add3A_172 : vector<16xi32> to vector<16xi32>
          tpu.vector_store %arg17[%swap3A], %swap3A_177 {strides = array<i32>} : memref<1024xi32, #tpu.memory_space<vmem>>, vector<16xi32>,
        }
        %scan3A_149 = arith.constant 64 : i32
        %run_scoped3A_150 = arith.constant 13 : i32
        "tpu.region"() ({
          %run_scoped3A_165 = tpu.sem_alloc : memref<!tpu.dma_semaphore, #tpu.memory_space<semaphore_mem>>
          %dma_start3A = arith.constant 0 : i32
          %dma_start3A_166 = tpu.memref_slice %arg15[%run_scoped3A_150, %dma_start3A] : memref<16x1024xf32, #tpu.memory_space<vmem>> -> memref<1x1024xf32, #tpu.memory_space<vmem>>
          %dma_start3A_167 = tpu.memref_squeeze %dma_start3A_166 : memref<1x1024xf32, #tpu.memory_space<vmem>> -> memref<1024xf32, #tpu.memory_space<vmem>>
          %dma_start3A_168 = arith.constant 0 : i32
          %dma_start3A_169 = tpu.memref_slice %arg13[%dma_start3A_168] : memref<1605632xf32, #tpu.memory_space<vmem_shared>> -> memref<1605632xf32, #tpu.memory_space<vmem_shared>>
          tpu.enqueue_indirect_dma source(%dma_start3A_167 : memref<1024xf32, #tpu.memory_space<vmem>>) target(%dma_start3A_169 : memref<1605632xf32, #tpu.memory_space<vmem_shared>>) offsets(%arg17 : memref<1024xi32, #tpu.memory_space<vmem>>) semaphore(%run_scoped3A_165 : memref<!tpu.dma_semaphore, #tpu.memory_space<semaphore_mem>>) {add = true}
          %dma_wait3A = arith.constant 0 : i32
          %dma_wait3A_170 = tpu.memref_slice %arg15[%run_scoped3A_150, %dma_wait3A] : memref<16x1024xf32, #tpu.memory_space<vmem>> -> memref<1x1024xf32, #tpu.memory_space<vmem>>
          %dma_wait3A_171 = tpu.memref_squeeze %dma_wait3A_170 : memref<1x1024xf32, #tpu.memory_space<vmem>> -> memref<1024xf32, #tpu.memory_space<vmem>>
          %dma_wait3A_172 = arith.constant 0 : i32
          %dma_wait3A_173 = tpu.memref_slice %arg13[%dma_wait3A_172] : memref<1605632xf32, #tpu.memory_space<vmem_shared>> -> memref<1605632xf32, #tpu.memory_space<vmem_shared>>
          tpu.wait_indirect_dma semaphore(%run_scoped3A_165 : memref<!tpu.dma_semaphore, #tpu.memory_space<semaphore_mem>>) src(%dma_wait3A_171 : memref<1024xf32, #tpu.memory_space<vmem>>) dst(%dma_wait3A_173 : memref<1605632xf32, #tpu.memory_space<vmem_shared>>)
          tpu.yield
        }) : () -> ()
        %scan3A_151 = arith.constant 0 : i32
        %scan3A_152 = arith.constant 0 : i32
        %scan3A_153 = arith.constant 64 : i32
        %scan3A_154 = arith.addi %scan3A_152, %scan3A_153 : i32
        %scan3A_155 = arith.constant 1 : i32
        scf.for %scan3A_165 = %scan3A_152 to %scan3A_154 step %scan3A_155  : i32 {
          %mul3A_166 = arith.constant 16 : i32
          %mul3A_167 = arith.muli %scan3A_165, %mul3A_166 : i32
          %get3A = arith.index_cast %mul3A_167 : i32 to index
          %get3A_168 = tpu.vector_load %arg16[%get3A] {strides = array<i32>} : memref<1024xi32, #tpu.memory_space<vmem>>, vector<16xi32>,
          %get3A_169 = vector.shape_cast %get3A_168 : vector<16xi32> to vector<16xi32>
          %add3A_170 = arith.constant 1404928 : i32
          %add3A_171 = vector.broadcast %add3A_170 : i32 to vector<16xi32>
          %add3A_172 = arith.addi %get3A_169, %add3A_171 : vector<16xi32>
          %mul3A_173 = arith.constant 16 : i32
          %mul3A_174 = arith.muli %scan3A_165, %mul3A_173 : i32
          %swap3A = arith.index_cast %mul3A_174 : i32 to index
          %swap3A_175 = tpu.vector_load %arg17[%swap3A] {strides = array<i32>} : memref<1024xi32, #tpu.memory_space<vmem>>, vector<16xi32>,
          %swap3A_176 = vector.shape_cast %swap3A_175 : vector<16xi32> to vector<16xi32>
          %swap3A_177 = vector.shape_cast %add3A_172 : vector<16xi32> to vector<16xi32>
          tpu.vector_store %arg17[%swap3A], %swap3A_177 {strides = array<i32>} : memref<1024xi32, #tpu.memory_space<vmem>>, vector<16xi32>,
        }
        %scan3A_156 = arith.constant 64 : i32
        %run_scoped3A_157 = arith.constant 14 : i32
        "tpu.region"() ({
          %run_scoped3A_165 = tpu.sem_alloc : memref<!tpu.dma_semaphore, #tpu.memory_space<semaphore_mem>>
          %dma_start3A = arith.constant 0 : i32
          %dma_start3A_166 = tpu.memref_slice %arg15[%run_scoped3A_157, %dma_start3A] : memref<16x1024xf32, #tpu.memory_space<vmem>> -> memref<1x1024xf32, #tpu.memory_space<vmem>>
          %dma_start3A_167 = tpu.memref_squeeze %dma_start3A_166 : memref<1x1024xf32, #tpu.memory_space<vmem>> -> memref<1024xf32, #tpu.memory_space<vmem>>
          %dma_start3A_168 = arith.constant 0 : i32
          %dma_start3A_169 = tpu.memref_slice %arg13[%dma_start3A_168] : memref<1605632xf32, #tpu.memory_space<vmem_shared>> -> memref<1605632xf32, #tpu.memory_space<vmem_shared>>
          tpu.enqueue_indirect_dma source(%dma_start3A_167 : memref<1024xf32, #tpu.memory_space<vmem>>) target(%dma_start3A_169 : memref<1605632xf32, #tpu.memory_space<vmem_shared>>) offsets(%arg17 : memref<1024xi32, #tpu.memory_space<vmem>>) semaphore(%run_scoped3A_165 : memref<!tpu.dma_semaphore, #tpu.memory_space<semaphore_mem>>) {add = true}
          %dma_wait3A = arith.constant 0 : i32
          %dma_wait3A_170 = tpu.memref_slice %arg15[%run_scoped3A_157, %dma_wait3A] : memref<16x1024xf32, #tpu.memory_space<vmem>> -> memref<1x1024xf32, #tpu.memory_space<vmem>>
          %dma_wait3A_171 = tpu.memref_squeeze %dma_wait3A_170 : memref<1x1024xf32, #tpu.memory_space<vmem>> -> memref<1024xf32, #tpu.memory_space<vmem>>
          %dma_wait3A_172 = arith.constant 0 : i32
          %dma_wait3A_173 = tpu.memref_slice %arg13[%dma_wait3A_172] : memref<1605632xf32, #tpu.memory_space<vmem_shared>> -> memref<1605632xf32, #tpu.memory_space<vmem_shared>>
          tpu.wait_indirect_dma semaphore(%run_scoped3A_165 : memref<!tpu.dma_semaphore, #tpu.memory_space<semaphore_mem>>) src(%dma_wait3A_171 : memref<1024xf32, #tpu.memory_space<vmem>>) dst(%dma_wait3A_173 : memref<1605632xf32, #tpu.memory_space<vmem_shared>>)
          tpu.yield
        }) : () -> ()
        %scan3A_158 = arith.constant 0 : i32
        %scan3A_159 = arith.constant 0 : i32
        %scan3A_160 = arith.constant 64 : i32
        %scan3A_161 = arith.addi %scan3A_159, %scan3A_160 : i32
        %scan3A_162 = arith.constant 1 : i32
        scf.for %scan3A_165 = %scan3A_159 to %scan3A_161 step %scan3A_162  : i32 {
          %mul3A_166 = arith.constant 16 : i32
          %mul3A_167 = arith.muli %scan3A_165, %mul3A_166 : i32
          %get3A = arith.index_cast %mul3A_167 : i32 to index
          %get3A_168 = tpu.vector_load %arg16[%get3A] {strides = array<i32>} : memref<1024xi32, #tpu.memory_space<vmem>>, vector<16xi32>,
          %get3A_169 = vector.shape_cast %get3A_168 : vector<16xi32> to vector<16xi32>
          %add3A_170 = arith.constant 1505280 : i32
          %add3A_171 = vector.broadcast %add3A_170 : i32 to vector<16xi32>
          %add3A_172 = arith.addi %get3A_169, %add3A_171 : vector<16xi32>
          %mul3A_173 = arith.constant 16 : i32
          %mul3A_174 = arith.muli %scan3A_165, %mul3A_173 : i32
          %swap3A = arith.index_cast %mul3A_174 : i32 to index
          %swap3A_175 = tpu.vector_load %arg17[%swap3A] {strides = array<i32>} : memref<1024xi32, #tpu.memory_space<vmem>>, vector<16xi32>,
          %swap3A_176 = vector.shape_cast %swap3A_175 : vector<16xi32> to vector<16xi32>
          %swap3A_177 = vector.shape_cast %add3A_172 : vector<16xi32> to vector<16xi32>
          tpu.vector_store %arg17[%swap3A], %swap3A_177 {strides = array<i32>} : memref<1024xi32, #tpu.memory_space<vmem>>, vector<16xi32>,
        }
        %scan3A_163 = arith.constant 64 : i32
        %run_scoped3A_164 = arith.constant 15 : i32
        "tpu.region"() ({
          %run_scoped3A_165 = tpu.sem_alloc : memref<!tpu.dma_semaphore, #tpu.memory_space<semaphore_mem>>
          %dma_start3A = arith.constant 0 : i32
          %dma_start3A_166 = tpu.memref_slice %arg15[%run_scoped3A_164, %dma_start3A] : memref<16x1024xf32, #tpu.memory_space<vmem>> -> memref<1x1024xf32, #tpu.memory_space<vmem>>
          %dma_start3A_167 = tpu.memref_squeeze %dma_start3A_166 : memref<1x1024xf32, #tpu.memory_space<vmem>> -> memref<1024xf32, #tpu.memory_space<vmem>>
          %dma_start3A_168 = arith.constant 0 : i32
          %dma_start3A_169 = tpu.memref_slice %arg13[%dma_start3A_168] : memref<1605632xf32, #tpu.memory_space<vmem_shared>> -> memref<1605632xf32, #tpu.memory_space<vmem_shared>>
          tpu.enqueue_indirect_dma source(%dma_start3A_167 : memref<1024xf32, #tpu.memory_space<vmem>>) target(%dma_start3A_169 : memref<1605632xf32, #tpu.memory_space<vmem_shared>>) offsets(%arg17 : memref<1024xi32, #tpu.memory_space<vmem>>) semaphore(%run_scoped3A_165 : memref<!tpu.dma_semaphore, #tpu.memory_space<semaphore_mem>>) {add = true}
          %dma_wait3A = arith.constant 0 : i32
          %dma_wait3A_170 = tpu.memref_slice %arg15[%run_scoped3A_164, %dma_wait3A] : memref<16x1024xf32, #tpu.memory_space<vmem>> -> memref<1x1024xf32, #tpu.memory_space<vmem>>
          %dma_wait3A_171 = tpu.memref_squeeze %dma_wait3A_170 : memref<1x1024xf32, #tpu.memory_space<vmem>> -> memref<1024xf32, #tpu.memory_space<vmem>>
          %dma_wait3A_172 = arith.constant 0 : i32
          %dma_wait3A_173 = tpu.memref_slice %arg13[%dma_wait3A_172] : memref<1605632xf32, #tpu.memory_space<vmem_shared>> -> memref<1605632xf32, #tpu.memory_space<vmem_shared>>
          tpu.wait_indirect_dma semaphore(%run_scoped3A_165 : memref<!tpu.dma_semaphore, #tpu.memory_space<semaphore_mem>>) src(%dma_wait3A_171 : memref<1024xf32, #tpu.memory_space<vmem>>) dst(%dma_wait3A_173 : memref<1605632xf32, #tpu.memory_space<vmem_shared>>)
          tpu.yield
        }) : () -> ()
      }
      %scan3A_24 = arith.constant 100 : i32
      %barrier3A_25 = arith.constant 0 : index
      tpu.barrier barrier_id(%barrier3A_25)
      %mul3A = arith.constant 100352 : i32
      %mul3A_26 = arith.muli %arg1, %mul3A : i32
      %mul3A_27 = arith.constant 100352 : i32
      %mul3A_28 = arith.muli %arg1, %mul3A_27 : i32
      "tpu.region"() ({
        %run_scoped3A = tpu.sem_alloc : memref<!tpu.dma_semaphore, #tpu.memory_space<semaphore_mem>>
        %dma_start3A = tpu.memref_slice %arg10[%mul3A_28] : memref<1605632xf32, #tpu.memory_space<hbm>> -> memref<100352xf32, #tpu.memory_space<hbm>>
        %dma_start3A_49 = tpu.memref_slice %arg13[%mul3A_26] : memref<1605632xf32, #tpu.memory_space<vmem_shared>> -> memref<100352xf32, #tpu.memory_space<vmem_shared>>
        tpu.enqueue_dma source(%dma_start3A_49 : memref<100352xf32, #tpu.memory_space<vmem_shared>>) target(%dma_start3A : memref<100352xf32, #tpu.memory_space<hbm>>) target_semaphore(%run_scoped3A : memref<!tpu.dma_semaphore, #tpu.memory_space<semaphore_mem>>)
        %dma_wait3A = tpu.memref_slice %arg10[%mul3A_28] : memref<1605632xf32, #tpu.memory_space<hbm>> -> memref<100352xf32, #tpu.memory_space<hbm>>
        %dma_wait3A_50 = tpu.memref_slice %arg13[%mul3A_26] : memref<1605632xf32, #tpu.memory_space<vmem_shared>> -> memref<100352xf32, #tpu.memory_space<vmem_shared>>
        tpu.wait_dma2 semaphore(%run_scoped3A : memref<!tpu.dma_semaphore, #tpu.memory_space<semaphore_mem>>) src(%dma_wait3A_50 : memref<100352xf32, #tpu.memory_space<vmem_shared>>) dst(%dma_wait3A : memref<100352xf32, #tpu.memory_space<hbm>>)
        tpu.yield
      }) : () -> ()
      %barrier3A_29 = arith.constant 0 : index
      tpu.barrier barrier_id(%barrier3A_29)
      %scan3A_30 = arith.constant 0 : i32
      %scan3A_31 = arith.constant 0 : i32
      %scan3A_32 = arith.constant 64 : i32
      %scan3A_33 = arith.addi %scan3A_31, %scan3A_32 : i32
      %scan3A_34 = arith.constant 1 : i32
      scf.for %scan3A_49 = %scan3A_31 to %scan3A_33 step %scan3A_34  : i32 {
        %mul3A_50 = arith.constant 100352 : i32
        %mul3A_51 = arith.muli %arg1, %mul3A_50 : i32
        %mul3A_52 = arith.constant 1568 : i32
        %mul3A_53 = arith.muli %scan3A_49, %mul3A_52 : i32
        %add3A = arith.addi %mul3A_51, %mul3A_53 : i32
        "tpu.region"() ({
          %run_scoped3A = tpu.sem_alloc : memref<!tpu.dma_semaphore, #tpu.memory_space<semaphore_mem>>
          %dma_start3A = tpu.memref_slice %arg13[%add3A] : memref<1605632xf32, #tpu.memory_space<vmem_shared>> -> memref<1568xf32, #tpu.memory_space<vmem_shared>>
          %dma_start3A_54 = tpu.memref_slice %arg13[%add3A] : memref<1605632xf32, #tpu.memory_space<vmem_shared>> -> memref<1568xf32, #tpu.memory_space<vmem_shared>>
          tpu.enqueue_dma source(%arg19 : memref<1568xf32, #tpu.memory_space<vmem>>) target(%dma_start3A_54 : memref<1568xf32, #tpu.memory_space<vmem_shared>>) target_semaphore(%run_scoped3A : memref<!tpu.dma_semaphore, #tpu.memory_space<semaphore_mem>>)
          %dma_wait3A = tpu.memref_slice %arg13[%add3A] : memref<1605632xf32, #tpu.memory_space<vmem_shared>> -> memref<1568xf32, #tpu.memory_space<vmem_shared>>
          %dma_wait3A_55 = tpu.memref_slice %arg13[%add3A] : memref<1605632xf32, #tpu.memory_space<vmem_shared>> -> memref<1568xf32, #tpu.memory_space<vmem_shared>>
          tpu.wait_dma2 semaphore(%run_scoped3A : memref<!tpu.dma_semaphore, #tpu.memory_space<semaphore_mem>>) src(%arg19 : memref<1568xf32, #tpu.memory_space<vmem>>) dst(%dma_wait3A_55 : memref<1568xf32, #tpu.memory_space<vmem_shared>>)
          tpu.yield
        }) : () -> ()
      }
      %scan3A_35 = arith.constant 64 : i32
      %barrier3A_36 = arith.constant 0 : index
      tpu.barrier barrier_id(%barrier3A_36)
      %scan3A_37 = arith.constant 0 : i32
      %scan3A_38 = arith.constant 0 : i32
      %scan3A_39 = arith.constant 100 : i32
      %scan3A_40 = arith.addi %scan3A_38, %scan3A_39 : i32
      %scan3A_41 = arith.constant 1 : i32
      scf.for %scan3A_49 = %scan3A_38 to %scan3A_40 step %scan3A_41  : i32 {
        %mul3A_50 = arith.constant 102400 : i32
        %mul3A_51 = arith.muli %arg1, %mul3A_50 : i32
        %mul3A_52 = arith.constant 1024 : i32
        %mul3A_53 = arith.muli %scan3A_49, %mul3A_52 : i32
        %add3A = arith.addi %mul3A_51, %mul3A_53 : i32
        "tpu.region"() ({
          %run_scoped3A_165 = tpu.sem_alloc : memref<!tpu.dma_semaphore, #tpu.memory_space<semaphore_mem>>
          %dma_start3A = tpu.memref_slice %arg7[%add3A] : memref<1638400xi32, #tpu.memory_space<hbm>> -> memref<1024xi32, #tpu.memory_space<hbm>>
          %dma_start3A_166 = tpu.memref_slice %arg7[%add3A] : memref<1638400xi32, #tpu.memory_space<hbm>> -> memref<1024xi32, #tpu.memory_space<hbm>>
          tpu.enqueue_dma source(%dma_start3A_166 : memref<1024xi32, #tpu.memory_space<hbm>>) target(%arg16 : memref<1024xi32, #tpu.memory_space<vmem>>) target_semaphore(%run_scoped3A_165 : memref<!tpu.dma_semaphore, #tpu.memory_space<semaphore_mem>>)
          %dma_wait3A = tpu.memref_slice %arg7[%add3A] : memref<1638400xi32, #tpu.memory_space<hbm>> -> memref<1024xi32, #tpu.memory_space<hbm>>
          %dma_wait3A_167 = tpu.memref_slice %arg7[%add3A] : memref<1638400xi32, #tpu.memory_space<hbm>> -> memref<1024xi32, #tpu.memory_space<hbm>>
          tpu.wait_dma2 semaphore(%run_scoped3A_165 : memref<!tpu.dma_semaphore, #tpu.memory_space<semaphore_mem>>) src(%dma_wait3A_167 : memref<1024xi32, #tpu.memory_space<hbm>>) dst(%arg16 : memref<1024xi32, #tpu.memory_space<vmem>>)
          tpu.yield
        }) : () -> ()
        "tpu.region"() ({
          %run_scoped3A_165 = tpu.sem_alloc : memref<!tpu.dma_semaphore, #tpu.memory_space<semaphore_mem>>
          %dma_start3A = arith.constant 0 : i32
          %dma_start3A_166 = tpu.memref_slice %arg5[%dma_start3A, %add3A] : memref<16x1638400xf32, #tpu.memory_space<hbm>> -> memref<16x1024xf32, #tpu.memory_space<hbm>>
          %dma_start3A_167 = arith.constant 0 : i32
          %dma_start3A_168 = tpu.memref_slice %arg5[%dma_start3A_167, %add3A] : memref<16x1638400xf32, #tpu.memory_space<hbm>> -> memref<16x1024xf32, #tpu.memory_space<hbm>>
          tpu.enqueue_dma source(%dma_start3A_168 : memref<16x1024xf32, #tpu.memory_space<hbm>>) target(%arg15 : memref<16x1024xf32, #tpu.memory_space<vmem>>) target_semaphore(%run_scoped3A_165 : memref<!tpu.dma_semaphore, #tpu.memory_space<semaphore_mem>>)
          %dma_wait3A = arith.constant 0 : i32
          %dma_wait3A_169 = tpu.memref_slice %arg5[%dma_wait3A, %add3A] : memref<16x1638400xf32, #tpu.memory_space<hbm>> -> memref<16x1024xf32, #tpu.memory_space<hbm>>
          %dma_wait3A_170 = arith.constant 0 : i32
          %dma_wait3A_171 = tpu.memref_slice %arg5[%dma_wait3A_170, %add3A] : memref<16x1638400xf32, #tpu.memory_space<hbm>> -> memref<16x1024xf32, #tpu.memory_space<hbm>>
          tpu.wait_dma2 semaphore(%run_scoped3A_165 : memref<!tpu.dma_semaphore, #tpu.memory_space<semaphore_mem>>) src(%dma_wait3A_171 : memref<16x1024xf32, #tpu.memory_space<hbm>>) dst(%arg15 : memref<16x1024xf32, #tpu.memory_space<vmem>>)
          tpu.yield
        }) : () -> ()
        %scan3A_54 = arith.constant 0 : i32
        %scan3A_55 = arith.constant 0 : i32
        %scan3A_56 = arith.constant 64 : i32
        %scan3A_57 = arith.addi %scan3A_55, %scan3A_56 : i32
        %scan3A_58 = arith.constant 1 : i32
        scf.for %scan3A_165 = %scan3A_55 to %scan3A_57 step %scan3A_58  : i32 {
          %mul3A_166 = arith.constant 16 : i32
          %mul3A_167 = arith.muli %scan3A_165, %mul3A_166 : i32
          %get3A = arith.index_cast %mul3A_167 : i32 to index
          %get3A_168 = tpu.vector_load %arg16[%get3A] {strides = array<i32>} : memref<1024xi32, #tpu.memory_space<vmem>>, vector<16xi32>,
          %get3A_169 = vector.shape_cast %get3A_168 : vector<16xi32> to vector<16xi32>
          %add3A_170 = arith.constant 0 : i32
          %add3A_171 = vector.broadcast %add3A_170 : i32 to vector<16xi32>
          %add3A_172 = arith.addi %get3A_169, %add3A_171 : vector<16xi32>
          %mul3A_173 = arith.constant 16 : i32
          %mul3A_174 = arith.muli %scan3A_165, %mul3A_173 : i32
          %swap3A = arith.index_cast %mul3A_174 : i32 to index
          %swap3A_175 = tpu.vector_load %arg17[%swap3A] {strides = array<i32>} : memref<1024xi32, #tpu.memory_space<vmem>>, vector<16xi32>,
          %swap3A_176 = vector.shape_cast %swap3A_175 : vector<16xi32> to vector<16xi32>
          %swap3A_177 = vector.shape_cast %add3A_172 : vector<16xi32> to vector<16xi32>
          tpu.vector_store %arg17[%swap3A], %swap3A_177 {strides = array<i32>} : memref<1024xi32, #tpu.memory_space<vmem>>, vector<16xi32>,
        }
        %scan3A_59 = arith.constant 64 : i32
        %run_scoped3A = arith.constant 0 : i32
        "tpu.region"() ({
          %run_scoped3A_165 = tpu.sem_alloc : memref<!tpu.dma_semaphore, #tpu.memory_space<semaphore_mem>>
          %dma_start3A = arith.constant 0 : i32
          %dma_start3A_166 = tpu.memref_slice %arg15[%run_scoped3A, %dma_start3A] : memref<16x1024xf32, #tpu.memory_space<vmem>> -> memref<1x1024xf32, #tpu.memory_space<vmem>>
          %dma_start3A_167 = tpu.memref_squeeze %dma_start3A_166 : memref<1x1024xf32, #tpu.memory_space<vmem>> -> memref<1024xf32, #tpu.memory_space<vmem>>
          %dma_start3A_168 = arith.constant 0 : i32
          %dma_start3A_169 = tpu.memref_slice %arg13[%dma_start3A_168] : memref<1605632xf32, #tpu.memory_space<vmem_shared>> -> memref<1605632xf32, #tpu.memory_space<vmem_shared>>
          tpu.enqueue_indirect_dma source(%dma_start3A_167 : memref<1024xf32, #tpu.memory_space<vmem>>) target(%dma_start3A_169 : memref<1605632xf32, #tpu.memory_space<vmem_shared>>) offsets(%arg17 : memref<1024xi32, #tpu.memory_space<vmem>>) semaphore(%run_scoped3A_165 : memref<!tpu.dma_semaphore, #tpu.memory_space<semaphore_mem>>) {add = true}
          %dma_wait3A = arith.constant 0 : i32
          %dma_wait3A_170 = tpu.memref_slice %arg15[%run_scoped3A, %dma_wait3A] : memref<16x1024xf32, #tpu.memory_space<vmem>> -> memref<1x1024xf32, #tpu.memory_space<vmem>>
          %dma_wait3A_171 = tpu.memref_squeeze %dma_wait3A_170 : memref<1x1024xf32, #tpu.memory_space<vmem>> -> memref<1024xf32, #tpu.memory_space<vmem>>
          %dma_wait3A_172 = arith.constant 0 : i32
          %dma_wait3A_173 = tpu.memref_slice %arg13[%dma_wait3A_172] : memref<1605632xf32, #tpu.memory_space<vmem_shared>> -> memref<1605632xf32, #tpu.memory_space<vmem_shared>>
          tpu.wait_indirect_dma semaphore(%run_scoped3A_165 : memref<!tpu.dma_semaphore, #tpu.memory_space<semaphore_mem>>) src(%dma_wait3A_171 : memref<1024xf32, #tpu.memory_space<vmem>>) dst(%dma_wait3A_173 : memref<1605632xf32, #tpu.memory_space<vmem_shared>>)
          tpu.yield
        }) : () -> ()
        %scan3A_60 = arith.constant 0 : i32
        %scan3A_61 = arith.constant 0 : i32
        %scan3A_62 = arith.constant 64 : i32
        %scan3A_63 = arith.addi %scan3A_61, %scan3A_62 : i32
        %scan3A_64 = arith.constant 1 : i32
        scf.for %scan3A_165 = %scan3A_61 to %scan3A_63 step %scan3A_64  : i32 {
          %mul3A_166 = arith.constant 16 : i32
          %mul3A_167 = arith.muli %scan3A_165, %mul3A_166 : i32
          %get3A = arith.index_cast %mul3A_167 : i32 to index
          %get3A_168 = tpu.vector_load %arg16[%get3A] {strides = array<i32>} : memref<1024xi32, #tpu.memory_space<vmem>>, vector<16xi32>,
          %get3A_169 = vector.shape_cast %get3A_168 : vector<16xi32> to vector<16xi32>
          %add3A_170 = arith.constant 100352 : i32
          %add3A_171 = vector.broadcast %add3A_170 : i32 to vector<16xi32>
          %add3A_172 = arith.addi %get3A_169, %add3A_171 : vector<16xi32>
          %mul3A_173 = arith.constant 16 : i32
          %mul3A_174 = arith.muli %scan3A_165, %mul3A_173 : i32
          %swap3A = arith.index_cast %mul3A_174 : i32 to index
          %swap3A_175 = tpu.vector_load %arg17[%swap3A] {strides = array<i32>} : memref<1024xi32, #tpu.memory_space<vmem>>, vector<16xi32>,
          %swap3A_176 = vector.shape_cast %swap3A_175 : vector<16xi32> to vector<16xi32>
          %swap3A_177 = vector.shape_cast %add3A_172 : vector<16xi32> to vector<16xi32>
          tpu.vector_store %arg17[%swap3A], %swap3A_177 {strides = array<i32>} : memref<1024xi32, #tpu.memory_space<vmem>>, vector<16xi32>,
        }
        %scan3A_65 = arith.constant 64 : i32
        %run_scoped3A_66 = arith.constant 1 : i32
        "tpu.region"() ({
          %run_scoped3A_165 = tpu.sem_alloc : memref<!tpu.dma_semaphore, #tpu.memory_space<semaphore_mem>>
          %dma_start3A = arith.constant 0 : i32
          %dma_start3A_166 = tpu.memref_slice %arg15[%run_scoped3A_66, %dma_start3A] : memref<16x1024xf32, #tpu.memory_space<vmem>> -> memref<1x1024xf32, #tpu.memory_space<vmem>>
          %dma_start3A_167 = tpu.memref_squeeze %dma_start3A_166 : memref<1x1024xf32, #tpu.memory_space<vmem>> -> memref<1024xf32, #tpu.memory_space<vmem>>
          %dma_start3A_168 = arith.constant 0 : i32
          %dma_start3A_169 = tpu.memref_slice %arg13[%dma_start3A_168] : memref<1605632xf32, #tpu.memory_space<vmem_shared>> -> memref<1605632xf32, #tpu.memory_space<vmem_shared>>
          tpu.enqueue_indirect_dma source(%dma_start3A_167 : memref<1024xf32, #tpu.memory_space<vmem>>) target(%dma_start3A_169 : memref<1605632xf32, #tpu.memory_space<vmem_shared>>) offsets(%arg17 : memref<1024xi32, #tpu.memory_space<vmem>>) semaphore(%run_scoped3A_165 : memref<!tpu.dma_semaphore, #tpu.memory_space<semaphore_mem>>) {add = true}
          %dma_wait3A = arith.constant 0 : i32
          %dma_wait3A_170 = tpu.memref_slice %arg15[%run_scoped3A_66, %dma_wait3A] : memref<16x1024xf32, #tpu.memory_space<vmem>> -> memref<1x1024xf32, #tpu.memory_space<vmem>>
          %dma_wait3A_171 = tpu.memref_squeeze %dma_wait3A_170 : memref<1x1024xf32, #tpu.memory_space<vmem>> -> memref<1024xf32, #tpu.memory_space<vmem>>
          %dma_wait3A_172 = arith.constant 0 : i32
          %dma_wait3A_173 = tpu.memref_slice %arg13[%dma_wait3A_172] : memref<1605632xf32, #tpu.memory_space<vmem_shared>> -> memref<1605632xf32, #tpu.memory_space<vmem_shared>>
          tpu.wait_indirect_dma semaphore(%run_scoped3A_165 : memref<!tpu.dma_semaphore, #tpu.memory_space<semaphore_mem>>) src(%dma_wait3A_171 : memref<1024xf32, #tpu.memory_space<vmem>>) dst(%dma_wait3A_173 : memref<1605632xf32, #tpu.memory_space<vmem_shared>>)
          tpu.yield
        }) : () -> ()
        %scan3A_67 = arith.constant 0 : i32
        %scan3A_68 = arith.constant 0 : i32
        %scan3A_69 = arith.constant 64 : i32
        %scan3A_70 = arith.addi %scan3A_68, %scan3A_69 : i32
        %scan3A_71 = arith.constant 1 : i32
        scf.for %scan3A_165 = %scan3A_68 to %scan3A_70 step %scan3A_71  : i32 {
          %mul3A_166 = arith.constant 16 : i32
          %mul3A_167 = arith.muli %scan3A_165, %mul3A_166 : i32
          %get3A = arith.index_cast %mul3A_167 : i32 to index
          %get3A_168 = tpu.vector_load %arg16[%get3A] {strides = array<i32>} : memref<1024xi32, #tpu.memory_space<vmem>>, vector<16xi32>,
          %get3A_169 = vector.shape_cast %get3A_168 : vector<16xi32> to vector<16xi32>
          %add3A_170 = arith.constant 200704 : i32
          %add3A_171 = vector.broadcast %add3A_170 : i32 to vector<16xi32>
          %add3A_172 = arith.addi %get3A_169, %add3A_171 : vector<16xi32>
          %mul3A_173 = arith.constant 16 : i32
          %mul3A_174 = arith.muli %scan3A_165, %mul3A_173 : i32
          %swap3A = arith.index_cast %mul3A_174 : i32 to index
          %swap3A_175 = tpu.vector_load %arg17[%swap3A] {strides = array<i32>} : memref<1024xi32, #tpu.memory_space<vmem>>, vector<16xi32>,
          %swap3A_176 = vector.shape_cast %swap3A_175 : vector<16xi32> to vector<16xi32>
          %swap3A_177 = vector.shape_cast %add3A_172 : vector<16xi32> to vector<16xi32>
          tpu.vector_store %arg17[%swap3A], %swap3A_177 {strides = array<i32>} : memref<1024xi32, #tpu.memory_space<vmem>>, vector<16xi32>,
        }
        %scan3A_72 = arith.constant 64 : i32
        %run_scoped3A_73 = arith.constant 2 : i32
        "tpu.region"() ({
          %run_scoped3A_165 = tpu.sem_alloc : memref<!tpu.dma_semaphore, #tpu.memory_space<semaphore_mem>>
          %dma_start3A = arith.constant 0 : i32
          %dma_start3A_166 = tpu.memref_slice %arg15[%run_scoped3A_73, %dma_start3A] : memref<16x1024xf32, #tpu.memory_space<vmem>> -> memref<1x1024xf32, #tpu.memory_space<vmem>>
          %dma_start3A_167 = tpu.memref_squeeze %dma_start3A_166 : memref<1x1024xf32, #tpu.memory_space<vmem>> -> memref<1024xf32, #tpu.memory_space<vmem>>
          %dma_start3A_168 = arith.constant 0 : i32
          %dma_start3A_169 = tpu.memref_slice %arg13[%dma_start3A_168] : memref<1605632xf32, #tpu.memory_space<vmem_shared>> -> memref<1605632xf32, #tpu.memory_space<vmem_shared>>
          tpu.enqueue_indirect_dma source(%dma_start3A_167 : memref<1024xf32, #tpu.memory_space<vmem>>) target(%dma_start3A_169 : memref<1605632xf32, #tpu.memory_space<vmem_shared>>) offsets(%arg17 : memref<1024xi32, #tpu.memory_space<vmem>>) semaphore(%run_scoped3A_165 : memref<!tpu.dma_semaphore, #tpu.memory_space<semaphore_mem>>) {add = true}
          %dma_wait3A = arith.constant 0 : i32
          %dma_wait3A_170 = tpu.memref_slice %arg15[%run_scoped3A_73, %dma_wait3A] : memref<16x1024xf32, #tpu.memory_space<vmem>> -> memref<1x1024xf32, #tpu.memory_space<vmem>>
          %dma_wait3A_171 = tpu.memref_squeeze %dma_wait3A_170 : memref<1x1024xf32, #tpu.memory_space<vmem>> -> memref<1024xf32, #tpu.memory_space<vmem>>
          %dma_wait3A_172 = arith.constant 0 : i32
          %dma_wait3A_173 = tpu.memref_slice %arg13[%dma_wait3A_172] : memref<1605632xf32, #tpu.memory_space<vmem_shared>> -> memref<1605632xf32, #tpu.memory_space<vmem_shared>>
          tpu.wait_indirect_dma semaphore(%run_scoped3A_165 : memref<!tpu.dma_semaphore, #tpu.memory_space<semaphore_mem>>) src(%dma_wait3A_171 : memref<1024xf32, #tpu.memory_space<vmem>>) dst(%dma_wait3A_173 : memref<1605632xf32, #tpu.memory_space<vmem_shared>>)
          tpu.yield
        }) : () -> ()
        %scan3A_74 = arith.constant 0 : i32
        %scan3A_75 = arith.constant 0 : i32
        %scan3A_76 = arith.constant 64 : i32
        %scan3A_77 = arith.addi %scan3A_75, %scan3A_76 : i32
        %scan3A_78 = arith.constant 1 : i32
        scf.for %scan3A_165 = %scan3A_75 to %scan3A_77 step %scan3A_78  : i32 {
          %mul3A_166 = arith.constant 16 : i32
          %mul3A_167 = arith.muli %scan3A_165, %mul3A_166 : i32
          %get3A = arith.index_cast %mul3A_167 : i32 to index
          %get3A_168 = tpu.vector_load %arg16[%get3A] {strides = array<i32>} : memref<1024xi32, #tpu.memory_space<vmem>>, vector<16xi32>,
          %get3A_169 = vector.shape_cast %get3A_168 : vector<16xi32> to vector<16xi32>
          %add3A_170 = arith.constant 301056 : i32
          %add3A_171 = vector.broadcast %add3A_170 : i32 to vector<16xi32>
          %add3A_172 = arith.addi %get3A_169, %add3A_171 : vector<16xi32>
          %mul3A_173 = arith.constant 16 : i32
          %mul3A_174 = arith.muli %scan3A_165, %mul3A_173 : i32
          %swap3A = arith.index_cast %mul3A_174 : i32 to index
          %swap3A_175 = tpu.vector_load %arg17[%swap3A] {strides = array<i32>} : memref<1024xi32, #tpu.memory_space<vmem>>, vector<16xi32>,
          %swap3A_176 = vector.shape_cast %swap3A_175 : vector<16xi32> to vector<16xi32>
          %swap3A_177 = vector.shape_cast %add3A_172 : vector<16xi32> to vector<16xi32>
          tpu.vector_store %arg17[%swap3A], %swap3A_177 {strides = array<i32>} : memref<1024xi32, #tpu.memory_space<vmem>>, vector<16xi32>,
        }
        %scan3A_79 = arith.constant 64 : i32
        %run_scoped3A_80 = arith.constant 3 : i32
        "tpu.region"() ({
          %run_scoped3A_165 = tpu.sem_alloc : memref<!tpu.dma_semaphore, #tpu.memory_space<semaphore_mem>>
          %dma_start3A = arith.constant 0 : i32
          %dma_start3A_166 = tpu.memref_slice %arg15[%run_scoped3A_80, %dma_start3A] : memref<16x1024xf32, #tpu.memory_space<vmem>> -> memref<1x1024xf32, #tpu.memory_space<vmem>>
          %dma_start3A_167 = tpu.memref_squeeze %dma_start3A_166 : memref<1x1024xf32, #tpu.memory_space<vmem>> -> memref<1024xf32, #tpu.memory_space<vmem>>
          %dma_start3A_168 = arith.constant 0 : i32
          %dma_start3A_169 = tpu.memref_slice %arg13[%dma_start3A_168] : memref<1605632xf32, #tpu.memory_space<vmem_shared>> -> memref<1605632xf32, #tpu.memory_space<vmem_shared>>
          tpu.enqueue_indirect_dma source(%dma_start3A_167 : memref<1024xf32, #tpu.memory_space<vmem>>) target(%dma_start3A_169 : memref<1605632xf32, #tpu.memory_space<vmem_shared>>) offsets(%arg17 : memref<1024xi32, #tpu.memory_space<vmem>>) semaphore(%run_scoped3A_165 : memref<!tpu.dma_semaphore, #tpu.memory_space<semaphore_mem>>) {add = true}
          %dma_wait3A = arith.constant 0 : i32
          %dma_wait3A_170 = tpu.memref_slice %arg15[%run_scoped3A_80, %dma_wait3A] : memref<16x1024xf32, #tpu.memory_space<vmem>> -> memref<1x1024xf32, #tpu.memory_space<vmem>>
          %dma_wait3A_171 = tpu.memref_squeeze %dma_wait3A_170 : memref<1x1024xf32, #tpu.memory_space<vmem>> -> memref<1024xf32, #tpu.memory_space<vmem>>
          %dma_wait3A_172 = arith.constant 0 : i32
          %dma_wait3A_173 = tpu.memref_slice %arg13[%dma_wait3A_172] : memref<1605632xf32, #tpu.memory_space<vmem_shared>> -> memref<1605632xf32, #tpu.memory_space<vmem_shared>>
          tpu.wait_indirect_dma semaphore(%run_scoped3A_165 : memref<!tpu.dma_semaphore, #tpu.memory_space<semaphore_mem>>) src(%dma_wait3A_171 : memref<1024xf32, #tpu.memory_space<vmem>>) dst(%dma_wait3A_173 : memref<1605632xf32, #tpu.memory_space<vmem_shared>>)
          tpu.yield
        }) : () -> ()
        %scan3A_81 = arith.constant 0 : i32
        %scan3A_82 = arith.constant 0 : i32
        %scan3A_83 = arith.constant 64 : i32
        %scan3A_84 = arith.addi %scan3A_82, %scan3A_83 : i32
        %scan3A_85 = arith.constant 1 : i32
        scf.for %scan3A_165 = %scan3A_82 to %scan3A_84 step %scan3A_85  : i32 {
          %mul3A_166 = arith.constant 16 : i32
          %mul3A_167 = arith.muli %scan3A_165, %mul3A_166 : i32
          %get3A = arith.index_cast %mul3A_167 : i32 to index
          %get3A_168 = tpu.vector_load %arg16[%get3A] {strides = array<i32>} : memref<1024xi32, #tpu.memory_space<vmem>>, vector<16xi32>,
          %get3A_169 = vector.shape_cast %get3A_168 : vector<16xi32> to vector<16xi32>
          %add3A_170 = arith.constant 401408 : i32
          %add3A_171 = vector.broadcast %add3A_170 : i32 to vector<16xi32>
          %add3A_172 = arith.addi %get3A_169, %add3A_171 : vector<16xi32>
          %mul3A_173 = arith.constant 16 : i32
          %mul3A_174 = arith.muli %scan3A_165, %mul3A_173 : i32
          %swap3A = arith.index_cast %mul3A_174 : i32 to index
          %swap3A_175 = tpu.vector_load %arg17[%swap3A] {strides = array<i32>} : memref<1024xi32, #tpu.memory_space<vmem>>, vector<16xi32>,
          %swap3A_176 = vector.shape_cast %swap3A_175 : vector<16xi32> to vector<16xi32>
          %swap3A_177 = vector.shape_cast %add3A_172 : vector<16xi32> to vector<16xi32>
          tpu.vector_store %arg17[%swap3A], %swap3A_177 {strides = array<i32>} : memref<1024xi32, #tpu.memory_space<vmem>>, vector<16xi32>,
        }
        %scan3A_86 = arith.constant 64 : i32
        %run_scoped3A_87 = arith.constant 4 : i32
        "tpu.region"() ({
          %run_scoped3A_165 = tpu.sem_alloc : memref<!tpu.dma_semaphore, #tpu.memory_space<semaphore_mem>>
          %dma_start3A = arith.constant 0 : i32
          %dma_start3A_166 = tpu.memref_slice %arg15[%run_scoped3A_87, %dma_start3A] : memref<16x1024xf32, #tpu.memory_space<vmem>> -> memref<1x1024xf32, #tpu.memory_space<vmem>>
          %dma_start3A_167 = tpu.memref_squeeze %dma_start3A_166 : memref<1x1024xf32, #tpu.memory_space<vmem>> -> memref<1024xf32, #tpu.memory_space<vmem>>
          %dma_start3A_168 = arith.constant 0 : i32
          %dma_start3A_169 = tpu.memref_slice %arg13[%dma_start3A_168] : memref<1605632xf32, #tpu.memory_space<vmem_shared>> -> memref<1605632xf32, #tpu.memory_space<vmem_shared>>
          tpu.enqueue_indirect_dma source(%dma_start3A_167 : memref<1024xf32, #tpu.memory_space<vmem>>) target(%dma_start3A_169 : memref<1605632xf32, #tpu.memory_space<vmem_shared>>) offsets(%arg17 : memref<1024xi32, #tpu.memory_space<vmem>>) semaphore(%run_scoped3A_165 : memref<!tpu.dma_semaphore, #tpu.memory_space<semaphore_mem>>) {add = true}
          %dma_wait3A = arith.constant 0 : i32
          %dma_wait3A_170 = tpu.memref_slice %arg15[%run_scoped3A_87, %dma_wait3A] : memref<16x1024xf32, #tpu.memory_space<vmem>> -> memref<1x1024xf32, #tpu.memory_space<vmem>>
          %dma_wait3A_171 = tpu.memref_squeeze %dma_wait3A_170 : memref<1x1024xf32, #tpu.memory_space<vmem>> -> memref<1024xf32, #tpu.memory_space<vmem>>
          %dma_wait3A_172 = arith.constant 0 : i32
          %dma_wait3A_173 = tpu.memref_slice %arg13[%dma_wait3A_172] : memref<1605632xf32, #tpu.memory_space<vmem_shared>> -> memref<1605632xf32, #tpu.memory_space<vmem_shared>>
          tpu.wait_indirect_dma semaphore(%run_scoped3A_165 : memref<!tpu.dma_semaphore, #tpu.memory_space<semaphore_mem>>) src(%dma_wait3A_171 : memref<1024xf32, #tpu.memory_space<vmem>>) dst(%dma_wait3A_173 : memref<1605632xf32, #tpu.memory_space<vmem_shared>>)
          tpu.yield
        }) : () -> ()
        %scan3A_88 = arith.constant 0 : i32
        %scan3A_89 = arith.constant 0 : i32
        %scan3A_90 = arith.constant 64 : i32
        %scan3A_91 = arith.addi %scan3A_89, %scan3A_90 : i32
        %scan3A_92 = arith.constant 1 : i32
        scf.for %scan3A_165 = %scan3A_89 to %scan3A_91 step %scan3A_92  : i32 {
          %mul3A_166 = arith.constant 16 : i32
          %mul3A_167 = arith.muli %scan3A_165, %mul3A_166 : i32
          %get3A = arith.index_cast %mul3A_167 : i32 to index
          %get3A_168 = tpu.vector_load %arg16[%get3A] {strides = array<i32>} : memref<1024xi32, #tpu.memory_space<vmem>>, vector<16xi32>,
          %get3A_169 = vector.shape_cast %get3A_168 : vector<16xi32> to vector<16xi32>
          %add3A_170 = arith.constant 501760 : i32
          %add3A_171 = vector.broadcast %add3A_170 : i32 to vector<16xi32>
          %add3A_172 = arith.addi %get3A_169, %add3A_171 : vector<16xi32>
          %mul3A_173 = arith.constant 16 : i32
          %mul3A_174 = arith.muli %scan3A_165, %mul3A_173 : i32
          %swap3A = arith.index_cast %mul3A_174 : i32 to index
          %swap3A_175 = tpu.vector_load %arg17[%swap3A] {strides = array<i32>} : memref<1024xi32, #tpu.memory_space<vmem>>, vector<16xi32>,
          %swap3A_176 = vector.shape_cast %swap3A_175 : vector<16xi32> to vector<16xi32>
          %swap3A_177 = vector.shape_cast %add3A_172 : vector<16xi32> to vector<16xi32>
          tpu.vector_store %arg17[%swap3A], %swap3A_177 {strides = array<i32>} : memref<1024xi32, #tpu.memory_space<vmem>>, vector<16xi32>,
        }
        %scan3A_93 = arith.constant 64 : i32
        %run_scoped3A_94 = arith.constant 5 : i32
        "tpu.region"() ({
          %run_scoped3A_165 = tpu.sem_alloc : memref<!tpu.dma_semaphore, #tpu.memory_space<semaphore_mem>>
          %dma_start3A = arith.constant 0 : i32
          %dma_start3A_166 = tpu.memref_slice %arg15[%run_scoped3A_94, %dma_start3A] : memref<16x1024xf32, #tpu.memory_space<vmem>> -> memref<1x1024xf32, #tpu.memory_space<vmem>>
          %dma_start3A_167 = tpu.memref_squeeze %dma_start3A_166 : memref<1x1024xf32, #tpu.memory_space<vmem>> -> memref<1024xf32, #tpu.memory_space<vmem>>
          %dma_start3A_168 = arith.constant 0 : i32
          %dma_start3A_169 = tpu.memref_slice %arg13[%dma_start3A_168] : memref<1605632xf32, #tpu.memory_space<vmem_shared>> -> memref<1605632xf32, #tpu.memory_space<vmem_shared>>
          tpu.enqueue_indirect_dma source(%dma_start3A_167 : memref<1024xf32, #tpu.memory_space<vmem>>) target(%dma_start3A_169 : memref<1605632xf32, #tpu.memory_space<vmem_shared>>) offsets(%arg17 : memref<1024xi32, #tpu.memory_space<vmem>>) semaphore(%run_scoped3A_165 : memref<!tpu.dma_semaphore, #tpu.memory_space<semaphore_mem>>) {add = true}
          %dma_wait3A = arith.constant 0 : i32
          %dma_wait3A_170 = tpu.memref_slice %arg15[%run_scoped3A_94, %dma_wait3A] : memref<16x1024xf32, #tpu.memory_space<vmem>> -> memref<1x1024xf32, #tpu.memory_space<vmem>>
          %dma_wait3A_171 = tpu.memref_squeeze %dma_wait3A_170 : memref<1x1024xf32, #tpu.memory_space<vmem>> -> memref<1024xf32, #tpu.memory_space<vmem>>
          %dma_wait3A_172 = arith.constant 0 : i32
          %dma_wait3A_173 = tpu.memref_slice %arg13[%dma_wait3A_172] : memref<1605632xf32, #tpu.memory_space<vmem_shared>> -> memref<1605632xf32, #tpu.memory_space<vmem_shared>>
          tpu.wait_indirect_dma semaphore(%run_scoped3A_165 : memref<!tpu.dma_semaphore, #tpu.memory_space<semaphore_mem>>) src(%dma_wait3A_171 : memref<1024xf32, #tpu.memory_space<vmem>>) dst(%dma_wait3A_173 : memref<1605632xf32, #tpu.memory_space<vmem_shared>>)
          tpu.yield
        }) : () -> ()
        %scan3A_95 = arith.constant 0 : i32
        %scan3A_96 = arith.constant 0 : i32
        %scan3A_97 = arith.constant 64 : i32
        %scan3A_98 = arith.addi %scan3A_96, %scan3A_97 : i32
        %scan3A_99 = arith.constant 1 : i32
        scf.for %scan3A_165 = %scan3A_96 to %scan3A_98 step %scan3A_99  : i32 {
          %mul3A_166 = arith.constant 16 : i32
          %mul3A_167 = arith.muli %scan3A_165, %mul3A_166 : i32
          %get3A = arith.index_cast %mul3A_167 : i32 to index
          %get3A_168 = tpu.vector_load %arg16[%get3A] {strides = array<i32>} : memref<1024xi32, #tpu.memory_space<vmem>>, vector<16xi32>,
          %get3A_169 = vector.shape_cast %get3A_168 : vector<16xi32> to vector<16xi32>
          %add3A_170 = arith.constant 602112 : i32
          %add3A_171 = vector.broadcast %add3A_170 : i32 to vector<16xi32>
          %add3A_172 = arith.addi %get3A_169, %add3A_171 : vector<16xi32>
          %mul3A_173 = arith.constant 16 : i32
          %mul3A_174 = arith.muli %scan3A_165, %mul3A_173 : i32
          %swap3A = arith.index_cast %mul3A_174 : i32 to index
          %swap3A_175 = tpu.vector_load %arg17[%swap3A] {strides = array<i32>} : memref<1024xi32, #tpu.memory_space<vmem>>, vector<16xi32>,
          %swap3A_176 = vector.shape_cast %swap3A_175 : vector<16xi32> to vector<16xi32>
          %swap3A_177 = vector.shape_cast %add3A_172 : vector<16xi32> to vector<16xi32>
          tpu.vector_store %arg17[%swap3A], %swap3A_177 {strides = array<i32>} : memref<1024xi32, #tpu.memory_space<vmem>>, vector<16xi32>,
        }
        %scan3A_100 = arith.constant 64 : i32
        %run_scoped3A_101 = arith.constant 6 : i32
        "tpu.region"() ({
          %run_scoped3A_165 = tpu.sem_alloc : memref<!tpu.dma_semaphore, #tpu.memory_space<semaphore_mem>>
          %dma_start3A = arith.constant 0 : i32
          %dma_start3A_166 = tpu.memref_slice %arg15[%run_scoped3A_101, %dma_start3A] : memref<16x1024xf32, #tpu.memory_space<vmem>> -> memref<1x1024xf32, #tpu.memory_space<vmem>>
          %dma_start3A_167 = tpu.memref_squeeze %dma_start3A_166 : memref<1x1024xf32, #tpu.memory_space<vmem>> -> memref<1024xf32, #tpu.memory_space<vmem>>
          %dma_start3A_168 = arith.constant 0 : i32
          %dma_start3A_169 = tpu.memref_slice %arg13[%dma_start3A_168] : memref<1605632xf32, #tpu.memory_space<vmem_shared>> -> memref<1605632xf32, #tpu.memory_space<vmem_shared>>
          tpu.enqueue_indirect_dma source(%dma_start3A_167 : memref<1024xf32, #tpu.memory_space<vmem>>) target(%dma_start3A_169 : memref<1605632xf32, #tpu.memory_space<vmem_shared>>) offsets(%arg17 : memref<1024xi32, #tpu.memory_space<vmem>>) semaphore(%run_scoped3A_165 : memref<!tpu.dma_semaphore, #tpu.memory_space<semaphore_mem>>) {add = true}
          %dma_wait3A = arith.constant 0 : i32
          %dma_wait3A_170 = tpu.memref_slice %arg15[%run_scoped3A_101, %dma_wait3A] : memref<16x1024xf32, #tpu.memory_space<vmem>> -> memref<1x1024xf32, #tpu.memory_space<vmem>>
          %dma_wait3A_171 = tpu.memref_squeeze %dma_wait3A_170 : memref<1x1024xf32, #tpu.memory_space<vmem>> -> memref<1024xf32, #tpu.memory_space<vmem>>
          %dma_wait3A_172 = arith.constant 0 : i32
          %dma_wait3A_173 = tpu.memref_slice %arg13[%dma_wait3A_172] : memref<1605632xf32, #tpu.memory_space<vmem_shared>> -> memref<1605632xf32, #tpu.memory_space<vmem_shared>>
          tpu.wait_indirect_dma semaphore(%run_scoped3A_165 : memref<!tpu.dma_semaphore, #tpu.memory_space<semaphore_mem>>) src(%dma_wait3A_171 : memref<1024xf32, #tpu.memory_space<vmem>>) dst(%dma_wait3A_173 : memref<1605632xf32, #tpu.memory_space<vmem_shared>>)
          tpu.yield
        }) : () -> ()
        %scan3A_102 = arith.constant 0 : i32
        %scan3A_103 = arith.constant 0 : i32
        %scan3A_104 = arith.constant 64 : i32
        %scan3A_105 = arith.addi %scan3A_103, %scan3A_104 : i32
        %scan3A_106 = arith.constant 1 : i32
        scf.for %scan3A_165 = %scan3A_103 to %scan3A_105 step %scan3A_106  : i32 {
          %mul3A_166 = arith.constant 16 : i32
          %mul3A_167 = arith.muli %scan3A_165, %mul3A_166 : i32
          %get3A = arith.index_cast %mul3A_167 : i32 to index
          %get3A_168 = tpu.vector_load %arg16[%get3A] {strides = array<i32>} : memref<1024xi32, #tpu.memory_space<vmem>>, vector<16xi32>,
          %get3A_169 = vector.shape_cast %get3A_168 : vector<16xi32> to vector<16xi32>
          %add3A_170 = arith.constant 702464 : i32
          %add3A_171 = vector.broadcast %add3A_170 : i32 to vector<16xi32>
          %add3A_172 = arith.addi %get3A_169, %add3A_171 : vector<16xi32>
          %mul3A_173 = arith.constant 16 : i32
          %mul3A_174 = arith.muli %scan3A_165, %mul3A_173 : i32
          %swap3A = arith.index_cast %mul3A_174 : i32 to index
          %swap3A_175 = tpu.vector_load %arg17[%swap3A] {strides = array<i32>} : memref<1024xi32, #tpu.memory_space<vmem>>, vector<16xi32>,
          %swap3A_176 = vector.shape_cast %swap3A_175 : vector<16xi32> to vector<16xi32>
          %swap3A_177 = vector.shape_cast %add3A_172 : vector<16xi32> to vector<16xi32>
          tpu.vector_store %arg17[%swap3A], %swap3A_177 {strides = array<i32>} : memref<1024xi32, #tpu.memory_space<vmem>>, vector<16xi32>,
        }
        %scan3A_107 = arith.constant 64 : i32
        %run_scoped3A_108 = arith.constant 7 : i32
        "tpu.region"() ({
          %run_scoped3A_165 = tpu.sem_alloc : memref<!tpu.dma_semaphore, #tpu.memory_space<semaphore_mem>>
          %dma_start3A = arith.constant 0 : i32
          %dma_start3A_166 = tpu.memref_slice %arg15[%run_scoped3A_108, %dma_start3A] : memref<16x1024xf32, #tpu.memory_space<vmem>> -> memref<1x1024xf32, #tpu.memory_space<vmem>>
          %dma_start3A_167 = tpu.memref_squeeze %dma_start3A_166 : memref<1x1024xf32, #tpu.memory_space<vmem>> -> memref<1024xf32, #tpu.memory_space<vmem>>
          %dma_start3A_168 = arith.constant 0 : i32
          %dma_start3A_169 = tpu.memref_slice %arg13[%dma_start3A_168] : memref<1605632xf32, #tpu.memory_space<vmem_shared>> -> memref<1605632xf32, #tpu.memory_space<vmem_shared>>
          tpu.enqueue_indirect_dma source(%dma_start3A_167 : memref<1024xf32, #tpu.memory_space<vmem>>) target(%dma_start3A_169 : memref<1605632xf32, #tpu.memory_space<vmem_shared>>) offsets(%arg17 : memref<1024xi32, #tpu.memory_space<vmem>>) semaphore(%run_scoped3A_165 : memref<!tpu.dma_semaphore, #tpu.memory_space<semaphore_mem>>) {add = true}
          %dma_wait3A = arith.constant 0 : i32
          %dma_wait3A_170 = tpu.memref_slice %arg15[%run_scoped3A_108, %dma_wait3A] : memref<16x1024xf32, #tpu.memory_space<vmem>> -> memref<1x1024xf32, #tpu.memory_space<vmem>>
          %dma_wait3A_171 = tpu.memref_squeeze %dma_wait3A_170 : memref<1x1024xf32, #tpu.memory_space<vmem>> -> memref<1024xf32, #tpu.memory_space<vmem>>
          %dma_wait3A_172 = arith.constant 0 : i32
          %dma_wait3A_173 = tpu.memref_slice %arg13[%dma_wait3A_172] : memref<1605632xf32, #tpu.memory_space<vmem_shared>> -> memref<1605632xf32, #tpu.memory_space<vmem_shared>>
          tpu.wait_indirect_dma semaphore(%run_scoped3A_165 : memref<!tpu.dma_semaphore, #tpu.memory_space<semaphore_mem>>) src(%dma_wait3A_171 : memref<1024xf32, #tpu.memory_space<vmem>>) dst(%dma_wait3A_173 : memref<1605632xf32, #tpu.memory_space<vmem_shared>>)
          tpu.yield
        }) : () -> ()
        %scan3A_109 = arith.constant 0 : i32
        %scan3A_110 = arith.constant 0 : i32
        %scan3A_111 = arith.constant 64 : i32
        %scan3A_112 = arith.addi %scan3A_110, %scan3A_111 : i32
        %scan3A_113 = arith.constant 1 : i32
        scf.for %scan3A_165 = %scan3A_110 to %scan3A_112 step %scan3A_113  : i32 {
          %mul3A_166 = arith.constant 16 : i32
          %mul3A_167 = arith.muli %scan3A_165, %mul3A_166 : i32
          %get3A = arith.index_cast %mul3A_167 : i32 to index
          %get3A_168 = tpu.vector_load %arg16[%get3A] {strides = array<i32>} : memref<1024xi32, #tpu.memory_space<vmem>>, vector<16xi32>,
          %get3A_169 = vector.shape_cast %get3A_168 : vector<16xi32> to vector<16xi32>
          %add3A_170 = arith.constant 802816 : i32
          %add3A_171 = vector.broadcast %add3A_170 : i32 to vector<16xi32>
          %add3A_172 = arith.addi %get3A_169, %add3A_171 : vector<16xi32>
          %mul3A_173 = arith.constant 16 : i32
          %mul3A_174 = arith.muli %scan3A_165, %mul3A_173 : i32
          %swap3A = arith.index_cast %mul3A_174 : i32 to index
          %swap3A_175 = tpu.vector_load %arg17[%swap3A] {strides = array<i32>} : memref<1024xi32, #tpu.memory_space<vmem>>, vector<16xi32>,
          %swap3A_176 = vector.shape_cast %swap3A_175 : vector<16xi32> to vector<16xi32>
          %swap3A_177 = vector.shape_cast %add3A_172 : vector<16xi32> to vector<16xi32>
          tpu.vector_store %arg17[%swap3A], %swap3A_177 {strides = array<i32>} : memref<1024xi32, #tpu.memory_space<vmem>>, vector<16xi32>,
        }
        %scan3A_114 = arith.constant 64 : i32
        %run_scoped3A_115 = arith.constant 8 : i32
        "tpu.region"() ({
          %run_scoped3A_165 = tpu.sem_alloc : memref<!tpu.dma_semaphore, #tpu.memory_space<semaphore_mem>>
          %dma_start3A = arith.constant 0 : i32
          %dma_start3A_166 = tpu.memref_slice %arg15[%run_scoped3A_115, %dma_start3A] : memref<16x1024xf32, #tpu.memory_space<vmem>> -> memref<1x1024xf32, #tpu.memory_space<vmem>>
          %dma_start3A_167 = tpu.memref_squeeze %dma_start3A_166 : memref<1x1024xf32, #tpu.memory_space<vmem>> -> memref<1024xf32, #tpu.memory_space<vmem>>
          %dma_start3A_168 = arith.constant 0 : i32
          %dma_start3A_169 = tpu.memref_slice %arg13[%dma_start3A_168] : memref<1605632xf32, #tpu.memory_space<vmem_shared>> -> memref<1605632xf32, #tpu.memory_space<vmem_shared>>
          tpu.enqueue_indirect_dma source(%dma_start3A_167 : memref<1024xf32, #tpu.memory_space<vmem>>) target(%dma_start3A_169 : memref<1605632xf32, #tpu.memory_space<vmem_shared>>) offsets(%arg17 : memref<1024xi32, #tpu.memory_space<vmem>>) semaphore(%run_scoped3A_165 : memref<!tpu.dma_semaphore, #tpu.memory_space<semaphore_mem>>) {add = true}
          %dma_wait3A = arith.constant 0 : i32
          %dma_wait3A_170 = tpu.memref_slice %arg15[%run_scoped3A_115, %dma_wait3A] : memref<16x1024xf32, #tpu.memory_space<vmem>> -> memref<1x1024xf32, #tpu.memory_space<vmem>>
          %dma_wait3A_171 = tpu.memref_squeeze %dma_wait3A_170 : memref<1x1024xf32, #tpu.memory_space<vmem>> -> memref<1024xf32, #tpu.memory_space<vmem>>
          %dma_wait3A_172 = arith.constant 0 : i32
          %dma_wait3A_173 = tpu.memref_slice %arg13[%dma_wait3A_172] : memref<1605632xf32, #tpu.memory_space<vmem_shared>> -> memref<1605632xf32, #tpu.memory_space<vmem_shared>>
          tpu.wait_indirect_dma semaphore(%run_scoped3A_165 : memref<!tpu.dma_semaphore, #tpu.memory_space<semaphore_mem>>) src(%dma_wait3A_171 : memref<1024xf32, #tpu.memory_space<vmem>>) dst(%dma_wait3A_173 : memref<1605632xf32, #tpu.memory_space<vmem_shared>>)
          tpu.yield
        }) : () -> ()
        %scan3A_116 = arith.constant 0 : i32
        %scan3A_117 = arith.constant 0 : i32
        %scan3A_118 = arith.constant 64 : i32
        %scan3A_119 = arith.addi %scan3A_117, %scan3A_118 : i32
        %scan3A_120 = arith.constant 1 : i32
        scf.for %scan3A_165 = %scan3A_117 to %scan3A_119 step %scan3A_120  : i32 {
          %mul3A_166 = arith.constant 16 : i32
          %mul3A_167 = arith.muli %scan3A_165, %mul3A_166 : i32
          %get3A = arith.index_cast %mul3A_167 : i32 to index
          %get3A_168 = tpu.vector_load %arg16[%get3A] {strides = array<i32>} : memref<1024xi32, #tpu.memory_space<vmem>>, vector<16xi32>,
          %get3A_169 = vector.shape_cast %get3A_168 : vector<16xi32> to vector<16xi32>
          %add3A_170 = arith.constant 903168 : i32
          %add3A_171 = vector.broadcast %add3A_170 : i32 to vector<16xi32>
          %add3A_172 = arith.addi %get3A_169, %add3A_171 : vector<16xi32>
          %mul3A_173 = arith.constant 16 : i32
          %mul3A_174 = arith.muli %scan3A_165, %mul3A_173 : i32
          %swap3A = arith.index_cast %mul3A_174 : i32 to index
          %swap3A_175 = tpu.vector_load %arg17[%swap3A] {strides = array<i32>} : memref<1024xi32, #tpu.memory_space<vmem>>, vector<16xi32>,
          %swap3A_176 = vector.shape_cast %swap3A_175 : vector<16xi32> to vector<16xi32>
          %swap3A_177 = vector.shape_cast %add3A_172 : vector<16xi32> to vector<16xi32>
          tpu.vector_store %arg17[%swap3A], %swap3A_177 {strides = array<i32>} : memref<1024xi32, #tpu.memory_space<vmem>>, vector<16xi32>,
        }
        %scan3A_121 = arith.constant 64 : i32
        %run_scoped3A_122 = arith.constant 9 : i32
        "tpu.region"() ({
          %run_scoped3A_165 = tpu.sem_alloc : memref<!tpu.dma_semaphore, #tpu.memory_space<semaphore_mem>>
          %dma_start3A = arith.constant 0 : i32
          %dma_start3A_166 = tpu.memref_slice %arg15[%run_scoped3A_122, %dma_start3A] : memref<16x1024xf32, #tpu.memory_space<vmem>> -> memref<1x1024xf32, #tpu.memory_space<vmem>>
          %dma_start3A_167 = tpu.memref_squeeze %dma_start3A_166 : memref<1x1024xf32, #tpu.memory_space<vmem>> -> memref<1024xf32, #tpu.memory_space<vmem>>
          %dma_start3A_168 = arith.constant 0 : i32
          %dma_start3A_169 = tpu.memref_slice %arg13[%dma_start3A_168] : memref<1605632xf32, #tpu.memory_space<vmem_shared>> -> memref<1605632xf32, #tpu.memory_space<vmem_shared>>
          tpu.enqueue_indirect_dma source(%dma_start3A_167 : memref<1024xf32, #tpu.memory_space<vmem>>) target(%dma_start3A_169 : memref<1605632xf32, #tpu.memory_space<vmem_shared>>) offsets(%arg17 : memref<1024xi32, #tpu.memory_space<vmem>>) semaphore(%run_scoped3A_165 : memref<!tpu.dma_semaphore, #tpu.memory_space<semaphore_mem>>) {add = true}
          %dma_wait3A = arith.constant 0 : i32
          %dma_wait3A_170 = tpu.memref_slice %arg15[%run_scoped3A_122, %dma_wait3A] : memref<16x1024xf32, #tpu.memory_space<vmem>> -> memref<1x1024xf32, #tpu.memory_space<vmem>>
          %dma_wait3A_171 = tpu.memref_squeeze %dma_wait3A_170 : memref<1x1024xf32, #tpu.memory_space<vmem>> -> memref<1024xf32, #tpu.memory_space<vmem>>
          %dma_wait3A_172 = arith.constant 0 : i32
          %dma_wait3A_173 = tpu.memref_slice %arg13[%dma_wait3A_172] : memref<1605632xf32, #tpu.memory_space<vmem_shared>> -> memref<1605632xf32, #tpu.memory_space<vmem_shared>>
          tpu.wait_indirect_dma semaphore(%run_scoped3A_165 : memref<!tpu.dma_semaphore, #tpu.memory_space<semaphore_mem>>) src(%dma_wait3A_171 : memref<1024xf32, #tpu.memory_space<vmem>>) dst(%dma_wait3A_173 : memref<1605632xf32, #tpu.memory_space<vmem_shared>>)
          tpu.yield
        }) : () -> ()
        %scan3A_123 = arith.constant 0 : i32
        %scan3A_124 = arith.constant 0 : i32
        %scan3A_125 = arith.constant 64 : i32
        %scan3A_126 = arith.addi %scan3A_124, %scan3A_125 : i32
        %scan3A_127 = arith.constant 1 : i32
        scf.for %scan3A_165 = %scan3A_124 to %scan3A_126 step %scan3A_127  : i32 {
          %mul3A_166 = arith.constant 16 : i32
          %mul3A_167 = arith.muli %scan3A_165, %mul3A_166 : i32
          %get3A = arith.index_cast %mul3A_167 : i32 to index
          %get3A_168 = tpu.vector_load %arg16[%get3A] {strides = array<i32>} : memref<1024xi32, #tpu.memory_space<vmem>>, vector<16xi32>,
          %get3A_169 = vector.shape_cast %get3A_168 : vector<16xi32> to vector<16xi32>
          %add3A_170 = arith.constant 1003520 : i32
          %add3A_171 = vector.broadcast %add3A_170 : i32 to vector<16xi32>
          %add3A_172 = arith.addi %get3A_169, %add3A_171 : vector<16xi32>
          %mul3A_173 = arith.constant 16 : i32
          %mul3A_174 = arith.muli %scan3A_165, %mul3A_173 : i32
          %swap3A = arith.index_cast %mul3A_174 : i32 to index
          %swap3A_175 = tpu.vector_load %arg17[%swap3A] {strides = array<i32>} : memref<1024xi32, #tpu.memory_space<vmem>>, vector<16xi32>,
          %swap3A_176 = vector.shape_cast %swap3A_175 : vector<16xi32> to vector<16xi32>
          %swap3A_177 = vector.shape_cast %add3A_172 : vector<16xi32> to vector<16xi32>
          tpu.vector_store %arg17[%swap3A], %swap3A_177 {strides = array<i32>} : memref<1024xi32, #tpu.memory_space<vmem>>, vector<16xi32>,
        }
        %scan3A_128 = arith.constant 64 : i32
        %run_scoped3A_129 = arith.constant 10 : i32
        "tpu.region"() ({
          %run_scoped3A_165 = tpu.sem_alloc : memref<!tpu.dma_semaphore, #tpu.memory_space<semaphore_mem>>
          %dma_start3A = arith.constant 0 : i32
          %dma_start3A_166 = tpu.memref_slice %arg15[%run_scoped3A_129, %dma_start3A] : memref<16x1024xf32, #tpu.memory_space<vmem>> -> memref<1x1024xf32, #tpu.memory_space<vmem>>
          %dma_start3A_167 = tpu.memref_squeeze %dma_start3A_166 : memref<1x1024xf32, #tpu.memory_space<vmem>> -> memref<1024xf32, #tpu.memory_space<vmem>>
          %dma_start3A_168 = arith.constant 0 : i32
          %dma_start3A_169 = tpu.memref_slice %arg13[%dma_start3A_168] : memref<1605632xf32, #tpu.memory_space<vmem_shared>> -> memref<1605632xf32, #tpu.memory_space<vmem_shared>>
          tpu.enqueue_indirect_dma source(%dma_start3A_167 : memref<1024xf32, #tpu.memory_space<vmem>>) target(%dma_start3A_169 : memref<1605632xf32, #tpu.memory_space<vmem_shared>>) offsets(%arg17 : memref<1024xi32, #tpu.memory_space<vmem>>) semaphore(%run_scoped3A_165 : memref<!tpu.dma_semaphore, #tpu.memory_space<semaphore_mem>>) {add = true}
          %dma_wait3A = arith.constant 0 : i32
          %dma_wait3A_170 = tpu.memref_slice %arg15[%run_scoped3A_129, %dma_wait3A] : memref<16x1024xf32, #tpu.memory_space<vmem>> -> memref<1x1024xf32, #tpu.memory_space<vmem>>
          %dma_wait3A_171 = tpu.memref_squeeze %dma_wait3A_170 : memref<1x1024xf32, #tpu.memory_space<vmem>> -> memref<1024xf32, #tpu.memory_space<vmem>>
          %dma_wait3A_172 = arith.constant 0 : i32
          %dma_wait3A_173 = tpu.memref_slice %arg13[%dma_wait3A_172] : memref<1605632xf32, #tpu.memory_space<vmem_shared>> -> memref<1605632xf32, #tpu.memory_space<vmem_shared>>
          tpu.wait_indirect_dma semaphore(%run_scoped3A_165 : memref<!tpu.dma_semaphore, #tpu.memory_space<semaphore_mem>>) src(%dma_wait3A_171 : memref<1024xf32, #tpu.memory_space<vmem>>) dst(%dma_wait3A_173 : memref<1605632xf32, #tpu.memory_space<vmem_shared>>)
          tpu.yield
        }) : () -> ()
        %scan3A_130 = arith.constant 0 : i32
        %scan3A_131 = arith.constant 0 : i32
        %scan3A_132 = arith.constant 64 : i32
        %scan3A_133 = arith.addi %scan3A_131, %scan3A_132 : i32
        %scan3A_134 = arith.constant 1 : i32
        scf.for %scan3A_165 = %scan3A_131 to %scan3A_133 step %scan3A_134  : i32 {
          %mul3A_166 = arith.constant 16 : i32
          %mul3A_167 = arith.muli %scan3A_165, %mul3A_166 : i32
          %get3A = arith.index_cast %mul3A_167 : i32 to index
          %get3A_168 = tpu.vector_load %arg16[%get3A] {strides = array<i32>} : memref<1024xi32, #tpu.memory_space<vmem>>, vector<16xi32>,
          %get3A_169 = vector.shape_cast %get3A_168 : vector<16xi32> to vector<16xi32>
          %add3A_170 = arith.constant 1103872 : i32
          %add3A_171 = vector.broadcast %add3A_170 : i32 to vector<16xi32>
          %add3A_172 = arith.addi %get3A_169, %add3A_171 : vector<16xi32>
          %mul3A_173 = arith.constant 16 : i32
          %mul3A_174 = arith.muli %scan3A_165, %mul3A_173 : i32
          %swap3A = arith.index_cast %mul3A_174 : i32 to index
          %swap3A_175 = tpu.vector_load %arg17[%swap3A] {strides = array<i32>} : memref<1024xi32, #tpu.memory_space<vmem>>, vector<16xi32>,
          %swap3A_176 = vector.shape_cast %swap3A_175 : vector<16xi32> to vector<16xi32>
          %swap3A_177 = vector.shape_cast %add3A_172 : vector<16xi32> to vector<16xi32>
          tpu.vector_store %arg17[%swap3A], %swap3A_177 {strides = array<i32>} : memref<1024xi32, #tpu.memory_space<vmem>>, vector<16xi32>,
        }
        %scan3A_135 = arith.constant 64 : i32
        %run_scoped3A_136 = arith.constant 11 : i32
        "tpu.region"() ({
          %run_scoped3A_165 = tpu.sem_alloc : memref<!tpu.dma_semaphore, #tpu.memory_space<semaphore_mem>>
          %dma_start3A = arith.constant 0 : i32
          %dma_start3A_166 = tpu.memref_slice %arg15[%run_scoped3A_136, %dma_start3A] : memref<16x1024xf32, #tpu.memory_space<vmem>> -> memref<1x1024xf32, #tpu.memory_space<vmem>>
          %dma_start3A_167 = tpu.memref_squeeze %dma_start3A_166 : memref<1x1024xf32, #tpu.memory_space<vmem>> -> memref<1024xf32, #tpu.memory_space<vmem>>
          %dma_start3A_168 = arith.constant 0 : i32
          %dma_start3A_169 = tpu.memref_slice %arg13[%dma_start3A_168] : memref<1605632xf32, #tpu.memory_space<vmem_shared>> -> memref<1605632xf32, #tpu.memory_space<vmem_shared>>
          tpu.enqueue_indirect_dma source(%dma_start3A_167 : memref<1024xf32, #tpu.memory_space<vmem>>) target(%dma_start3A_169 : memref<1605632xf32, #tpu.memory_space<vmem_shared>>) offsets(%arg17 : memref<1024xi32, #tpu.memory_space<vmem>>) semaphore(%run_scoped3A_165 : memref<!tpu.dma_semaphore, #tpu.memory_space<semaphore_mem>>) {add = true}
          %dma_wait3A = arith.constant 0 : i32
          %dma_wait3A_170 = tpu.memref_slice %arg15[%run_scoped3A_136, %dma_wait3A] : memref<16x1024xf32, #tpu.memory_space<vmem>> -> memref<1x1024xf32, #tpu.memory_space<vmem>>
          %dma_wait3A_171 = tpu.memref_squeeze %dma_wait3A_170 : memref<1x1024xf32, #tpu.memory_space<vmem>> -> memref<1024xf32, #tpu.memory_space<vmem>>
          %dma_wait3A_172 = arith.constant 0 : i32
          %dma_wait3A_173 = tpu.memref_slice %arg13[%dma_wait3A_172] : memref<1605632xf32, #tpu.memory_space<vmem_shared>> -> memref<1605632xf32, #tpu.memory_space<vmem_shared>>
          tpu.wait_indirect_dma semaphore(%run_scoped3A_165 : memref<!tpu.dma_semaphore, #tpu.memory_space<semaphore_mem>>) src(%dma_wait3A_171 : memref<1024xf32, #tpu.memory_space<vmem>>) dst(%dma_wait3A_173 : memref<1605632xf32, #tpu.memory_space<vmem_shared>>)
          tpu.yield
        }) : () -> ()
        %scan3A_137 = arith.constant 0 : i32
        %scan3A_138 = arith.constant 0 : i32
        %scan3A_139 = arith.constant 64 : i32
        %scan3A_140 = arith.addi %scan3A_138, %scan3A_139 : i32
        %scan3A_141 = arith.constant 1 : i32
        scf.for %scan3A_165 = %scan3A_138 to %scan3A_140 step %scan3A_141  : i32 {
          %mul3A_166 = arith.constant 16 : i32
          %mul3A_167 = arith.muli %scan3A_165, %mul3A_166 : i32
          %get3A = arith.index_cast %mul3A_167 : i32 to index
          %get3A_168 = tpu.vector_load %arg16[%get3A] {strides = array<i32>} : memref<1024xi32, #tpu.memory_space<vmem>>, vector<16xi32>,
          %get3A_169 = vector.shape_cast %get3A_168 : vector<16xi32> to vector<16xi32>
          %add3A_170 = arith.constant 1204224 : i32
          %add3A_171 = vector.broadcast %add3A_170 : i32 to vector<16xi32>
          %add3A_172 = arith.addi %get3A_169, %add3A_171 : vector<16xi32>
          %mul3A_173 = arith.constant 16 : i32
          %mul3A_174 = arith.muli %scan3A_165, %mul3A_173 : i32
          %swap3A = arith.index_cast %mul3A_174 : i32 to index
          %swap3A_175 = tpu.vector_load %arg17[%swap3A] {strides = array<i32>} : memref<1024xi32, #tpu.memory_space<vmem>>, vector<16xi32>,
          %swap3A_176 = vector.shape_cast %swap3A_175 : vector<16xi32> to vector<16xi32>
          %swap3A_177 = vector.shape_cast %add3A_172 : vector<16xi32> to vector<16xi32>
          tpu.vector_store %arg17[%swap3A], %swap3A_177 {strides = array<i32>} : memref<1024xi32, #tpu.memory_space<vmem>>, vector<16xi32>,
        }
        %scan3A_142 = arith.constant 64 : i32
        %run_scoped3A_143 = arith.constant 12 : i32
        "tpu.region"() ({
          %run_scoped3A_165 = tpu.sem_alloc : memref<!tpu.dma_semaphore, #tpu.memory_space<semaphore_mem>>
          %dma_start3A = arith.constant 0 : i32
          %dma_start3A_166 = tpu.memref_slice %arg15[%run_scoped3A_143, %dma_start3A] : memref<16x1024xf32, #tpu.memory_space<vmem>> -> memref<1x1024xf32, #tpu.memory_space<vmem>>
          %dma_start3A_167 = tpu.memref_squeeze %dma_start3A_166 : memref<1x1024xf32, #tpu.memory_space<vmem>> -> memref<1024xf32, #tpu.memory_space<vmem>>
          %dma_start3A_168 = arith.constant 0 : i32
          %dma_start3A_169 = tpu.memref_slice %arg13[%dma_start3A_168] : memref<1605632xf32, #tpu.memory_space<vmem_shared>> -> memref<1605632xf32, #tpu.memory_space<vmem_shared>>
          tpu.enqueue_indirect_dma source(%dma_start3A_167 : memref<1024xf32, #tpu.memory_space<vmem>>) target(%dma_start3A_169 : memref<1605632xf32, #tpu.memory_space<vmem_shared>>) offsets(%arg17 : memref<1024xi32, #tpu.memory_space<vmem>>) semaphore(%run_scoped3A_165 : memref<!tpu.dma_semaphore, #tpu.memory_space<semaphore_mem>>) {add = true}
          %dma_wait3A = arith.constant 0 : i32
          %dma_wait3A_170 = tpu.memref_slice %arg15[%run_scoped3A_143, %dma_wait3A] : memref<16x1024xf32, #tpu.memory_space<vmem>> -> memref<1x1024xf32, #tpu.memory_space<vmem>>
          %dma_wait3A_171 = tpu.memref_squeeze %dma_wait3A_170 : memref<1x1024xf32, #tpu.memory_space<vmem>> -> memref<1024xf32, #tpu.memory_space<vmem>>
          %dma_wait3A_172 = arith.constant 0 : i32
          %dma_wait3A_173 = tpu.memref_slice %arg13[%dma_wait3A_172] : memref<1605632xf32, #tpu.memory_space<vmem_shared>> -> memref<1605632xf32, #tpu.memory_space<vmem_shared>>
          tpu.wait_indirect_dma semaphore(%run_scoped3A_165 : memref<!tpu.dma_semaphore, #tpu.memory_space<semaphore_mem>>) src(%dma_wait3A_171 : memref<1024xf32, #tpu.memory_space<vmem>>) dst(%dma_wait3A_173 : memref<1605632xf32, #tpu.memory_space<vmem_shared>>)
          tpu.yield
        }) : () -> ()
        %scan3A_144 = arith.constant 0 : i32
        %scan3A_145 = arith.constant 0 : i32
        %scan3A_146 = arith.constant 64 : i32
        %scan3A_147 = arith.addi %scan3A_145, %scan3A_146 : i32
        %scan3A_148 = arith.constant 1 : i32
        scf.for %scan3A_165 = %scan3A_145 to %scan3A_147 step %scan3A_148  : i32 {
          %mul3A_166 = arith.constant 16 : i32
          %mul3A_167 = arith.muli %scan3A_165, %mul3A_166 : i32
          %get3A = arith.index_cast %mul3A_167 : i32 to index
          %get3A_168 = tpu.vector_load %arg16[%get3A] {strides = array<i32>} : memref<1024xi32, #tpu.memory_space<vmem>>, vector<16xi32>,
          %get3A_169 = vector.shape_cast %get3A_168 : vector<16xi32> to vector<16xi32>
          %add3A_170 = arith.constant 1304576 : i32
          %add3A_171 = vector.broadcast %add3A_170 : i32 to vector<16xi32>
          %add3A_172 = arith.addi %get3A_169, %add3A_171 : vector<16xi32>
          %mul3A_173 = arith.constant 16 : i32
          %mul3A_174 = arith.muli %scan3A_165, %mul3A_173 : i32
          %swap3A = arith.index_cast %mul3A_174 : i32 to index
          %swap3A_175 = tpu.vector_load %arg17[%swap3A] {strides = array<i32>} : memref<1024xi32, #tpu.memory_space<vmem>>, vector<16xi32>,
          %swap3A_176 = vector.shape_cast %swap3A_175 : vector<16xi32> to vector<16xi32>
          %swap3A_177 = vector.shape_cast %add3A_172 : vector<16xi32> to vector<16xi32>
          tpu.vector_store %arg17[%swap3A], %swap3A_177 {strides = array<i32>} : memref<1024xi32, #tpu.memory_space<vmem>>, vector<16xi32>,
        }
        %scan3A_149 = arith.constant 64 : i32
        %run_scoped3A_150 = arith.constant 13 : i32
        "tpu.region"() ({
          %run_scoped3A_165 = tpu.sem_alloc : memref<!tpu.dma_semaphore, #tpu.memory_space<semaphore_mem>>
          %dma_start3A = arith.constant 0 : i32
          %dma_start3A_166 = tpu.memref_slice %arg15[%run_scoped3A_150, %dma_start3A] : memref<16x1024xf32, #tpu.memory_space<vmem>> -> memref<1x1024xf32, #tpu.memory_space<vmem>>
          %dma_start3A_167 = tpu.memref_squeeze %dma_start3A_166 : memref<1x1024xf32, #tpu.memory_space<vmem>> -> memref<1024xf32, #tpu.memory_space<vmem>>
          %dma_start3A_168 = arith.constant 0 : i32
          %dma_start3A_169 = tpu.memref_slice %arg13[%dma_start3A_168] : memref<1605632xf32, #tpu.memory_space<vmem_shared>> -> memref<1605632xf32, #tpu.memory_space<vmem_shared>>
          tpu.enqueue_indirect_dma source(%dma_start3A_167 : memref<1024xf32, #tpu.memory_space<vmem>>) target(%dma_start3A_169 : memref<1605632xf32, #tpu.memory_space<vmem_shared>>) offsets(%arg17 : memref<1024xi32, #tpu.memory_space<vmem>>) semaphore(%run_scoped3A_165 : memref<!tpu.dma_semaphore, #tpu.memory_space<semaphore_mem>>) {add = true}
          %dma_wait3A = arith.constant 0 : i32
          %dma_wait3A_170 = tpu.memref_slice %arg15[%run_scoped3A_150, %dma_wait3A] : memref<16x1024xf32, #tpu.memory_space<vmem>> -> memref<1x1024xf32, #tpu.memory_space<vmem>>
          %dma_wait3A_171 = tpu.memref_squeeze %dma_wait3A_170 : memref<1x1024xf32, #tpu.memory_space<vmem>> -> memref<1024xf32, #tpu.memory_space<vmem>>
          %dma_wait3A_172 = arith.constant 0 : i32
          %dma_wait3A_173 = tpu.memref_slice %arg13[%dma_wait3A_172] : memref<1605632xf32, #tpu.memory_space<vmem_shared>> -> memref<1605632xf32, #tpu.memory_space<vmem_shared>>
          tpu.wait_indirect_dma semaphore(%run_scoped3A_165 : memref<!tpu.dma_semaphore, #tpu.memory_space<semaphore_mem>>) src(%dma_wait3A_171 : memref<1024xf32, #tpu.memory_space<vmem>>) dst(%dma_wait3A_173 : memref<1605632xf32, #tpu.memory_space<vmem_shared>>)
          tpu.yield
        }) : () -> ()
        %scan3A_151 = arith.constant 0 : i32
        %scan3A_152 = arith.constant 0 : i32
        %scan3A_153 = arith.constant 64 : i32
        %scan3A_154 = arith.addi %scan3A_152, %scan3A_153 : i32
        %scan3A_155 = arith.constant 1 : i32
        scf.for %scan3A_165 = %scan3A_152 to %scan3A_154 step %scan3A_155  : i32 {
          %mul3A_166 = arith.constant 16 : i32
          %mul3A_167 = arith.muli %scan3A_165, %mul3A_166 : i32
          %get3A = arith.index_cast %mul3A_167 : i32 to index
          %get3A_168 = tpu.vector_load %arg16[%get3A] {strides = array<i32>} : memref<1024xi32, #tpu.memory_space<vmem>>, vector<16xi32>,
          %get3A_169 = vector.shape_cast %get3A_168 : vector<16xi32> to vector<16xi32>
          %add3A_170 = arith.constant 1404928 : i32
          %add3A_171 = vector.broadcast %add3A_170 : i32 to vector<16xi32>
          %add3A_172 = arith.addi %get3A_169, %add3A_171 : vector<16xi32>
          %mul3A_173 = arith.constant 16 : i32
          %mul3A_174 = arith.muli %scan3A_165, %mul3A_173 : i32
          %swap3A = arith.index_cast %mul3A_174 : i32 to index
          %swap3A_175 = tpu.vector_load %arg17[%swap3A] {strides = array<i32>} : memref<1024xi32, #tpu.memory_space<vmem>>, vector<16xi32>,
          %swap3A_176 = vector.shape_cast %swap3A_175 : vector<16xi32> to vector<16xi32>
          %swap3A_177 = vector.shape_cast %add3A_172 : vector<16xi32> to vector<16xi32>
          tpu.vector_store %arg17[%swap3A], %swap3A_177 {strides = array<i32>} : memref<1024xi32, #tpu.memory_space<vmem>>, vector<16xi32>,
        }
        %scan3A_156 = arith.constant 64 : i32
        %run_scoped3A_157 = arith.constant 14 : i32
        "tpu.region"() ({
          %run_scoped3A_165 = tpu.sem_alloc : memref<!tpu.dma_semaphore, #tpu.memory_space<semaphore_mem>>
          %dma_start3A = arith.constant 0 : i32
          %dma_start3A_166 = tpu.memref_slice %arg15[%run_scoped3A_157, %dma_start3A] : memref<16x1024xf32, #tpu.memory_space<vmem>> -> memref<1x1024xf32, #tpu.memory_space<vmem>>
          %dma_start3A_167 = tpu.memref_squeeze %dma_start3A_166 : memref<1x1024xf32, #tpu.memory_space<vmem>> -> memref<1024xf32, #tpu.memory_space<vmem>>
          %dma_start3A_168 = arith.constant 0 : i32
          %dma_start3A_169 = tpu.memref_slice %arg13[%dma_start3A_168] : memref<1605632xf32, #tpu.memory_space<vmem_shared>> -> memref<1605632xf32, #tpu.memory_space<vmem_shared>>
          tpu.enqueue_indirect_dma source(%dma_start3A_167 : memref<1024xf32, #tpu.memory_space<vmem>>) target(%dma_start3A_169 : memref<1605632xf32, #tpu.memory_space<vmem_shared>>) offsets(%arg17 : memref<1024xi32, #tpu.memory_space<vmem>>) semaphore(%run_scoped3A_165 : memref<!tpu.dma_semaphore, #tpu.memory_space<semaphore_mem>>) {add = true}
          %dma_wait3A = arith.constant 0 : i32
          %dma_wait3A_170 = tpu.memref_slice %arg15[%run_scoped3A_157, %dma_wait3A] : memref<16x1024xf32, #tpu.memory_space<vmem>> -> memref<1x1024xf32, #tpu.memory_space<vmem>>
          %dma_wait3A_171 = tpu.memref_squeeze %dma_wait3A_170 : memref<1x1024xf32, #tpu.memory_space<vmem>> -> memref<1024xf32, #tpu.memory_space<vmem>>
          %dma_wait3A_172 = arith.constant 0 : i32
          %dma_wait3A_173 = tpu.memref_slice %arg13[%dma_wait3A_172] : memref<1605632xf32, #tpu.memory_space<vmem_shared>> -> memref<1605632xf32, #tpu.memory_space<vmem_shared>>
          tpu.wait_indirect_dma semaphore(%run_scoped3A_165 : memref<!tpu.dma_semaphore, #tpu.memory_space<semaphore_mem>>) src(%dma_wait3A_171 : memref<1024xf32, #tpu.memory_space<vmem>>) dst(%dma_wait3A_173 : memref<1605632xf32, #tpu.memory_space<vmem_shared>>)
          tpu.yield
        }) : () -> ()
        %scan3A_158 = arith.constant 0 : i32
        %scan3A_159 = arith.constant 0 : i32
        %scan3A_160 = arith.constant 64 : i32
        %scan3A_161 = arith.addi %scan3A_159, %scan3A_160 : i32
        %scan3A_162 = arith.constant 1 : i32
        scf.for %scan3A_165 = %scan3A_159 to %scan3A_161 step %scan3A_162  : i32 {
          %mul3A_166 = arith.constant 16 : i32
          %mul3A_167 = arith.muli %scan3A_165, %mul3A_166 : i32
          %get3A = arith.index_cast %mul3A_167 : i32 to index
          %get3A_168 = tpu.vector_load %arg16[%get3A] {strides = array<i32>} : memref<1024xi32, #tpu.memory_space<vmem>>, vector<16xi32>,
          %get3A_169 = vector.shape_cast %get3A_168 : vector<16xi32> to vector<16xi32>
          %add3A_170 = arith.constant 1505280 : i32
          %add3A_171 = vector.broadcast %add3A_170 : i32 to vector<16xi32>
          %add3A_172 = arith.addi %get3A_169, %add3A_171 : vector<16xi32>
          %mul3A_173 = arith.constant 16 : i32
          %mul3A_174 = arith.muli %scan3A_165, %mul3A_173 : i32
          %swap3A = arith.index_cast %mul3A_174 : i32 to index
          %swap3A_175 = tpu.vector_load %arg17[%swap3A] {strides = array<i32>} : memref<1024xi32, #tpu.memory_space<vmem>>, vector<16xi32>,
          %swap3A_176 = vector.shape_cast %swap3A_175 : vector<16xi32> to vector<16xi32>
          %swap3A_177 = vector.shape_cast %add3A_172 : vector<16xi32> to vector<16xi32>
          tpu.vector_store %arg17[%swap3A], %swap3A_177 {strides = array<i32>} : memref<1024xi32, #tpu.memory_space<vmem>>, vector<16xi32>,
        }
        %scan3A_163 = arith.constant 64 : i32
        %run_scoped3A_164 = arith.constant 15 : i32
        "tpu.region"() ({
          %run_scoped3A_165 = tpu.sem_alloc : memref<!tpu.dma_semaphore, #tpu.memory_space<semaphore_mem>>
          %dma_start3A = arith.constant 0 : i32
          %dma_start3A_166 = tpu.memref_slice %arg15[%run_scoped3A_164, %dma_start3A] : memref<16x1024xf32, #tpu.memory_space<vmem>> -> memref<1x1024xf32, #tpu.memory_space<vmem>>
          %dma_start3A_167 = tpu.memref_squeeze %dma_start3A_166 : memref<1x1024xf32, #tpu.memory_space<vmem>> -> memref<1024xf32, #tpu.memory_space<vmem>>
          %dma_start3A_168 = arith.constant 0 : i32
          %dma_start3A_169 = tpu.memref_slice %arg13[%dma_start3A_168] : memref<1605632xf32, #tpu.memory_space<vmem_shared>> -> memref<1605632xf32, #tpu.memory_space<vmem_shared>>
          tpu.enqueue_indirect_dma source(%dma_start3A_167 : memref<1024xf32, #tpu.memory_space<vmem>>) target(%dma_start3A_169 : memref<1605632xf32, #tpu.memory_space<vmem_shared>>) offsets(%arg17 : memref<1024xi32, #tpu.memory_space<vmem>>) semaphore(%run_scoped3A_165 : memref<!tpu.dma_semaphore, #tpu.memory_space<semaphore_mem>>) {add = true}
          %dma_wait3A = arith.constant 0 : i32
          %dma_wait3A_170 = tpu.memref_slice %arg15[%run_scoped3A_164, %dma_wait3A] : memref<16x1024xf32, #tpu.memory_space<vmem>> -> memref<1x1024xf32, #tpu.memory_space<vmem>>
          %dma_wait3A_171 = tpu.memref_squeeze %dma_wait3A_170 : memref<1x1024xf32, #tpu.memory_space<vmem>> -> memref<1024xf32, #tpu.memory_space<vmem>>
          %dma_wait3A_172 = arith.constant 0 : i32
          %dma_wait3A_173 = tpu.memref_slice %arg13[%dma_wait3A_172] : memref<1605632xf32, #tpu.memory_space<vmem_shared>> -> memref<1605632xf32, #tpu.memory_space<vmem_shared>>
          tpu.wait_indirect_dma semaphore(%run_scoped3A_165 : memref<!tpu.dma_semaphore, #tpu.memory_space<semaphore_mem>>) src(%dma_wait3A_171 : memref<1024xf32, #tpu.memory_space<vmem>>) dst(%dma_wait3A_173 : memref<1605632xf32, #tpu.memory_space<vmem_shared>>)
          tpu.yield
        }) : () -> ()
      }
      %scan3A_42 = arith.constant 100 : i32
      %barrier3A_43 = arith.constant 0 : index
      tpu.barrier barrier_id(%barrier3A_43)
      %mul3A_44 = arith.constant 100352 : i32
      %mul3A_45 = arith.muli %arg1, %mul3A_44 : i32
      %mul3A_46 = arith.constant 100352 : i32
      %mul3A_47 = arith.muli %arg1, %mul3A_46 : i32
      "tpu.region"() ({
        %run_scoped3A = tpu.sem_alloc : memref<!tpu.dma_semaphore, #tpu.memory_space<semaphore_mem>>
        %dma_start3A = tpu.memref_slice %arg11[%mul3A_47] : memref<1605632xf32, #tpu.memory_space<hbm>> -> memref<100352xf32, #tpu.memory_space<hbm>>
        %dma_start3A_49 = tpu.memref_slice %arg13[%mul3A_45] : memref<1605632xf32, #tpu.memory_space<vmem_shared>> -> memref<100352xf32, #tpu.memory_space<vmem_shared>>
        tpu.enqueue_dma source(%dma_start3A_49 : memref<100352xf32, #tpu.memory_space<vmem_shared>>) target(%dma_start3A : memref<100352xf32, #tpu.memory_space<hbm>>) target_semaphore(%run_scoped3A : memref<!tpu.dma_semaphore, #tpu.memory_space<semaphore_mem>>)
        %dma_wait3A = tpu.memref_slice %arg11[%mul3A_47] : memref<1605632xf32, #tpu.memory_space<hbm>> -> memref<100352xf32, #tpu.memory_space<hbm>>
        %dma_wait3A_50 = tpu.memref_slice %arg13[%mul3A_45] : memref<1605632xf32, #tpu.memory_space<vmem_shared>> -> memref<100352xf32, #tpu.memory_space<vmem_shared>>
        tpu.wait_dma2 semaphore(%run_scoped3A : memref<!tpu.dma_semaphore, #tpu.memory_space<semaphore_mem>>) src(%dma_wait3A_50 : memref<100352xf32, #tpu.memory_space<vmem_shared>>) dst(%dma_wait3A : memref<100352xf32, #tpu.memory_space<hbm>>)
        tpu.yield
      }) : () -> ()
      %barrier3A_48 = arith.constant 0 : index
      tpu.barrier barrier_id(%barrier3A_48)
    } else {
    }
    return
  }
}

module attributes {stable_mosaic.version = 14 : i64} {
  func.func @_pre_body(%arg0: i32, %arg1: memref<1x1x2048xf32, #tpu.memory_space<vmem>>, %arg2: memref<64x1xf32, #tpu.memory_space<vmem>>, %arg3: memref<64x1xf32, #tpu.memory_space<vmem>>, %arg4: memref<64x1xf32, #tpu.memory_space<vmem>>, %arg5: memref<1x1x2048xf32, #tpu.memory_space<vmem>>) attributes {dimension_semantics = [#tpu.dimension_semantics<arbitrary>], iteration_bounds = array<i64: 49>, scalar_prefetch = 0 : i64, scratch_operands = 0 : i64, tpu.core_type = #tpu.core_type<tc>, window_params = [{transform_indices = @transform_0, window_bounds = array<i64: 1, 1, 2048>}, {pipeline_mode = #tpu.pipeline_mode<synchronous>, transform_indices = @transform_1, window_bounds = array<i64: 64, 1>}, {pipeline_mode = #tpu.pipeline_mode<synchronous>, transform_indices = @transform_2, window_bounds = array<i64: 64, 1>}, {pipeline_mode = #tpu.pipeline_mode<synchronous>, transform_indices = @transform_3, window_bounds = array<i64: 64, 1>}, {transform_indices = @transform_4, window_bounds = array<i64: 1, 1, 2048>}]} {
    %get3A = arith.constant 0 : index
    %get3A_0 = arith.constant 0 : index
    %get3A_1 = vector.load %arg2[%get3A, %get3A_0] : memref<64x1xf32, #tpu.memory_space<vmem>>, vector<64x1xf32>
    %get3A_2 = arith.constant 0 : index
    %get3A_3 = arith.constant 0 : index
    %get3A_4 = arith.constant 0 : index
    %get3A_5 = vector.load %arg1[%get3A_2, %get3A_3, %get3A_4] : memref<1x1x2048xf32, #tpu.memory_space<vmem>>, vector<1x1x2048xf32>
    %get3A_6 = vector.shape_cast %get3A_5 : vector<1x1x2048xf32> to vector<2048xf32>
    %broadcast_in_dim3A = vector.shape_cast %get3A_6 : vector<2048xf32> to vector<1x2048xf32>
    %mul3A = vector.broadcast %get3A_1 : vector<64x1xf32> to vector<64x2048xf32>
    %mul3A_7 = vector.broadcast %broadcast_in_dim3A : vector<1x2048xf32> to vector<64x2048xf32>
    %mul3A_8 = arith.mulf %mul3A, %mul3A_7 : vector<64x2048xf32>
    %get3A_9 = arith.constant 0 : index
    %get3A_10 = arith.constant 0 : index
    %get3A_11 = vector.load %arg3[%get3A_9, %get3A_10] : memref<64x1xf32, #tpu.memory_space<vmem>>, vector<64x1xf32>
    %add3A = vector.broadcast %get3A_11 : vector<64x1xf32> to vector<64x2048xf32>
    %add3A_12 = arith.addf %mul3A_8, %add3A : vector<64x2048xf32>
    %mul3A_13 = arith.constant 0.00999999977 : f32
    %mul3A_14 = vector.broadcast %mul3A_13 : f32 to vector<64x2048xf32>
    %mul3A_15 = arith.mulf %mul3A_14, %add3A_12 : vector<64x2048xf32>
    %max3A = arith.maximumf %add3A_12, %mul3A_15 : vector<64x2048xf32>
    %get3A_16 = arith.constant 0 : index
    %get3A_17 = arith.constant 0 : index
    %get3A_18 = vector.load %arg4[%get3A_16, %get3A_17] : memref<64x1xf32, #tpu.memory_space<vmem>>, vector<64x1xf32>
    %mul3A_19 = vector.broadcast %get3A_18 : vector<64x1xf32> to vector<64x2048xf32>
    %mul3A_20 = arith.mulf %max3A, %mul3A_19 : vector<64x2048xf32>
    %reduce_sum3A = arith.constant dense<0.000000e+00> : vector<2048xf32>
    %reduce_sum3A_21 = vector.multi_reduction <add>, %mul3A_20, %reduce_sum3A [0] : vector<64x2048xf32> to vector<2048xf32>
    %reshape3A = vector.shape_cast %reduce_sum3A_21 : vector<2048xf32> to vector<1x1x2048xf32>
    %swap3A = arith.constant 0 : index
    %swap3A_22 = arith.constant 0 : index
    %swap3A_23 = arith.constant 0 : index
    %swap3A_24 = vector.load %arg5[%swap3A, %swap3A_22, %swap3A_23] : memref<1x1x2048xf32, #tpu.memory_space<vmem>>, vector<1x1x2048xf32>
    tpu.vector_store %arg5[%swap3A, %swap3A_22, %swap3A_23], %reshape3A {strides = array<i32>} : memref<1x1x2048xf32, #tpu.memory_space<vmem>>, vector<1x1x2048xf32>,
    return
  }
  func.func @transform_0(%arg0: i32) -> (i32, i32, i32) {
    %c0_i32 = arith.constant 0 : i32
    %c0_i32_0 = arith.constant 0 : i32
    %c0_i32_1 = arith.constant 0 : i32
    return %arg0, %c0_i32, %c0_i32_0 : i32, i32, i32
  }
  func.func @transform_1(%arg0: i32) -> (i32, i32) {
    %c0_i32 = arith.constant 0 : i32
    %c0_i32_0 = arith.constant 0 : i32
    %c0_i32_1 = arith.constant 0 : i32
    return %c0_i32, %c0_i32_0 : i32, i32
  }
  func.func @transform_2(%arg0: i32) -> (i32, i32) {
    %c0_i32 = arith.constant 0 : i32
    %c0_i32_0 = arith.constant 0 : i32
    %c0_i32_1 = arith.constant 0 : i32
    return %c0_i32, %c0_i32_0 : i32, i32
  }
  func.func @transform_3(%arg0: i32) -> (i32, i32) {
    %c0_i32 = arith.constant 0 : i32
    %c0_i32_0 = arith.constant 0 : i32
    %c0_i32_1 = arith.constant 0 : i32
    return %c0_i32, %c0_i32_0 : i32, i32
  }
  func.func @transform_4(%arg0: i32) -> (i32, i32, i32) {
    %c0_i32 = arith.constant 0 : i32
    %c0_i32_0 = arith.constant 0 : i32
    %c0_i32_1 = arith.constant 0 : i32
    return %arg0, %c0_i32, %c0_i32_0 : i32, i32, i32
  }
}

module attributes {stable_mosaic.version = 14 : i64} {
  func.func @_edge_body(%arg0: i32, %arg1: memref<1x1x2048xf32, #tpu.memory_space<vmem>>, %arg2: memref<1x1x2048xf32, #tpu.memory_space<vmem>>, %arg3: memref<1x1x2048xf32, #tpu.memory_space<vmem>>, %arg4: memref<64x1xf32, #tpu.memory_space<vmem>>, %arg5: memref<64x1xf32, #tpu.memory_space<vmem>>, %arg6: memref<64x64xf32, #tpu.memory_space<vmem>>, %arg7: memref<64x1xf32, #tpu.memory_space<vmem>>, %arg8: memref<64x1xf32, #tpu.memory_space<vmem>>, %arg9: memref<1x1x2048xf32, #tpu.memory_space<vmem>>, %arg10: memref<16x2048xf32, #tpu.memory_space<vmem>>, %arg11: memref<16x2048xf32, #tpu.memory_space<vmem>>, %arg12: memref<16x2048xf32, #tpu.memory_space<vmem>>, %arg13: memref<16x2048xf32, #tpu.memory_space<vmem>>) attributes {dimension_semantics = [#tpu.dimension_semantics<arbitrary>], iteration_bounds = array<i64: 800>, scalar_prefetch = 0 : i64, scratch_operands = 0 : i64, tpu.core_type = #tpu.core_type<tc>, window_params = [{transform_indices = @transform_0, window_bounds = array<i64: 1, 1, 2048>}, {transform_indices = @transform_1, window_bounds = array<i64: 1, 1, 2048>}, {transform_indices = @transform_2, window_bounds = array<i64: 1, 1, 2048>}, {pipeline_mode = #tpu.pipeline_mode<synchronous>, transform_indices = @transform_3, window_bounds = array<i64: 64, 1>}, {pipeline_mode = #tpu.pipeline_mode<synchronous>, transform_indices = @transform_4, window_bounds = array<i64: 64, 1>}, {pipeline_mode = #tpu.pipeline_mode<synchronous>, transform_indices = @transform_5, window_bounds = array<i64: 64, 64>}, {pipeline_mode = #tpu.pipeline_mode<synchronous>, transform_indices = @transform_6, window_bounds = array<i64: 64, 1>}, {pipeline_mode = #tpu.pipeline_mode<synchronous>, transform_indices = @transform_7, window_bounds = array<i64: 64, 1>}, {transform_indices = @transform_8, window_bounds = array<i64: 1, 1, 2048>}, {transform_indices = @transform_9, window_bounds = array<i64: 16, 2048>}, {transform_indices = @transform_10, window_bounds = array<i64: 16, 2048>}, {transform_indices = @transform_11, window_bounds = array<i64: 16, 2048>}, {transform_indices = @transform_12, window_bounds = array<i64: 16, 2048>}]} {
    %get3A = arith.constant 0 : index
    %get3A_0 = arith.constant 0 : index
    %get3A_1 = vector.load %arg4[%get3A, %get3A_0] : memref<64x1xf32, #tpu.memory_space<vmem>>, vector<64x1xf32>
    %get3A_2 = arith.constant 0 : index
    %get3A_3 = arith.constant 0 : index
    %get3A_4 = arith.constant 0 : index
    %get3A_5 = vector.load %arg1[%get3A_2, %get3A_3, %get3A_4] : memref<1x1x2048xf32, #tpu.memory_space<vmem>>, vector<1x1x2048xf32>
    %get3A_6 = vector.shape_cast %get3A_5 : vector<1x1x2048xf32> to vector<2048xf32>
    %broadcast_in_dim3A = vector.shape_cast %get3A_6 : vector<2048xf32> to vector<1x2048xf32>
    %mul3A = vector.broadcast %get3A_1 : vector<64x1xf32> to vector<64x2048xf32>
    %mul3A_7 = vector.broadcast %broadcast_in_dim3A : vector<1x2048xf32> to vector<64x2048xf32>
    %mul3A_8 = arith.mulf %mul3A, %mul3A_7 : vector<64x2048xf32>
    %get3A_9 = arith.constant 0 : index
    %get3A_10 = arith.constant 0 : index
    %get3A_11 = vector.load %arg5[%get3A_9, %get3A_10] : memref<64x1xf32, #tpu.memory_space<vmem>>, vector<64x1xf32>
    %add3A = vector.broadcast %get3A_11 : vector<64x1xf32> to vector<64x2048xf32>
    %add3A_12 = arith.addf %mul3A_8, %add3A : vector<64x2048xf32>
    %mul3A_13 = arith.constant 0.00999999977 : f32
    %mul3A_14 = vector.broadcast %mul3A_13 : f32 to vector<64x2048xf32>
    %mul3A_15 = arith.mulf %mul3A_14, %add3A_12 : vector<64x2048xf32>
    %max3A = arith.maximumf %add3A_12, %mul3A_15 : vector<64x2048xf32>
    %get3A_16 = arith.constant 0 : index
    %get3A_17 = arith.constant 0 : index
    %get3A_18 = vector.load %arg6[%get3A_16, %get3A_17] : memref<64x64xf32, #tpu.memory_space<vmem>>, vector<64x64xf32>
    %dot_general3A = arith.constant dense<0.000000e+00> : vector<64x2048xf32>
    %dot_general3A_19 = tpu.matmul %get3A_18, %max3A, %dot_general3A {dimension_numbers = #tpu.dot_dimension_numbers<[1], [0], [0], [1], [0, 0, 1, 1], [], []>, transpose_lhs_hint = false} : vector<64x64xf32>, vector<64x2048xf32>, vector<64x2048xf32> -> vector<64x2048xf32>
    %get3A_20 = arith.constant 0 : index
    %get3A_21 = arith.constant 0 : index
    %get3A_22 = vector.load %arg7[%get3A_20, %get3A_21] : memref<64x1xf32, #tpu.memory_space<vmem>>, vector<64x1xf32>
    %get3A_23 = arith.constant 0 : index
    %get3A_24 = arith.constant 0 : index
    %get3A_25 = arith.constant 0 : index
    %get3A_26 = vector.load %arg3[%get3A_23, %get3A_24, %get3A_25] : memref<1x1x2048xf32, #tpu.memory_space<vmem>>, vector<1x1x2048xf32>
    %get3A_27 = vector.shape_cast %get3A_26 : vector<1x1x2048xf32> to vector<2048xf32>
    %broadcast_in_dim3A_28 = vector.shape_cast %get3A_27 : vector<2048xf32> to vector<1x2048xf32>
    %mul3A_29 = vector.broadcast %get3A_22 : vector<64x1xf32> to vector<64x2048xf32>
    %mul3A_30 = vector.broadcast %broadcast_in_dim3A_28 : vector<1x2048xf32> to vector<64x2048xf32>
    %mul3A_31 = arith.mulf %mul3A_29, %mul3A_30 : vector<64x2048xf32>
    %add3A_32 = arith.addf %dot_general3A_19, %mul3A_31 : vector<64x2048xf32>
    %mul3A_33 = arith.constant 0.00999999977 : f32
    %mul3A_34 = vector.broadcast %mul3A_33 : f32 to vector<64x2048xf32>
    %mul3A_35 = arith.mulf %mul3A_34, %add3A_32 : vector<64x2048xf32>
    %max3A_36 = arith.maximumf %add3A_32, %mul3A_35 : vector<64x2048xf32>
    %get3A_37 = arith.constant 0 : index
    %get3A_38 = arith.constant 0 : index
    %get3A_39 = vector.load %arg8[%get3A_37, %get3A_38] : memref<64x1xf32, #tpu.memory_space<vmem>>, vector<64x1xf32>
    %mul3A_40 = vector.broadcast %get3A_39 : vector<64x1xf32> to vector<64x2048xf32>
    %mul3A_41 = arith.mulf %max3A_36, %mul3A_40 : vector<64x2048xf32>
    %reduce_sum3A = arith.constant dense<0.000000e+00> : vector<2048xf32>
    %reduce_sum3A_42 = vector.multi_reduction <add>, %mul3A_41, %reduce_sum3A [0] : vector<64x2048xf32> to vector<2048xf32>
    %get3A_43 = arith.constant 0 : index
    %get3A_44 = arith.constant 0 : index
    %get3A_45 = arith.constant 0 : index
    %get3A_46 = vector.load %arg2[%get3A_43, %get3A_44, %get3A_45] : memref<1x1x2048xf32, #tpu.memory_space<vmem>>, vector<1x1x2048xf32>
    %get3A_47 = vector.shape_cast %get3A_46 : vector<1x1x2048xf32> to vector<2048xf32>
    %add3A_48 = arith.addf %reduce_sum3A_42, %get3A_47 : vector<2048xf32>
    %mul3A_49 = arith.constant 0.00999999977 : f32
    %mul3A_50 = vector.broadcast %mul3A_49 : f32 to vector<2048xf32>
    %mul3A_51 = arith.mulf %mul3A_50, %add3A_48 : vector<2048xf32>
    %max3A_52 = arith.maximumf %add3A_48, %mul3A_51 : vector<2048xf32>
    %exp3A = math.exp %max3A_52 : vector<2048xf32>
    %reshape3A = vector.shape_cast %exp3A : vector<2048xf32> to vector<1x1x2048xf32>
    %swap3A = arith.constant 0 : index
    %swap3A_53 = arith.constant 0 : index
    %swap3A_54 = arith.constant 0 : index
    %swap3A_55 = vector.load %arg9[%swap3A, %swap3A_53, %swap3A_54] : memref<1x1x2048xf32, #tpu.memory_space<vmem>>, vector<1x1x2048xf32>
    tpu.vector_store %arg9[%swap3A, %swap3A_53, %swap3A_54], %reshape3A {strides = array<i32>} : memref<1x1x2048xf32, #tpu.memory_space<vmem>>, vector<1x1x2048xf32>,
    %broadcast_in_dim3A_56 = vector.shape_cast %exp3A : vector<2048xf32> to vector<1x2048xf32>
    %mul3A_57 = vector.broadcast %broadcast_in_dim3A_56 : vector<1x2048xf32> to vector<64x2048xf32>
    %mul3A_58 = arith.mulf %max3A_36, %mul3A_57 : vector<64x2048xf32>
    %slice3A = vector.extract_strided_slice %mul3A_58 {offsets = [0, 0], sizes = [16, 2048], strides = [1, 1]} : vector<64x2048xf32> to vector<16x2048xf32>
    %swap3A_59 = arith.constant 0 : index
    %swap3A_60 = arith.constant 0 : index
    %swap3A_61 = vector.load %arg10[%swap3A_59, %swap3A_60] : memref<16x2048xf32, #tpu.memory_space<vmem>>, vector<16x2048xf32>
    tpu.vector_store %arg10[%swap3A_59, %swap3A_60], %slice3A {strides = array<i32>} : memref<16x2048xf32, #tpu.memory_space<vmem>>, vector<16x2048xf32>,
    %slice3A_62 = vector.extract_strided_slice %mul3A_58 {offsets = [16, 0], sizes = [16, 2048], strides = [1, 1]} : vector<64x2048xf32> to vector<16x2048xf32>
    %swap3A_63 = arith.constant 0 : index
    %swap3A_64 = arith.constant 0 : index
    %swap3A_65 = vector.load %arg11[%swap3A_63, %swap3A_64] : memref<16x2048xf32, #tpu.memory_space<vmem>>, vector<16x2048xf32>
    tpu.vector_store %arg11[%swap3A_63, %swap3A_64], %slice3A_62 {strides = array<i32>} : memref<16x2048xf32, #tpu.memory_space<vmem>>, vector<16x2048xf32>,
    %slice3A_66 = vector.extract_strided_slice %mul3A_58 {offsets = [32, 0], sizes = [16, 2048], strides = [1, 1]} : vector<64x2048xf32> to vector<16x2048xf32>
    %swap3A_67 = arith.constant 0 : index
    %swap3A_68 = arith.constant 0 : index
    %swap3A_69 = vector.load %arg12[%swap3A_67, %swap3A_68] : memref<16x2048xf32, #tpu.memory_space<vmem>>, vector<16x2048xf32>
    tpu.vector_store %arg12[%swap3A_67, %swap3A_68], %slice3A_66 {strides = array<i32>} : memref<16x2048xf32, #tpu.memory_space<vmem>>, vector<16x2048xf32>,
    %slice3A_70 = vector.extract_strided_slice %mul3A_58 {offsets = [48, 0], sizes = [16, 2048], strides = [1, 1]} : vector<64x2048xf32> to vector<16x2048xf32>
    %swap3A_71 = arith.constant 0 : index
    %swap3A_72 = arith.constant 0 : index
    %swap3A_73 = vector.load %arg13[%swap3A_71, %swap3A_72] : memref<16x2048xf32, #tpu.memory_space<vmem>>, vector<16x2048xf32>
    tpu.vector_store %arg13[%swap3A_71, %swap3A_72], %slice3A_70 {strides = array<i32>} : memref<16x2048xf32, #tpu.memory_space<vmem>>, vector<16x2048xf32>,
    return
  }
  func.func @transform_0(%arg0: i32) -> (i32, i32, i32) {
    %c0_i32 = arith.constant 0 : i32
    %c0_i32_0 = arith.constant 0 : i32
    %c0_i32_1 = arith.constant 0 : i32
    return %arg0, %c0_i32, %c0_i32_0 : i32, i32, i32
  }
  func.func @transform_1(%arg0: i32) -> (i32, i32, i32) {
    %c0_i32 = arith.constant 0 : i32
    %c0_i32_0 = arith.constant 0 : i32
    %c0_i32_1 = arith.constant 0 : i32
    return %arg0, %c0_i32, %c0_i32_0 : i32, i32, i32
  }
  func.func @transform_2(%arg0: i32) -> (i32, i32, i32) {
    %c0_i32 = arith.constant 0 : i32
    %c0_i32_0 = arith.constant 0 : i32
    %c0_i32_1 = arith.constant 0 : i32
    return %arg0, %c0_i32, %c0_i32_0 : i32, i32, i32
  }
  func.func @transform_3(%arg0: i32) -> (i32, i32) {
    %c0_i32 = arith.constant 0 : i32
    %c0_i32_0 = arith.constant 0 : i32
    %c0_i32_1 = arith.constant 0 : i32
    return %c0_i32, %c0_i32_0 : i32, i32
  }
  func.func @transform_4(%arg0: i32) -> (i32, i32) {
    %c0_i32 = arith.constant 0 : i32
    %c0_i32_0 = arith.constant 0 : i32
    %c0_i32_1 = arith.constant 0 : i32
    return %c0_i32, %c0_i32_0 : i32, i32
  }
  func.func @transform_5(%arg0: i32) -> (i32, i32) {
    %c0_i32 = arith.constant 0 : i32
    %c0_i32_0 = arith.constant 0 : i32
    %c0_i32_1 = arith.constant 0 : i32
    return %c0_i32, %c0_i32_0 : i32, i32
  }
  func.func @transform_6(%arg0: i32) -> (i32, i32) {
    %c0_i32 = arith.constant 0 : i32
    %c0_i32_0 = arith.constant 0 : i32
    %c0_i32_1 = arith.constant 0 : i32
    return %c0_i32, %c0_i32_0 : i32, i32
  }
  func.func @transform_7(%arg0: i32) -> (i32, i32) {
    %c0_i32 = arith.constant 0 : i32
    %c0_i32_0 = arith.constant 0 : i32
    %c0_i32_1 = arith.constant 0 : i32
    return %c0_i32, %c0_i32_0 : i32, i32
  }
  func.func @transform_8(%arg0: i32) -> (i32, i32, i32) {
    %c0_i32 = arith.constant 0 : i32
    %c0_i32_0 = arith.constant 0 : i32
    %c0_i32_1 = arith.constant 0 : i32
    return %arg0, %c0_i32, %c0_i32_0 : i32, i32, i32
  }
  func.func @transform_9(%arg0: i32) -> (i32, i32) {
    %c0_i32 = arith.constant 0 : i32
    %c0_i32_0 = arith.constant 0 : i32
    return %c0_i32, %arg0 : i32, i32
  }
  func.func @transform_10(%arg0: i32) -> (i32, i32) {
    %c0_i32 = arith.constant 0 : i32
    %c0_i32_0 = arith.constant 0 : i32
    return %c0_i32, %arg0 : i32, i32
  }
  func.func @transform_11(%arg0: i32) -> (i32, i32) {
    %c0_i32 = arith.constant 0 : i32
    %c0_i32_0 = arith.constant 0 : i32
    return %c0_i32, %arg0 : i32, i32
  }
  func.func @transform_12(%arg0: i32) -> (i32, i32) {
    %c0_i32 = arith.constant 0 : i32
    %c0_i32_0 = arith.constant 0 : i32
    return %c0_i32, %arg0 : i32, i32
  }
}

module attributes {stable_mosaic.version = 14 : i64} {
  func.func @_nodesum_body(%arg0: i32, %arg1: memref<16x2048xf32, #tpu.memory_space<vmem>>, %arg2: memref<16x2048xf32, #tpu.memory_space<vmem>>, %arg3: memref<16x2048xf32, #tpu.memory_space<vmem>>, %arg4: memref<16x2048xf32, #tpu.memory_space<vmem>>, %arg5: memref<1x1x2048xf32, #tpu.memory_space<vmem>>, %arg6: memref<1x1x2048xf32, #tpu.memory_space<vmem>>, %arg7: memref<64x64xf32, #tpu.memory_space<vmem>>, %arg8: memref<64x1xf32, #tpu.memory_space<vmem>>, %arg9: memref<192x64xf32, #tpu.memory_space<vmem>>, %arg10: memref<192x64xf32, #tpu.memory_space<vmem>>, %arg11: memref<192x1xf32, #tpu.memory_space<vmem>>, %arg12: memref<192x1xf32, #tpu.memory_space<vmem>>, %arg13: memref<64x1xf32, #tpu.memory_space<vmem>>, %arg14: memref<64x1xf32, #tpu.memory_space<vmem>>, %arg15: memref<64x1xf32, #tpu.memory_space<vmem>>) attributes {dimension_semantics = [#tpu.dimension_semantics<arbitrary>], iteration_bounds = array<i64: 49>, scalar_prefetch = 0 : i64, scratch_operands = 0 : i64, tpu.core_type = #tpu.core_type<tc>, window_params = [{transform_indices = @transform_0, window_bounds = array<i64: 16, 2048>}, {transform_indices = @transform_1, window_bounds = array<i64: 16, 2048>}, {transform_indices = @transform_2, window_bounds = array<i64: 16, 2048>}, {transform_indices = @transform_3, window_bounds = array<i64: 16, 2048>}, {transform_indices = @transform_4, window_bounds = array<i64: 1, 1, 2048>}, {transform_indices = @transform_5, window_bounds = array<i64: 1, 1, 2048>}, {pipeline_mode = #tpu.pipeline_mode<synchronous>, transform_indices = @transform_6, window_bounds = array<i64: 64, 64>}, {pipeline_mode = #tpu.pipeline_mode<synchronous>, transform_indices = @transform_7, window_bounds = array<i64: 64, 1>}, {pipeline_mode = #tpu.pipeline_mode<synchronous>, transform_indices = @transform_8, window_bounds = array<i64: 192, 64>}, {pipeline_mode = #tpu.pipeline_mode<synchronous>, transform_indices = @transform_9, window_bounds = array<i64: 192, 64>}, {pipeline_mode = #tpu.pipeline_mode<synchronous>, transform_indices = @transform_10, window_bounds = array<i64: 192, 1>}, {pipeline_mode = #tpu.pipeline_mode<synchronous>, transform_indices = @transform_11, window_bounds = array<i64: 192, 1>}, {pipeline_mode = #tpu.pipeline_mode<synchronous>, transform_indices = @transform_12, window_bounds = array<i64: 64, 1>}, {pipeline_mode = #tpu.pipeline_mode<synchronous>, transform_indices = @transform_13, window_bounds = array<i64: 64, 1>}, {pipeline_mode = #tpu.pipeline_mode<synchronous>, transform_indices = @transform_14, window_bounds = array<i64: 64, 1>}]} {
    %get3A = arith.constant 0 : index
    %get3A_0 = arith.constant 0 : index
    %get3A_1 = vector.load %arg1[%get3A, %get3A_0] : memref<16x2048xf32, #tpu.memory_space<vmem>>, vector<16x2048xf32>
    %get3A_2 = arith.constant 0 : index
    %get3A_3 = arith.constant 0 : index
    %get3A_4 = vector.load %arg2[%get3A_2, %get3A_3] : memref<16x2048xf32, #tpu.memory_space<vmem>>, vector<16x2048xf32>
    %get3A_5 = arith.constant 0 : index
    %get3A_6 = arith.constant 0 : index
    %get3A_7 = vector.load %arg3[%get3A_5, %get3A_6] : memref<16x2048xf32, #tpu.memory_space<vmem>>, vector<16x2048xf32>
    %get3A_8 = arith.constant 0 : index
    %get3A_9 = arith.constant 0 : index
    %get3A_10 = vector.load %arg4[%get3A_8, %get3A_9] : memref<16x2048xf32, #tpu.memory_space<vmem>>, vector<16x2048xf32>
    %concatenate3A = tpu.concatenate %get3A_1, %get3A_4, %get3A_7, %get3A_10 in 0 : vector<16x2048xf32>, vector<16x2048xf32>, vector<16x2048xf32>, vector<16x2048xf32> -> vector<64x2048xf32>
    %get3A_11 = arith.constant 0 : index
    %get3A_12 = arith.constant 0 : index
    %get3A_13 = arith.constant 0 : index
    %get3A_14 = vector.load %arg5[%get3A_11, %get3A_12, %get3A_13] : memref<1x1x2048xf32, #tpu.memory_space<vmem>>, vector<1x1x2048xf32>
    %get3A_15 = vector.shape_cast %get3A_14 : vector<1x1x2048xf32> to vector<2048xf32>
    %broadcast_in_dim3A = vector.shape_cast %get3A_15 : vector<2048xf32> to vector<1x2048xf32>
    %add3A = arith.constant 1.000000e-16 : f32
    %add3A_16 = vector.broadcast %add3A : f32 to vector<1x2048xf32>
    %add3A_17 = arith.addf %broadcast_in_dim3A, %add3A_16 : vector<1x2048xf32>
    %div3A = vector.broadcast %add3A_17 : vector<1x2048xf32> to vector<64x2048xf32>
    %div3A_18 = arith.divf %concatenate3A, %div3A : vector<64x2048xf32>
    %get3A_19 = arith.constant 0 : index
    %get3A_20 = arith.constant 0 : index
    %get3A_21 = vector.load %arg7[%get3A_19, %get3A_20] : memref<64x64xf32, #tpu.memory_space<vmem>>, vector<64x64xf32>
    %dot_general3A = arith.constant dense<0.000000e+00> : vector<64x2048xf32>
    %dot_general3A_22 = tpu.matmul %get3A_21, %div3A_18, %dot_general3A {dimension_numbers = #tpu.dot_dimension_numbers<[1], [0], [0], [1], [0, 0, 1, 1], [], []>, transpose_lhs_hint = false} : vector<64x64xf32>, vector<64x2048xf32>, vector<64x2048xf32> -> vector<64x2048xf32>
    %get3A_23 = arith.constant 0 : index
    %get3A_24 = arith.constant 0 : index
    %get3A_25 = vector.load %arg8[%get3A_23, %get3A_24] : memref<64x1xf32, #tpu.memory_space<vmem>>, vector<64x1xf32>
    %add3A_26 = vector.broadcast %get3A_25 : vector<64x1xf32> to vector<64x2048xf32>
    %add3A_27 = arith.addf %dot_general3A_22, %add3A_26 : vector<64x2048xf32>
    %gt3A = arith.constant 0.000000e+00 : f32
    %gt3A_28 = vector.broadcast %gt3A : f32 to vector<64x2048xf32>
    %gt3A_29 = arith.cmpf ogt, %add3A_27, %gt3A_28 : vector<64x2048xf32>
    %min3A = arith.constant 0.000000e+00 : f32
    %min3A_30 = vector.broadcast %min3A : f32 to vector<64x2048xf32>
    %min3A_31 = arith.minimumf %add3A_27, %min3A_30 : vector<64x2048xf32>
    %exp3A = math.exp %min3A_31 : vector<64x2048xf32>
    %sub3A = arith.constant 1.000000e+00 : f32
    %sub3A_32 = vector.broadcast %sub3A : f32 to vector<64x2048xf32>
    %sub3A_33 = arith.subf %exp3A, %sub3A_32 : vector<64x2048xf32>
    %select_n3A = arith.select %gt3A_29, %add3A_27, %sub3A_33 : vector<64x2048xi1>, vector<64x2048xf32>
    %get3A_34 = arith.constant 0 : index
    %get3A_35 = arith.constant 0 : index
    %get3A_36 = vector.load %arg13[%get3A_34, %get3A_35] : memref<64x1xf32, #tpu.memory_space<vmem>>, vector<64x1xf32>
    %get3A_37 = arith.constant 0 : index
    %get3A_38 = arith.constant 0 : index
    %get3A_39 = arith.constant 0 : index
    %get3A_40 = vector.load %arg6[%get3A_37, %get3A_38, %get3A_39] : memref<1x1x2048xf32, #tpu.memory_space<vmem>>, vector<1x1x2048xf32>
    %get3A_41 = vector.shape_cast %get3A_40 : vector<1x1x2048xf32> to vector<2048xf32>
    %broadcast_in_dim3A_42 = vector.shape_cast %get3A_41 : vector<2048xf32> to vector<1x2048xf32>
    %mul3A = vector.broadcast %get3A_36 : vector<64x1xf32> to vector<64x2048xf32>
    %mul3A_43 = vector.broadcast %broadcast_in_dim3A_42 : vector<1x2048xf32> to vector<64x2048xf32>
    %mul3A_44 = arith.mulf %mul3A, %mul3A_43 : vector<64x2048xf32>
    %get3A_45 = arith.constant 0 : index
    %get3A_46 = arith.constant 0 : index
    %get3A_47 = vector.load %arg14[%get3A_45, %get3A_46] : memref<64x1xf32, #tpu.memory_space<vmem>>, vector<64x1xf32>
    %add3A_48 = vector.broadcast %get3A_47 : vector<64x1xf32> to vector<64x2048xf32>
    %add3A_49 = arith.addf %mul3A_44, %add3A_48 : vector<64x2048xf32>
    %mul3A_50 = arith.constant 0.00999999977 : f32
    %mul3A_51 = vector.broadcast %mul3A_50 : f32 to vector<64x2048xf32>
    %mul3A_52 = arith.mulf %mul3A_51, %add3A_49 : vector<64x2048xf32>
    %max3A = arith.maximumf %add3A_49, %mul3A_52 : vector<64x2048xf32>
    %get3A_53 = arith.constant 0 : index
    %get3A_54 = arith.constant 0 : index
    %get3A_55 = vector.load %arg9[%get3A_53, %get3A_54] : memref<192x64xf32, #tpu.memory_space<vmem>>, vector<192x64xf32>
    %dot_general3A_56 = arith.constant dense<0.000000e+00> : vector<192x2048xf32>
    %dot_general3A_57 = tpu.matmul %get3A_55, %select_n3A, %dot_general3A_56 {dimension_numbers = #tpu.dot_dimension_numbers<[1], [0], [0], [1], [0, 0, 1, 1], [], []>, transpose_lhs_hint = false} : vector<192x64xf32>, vector<64x2048xf32>, vector<192x2048xf32> -> vector<192x2048xf32>
    %get3A_58 = arith.constant 0 : index
    %get3A_59 = arith.constant 0 : index
    %get3A_60 = vector.load %arg11[%get3A_58, %get3A_59] : memref<192x1xf32, #tpu.memory_space<vmem>>, vector<192x1xf32>
    %add3A_61 = vector.broadcast %get3A_60 : vector<192x1xf32> to vector<192x2048xf32>
    %add3A_62 = arith.addf %dot_general3A_57, %add3A_61 : vector<192x2048xf32>
    %get3A_63 = arith.constant 0 : index
    %get3A_64 = arith.constant 0 : index
    %get3A_65 = vector.load %arg10[%get3A_63, %get3A_64] : memref<192x64xf32, #tpu.memory_space<vmem>>, vector<192x64xf32>
    %dot_general3A_66 = arith.constant dense<0.000000e+00> : vector<192x2048xf32>
    %dot_general3A_67 = tpu.matmul %get3A_65, %max3A, %dot_general3A_66 {dimension_numbers = #tpu.dot_dimension_numbers<[1], [0], [0], [1], [0, 0, 1, 1], [], []>, transpose_lhs_hint = false} : vector<192x64xf32>, vector<64x2048xf32>, vector<192x2048xf32> -> vector<192x2048xf32>
    %get3A_68 = arith.constant 0 : index
    %get3A_69 = arith.constant 0 : index
    %get3A_70 = vector.load %arg12[%get3A_68, %get3A_69] : memref<192x1xf32, #tpu.memory_space<vmem>>, vector<192x1xf32>
    %add3A_71 = vector.broadcast %get3A_70 : vector<192x1xf32> to vector<192x2048xf32>
    %add3A_72 = arith.addf %dot_general3A_67, %add3A_71 : vector<192x2048xf32>
    %slice3A = vector.extract_strided_slice %add3A_62 {offsets = [0, 0], sizes = [64, 2048], strides = [1, 1]} : vector<192x2048xf32> to vector<64x2048xf32>
    %slice3A_73 = vector.extract_strided_slice %add3A_72 {offsets = [0, 0], sizes = [64, 2048], strides = [1, 1]} : vector<192x2048xf32> to vector<64x2048xf32>
    %add3A_74 = arith.addf %slice3A, %slice3A_73 : vector<64x2048xf32>
    %neg3A = arith.constant 0.000000e+00 : f32
    %neg3A_75 = vector.broadcast %neg3A : f32 to vector<64x2048xf32>
    %neg3A_76 = arith.subf %neg3A_75, %add3A_74 : vector<64x2048xf32>
    %exp3A_77 = math.exp %neg3A_76 : vector<64x2048xf32>
    %add3A_78 = arith.constant 1.000000e+00 : f32
    %add3A_79 = vector.broadcast %add3A_78 : f32 to vector<64x2048xf32>
    %add3A_80 = arith.addf %add3A_79, %exp3A_77 : vector<64x2048xf32>
    %div3A_81 = arith.constant 1.000000e+00 : f32
    %div3A_82 = vector.broadcast %div3A_81 : f32 to vector<64x2048xf32>
    %div3A_83 = arith.divf %div3A_82, %add3A_80 : vector<64x2048xf32>
    %slice3A_84 = vector.extract_strided_slice %add3A_62 {offsets = [64, 0], sizes = [64, 2048], strides = [1, 1]} : vector<192x2048xf32> to vector<64x2048xf32>
    %slice3A_85 = vector.extract_strided_slice %add3A_72 {offsets = [64, 0], sizes = [64, 2048], strides = [1, 1]} : vector<192x2048xf32> to vector<64x2048xf32>
    %add3A_86 = arith.addf %slice3A_84, %slice3A_85 : vector<64x2048xf32>
    %neg3A_87 = arith.constant 0.000000e+00 : f32
    %neg3A_88 = vector.broadcast %neg3A_87 : f32 to vector<64x2048xf32>
    %neg3A_89 = arith.subf %neg3A_88, %add3A_86 : vector<64x2048xf32>
    %exp3A_90 = math.exp %neg3A_89 : vector<64x2048xf32>
    %add3A_91 = arith.constant 1.000000e+00 : f32
    %add3A_92 = vector.broadcast %add3A_91 : f32 to vector<64x2048xf32>
    %add3A_93 = arith.addf %add3A_92, %exp3A_90 : vector<64x2048xf32>
    %div3A_94 = arith.constant 1.000000e+00 : f32
    %div3A_95 = vector.broadcast %div3A_94 : f32 to vector<64x2048xf32>
    %div3A_96 = arith.divf %div3A_95, %add3A_93 : vector<64x2048xf32>
    %slice3A_97 = vector.extract_strided_slice %add3A_62 {offsets = [128, 0], sizes = [64, 2048], strides = [1, 1]} : vector<192x2048xf32> to vector<64x2048xf32>
    %slice3A_98 = vector.extract_strided_slice %add3A_72 {offsets = [128, 0], sizes = [64, 2048], strides = [1, 1]} : vector<192x2048xf32> to vector<64x2048xf32>
    %mul3A_99 = arith.mulf %div3A_83, %slice3A_98 : vector<64x2048xf32>
    %add3A_100 = arith.addf %slice3A_97, %mul3A_99 : vector<64x2048xf32>
    %tanh3A = math.tanh %add3A_100 : vector<64x2048xf32>
    %sub3A_101 = arith.constant 1.000000e+00 : f32
    %sub3A_102 = vector.broadcast %sub3A_101 : f32 to vector<64x2048xf32>
    %sub3A_103 = arith.subf %sub3A_102, %div3A_96 : vector<64x2048xf32>
    %mul3A_104 = arith.mulf %sub3A_103, %tanh3A : vector<64x2048xf32>
    %mul3A_105 = arith.mulf %div3A_96, %max3A : vector<64x2048xf32>
    %add3A_106 = arith.addf %mul3A_104, %mul3A_105 : vector<64x2048xf32>
    %max3A_107 = arith.constant 0.000000e+00 : f32
    %max3A_108 = vector.broadcast %max3A_107 : f32 to vector<64x2048xf32>
    %max3A_109 = arith.maximumf %add3A_106, %max3A_108 : vector<64x2048xf32>
    %iota3A = tpu.iota {dimensions = array<i32: 1>} : vector<1x2048xi32>
    %mul3A_110 = arith.constant 2048 : i32
    %mul3A_111 = arith.muli %arg0, %mul3A_110 : i32
    %add3A_112 = vector.broadcast %mul3A_111 : i32 to vector<1x2048xi32>
    %add3A_113 = arith.addi %iota3A, %add3A_112 : vector<1x2048xi32>
    %lt3A = arith.constant 100000 : i32
    %lt3A_114 = vector.broadcast %lt3A : i32 to vector<1x2048xi32>
    %lt3A_115 = arith.cmpi slt, %add3A_113, %lt3A_114 : vector<1x2048xi32>
    %jit3A = arith.constant 0.000000e+00 : f32
    %broadcast_in_dim3A_116 = vector.shape_cast %lt3A_115 : vector<1x2048xi1> to vector<1x2048xi1>
    %broadcast_in_dim3A_117 = vector.broadcast %broadcast_in_dim3A_116 : vector<1x2048xi1> to vector<64x2048xi1>
    %broadcast_in_dim3A_118 = vector.broadcast %jit3A : f32 to vector<64x2048xf32>
    %select_n3A_119 = arith.select %broadcast_in_dim3A_117, %max3A_109, %broadcast_in_dim3A_118 : vector<64x2048xi1>, vector<64x2048xf32>
    %eq3A = arith.constant 0 : i32
    %eq3A_120 = arith.cmpi eq, %arg0, %eq3A : i32
    %convert_element_type3A = arith.extui %eq3A_120 : i1 to i32
    %cond3A = arith.constant 0 : i32
    %cond3A_121 = arith.cmpi ne, %convert_element_type3A, %cond3A : i32
    scf.if %cond3A_121 {
      %broadcast_in_dim3A_130 = arith.constant 0.000000e+00 : f32
      %broadcast_in_dim3A_131 = vector.broadcast %broadcast_in_dim3A_130 : f32 to vector<64x1xf32>
      %swap3A_132 = arith.constant 0 : index
      %swap3A_133 = arith.constant 0 : index
      %swap3A_134 = vector.load %arg15[%swap3A_132, %swap3A_133] : memref<64x1xf32, #tpu.memory_space<vmem>>, vector<64x1xf32>
      tpu.vector_store %arg15[%swap3A_132, %swap3A_133], %broadcast_in_dim3A_131 {strides = array<i32>} : memref<64x1xf32, #tpu.memory_space<vmem>>, vector<64x1xf32>,
    } else {
    }
    %get3A_122 = arith.constant 0 : index
    %get3A_123 = arith.constant 0 : index
    %get3A_124 = vector.load %arg15[%get3A_122, %get3A_123] : memref<64x1xf32, #tpu.memory_space<vmem>>, vector<64x1xf32>
    %reduce_sum3A = arith.constant dense<0.000000e+00> : vector<64xf32>
    %reduce_sum3A_125 = vector.multi_reduction <add>, %select_n3A_119, %reduce_sum3A [1] : vector<64x2048xf32> to vector<64xf32>
    %broadcast_in_dim3A_126 = vector.shape_cast %reduce_sum3A_125 : vector<64xf32> to vector<64x1xf32>
    %add3A_127 = arith.addf %get3A_124, %broadcast_in_dim3A_126 : vector<64x1xf32>
    %swap3A = arith.constant 0 : index
    %swap3A_128 = arith.constant 0 : index
    %swap3A_129 = vector.load %arg15[%swap3A, %swap3A_128] : memref<64x1xf32, #tpu.memory_space<vmem>>, vector<64x1xf32>
    tpu.vector_store %arg15[%swap3A, %swap3A_128], %add3A_127 {strides = array<i32>} : memref<64x1xf32, #tpu.memory_space<vmem>>, vector<64x1xf32>,
    return
  }
  func.func @transform_0(%arg0: i32) -> (i32, i32) {
    %c0_i32 = arith.constant 0 : i32
    %c0_i32_0 = arith.constant 0 : i32
    return %c0_i32, %arg0 : i32, i32
  }
  func.func @transform_1(%arg0: i32) -> (i32, i32) {
    %c0_i32 = arith.constant 0 : i32
    %c0_i32_0 = arith.constant 0 : i32
    return %c0_i32, %arg0 : i32, i32
  }
  func.func @transform_2(%arg0: i32) -> (i32, i32) {
    %c0_i32 = arith.constant 0 : i32
    %c0_i32_0 = arith.constant 0 : i32
    return %c0_i32, %arg0 : i32, i32
  }
  func.func @transform_3(%arg0: i32) -> (i32, i32) {
    %c0_i32 = arith.constant 0 : i32
    %c0_i32_0 = arith.constant 0 : i32
    return %c0_i32, %arg0 : i32, i32
  }
  func.func @transform_4(%arg0: i32) -> (i32, i32, i32) {
    %c0_i32 = arith.constant 0 : i32
    %c0_i32_0 = arith.constant 0 : i32
    %c0_i32_1 = arith.constant 0 : i32
    return %arg0, %c0_i32, %c0_i32_0 : i32, i32, i32
  }
  func.func @transform_5(%arg0: i32) -> (i32, i32, i32) {
    %c0_i32 = arith.constant 0 : i32
    %c0_i32_0 = arith.constant 0 : i32
    %c0_i32_1 = arith.constant 0 : i32
    return %arg0, %c0_i32, %c0_i32_0 : i32, i32, i32
  }
  func.func @transform_6(%arg0: i32) -> (i32, i32) {
    %c0_i32 = arith.constant 0 : i32
    %c0_i32_0 = arith.constant 0 : i32
    %c0_i32_1 = arith.constant 0 : i32
    return %c0_i32, %c0_i32_0 : i32, i32
  }
  func.func @transform_7(%arg0: i32) -> (i32, i32) {
    %c0_i32 = arith.constant 0 : i32
    %c0_i32_0 = arith.constant 0 : i32
    %c0_i32_1 = arith.constant 0 : i32
    return %c0_i32, %c0_i32_0 : i32, i32
  }
  func.func @transform_8(%arg0: i32) -> (i32, i32) {
    %c0_i32 = arith.constant 0 : i32
    %c0_i32_0 = arith.constant 0 : i32
    %c0_i32_1 = arith.constant 0 : i32
    return %c0_i32, %c0_i32_0 : i32, i32
  }
  func.func @transform_9(%arg0: i32) -> (i32, i32) {
    %c0_i32 = arith.constant 0 : i32
    %c0_i32_0 = arith.constant 0 : i32
    %c0_i32_1 = arith.constant 0 : i32
    return %c0_i32, %c0_i32_0 : i32, i32
  }
  func.func @transform_10(%arg0: i32) -> (i32, i32) {
    %c0_i32 = arith.constant 0 : i32
    %c0_i32_0 = arith.constant 0 : i32
    %c0_i32_1 = arith.constant 0 : i32
    return %c0_i32, %c0_i32_0 : i32, i32
  }
  func.func @transform_11(%arg0: i32) -> (i32, i32) {
    %c0_i32 = arith.constant 0 : i32
    %c0_i32_0 = arith.constant 0 : i32
    %c0_i32_1 = arith.constant 0 : i32
    return %c0_i32, %c0_i32_0 : i32, i32
  }
  func.func @transform_12(%arg0: i32) -> (i32, i32) {
    %c0_i32 = arith.constant 0 : i32
    %c0_i32_0 = arith.constant 0 : i32
    %c0_i32_1 = arith.constant 0 : i32
    return %c0_i32, %c0_i32_0 : i32, i32
  }
  func.func @transform_13(%arg0: i32) -> (i32, i32) {
    %c0_i32 = arith.constant 0 : i32
    %c0_i32_0 = arith.constant 0 : i32
    %c0_i32_1 = arith.constant 0 : i32
    return %c0_i32, %c0_i32_0 : i32, i32
  }
  func.func @transform_14(%arg0: i32) -> (i32, i32) {
    %c0_i32 = arith.constant 0 : i32
    %c0_i32_0 = arith.constant 0 : i32
    %c0_i32_1 = arith.constant 0 : i32
    return %c0_i32, %c0_i32_0 : i32, i32
  }
}

module attributes {stable_mosaic.version = 14 : i64} {
  func.func @_readout_body(%arg0: i32, %arg1: memref<16x2048xf32, #tpu.memory_space<vmem>>, %arg2: memref<16x2048xf32, #tpu.memory_space<vmem>>, %arg3: memref<16x2048xf32, #tpu.memory_space<vmem>>, %arg4: memref<16x2048xf32, #tpu.memory_space<vmem>>, %arg5: memref<1x1x2048xf32, #tpu.memory_space<vmem>>, %arg6: memref<1x1x2048xf32, #tpu.memory_space<vmem>>, %arg7: memref<64x64xf32, #tpu.memory_space<vmem>>, %arg8: memref<64x1xf32, #tpu.memory_space<vmem>>, %arg9: memref<192x64xf32, #tpu.memory_space<vmem>>, %arg10: memref<192x64xf32, #tpu.memory_space<vmem>>, %arg11: memref<192x1xf32, #tpu.memory_space<vmem>>, %arg12: memref<192x1xf32, #tpu.memory_space<vmem>>, %arg13: memref<64x1xf32, #tpu.memory_space<vmem>>, %arg14: memref<64x1xf32, #tpu.memory_space<vmem>>, %arg15: memref<64x1xf32, #tpu.memory_space<vmem>>, %arg16: memref<64x64xf32, #tpu.memory_space<vmem>>, %arg17: memref<64x1xf32, #tpu.memory_space<vmem>>, %arg18: memref<64x1xf32, #tpu.memory_space<vmem>>, %arg19: memref<64x1xf32, #tpu.memory_space<vmem>>, %arg20: memref<1x1xf32, #tpu.memory_space<vmem>>) attributes {dimension_semantics = [#tpu.dimension_semantics<arbitrary>], iteration_bounds = array<i64: 49>, scalar_prefetch = 0 : i64, scratch_operands = 0 : i64, tpu.core_type = #tpu.core_type<tc>, window_params = [{transform_indices = @transform_0, window_bounds = array<i64: 16, 2048>}, {transform_indices = @transform_1, window_bounds = array<i64: 16, 2048>}, {transform_indices = @transform_2, window_bounds = array<i64: 16, 2048>}, {transform_indices = @transform_3, window_bounds = array<i64: 16, 2048>}, {transform_indices = @transform_4, window_bounds = array<i64: 1, 1, 2048>}, {transform_indices = @transform_5, window_bounds = array<i64: 1, 1, 2048>}, {pipeline_mode = #tpu.pipeline_mode<synchronous>, transform_indices = @transform_6, window_bounds = array<i64: 64, 64>}, {pipeline_mode = #tpu.pipeline_mode<synchronous>, transform_indices = @transform_7, window_bounds = array<i64: 64, 1>}, {pipeline_mode = #tpu.pipeline_mode<synchronous>, transform_indices = @transform_8, window_bounds = array<i64: 192, 64>}, {pipeline_mode = #tpu.pipeline_mode<synchronous>, transform_indices = @transform_9, window_bounds = array<i64: 192, 64>}, {pipeline_mode = #tpu.pipeline_mode<synchronous>, transform_indices = @transform_10, window_bounds = array<i64: 192, 1>}, {pipeline_mode = #tpu.pipeline_mode<synchronous>, transform_indices = @transform_11, window_bounds = array<i64: 192, 1>}, {pipeline_mode = #tpu.pipeline_mode<synchronous>, transform_indices = @transform_12, window_bounds = array<i64: 64, 1>}, {pipeline_mode = #tpu.pipeline_mode<synchronous>, transform_indices = @transform_13, window_bounds = array<i64: 64, 1>}, {pipeline_mode = #tpu.pipeline_mode<synchronous>, transform_indices = @transform_14, window_bounds = array<i64: 64, 1>}, {pipeline_mode = #tpu.pipeline_mode<synchronous>, transform_indices = @transform_15, window_bounds = array<i64: 64, 64>}, {pipeline_mode = #tpu.pipeline_mode<synchronous>, transform_indices = @transform_16, window_bounds = array<i64: 64, 1>}, {pipeline_mode = #tpu.pipeline_mode<synchronous>, transform_indices = @transform_17, window_bounds = array<i64: 64, 1>}, {pipeline_mode = #tpu.pipeline_mode<synchronous>, transform_indices = @transform_18, window_bounds = array<i64: 64, 1>}, {pipeline_mode = #tpu.pipeline_mode<synchronous>, transform_indices = @transform_19, window_bounds = array<i64: 1, 1>}]} {
    %get3A = arith.constant 0 : index
    %get3A_0 = arith.constant 0 : index
    %get3A_1 = vector.load %arg1[%get3A, %get3A_0] : memref<16x2048xf32, #tpu.memory_space<vmem>>, vector<16x2048xf32>
    %get3A_2 = arith.constant 0 : index
    %get3A_3 = arith.constant 0 : index
    %get3A_4 = vector.load %arg2[%get3A_2, %get3A_3] : memref<16x2048xf32, #tpu.memory_space<vmem>>, vector<16x2048xf32>
    %get3A_5 = arith.constant 0 : index
    %get3A_6 = arith.constant 0 : index
    %get3A_7 = vector.load %arg3[%get3A_5, %get3A_6] : memref<16x2048xf32, #tpu.memory_space<vmem>>, vector<16x2048xf32>
    %get3A_8 = arith.constant 0 : index
    %get3A_9 = arith.constant 0 : index
    %get3A_10 = vector.load %arg4[%get3A_8, %get3A_9] : memref<16x2048xf32, #tpu.memory_space<vmem>>, vector<16x2048xf32>
    %concatenate3A = tpu.concatenate %get3A_1, %get3A_4, %get3A_7, %get3A_10 in 0 : vector<16x2048xf32>, vector<16x2048xf32>, vector<16x2048xf32>, vector<16x2048xf32> -> vector<64x2048xf32>
    %get3A_11 = arith.constant 0 : index
    %get3A_12 = arith.constant 0 : index
    %get3A_13 = arith.constant 0 : index
    %get3A_14 = vector.load %arg5[%get3A_11, %get3A_12, %get3A_13] : memref<1x1x2048xf32, #tpu.memory_space<vmem>>, vector<1x1x2048xf32>
    %get3A_15 = vector.shape_cast %get3A_14 : vector<1x1x2048xf32> to vector<2048xf32>
    %broadcast_in_dim3A = vector.shape_cast %get3A_15 : vector<2048xf32> to vector<1x2048xf32>
    %add3A = arith.constant 1.000000e-16 : f32
    %add3A_16 = vector.broadcast %add3A : f32 to vector<1x2048xf32>
    %add3A_17 = arith.addf %broadcast_in_dim3A, %add3A_16 : vector<1x2048xf32>
    %div3A = vector.broadcast %add3A_17 : vector<1x2048xf32> to vector<64x2048xf32>
    %div3A_18 = arith.divf %concatenate3A, %div3A : vector<64x2048xf32>
    %get3A_19 = arith.constant 0 : index
    %get3A_20 = arith.constant 0 : index
    %get3A_21 = vector.load %arg7[%get3A_19, %get3A_20] : memref<64x64xf32, #tpu.memory_space<vmem>>, vector<64x64xf32>
    %dot_general3A = arith.constant dense<0.000000e+00> : vector<64x2048xf32>
    %dot_general3A_22 = tpu.matmul %get3A_21, %div3A_18, %dot_general3A {dimension_numbers = #tpu.dot_dimension_numbers<[1], [0], [0], [1], [0, 0, 1, 1], [], []>, transpose_lhs_hint = false} : vector<64x64xf32>, vector<64x2048xf32>, vector<64x2048xf32> -> vector<64x2048xf32>
    %get3A_23 = arith.constant 0 : index
    %get3A_24 = arith.constant 0 : index
    %get3A_25 = vector.load %arg8[%get3A_23, %get3A_24] : memref<64x1xf32, #tpu.memory_space<vmem>>, vector<64x1xf32>
    %add3A_26 = vector.broadcast %get3A_25 : vector<64x1xf32> to vector<64x2048xf32>
    %add3A_27 = arith.addf %dot_general3A_22, %add3A_26 : vector<64x2048xf32>
    %gt3A = arith.constant 0.000000e+00 : f32
    %gt3A_28 = vector.broadcast %gt3A : f32 to vector<64x2048xf32>
    %gt3A_29 = arith.cmpf ogt, %add3A_27, %gt3A_28 : vector<64x2048xf32>
    %min3A = arith.constant 0.000000e+00 : f32
    %min3A_30 = vector.broadcast %min3A : f32 to vector<64x2048xf32>
    %min3A_31 = arith.minimumf %add3A_27, %min3A_30 : vector<64x2048xf32>
    %exp3A = math.exp %min3A_31 : vector<64x2048xf32>
    %sub3A = arith.constant 1.000000e+00 : f32
    %sub3A_32 = vector.broadcast %sub3A : f32 to vector<64x2048xf32>
    %sub3A_33 = arith.subf %exp3A, %sub3A_32 : vector<64x2048xf32>
    %select_n3A = arith.select %gt3A_29, %add3A_27, %sub3A_33 : vector<64x2048xi1>, vector<64x2048xf32>
    %get3A_34 = arith.constant 0 : index
    %get3A_35 = arith.constant 0 : index
    %get3A_36 = vector.load %arg13[%get3A_34, %get3A_35] : memref<64x1xf32, #tpu.memory_space<vmem>>, vector<64x1xf32>
    %get3A_37 = arith.constant 0 : index
    %get3A_38 = arith.constant 0 : index
    %get3A_39 = arith.constant 0 : index
    %get3A_40 = vector.load %arg6[%get3A_37, %get3A_38, %get3A_39] : memref<1x1x2048xf32, #tpu.memory_space<vmem>>, vector<1x1x2048xf32>
    %get3A_41 = vector.shape_cast %get3A_40 : vector<1x1x2048xf32> to vector<2048xf32>
    %broadcast_in_dim3A_42 = vector.shape_cast %get3A_41 : vector<2048xf32> to vector<1x2048xf32>
    %mul3A = vector.broadcast %get3A_36 : vector<64x1xf32> to vector<64x2048xf32>
    %mul3A_43 = vector.broadcast %broadcast_in_dim3A_42 : vector<1x2048xf32> to vector<64x2048xf32>
    %mul3A_44 = arith.mulf %mul3A, %mul3A_43 : vector<64x2048xf32>
    %get3A_45 = arith.constant 0 : index
    %get3A_46 = arith.constant 0 : index
    %get3A_47 = vector.load %arg14[%get3A_45, %get3A_46] : memref<64x1xf32, #tpu.memory_space<vmem>>, vector<64x1xf32>
    %add3A_48 = vector.broadcast %get3A_47 : vector<64x1xf32> to vector<64x2048xf32>
    %add3A_49 = arith.addf %mul3A_44, %add3A_48 : vector<64x2048xf32>
    %mul3A_50 = arith.constant 0.00999999977 : f32
    %mul3A_51 = vector.broadcast %mul3A_50 : f32 to vector<64x2048xf32>
    %mul3A_52 = arith.mulf %mul3A_51, %add3A_49 : vector<64x2048xf32>
    %max3A = arith.maximumf %add3A_49, %mul3A_52 : vector<64x2048xf32>
    %get3A_53 = arith.constant 0 : index
    %get3A_54 = arith.constant 0 : index
    %get3A_55 = vector.load %arg9[%get3A_53, %get3A_54] : memref<192x64xf32, #tpu.memory_space<vmem>>, vector<192x64xf32>
    %dot_general3A_56 = arith.constant dense<0.000000e+00> : vector<192x2048xf32>
    %dot_general3A_57 = tpu.matmul %get3A_55, %select_n3A, %dot_general3A_56 {dimension_numbers = #tpu.dot_dimension_numbers<[1], [0], [0], [1], [0, 0, 1, 1], [], []>, transpose_lhs_hint = false} : vector<192x64xf32>, vector<64x2048xf32>, vector<192x2048xf32> -> vector<192x2048xf32>
    %get3A_58 = arith.constant 0 : index
    %get3A_59 = arith.constant 0 : index
    %get3A_60 = vector.load %arg11[%get3A_58, %get3A_59] : memref<192x1xf32, #tpu.memory_space<vmem>>, vector<192x1xf32>
    %add3A_61 = vector.broadcast %get3A_60 : vector<192x1xf32> to vector<192x2048xf32>
    %add3A_62 = arith.addf %dot_general3A_57, %add3A_61 : vector<192x2048xf32>
    %get3A_63 = arith.constant 0 : index
    %get3A_64 = arith.constant 0 : index
    %get3A_65 = vector.load %arg10[%get3A_63, %get3A_64] : memref<192x64xf32, #tpu.memory_space<vmem>>, vector<192x64xf32>
    %dot_general3A_66 = arith.constant dense<0.000000e+00> : vector<192x2048xf32>
    %dot_general3A_67 = tpu.matmul %get3A_65, %max3A, %dot_general3A_66 {dimension_numbers = #tpu.dot_dimension_numbers<[1], [0], [0], [1], [0, 0, 1, 1], [], []>, transpose_lhs_hint = false} : vector<192x64xf32>, vector<64x2048xf32>, vector<192x2048xf32> -> vector<192x2048xf32>
    %get3A_68 = arith.constant 0 : index
    %get3A_69 = arith.constant 0 : index
    %get3A_70 = vector.load %arg12[%get3A_68, %get3A_69] : memref<192x1xf32, #tpu.memory_space<vmem>>, vector<192x1xf32>
    %add3A_71 = vector.broadcast %get3A_70 : vector<192x1xf32> to vector<192x2048xf32>
    %add3A_72 = arith.addf %dot_general3A_67, %add3A_71 : vector<192x2048xf32>
    %slice3A = vector.extract_strided_slice %add3A_62 {offsets = [0, 0], sizes = [64, 2048], strides = [1, 1]} : vector<192x2048xf32> to vector<64x2048xf32>
    %slice3A_73 = vector.extract_strided_slice %add3A_72 {offsets = [0, 0], sizes = [64, 2048], strides = [1, 1]} : vector<192x2048xf32> to vector<64x2048xf32>
    %add3A_74 = arith.addf %slice3A, %slice3A_73 : vector<64x2048xf32>
    %neg3A = arith.constant 0.000000e+00 : f32
    %neg3A_75 = vector.broadcast %neg3A : f32 to vector<64x2048xf32>
    %neg3A_76 = arith.subf %neg3A_75, %add3A_74 : vector<64x2048xf32>
    %exp3A_77 = math.exp %neg3A_76 : vector<64x2048xf32>
    %add3A_78 = arith.constant 1.000000e+00 : f32
    %add3A_79 = vector.broadcast %add3A_78 : f32 to vector<64x2048xf32>
    %add3A_80 = arith.addf %add3A_79, %exp3A_77 : vector<64x2048xf32>
    %div3A_81 = arith.constant 1.000000e+00 : f32
    %div3A_82 = vector.broadcast %div3A_81 : f32 to vector<64x2048xf32>
    %div3A_83 = arith.divf %div3A_82, %add3A_80 : vector<64x2048xf32>
    %slice3A_84 = vector.extract_strided_slice %add3A_62 {offsets = [64, 0], sizes = [64, 2048], strides = [1, 1]} : vector<192x2048xf32> to vector<64x2048xf32>
    %slice3A_85 = vector.extract_strided_slice %add3A_72 {offsets = [64, 0], sizes = [64, 2048], strides = [1, 1]} : vector<192x2048xf32> to vector<64x2048xf32>
    %add3A_86 = arith.addf %slice3A_84, %slice3A_85 : vector<64x2048xf32>
    %neg3A_87 = arith.constant 0.000000e+00 : f32
    %neg3A_88 = vector.broadcast %neg3A_87 : f32 to vector<64x2048xf32>
    %neg3A_89 = arith.subf %neg3A_88, %add3A_86 : vector<64x2048xf32>
    %exp3A_90 = math.exp %neg3A_89 : vector<64x2048xf32>
    %add3A_91 = arith.constant 1.000000e+00 : f32
    %add3A_92 = vector.broadcast %add3A_91 : f32 to vector<64x2048xf32>
    %add3A_93 = arith.addf %add3A_92, %exp3A_90 : vector<64x2048xf32>
    %div3A_94 = arith.constant 1.000000e+00 : f32
    %div3A_95 = vector.broadcast %div3A_94 : f32 to vector<64x2048xf32>
    %div3A_96 = arith.divf %div3A_95, %add3A_93 : vector<64x2048xf32>
    %slice3A_97 = vector.extract_strided_slice %add3A_62 {offsets = [128, 0], sizes = [64, 2048], strides = [1, 1]} : vector<192x2048xf32> to vector<64x2048xf32>
    %slice3A_98 = vector.extract_strided_slice %add3A_72 {offsets = [128, 0], sizes = [64, 2048], strides = [1, 1]} : vector<192x2048xf32> to vector<64x2048xf32>
    %mul3A_99 = arith.mulf %div3A_83, %slice3A_98 : vector<64x2048xf32>
    %add3A_100 = arith.addf %slice3A_97, %mul3A_99 : vector<64x2048xf32>
    %tanh3A = math.tanh %add3A_100 : vector<64x2048xf32>
    %sub3A_101 = arith.constant 1.000000e+00 : f32
    %sub3A_102 = vector.broadcast %sub3A_101 : f32 to vector<64x2048xf32>
    %sub3A_103 = arith.subf %sub3A_102, %div3A_96 : vector<64x2048xf32>
    %mul3A_104 = arith.mulf %sub3A_103, %tanh3A : vector<64x2048xf32>
    %mul3A_105 = arith.mulf %div3A_96, %max3A : vector<64x2048xf32>
    %add3A_106 = arith.addf %mul3A_104, %mul3A_105 : vector<64x2048xf32>
    %max3A_107 = arith.constant 0.000000e+00 : f32
    %max3A_108 = vector.broadcast %max3A_107 : f32 to vector<64x2048xf32>
    %max3A_109 = arith.maximumf %add3A_106, %max3A_108 : vector<64x2048xf32>
    %get3A_110 = arith.constant 0 : index
    %get3A_111 = arith.constant 0 : index
    %get3A_112 = vector.load %arg16[%get3A_110, %get3A_111] : memref<64x64xf32, #tpu.memory_space<vmem>>, vector<64x64xf32>
    %dot_general3A_113 = arith.constant dense<0.000000e+00> : vector<64x2048xf32>
    %dot_general3A_114 = tpu.matmul %get3A_112, %max3A_109, %dot_general3A_113 {dimension_numbers = #tpu.dot_dimension_numbers<[1], [0], [0], [1], [0, 0, 1, 1], [], []>, transpose_lhs_hint = false} : vector<64x64xf32>, vector<64x2048xf32>, vector<64x2048xf32> -> vector<64x2048xf32>
    %get3A_115 = arith.constant 0 : index
    %get3A_116 = arith.constant 0 : index
    %get3A_117 = vector.load %arg15[%get3A_115, %get3A_116] : memref<64x1xf32, #tpu.memory_space<vmem>>, vector<64x1xf32>
    %max3A_118 = arith.constant 0.000000e+00 : f32
    %max3A_119 = vector.broadcast %max3A_118 : f32 to vector<64x1xf32>
    %max3A_120 = arith.maximumf %get3A_117, %max3A_119 : vector<64x1xf32>
    %get3A_121 = arith.constant 0 : index
    %get3A_122 = arith.constant 0 : index
    %get3A_123 = vector.load %arg16[%get3A_121, %get3A_122] : memref<64x64xf32, #tpu.memory_space<vmem>>, vector<64x64xf32>
    %dot_general3A_124 = arith.constant dense<0.000000e+00> : vector<64x1xf32>
    %dot_general3A_125 = tpu.matmul %get3A_123, %max3A_120, %dot_general3A_124 {dimension_numbers = #tpu.dot_dimension_numbers<[1], [0], [0], [1], [0, 0, 1, 1], [], []>, transpose_lhs_hint = false} : vector<64x64xf32>, vector<64x1xf32>, vector<64x1xf32> -> vector<64x1xf32>
    %get3A_126 = arith.constant 0 : index
    %get3A_127 = arith.constant 0 : index
    %get3A_128 = vector.load %arg18[%get3A_126, %get3A_127] : memref<64x1xf32, #tpu.memory_space<vmem>>, vector<64x1xf32>
    %mul3A_129 = arith.mulf %dot_general3A_125, %get3A_128 : vector<64x1xf32>
    %reduce_sum3A = vector.shape_cast %mul3A_129 : vector<64x1xf32> to vector<1x64x1xf32>
    %reduce_sum3A_130 = arith.constant dense<0.000000e+00> : vector<1xf32>
    %reduce_sum3A_131 = vector.multi_reduction <add>, %reduce_sum3A, %reduce_sum3A_130 [1, 2] : vector<1x64x1xf32> to vector<1xf32>
    %reduce_sum3A_132 = vector.shape_cast %reduce_sum3A_131 : vector<1xf32> to vector<1x1x1xf32>
    %reduce_sum3A_133 = vector.extract %reduce_sum3A_132[0, 0, 0] : f32 from vector<1x1x1xf32>
    %get3A_134 = arith.constant 0 : index
    %get3A_135 = arith.constant 0 : index
    %get3A_136 = vector.load %arg17[%get3A_134, %get3A_135] : memref<64x1xf32, #tpu.memory_space<vmem>>, vector<64x1xf32>
    %mul3A_137 = vector.broadcast %get3A_136 : vector<64x1xf32> to vector<64x2048xf32>
    %mul3A_138 = arith.mulf %dot_general3A_114, %mul3A_137 : vector<64x2048xf32>
    %reduce_sum3A_139 = arith.constant dense<0.000000e+00> : vector<2048xf32>
    %reduce_sum3A_140 = vector.multi_reduction <add>, %mul3A_138, %reduce_sum3A_139 [0] : vector<64x2048xf32> to vector<2048xf32>
    %add3A_141 = vector.broadcast %reduce_sum3A_133 : f32 to vector<2048xf32>
    %add3A_142 = arith.addf %reduce_sum3A_140, %add3A_141 : vector<2048xf32>
    %mul3A_143 = arith.constant 0.00999999977 : f32
    %mul3A_144 = vector.broadcast %mul3A_143 : f32 to vector<2048xf32>
    %mul3A_145 = arith.mulf %mul3A_144, %add3A_142 : vector<2048xf32>
    %max3A_146 = arith.maximumf %add3A_142, %mul3A_145 : vector<2048xf32>
    %iota3A = tpu.iota {dimensions = array<i32: 1>} : vector<1x2048xi32>
    %mul3A_147 = arith.constant 2048 : i32
    %mul3A_148 = arith.muli %arg0, %mul3A_147 : i32
    %add3A_149 = vector.broadcast %mul3A_148 : i32 to vector<1x2048xi32>
    %add3A_150 = arith.addi %iota3A, %add3A_149 : vector<1x2048xi32>
    %lt3A = arith.constant 100000 : i32
    %lt3A_151 = vector.broadcast %lt3A : i32 to vector<1x2048xi32>
    %lt3A_152 = arith.cmpi slt, %add3A_150, %lt3A_151 : vector<1x2048xi32>
    %exp3A_153 = math.exp %max3A_146 : vector<2048xf32>
    %broadcast_in_dim3A_154 = vector.shape_cast %exp3A_153 : vector<2048xf32> to vector<1x2048xf32>
    %jit3A = arith.constant 0.000000e+00 : f32
    %broadcast_in_dim3A_155 = vector.broadcast %jit3A : f32 to vector<1x2048xf32>
    %select_n3A_156 = arith.select %lt3A_152, %broadcast_in_dim3A_154, %broadcast_in_dim3A_155 : vector<1x2048xi1>, vector<1x2048xf32>
    %eq3A = arith.constant 0 : i32
    %eq3A_157 = arith.cmpi eq, %arg0, %eq3A : i32
    %convert_element_type3A = arith.extui %eq3A_157 : i1 to i32
    %cond3A = arith.constant 0 : i32
    %cond3A_158 = arith.cmpi ne, %convert_element_type3A, %cond3A : i32
    scf.if %cond3A_158 {
      %broadcast_in_dim3A_182 = arith.constant 0.000000e+00 : f32
      %broadcast_in_dim3A_183 = vector.broadcast %broadcast_in_dim3A_182 : f32 to vector<64x1xf32>
      %swap3A_184 = arith.constant 0 : index
      %swap3A_185 = arith.constant 0 : index
      %swap3A_186 = vector.load %arg19[%swap3A_184, %swap3A_185] : memref<64x1xf32, #tpu.memory_space<vmem>>, vector<64x1xf32>
      tpu.vector_store %arg19[%swap3A_184, %swap3A_185], %broadcast_in_dim3A_183 {strides = array<i32>} : memref<64x1xf32, #tpu.memory_space<vmem>>, vector<64x1xf32>,
      %broadcast_in_dim3A_187 = arith.constant 0.000000e+00 : f32
      %broadcast_in_dim3A_188 = vector.broadcast %broadcast_in_dim3A_187 : f32 to vector<1x1xf32>
      %swap3A_189 = arith.constant 0 : index
      %swap3A_190 = arith.constant 0 : index
      %swap3A_191 = vector.load %arg20[%swap3A_189, %swap3A_190] : memref<1x1xf32, #tpu.memory_space<vmem>>, vector<1x1xf32>
      tpu.vector_store %arg20[%swap3A_189, %swap3A_190], %broadcast_in_dim3A_188 {strides = array<i32>} : memref<1x1xf32, #tpu.memory_space<vmem>>, vector<1x1xf32>,
    } else {
    }
    %get3A_159 = arith.constant 0 : index
    %get3A_160 = arith.constant 0 : index
    %get3A_161 = vector.load %arg19[%get3A_159, %get3A_160] : memref<64x1xf32, #tpu.memory_space<vmem>>, vector<64x1xf32>
    %mul3A_162 = vector.broadcast %select_n3A_156 : vector<1x2048xf32> to vector<64x2048xf32>
    %mul3A_163 = arith.mulf %dot_general3A_114, %mul3A_162 : vector<64x2048xf32>
    %reduce_sum3A_164 = arith.constant dense<0.000000e+00> : vector<64xf32>
    %reduce_sum3A_165 = vector.multi_reduction <add>, %mul3A_163, %reduce_sum3A_164 [1] : vector<64x2048xf32> to vector<64xf32>
    %broadcast_in_dim3A_166 = vector.shape_cast %reduce_sum3A_165 : vector<64xf32> to vector<64x1xf32>
    %add3A_167 = arith.addf %get3A_161, %broadcast_in_dim3A_166 : vector<64x1xf32>
    %swap3A = arith.constant 0 : index
    %swap3A_168 = arith.constant 0 : index
    %swap3A_169 = vector.load %arg19[%swap3A, %swap3A_168] : memref<64x1xf32, #tpu.memory_space<vmem>>, vector<64x1xf32>
    tpu.vector_store %arg19[%swap3A, %swap3A_168], %add3A_167 {strides = array<i32>} : memref<64x1xf32, #tpu.memory_space<vmem>>, vector<64x1xf32>,
    %get3A_170 = arith.constant 0 : index
    %get3A_171 = arith.constant 0 : index
    %get3A_172 = vector.load %arg20[%get3A_170, %get3A_171] : memref<1x1xf32, #tpu.memory_space<vmem>>, vector<1x1xf32>
    %reduce_sum3A_173 = vector.shape_cast %select_n3A_156 : vector<1x2048xf32> to vector<1x1x2048xf32>
    %reduce_sum3A_174 = arith.constant dense<0.000000e+00> : vector<1xf32>
    %reduce_sum3A_175 = vector.multi_reduction <add>, %reduce_sum3A_173, %reduce_sum3A_174 [1, 2] : vector<1x1x2048xf32> to vector<1xf32>
    %reduce_sum3A_176 = vector.shape_cast %reduce_sum3A_175 : vector<1xf32> to vector<1x1x1xf32>
    %reduce_sum3A_177 = vector.extract %reduce_sum3A_176[0, 0, 0] : f32 from vector<1x1x1xf32>
    %reshape3A = vector.broadcast %reduce_sum3A_177 : f32 to vector<1x1xf32>
    %add3A_178 = arith.addf %get3A_172, %reshape3A : vector<1x1xf32>
    %swap3A_179 = arith.constant 0 : index
    %swap3A_180 = arith.constant 0 : index
    %swap3A_181 = vector.load %arg20[%swap3A_179, %swap3A_180] : memref<1x1xf32, #tpu.memory_space<vmem>>, vector<1x1xf32>
    tpu.vector_store %arg20[%swap3A_179, %swap3A_180], %add3A_178 {strides = array<i32>} : memref<1x1xf32, #tpu.memory_space<vmem>>, vector<1x1xf32>,
    return
  }
  func.func @transform_0(%arg0: i32) -> (i32, i32) {
    %c0_i32 = arith.constant 0 : i32
    %c0_i32_0 = arith.constant 0 : i32
    return %c0_i32, %arg0 : i32, i32
  }
  func.func @transform_1(%arg0: i32) -> (i32, i32) {
    %c0_i32 = arith.constant 0 : i32
    %c0_i32_0 = arith.constant 0 : i32
    return %c0_i32, %arg0 : i32, i32
  }
  func.func @transform_2(%arg0: i32) -> (i32, i32) {
    %c0_i32 = arith.constant 0 : i32
    %c0_i32_0 = arith.constant 0 : i32
    return %c0_i32, %arg0 : i32, i32
  }
  func.func @transform_3(%arg0: i32) -> (i32, i32) {
    %c0_i32 = arith.constant 0 : i32
    %c0_i32_0 = arith.constant 0 : i32
    return %c0_i32, %arg0 : i32, i32
  }
  func.func @transform_4(%arg0: i32) -> (i32, i32, i32) {
    %c0_i32 = arith.constant 0 : i32
    %c0_i32_0 = arith.constant 0 : i32
    %c0_i32_1 = arith.constant 0 : i32
    return %arg0, %c0_i32, %c0_i32_0 : i32, i32, i32
  }
  func.func @transform_5(%arg0: i32) -> (i32, i32, i32) {
    %c0_i32 = arith.constant 0 : i32
    %c0_i32_0 = arith.constant 0 : i32
    %c0_i32_1 = arith.constant 0 : i32
    return %arg0, %c0_i32, %c0_i32_0 : i32, i32, i32
  }
  func.func @transform_6(%arg0: i32) -> (i32, i32) {
    %c0_i32 = arith.constant 0 : i32
    %c0_i32_0 = arith.constant 0 : i32
    %c0_i32_1 = arith.constant 0 : i32
    return %c0_i32, %c0_i32_0 : i32, i32
  }
  func.func @transform_7(%arg0: i32) -> (i32, i32) {
    %c0_i32 = arith.constant 0 : i32
    %c0_i32_0 = arith.constant 0 : i32
    %c0_i32_1 = arith.constant 0 : i32
    return %c0_i32, %c0_i32_0 : i32, i32
  }
  func.func @transform_8(%arg0: i32) -> (i32, i32) {
    %c0_i32 = arith.constant 0 : i32
    %c0_i32_0 = arith.constant 0 : i32
    %c0_i32_1 = arith.constant 0 : i32
    return %c0_i32, %c0_i32_0 : i32, i32
  }
  func.func @transform_9(%arg0: i32) -> (i32, i32) {
    %c0_i32 = arith.constant 0 : i32
    %c0_i32_0 = arith.constant 0 : i32
    %c0_i32_1 = arith.constant 0 : i32
    return %c0_i32, %c0_i32_0 : i32, i32
  }
  func.func @transform_10(%arg0: i32) -> (i32, i32) {
    %c0_i32 = arith.constant 0 : i32
    %c0_i32_0 = arith.constant 0 : i32
    %c0_i32_1 = arith.constant 0 : i32
    return %c0_i32, %c0_i32_0 : i32, i32
  }
  func.func @transform_11(%arg0: i32) -> (i32, i32) {
    %c0_i32 = arith.constant 0 : i32
    %c0_i32_0 = arith.constant 0 : i32
    %c0_i32_1 = arith.constant 0 : i32
    return %c0_i32, %c0_i32_0 : i32, i32
  }
  func.func @transform_12(%arg0: i32) -> (i32, i32) {
    %c0_i32 = arith.constant 0 : i32
    %c0_i32_0 = arith.constant 0 : i32
    %c0_i32_1 = arith.constant 0 : i32
    return %c0_i32, %c0_i32_0 : i32, i32
  }
  func.func @transform_13(%arg0: i32) -> (i32, i32) {
    %c0_i32 = arith.constant 0 : i32
    %c0_i32_0 = arith.constant 0 : i32
    %c0_i32_1 = arith.constant 0 : i32
    return %c0_i32, %c0_i32_0 : i32, i32
  }
  func.func @transform_14(%arg0: i32) -> (i32, i32) {
    %c0_i32 = arith.constant 0 : i32
    %c0_i32_0 = arith.constant 0 : i32
    %c0_i32_1 = arith.constant 0 : i32
    return %c0_i32, %c0_i32_0 : i32, i32
  }
  func.func @transform_15(%arg0: i32) -> (i32, i32) {
    %c0_i32 = arith.constant 0 : i32
    %c0_i32_0 = arith.constant 0 : i32
    %c0_i32_1 = arith.constant 0 : i32
    return %c0_i32, %c0_i32_0 : i32, i32
  }
  func.func @transform_16(%arg0: i32) -> (i32, i32) {
    %c0_i32 = arith.constant 0 : i32
    %c0_i32_0 = arith.constant 0 : i32
    %c0_i32_1 = arith.constant 0 : i32
    return %c0_i32, %c0_i32_0 : i32, i32
  }
  func.func @transform_17(%arg0: i32) -> (i32, i32) {
    %c0_i32 = arith.constant 0 : i32
    %c0_i32_0 = arith.constant 0 : i32
    %c0_i32_1 = arith.constant 0 : i32
    return %c0_i32, %c0_i32_0 : i32, i32
  }
  func.func @transform_18(%arg0: i32) -> (i32, i32) {
    %c0_i32 = arith.constant 0 : i32
    %c0_i32_0 = arith.constant 0 : i32
    %c0_i32_1 = arith.constant 0 : i32
    return %c0_i32, %c0_i32_0 : i32, i32
  }
  func.func @transform_19(%arg0: i32) -> (i32, i32) {
    %c0_i32 = arith.constant 0 : i32
    %c0_i32_0 = arith.constant 0 : i32
    %c0_i32_1 = arith.constant 0 : i32
    return %c0_i32, %c0_i32_0 : i32, i32
  }
}

module attributes {stable_mosaic.version = 14 : i64} {
  func.func @_final_body(%arg0: memref<64x1xf32, #tpu.memory_space<vmem>>, %arg1: memref<64x1xf32, #tpu.memory_space<vmem>>, %arg2: memref<1x1xf32, #tpu.memory_space<vmem>>, %arg3: memref<64x1xf32, #tpu.memory_space<vmem>>, %arg4: memref<192x64xf32, #tpu.memory_space<vmem>>, %arg5: memref<192x64xf32, #tpu.memory_space<vmem>>, %arg6: memref<192x1xf32, #tpu.memory_space<vmem>>, %arg7: memref<192x1xf32, #tpu.memory_space<vmem>>, %arg8: memref<64x64xf32, #tpu.memory_space<vmem>>, %arg9: memref<64x1xf32, #tpu.memory_space<vmem>>, %arg10: memref<64x1xf32, #tpu.memory_space<vmem>>) attributes {dimension_semantics = [], scalar_prefetch = 0 : i64, scratch_operands = 0 : i64, tpu.core_type = #tpu.core_type<tc>} {
    %get3A = arith.constant 0 : index
    %get3A_0 = arith.constant 0 : index
    %get3A_1 = vector.load %arg0[%get3A, %get3A_0] : memref<64x1xf32, #tpu.memory_space<vmem>>, vector<64x1xf32>
    %max3A = arith.constant 0.000000e+00 : f32
    %max3A_2 = vector.broadcast %max3A : f32 to vector<64x1xf32>
    %max3A_3 = arith.maximumf %get3A_1, %max3A_2 : vector<64x1xf32>
    %get3A_4 = arith.constant 0 : index
    %get3A_5 = arith.constant 0 : index
    %get3A_6 = vector.load %arg1[%get3A_4, %get3A_5] : memref<64x1xf32, #tpu.memory_space<vmem>>, vector<64x1xf32>
    %get3A_7 = arith.constant 0 : index
    %get3A_8 = arith.constant 0 : index
    %get3A_9 = vector.load %arg2[%get3A_7, %get3A_8] : memref<1x1xf32, #tpu.memory_space<vmem>>, vector<1x1xf32>
    %get3A_10 = vector.extract %get3A_9[0, 0] : f32 from vector<1x1xf32>
    %div3A = vector.broadcast %get3A_10 : f32 to vector<64x1xf32>
    %div3A_11 = arith.divf %get3A_6, %div3A : vector<64x1xf32>
    %get3A_12 = arith.constant 0 : index
    %get3A_13 = arith.constant 0 : index
    %get3A_14 = vector.load %arg3[%get3A_12, %get3A_13] : memref<64x1xf32, #tpu.memory_space<vmem>>, vector<64x1xf32>
    %add3A = arith.addf %div3A_11, %get3A_14 : vector<64x1xf32>
    %gt3A = arith.constant 0.000000e+00 : f32
    %gt3A_15 = vector.broadcast %gt3A : f32 to vector<64x1xf32>
    %gt3A_16 = arith.cmpf ogt, %add3A, %gt3A_15 : vector<64x1xf32>
    %min3A = arith.constant 0.000000e+00 : f32
    %min3A_17 = vector.broadcast %min3A : f32 to vector<64x1xf32>
    %min3A_18 = arith.minimumf %add3A, %min3A_17 : vector<64x1xf32>
    %exp3A = math.exp %min3A_18 : vector<64x1xf32>
    %sub3A = arith.constant 1.000000e+00 : f32
    %sub3A_19 = vector.broadcast %sub3A : f32 to vector<64x1xf32>
    %sub3A_20 = arith.subf %exp3A, %sub3A_19 : vector<64x1xf32>
    %select_n3A = arith.select %gt3A_16, %add3A, %sub3A_20 : vector<64x1xi1>, vector<64x1xf32>
    %get3A_21 = arith.constant 0 : index
    %get3A_22 = arith.constant 0 : index
    %get3A_23 = vector.load %arg4[%get3A_21, %get3A_22] : memref<192x64xf32, #tpu.memory_space<vmem>>, vector<192x64xf32>
    %dot_general3A = arith.constant dense<0.000000e+00> : vector<192x1xf32>
    %dot_general3A_24 = tpu.matmul %get3A_23, %select_n3A, %dot_general3A {dimension_numbers = #tpu.dot_dimension_numbers<[1], [0], [0], [1], [0, 0, 1, 1], [], []>, transpose_lhs_hint = false} : vector<192x64xf32>, vector<64x1xf32>, vector<192x1xf32> -> vector<192x1xf32>
    %get3A_25 = arith.constant 0 : index
    %get3A_26 = arith.constant 0 : index
    %get3A_27 = vector.load %arg6[%get3A_25, %get3A_26] : memref<192x1xf32, #tpu.memory_space<vmem>>, vector<192x1xf32>
    %add3A_28 = arith.addf %dot_general3A_24, %get3A_27 : vector<192x1xf32>
    %get3A_29 = arith.constant 0 : index
    %get3A_30 = arith.constant 0 : index
    %get3A_31 = vector.load %arg5[%get3A_29, %get3A_30] : memref<192x64xf32, #tpu.memory_space<vmem>>, vector<192x64xf32>
    %dot_general3A_32 = arith.constant dense<0.000000e+00> : vector<192x1xf32>
    %dot_general3A_33 = tpu.matmul %get3A_31, %max3A_3, %dot_general3A_32 {dimension_numbers = #tpu.dot_dimension_numbers<[1], [0], [0], [1], [0, 0, 1, 1], [], []>, transpose_lhs_hint = false} : vector<192x64xf32>, vector<64x1xf32>, vector<192x1xf32> -> vector<192x1xf32>
    %get3A_34 = arith.constant 0 : index
    %get3A_35 = arith.constant 0 : index
    %get3A_36 = vector.load %arg7[%get3A_34, %get3A_35] : memref<192x1xf32, #tpu.memory_space<vmem>>, vector<192x1xf32>
    %add3A_37 = arith.addf %dot_general3A_33, %get3A_36 : vector<192x1xf32>
    %slice3A = vector.extract_strided_slice %add3A_28 {offsets = [0, 0], sizes = [64, 1], strides = [1, 1]} : vector<192x1xf32> to vector<64x1xf32>
    %slice3A_38 = vector.extract_strided_slice %add3A_37 {offsets = [0, 0], sizes = [64, 1], strides = [1, 1]} : vector<192x1xf32> to vector<64x1xf32>
    %add3A_39 = arith.addf %slice3A, %slice3A_38 : vector<64x1xf32>
    %neg3A = arith.constant 0.000000e+00 : f32
    %neg3A_40 = vector.broadcast %neg3A : f32 to vector<64x1xf32>
    %neg3A_41 = arith.subf %neg3A_40, %add3A_39 : vector<64x1xf32>
    %exp3A_42 = math.exp %neg3A_41 : vector<64x1xf32>
    %add3A_43 = arith.constant 1.000000e+00 : f32
    %add3A_44 = vector.broadcast %add3A_43 : f32 to vector<64x1xf32>
    %add3A_45 = arith.addf %add3A_44, %exp3A_42 : vector<64x1xf32>
    %div3A_46 = arith.constant 1.000000e+00 : f32
    %div3A_47 = vector.broadcast %div3A_46 : f32 to vector<64x1xf32>
    %div3A_48 = arith.divf %div3A_47, %add3A_45 : vector<64x1xf32>
    %slice3A_49 = vector.extract_strided_slice %add3A_28 {offsets = [64, 0], sizes = [64, 1], strides = [1, 1]} : vector<192x1xf32> to vector<64x1xf32>
    %slice3A_50 = vector.extract_strided_slice %add3A_37 {offsets = [64, 0], sizes = [64, 1], strides = [1, 1]} : vector<192x1xf32> to vector<64x1xf32>
    %add3A_51 = arith.addf %slice3A_49, %slice3A_50 : vector<64x1xf32>
    %neg3A_52 = arith.constant 0.000000e+00 : f32
    %neg3A_53 = vector.broadcast %neg3A_52 : f32 to vector<64x1xf32>
    %neg3A_54 = arith.subf %neg3A_53, %add3A_51 : vector<64x1xf32>
    %exp3A_55 = math.exp %neg3A_54 : vector<64x1xf32>
    %add3A_56 = arith.constant 1.000000e+00 : f32
    %add3A_57 = vector.broadcast %add3A_56 : f32 to vector<64x1xf32>
    %add3A_58 = arith.addf %add3A_57, %exp3A_55 : vector<64x1xf32>
    %div3A_59 = arith.constant 1.000000e+00 : f32
    %div3A_60 = vector.broadcast %div3A_59 : f32 to vector<64x1xf32>
    %div3A_61 = arith.divf %div3A_60, %add3A_58 : vector<64x1xf32>
    %slice3A_62 = vector.extract_strided_slice %add3A_28 {offsets = [128, 0], sizes = [64, 1], strides = [1, 1]} : vector<192x1xf32> to vector<64x1xf32>
    %slice3A_63 = vector.extract_strided_slice %add3A_37 {offsets = [128, 0], sizes = [64, 1], strides = [1, 1]} : vector<192x1xf32> to vector<64x1xf32>
    %mul3A = arith.mulf %div3A_48, %slice3A_63 : vector<64x1xf32>
    %add3A_64 = arith.addf %slice3A_62, %mul3A : vector<64x1xf32>
    %tanh3A = math.tanh %add3A_64 : vector<64x1xf32>
    %sub3A_65 = arith.constant 1.000000e+00 : f32
    %sub3A_66 = vector.broadcast %sub3A_65 : f32 to vector<64x1xf32>
    %sub3A_67 = arith.subf %sub3A_66, %div3A_61 : vector<64x1xf32>
    %mul3A_68 = arith.mulf %sub3A_67, %tanh3A : vector<64x1xf32>
    %mul3A_69 = arith.mulf %div3A_61, %max3A_3 : vector<64x1xf32>
    %add3A_70 = arith.addf %mul3A_68, %mul3A_69 : vector<64x1xf32>
    %max3A_71 = arith.constant 0.000000e+00 : f32
    %max3A_72 = vector.broadcast %max3A_71 : f32 to vector<64x1xf32>
    %max3A_73 = arith.maximumf %add3A_70, %max3A_72 : vector<64x1xf32>
    %get3A_74 = arith.constant 0 : index
    %get3A_75 = arith.constant 0 : index
    %get3A_76 = vector.load %arg8[%get3A_74, %get3A_75] : memref<64x64xf32, #tpu.memory_space<vmem>>, vector<64x64xf32>
    %dot_general3A_77 = arith.constant dense<0.000000e+00> : vector<64x1xf32>
    %dot_general3A_78 = tpu.matmul %get3A_76, %max3A_73, %dot_general3A_77 {dimension_numbers = #tpu.dot_dimension_numbers<[1], [0], [0], [1], [0, 0, 1, 1], [], []>, transpose_lhs_hint = false} : vector<64x64xf32>, vector<64x1xf32>, vector<64x1xf32> -> vector<64x1xf32>
    %get3A_79 = arith.constant 0 : index
    %get3A_80 = arith.constant 0 : index
    %get3A_81 = vector.load %arg9[%get3A_79, %get3A_80] : memref<64x1xf32, #tpu.memory_space<vmem>>, vector<64x1xf32>
    %add3A_82 = arith.addf %dot_general3A_78, %get3A_81 : vector<64x1xf32>
    %swap3A = arith.constant 0 : index
    %swap3A_83 = arith.constant 0 : index
    %swap3A_84 = vector.load %arg10[%swap3A, %swap3A_83] : memref<64x1xf32, #tpu.memory_space<vmem>>, vector<64x1xf32>
    tpu.vector_store %arg10[%swap3A, %swap3A_83], %add3A_82 {strides = array<i32>} : memref<64x1xf32, #tpu.memory_space<vmem>>, vector<64x1xf32>,
    return
  }
}

</mosaic_0001>

<sc_bundles>
// kernel: kernel.12.cloned.1.call-start
scs
__scs_entry_jumppad:
0x0: {  	(pc) =	sbr.rel $0x88, $3  }
0x1: {  	(tag) =	ssettag $0x0;
	lr =	simm.s32 $0x1  }
0x2: {  	[smem:$0x3F89] =	sst lr;
	_ =	strace $0xD0000000  }
0x3: {  	_ = 	snop  }
0x4: {  	_ = 	snop  }
0x5: {  	_ = 	snop  }
0x6: {  	_ = 	snop  }
0x7: {  	_ = 	snop  }
__scs_overlays_trampoline_lowered:
0x8: {  	[smem:$0x3F98] =	sst s0  }
0x9: {  	[smem:$0x3F99] =	sst s1  }
0xa: {  	[smem:$0x3F9A] =	sst s2  }
0xb: {  	[smem:$0x3F9B] =	sst s3  }
0xc: {  	[smem:$0x3F9C] =	sst s4  }
0xd: {  	[smem:$0x3F9D] =	sst s5  }
0xe: {  	[smem:$0x3F9E] =	sst s6  }
0xf: {  	[smem:$0x3F9F] =	sst s7  }
0x10: {  	[smem:$0x3FA0] =	sst s8  }
0x11: {  	[smem:$0x3FA1] =	sst s9;
	s0 =	simm.s32 @!p0 $0x0  }
0x12: {  	s1 =	sld [smem:$0x3F87];
	s0 =	simm.s32 @p0 $0x1  }
0x13: {  	[smem:$0x3FA2] =	sst s0;
	s0 =	simm.s32 @!p1 $0x0  }
0x14: {  	s2 =	sld [smem:$0x3F86];
	s0 =	simm.s32 @p1 $0x1  }
0x15: {  	[smem:$0x3FA3] =	sst s0;
	s0 =	simm.s32 @!p2 $0x0  }
0x16: {  	s3 =	sld [smem:$0x3FDB];
	s0 =	simm.s32 @p2 $0x1  }
0x17: {  	s4 =	simm.s32 $0x1BF5;
	[smem:$0x3FA5] =	sst s0  }
0x18: {  	s0 =	sld [smem:$0x3F88];
	_ =	swait.ge [sflag:s4], $0x0  }
0x19: {  	s7 =	sld [smem:$0x3F89]  }
0x1a: {  	s8 =	sadd.s32 $0xFFFFE003, lr  }
0x1b: {  	s9 =	sadd.s32 $0xFFFFFEF7, lr;
	s5 =	simm.s32 $0xFFFFFFFF;
	p2 =	slt.u32 s8, $0xFFFFF086  }
0x1c: {  	p1 =	slt.u32 s9, $0xF7A;
	s5 =	simm.s32 @!p2 $0x0  }
0x1d: {  	s5 =	simm.s32 @p1 $0x1;
	p0 =	seq.s32 s7, s2  }
0x1e: {  	s7 =	smul.u32 @!p0 $0xF7A, s2;
	p2 =	seq.s32 @!p0 s5, $0x0  }
0x1f: {  	s9 =	smul.u32 $0xF7A, s1;
	s8 =	simm.s32 @!p0 $0x1BF5;
	p2 =	por !p2, p0  }
0x20: {  	[sflag:s8] =	ssyncset.s32 @!p0 $0xFFFFF086;
	s6 =	sadd.s32 @!p0 s3, s7;
	s7 =	simm.s32 @!p0 $0x108  }
0x21: {  	s3 =	sadd.s32 s3, s9;
	s6 =	sadd.s32 @!p0 $0x88, s6;
	s7 =	simm.s32 @p2 $0x1082  }
0x22: {  	[simem:s7], [sflag:s8] =	dma.local @!p0 [hbm:s6], $0xF7A  }
0x23: {  	s9 =	sor.u32 $0xD0000000, s2;
	s6 =	simm.s32 $0x108;
	_ =	swait.ge @!p0 [sflag:s8], $0x0  }
0x24: {  	s3 =	sadd.s32 $0x88, s3;
	s6 =	simm.s32 @!p1 $0x1082;
	[sflag:s4] =	ssyncset.s32 $0xFFFFF086  }
0x25: {  	[simem:s6], [sflag:s4] =	dma.local [hbm:s3], $0xF7A  }
0x26: {  	[smem:$0x3F89] =	sst s1;
	(tag) =	ssettag s2;
	_ =	strace s9  }
0x27: {  	s1 =	sld [smem:$0x3F99]  }
0x28: {  	s2 =	sld [smem:$0x3F9A]  }
0x29: {  	s4 =	sld [smem:$0x3F9C]  }
0x2a: {  	p0 =	seq.s32 s5, $0x0;
	s5 =	sld [smem:$0x3F9D]  }
0x2b: {  	s6 =	sld [smem:$0x3F9E]  }
0x2c: {  	s7 =	sld [smem:$0x3F9F]  }
0x2d: {  	s3 =	simm.s32 $0x108;
	s8 =	sld [smem:$0x3FA0]  }
0x2e: {  	s3 =	simm.s32 @!p0 $0x1082;
	s9 =	sld [smem:$0x3FA1]  }
0x2f: {  	lr =	sadd.s32 s0, s3;
	s0 =	sld [smem:$0x3F98]  }
0x30: {  	s3 =	sld [smem:$0x3F9B]  }
0x31: {  	[smem:$0x3FA4] =	sst s10  }
0x32: {  	s10 =	sld [smem:$0x3FA2];
	_ =	sdelay $0x3  }
0x33: {  	p0 =	seq.s32 s10, $0x1;
	s10 =	sld [smem:$0x3FA4];
	_ =	sdelay $0x3  }
0x34: {  	[smem:$0x3FA4] =	sst s10  }
0x35: {  	s10 =	sld [smem:$0x3FA3];
	_ =	sdelay $0x3  }
0x36: {  	p1 =	seq.s32 s10, $0x1;
	s10 =	sld [smem:$0x3FA4];
	_ =	sdelay $0x3  }
0x37: {  	[smem:$0x3FA4] =	sst s10  }
0x38: {  	s10 =	sld [smem:$0x3FA5]  }
0x39: {  	_ = 	snop;
	(pc) =	sbr.ind lr, $3  }
0x3a: {  	_ = 	snop  }
0x3b: {  	_ = 	snop  }
0x3c: {  	p2 =	seq.s32 s10, $0x1;
	s10 =	sld [smem:$0x3FA4]  }
0x3d: {  	_ =	shalt  }
0x3e: {  	_ =	shalt  }
0x3f: {  	_ =	shalt  }
0x40: {  	_ =	shalt  }
0x41: {  	_ =	shalt  }
0x42: {  	_ =	shalt  }
0x43: {  	_ =	shalt  }
0x44: {  	_ =	shalt  }
0x45: {  	_ =	shalt  }
0x46: {  	_ =	shalt  }
0x47: {  	_ =	shalt  }
0x48: {  	_ =	shalt  }
0x49: {  	_ =	shalt  }
0x4a: {  	_ =	shalt  }
0x4b: {  	_ =	shalt  }
0x4c: {  	_ =	shalt  }
0x4d: {  	_ =	shalt  }
0x4e: {  	_ =	shalt  }
0x4f: {  	_ =	shalt  }
0x50: {  	_ =	shalt  }
0x51: {  	_ =	shalt  }
0x52: {  	_ =	shalt  }
0x53: {  	_ =	shalt  }
0x54: {  	_ =	shalt  }
0x55: {  	_ =	shalt  }
0x56: {  	_ =	shalt  }
0x57: {  	_ =	shalt  }
0x58: {  	_ =	shalt  }
0x59: {  	_ =	shalt  }
0x5a: {  	_ =	shalt  }
0x5b: {  	_ =	shalt  }
0x5c: {  	_ =	shalt  }
0x5d: {  	_ =	shalt  }
0x5e: {  	_ =	shalt  }
0x5f: {  	_ =	shalt  }
0x60: {  	_ =	shalt  }
0x61: {  	_ =	shalt  }
0x62: {  	_ =	shalt  }
0x63: {  	_ =	shalt  }
0x64: {  	_ =	shalt  }
0x65: {  	_ =	shalt  }
0x66: {  	_ =	shalt  }
0x67: {  	_ =	shalt  }
0x68: {  	_ =	shalt  }
0x69: {  	_ =	shalt  }
0x6a: {  	_ =	shalt  }
0x6b: {  	_ =	shalt  }
0x6c: {  	_ =	shalt  }
0x6d: {  	_ =	shalt  }
0x6e: {  	_ =	shalt  }
0x6f: {  	_ =	shalt  }
0x70: {  	_ =	shalt  }
0x71: {  	_ =	shalt  }
0x72: {  	_ =	shalt  }
0x73: {  	_ =	shalt  }
0x74: {  	_ =	shalt  }
0x75: {  	_ =	shalt  }
0x76: {  	_ =	shalt  }
0x77: {  	_ =	shalt  }
0x78: {  	_ =	shalt  }
0x79: {  	_ =	shalt  }
0x7a: {  	_ =	shalt  }
0x7b: {  	_ =	shalt  }
0x7c: {  	_ =	shalt  }
0x7d: {  	_ =	shalt  }
0x7e: {  	_ =	shalt  }
0x7f: {  	_ =	shalt  }
0x80: {  	_ =	shalt  }
0x81: {  	_ =	shalt  }
0x82: {  	_ =	shalt  }
0x83: {  	_ =	shalt  }
0x84: {  	_ =	shalt  }
0x85: {  	_ =	shalt  }
0x86: {  	_ =	shalt  }
0x87: {  	_ =	shalt  }
.Lfunc_end0:
.L_simem_size_0:
called_computation.5_lowered:
.L_overlay_start_0:
0x88: {  	s2 =	sld [smem:$0x3FD9]  }
0x89: {  	s3 =	sld [smem:$0x3FFE];
	_ =	sdelay $0x1  }
0x8a: {  	s1 =	srdreg.scid  }
0x8b: {  	s0 =	sand.u32 $0x1, s1  }
0x8c: {  	s16 =	sshll.u32 s0, $0xA;
	s2 =	sadd.s32 s3, s2  }
0x8d: {  	s2 =	sadd.s32 s2, s16  }
0x8e: {  	[smem:$0x3FB0] =	sst s2  }
0x8f: {  	_ = 	snop  }
0x90: {  	(tm) =	ssettm $0x1  }
0x91: {  	s17 =	sld [smem:$0x3FFB];
	_ =	sdelay $0x3  }
0x92: {  	_ =	strace s17  }
0x93: {  	s2 =	sld [smem:$0x3FFC];
	_ =	sdelay $0x3  }
0x94: {  	_ =	strace s2  }
0x95: {  	s2 =	sld [smem:$0x3FFD];
	_ =	sdelay $0x3  }
0x96: {  	_ =	strace s2  }
0x97: {  	_ =	strace $0x8FFFFFFF  }
0x98: {  	s18 =	sld [smem:$0x3FDB];
	_ =	sdelay $0x1  }
0x99: {  	s19 =	simm.s32 $_scs_section_size  }
0x9a: {  	s4 =	simm.s32 $_size__tile_overlayer_lowered;
	s5 =	simm.s32 $_tile_overlayer_lowered  }
0x9b: {  	s22 =	simm.s32 $0x1BFF;
	s21 =	sshll.u32 s5, $0x1;
	s2 =	sadd.s32 s19, s18  }
0x9c: {  	s6 =	simm.s32 $0x0;
	s20 =	sshll.u32 s4, $0x1;
	s4 =	sadd.s32 s21, s2  }
0x9d: {  	[timem:s6], [sflag:s22] =	dma.local [hbm:s4], s20  }
0x9e: {  	_ =	swait.ge [sflag:s22], s20  }
0x9f: {  	s3 =	ssub.s32 $0x0, s20;
	[sflag:s22] =	ssyncset.done $0x0  }
0xa0: {  	[sflag:s22] =	ssyncadd.s32 s3;
	_ =	sdelay $0x1  }
0xa1: {  	s23 =	simm.s32 $0x1B8B  }
0xa2: {  	_ =	swait.ge [sflag:s23], $0x1  }
0xa3: {  	[sflag:s23] =	ssyncset.done $0x0  }
0xa4: {  	s25 =	simm.s32 $0x1B8E;
	s24 =	sld [smem:$0x3FFE];
	[sflag:s23] =	ssyncadd.s32 $0xFFFFFFFF  }
0xa5: {  	s26 =	simm.s32 $execute0_lowered;
	[smem:$0x3FD2] =	sst s25  }
0xa6: {  	s4 =	sshll.u32 s26, $0x1;
	_ =	strace $0x80000055;
	[dreg:$0x1] =	wrdreg $0xFFFFFFFF  }
0xa7: {  	s28 =	simm.s32 $_size_execute0_lowered;
	s2 =	sadd.s32 s2, s4;
	[dreg:$0x0] =	wrdreg $0x0  }
0xa8: {  	s4 =	sshll.u32 s28, $0x1;
	[dreg:$0x2] =	wrdreg s2  }
0xa9: {  	[dreg:$0x3] =	wrdreg s4  }
0xaa: {  	[dreg:$0x4] =	wrdreg $0xC0  }
0xab: {  	_ =	task [dreg:s6], $0x5FFFF  }
0xac: {  	[dreg:$0x1] =	wrdreg $0xFFFFFFFF  }
0xad: {  	[dreg:$0x0] =	wrdreg $0x60  }
0xae: {  	[dreg:$0x2] =	wrdreg s24  }
0xaf: {  	[dreg:$0x3] =	wrdreg $0x0  }
0xb0: {  	[dreg:$0x4] =	wrdreg $0x188000  }
0xb1: {  	[dreg:$0x5] =	wrdreg $0x9  }
0xb2: {  	_ =	task.clear_ibuf [dreg:s6], $0x6FFFF;
	_ =	strace $0x90000055  }
0xb3: {  	s29 =	simm.s32 $0x9;
	_ =	strace $0x80000057  }
0xb4: {  	_ =	swait.ge [sflag:s29], $0x1  }
0xb5: {  	[sflag:s29] =	ssyncadd.s32 $0xFFFFFFFF  }
0xb6: {  	_ =	strace $0x90000057  }
0xb7: {  	_ =	sfence  }
0xb8: {  	s30 =	sld [smem:$0x0];
	_ =	sdelay $0x2  }
0xb9: {  	s31 =	sshll.u32 s1, $0xD;
	s1 =	sshrl.u32 s1, $0x2  }
0xba: {  	s3 =	sand.u32 $0x4000, s31;
	s1 =	sadd.s32 s1, s30  }
0xbb: {  	s0 =	sor.u32 s3, s0;
	s1 =	sshll.u32 s1, $0x11  }
0xbc: {  	s0 =	sor.u32 s1, s0  }
0xbd: {  	s0 =	sadd.s32 $0x8F2B, s0  }
0xbe: {  	[sflag:s0] =	ssyncadd.remote.s32 $0x1  }
0xbf: {  	_ =	sfence.sel $0xFFFF  }
0xc0: {  	[dreg:$0x0] =	wrdreg $0xFFFFFFFF;
	(pc) =	sbr.abs _section_cstart, $3  }
0xc1: {  	[dreg:$0x1] =	wrdreg $0xFFFFFFFF  }
0xc2: {  	_ =	task.clear_ibuf [dreg:s6], $0x2FFFF;
	_ =	strace $0x9FFFFFFF  }
0xc3: {  	(tm) =	ssettm $0x7FFFFFFF  }
tec
execute0_lowered:
.L_overlay_start_1:
0x0: {  	(tag) =	ssettag $0x1  }
0x1: {  	s0 =	rddreg [dreg:$0x0]  }
0x2: {  	s1 =	rddreg [dreg:$0x1]  }
0x3: {  	s12 =	rddreg [dreg:$0x2];
	s2 =	simm.s32 $0x0;
	s13 =	stileid.u32  }
0x4: {  	s16 =	srdreg.scid;
	s28 =	simm.s32 $0x1;
	s29 =	simm.s32 $0x1E080  }
0x5: {  	s30 =	simm.s32 $0x400;
	[smem:$0x7FF] =	sst s2;
	s8 =	sadd.s32 $0xD85E00, s0  }
0x6: {  	s9 =	sadd.s32 $0x16E5E00, s0;
	_ =	strace $0x80000056;
	[dreg:$0x5] =	wrdreg s8  }
0x7: {  	s31 =	simm.s32 $0x190000;
	s10 =	sadd.s32 $0x13C5E00, s0;
	[dreg:$0x6] =	wrdreg s9  }
0x8: {  	s11 =	sadd.s32 $0x10A5E00, s0;
	s15 =	smul.u32 $0x18800, s13;
	[dreg:$0x7] =	wrdreg s10  }
0x9: {  	s14 =	sadd.s32 $0x3AC00, s0;
	s4 =	smul.u32 $0x1880, s13;
	[dreg:$0x8] =	wrdreg s11  }
0xa: {  	s3 =	sadd.s32 $0x9DC00, s0;
	s7 =	smul.u32 $0x62000, s13;
	[dreg:$0x9] =	wrdreg s14  }
0xb: {  	s10 =	sadd.s32 $0x8C00, s0;
	[dreg:$0xa] =	wrdreg s3;
	s11 =	smul.u32 $0x6200, s13  }
0xc: {  	s3 =	sand.u32 $0x1, s16;
	s14 =	sadd.s32 $0xFFC00, s0;
	s16 =	smul.u32 $0x19000, s13  }
0xd: {  	s13 =	simm.s32 $0x1BC80;
	s5 =	sshrl.u32 s15, $0x3;
	s6 =	ssub.s32 $0x2, s3  }
0xe: {  	s8 =	sshrl.u32 s4, $0x3;
	[dreg:$0xc] =	wrdreg s14;
	p0 =	seq.s32 s3, $0x1  }
0xf: {  	s17 =	sshrl.u32 s7, $0x2;
	s2 =	sadd.s32 s15, s1;
	s21 =	sadd.s32 s4, s12  }
0x10: {  	s4 =	simm.s32 $0x1C480;
	s15 =	simm.s32 $0x1C880;
	s3 =	simm.s32 $0x1D880  }
0x11: {  	[dreg:$0xb] =	wrdreg s5;
	s5 =	sadd.s32 s5, s0;
	s9 =	sshrl.u32 s6, $0x1  }
0x12: {  	s0 =	sadd.s32 s8, s0;
	s18 =	sshrl.u32 s11, $0x2;
	s14 =	sadd.s32 s17, s1  }
0x13: {  	[dreg:$0xf] =	wrdreg s2;
	s11 =	simm.s32 $0x1E480;
	s17 =	simm.s32 $0x1A480  }
0x14: {  	s2 =	simm.s32 $0x1DC80;
	s6 =	ssub.s32 s6, s9;
	s20 =	sadd.s32 $0x6CC00, s5  }
0x15: {  	s19 =	sadd.s32 s18, s12;
	s0 =	sadd.s32 $0x130C00, s0;
	[dreg:$0xe] =	wrdreg s20  }
0x16: {  	s22 =	sadd.s32 $0xCEC00, s5;
	s5 =	simm.s32 $0x0;
	[dreg:$0x10] =	wrdreg s0  }
0x17: {  	s12 =	simm.s32 $0x1D080;
	s18 =	simm.s32 $0x1D480;
	[dreg:$0x11] =	wrdreg s22  }
0x18: {  	s23 =	smax.u32 s6, $0x1;
	s24 =	sadd.s32 $0x620, s19;
	[dreg:$0xd] =	wrdreg s19  }
0x19: {  	s25 =	sadd.s32 $0xC40, s19;
	s26 =	sadd.s32 $0x1260, s19;
	[dreg:$0x12] =	wrdreg s23  }
.Ltmp0:
0x1a: {  	s0 =	sshrl.u32 s21, $0x3;
	[dreg:$0x13] =	wrdreg s24;
	(pc) =	sbr.rel .LBB2_1-.Ltmp0, $4  }
0x1b: {  	s19 =	simm.s32 $0x1A880;
	s20 =	simm.s32 $0x1AC80;
	[dreg:$0x14] =	wrdreg s25  }
0x1c: {  	s22 =	simm.s32 $0x1B080;
	s21 =	simm.s32 $0x1CC80;
	[dreg:$0x15] =	wrdreg s26  }
0x1d: {  	[dreg:$0x16] =	wrdreg s0;
	s26 =	simm.s32 $0x1EC80;
	s0 =	simm.s32 $0x1A080  }
0x1e: {  	v0 =	vimm.f32 $0.0e+00;
	s23 =	simm.s32 $0x1B480;
	s24 =	simm.s32 $0x1B880;
	s25 =	simm.s32 $0x1C080  }
.LBB2_150:
0x1f: {  	s5 =	rddreg [dreg:$0xb];
	[bflag:$0x0] =	sbarrier.arrive $0xFFFF  }
0x20: {  	s8 =	rddreg [dreg:$0xf]  }
0x21: {  	s5 =	sadd.s32 s6, s5;
	s6 =	sshrl.u32 s8, $0x3;
	s8 =	rddreg [dreg:$0x17]  }
0x22: {  	[hbm:s5], [sflag:s8] =	dma.local [spmem:s6], $0x3100  }
0x23: {  	_ =	swait.ge [sflag:s28], $0x3100  }
0x24: {  	s7 =	sadd.s32 $0x1, s7;
	s9 =	rddreg [dreg:$0x12]  }
0x25: {  	p1 =	sne.s32 s7, s9  }
.Ltmp1:
0x26: {  	_ = 	snop;
	(pc) =	sbr.rel @!p1 .LBB2_151-.Ltmp1, $4  }
0x27: {  	[sflag:s28] =	ssyncset.done $0x0  }
0x28: {  	[sflag:s28] =	ssyncadd.s32 $0xFFFFCF00  }
0x29: {  	[bflag:$0x0] =	sbarrier.arrive $0xFFFF  }
0x2a: {  	s5 =	smov.u32 s7  }
.LBB2_1:
0x2b: {  	s6 =	simm.s32 $0x40;
	s7 =	simm.s32 $0x0  }
.LBB2_2:
0x2c: {  	p1 =	sne.s32 s6, $0x1840;
	[tilespmem:s7+$0x1EC80] =	vst v0;
	s7 =	smov.u32 s6;
	s6 =	sadd.s32 $0x40, s6  }
.Ltmp2:
0x2d: {  	(pc) =	sbr.rel @p1 .LBB2_2-.Ltmp2, $2  }
0x2e: {  	_ =	sdelay $0x2  }
0x2f: {  	s7 =	sshra.s32 s7, $0x2  }
.Ltmp3:
0x30: {  	(pc) =	sbr.rel @!p0 .LBB2_4-.Ltmp3, $2  }
0x31: {  	_ =	sdelay $0x2  }
0x32: {  	[tilespmem:s7+$0x1EC80] =	vst v0;
	s6 =	simm.s32 $0x0;
	[dreg:$0x4] =	wrdreg s5  }
0x33: {  	s5 =	sshra.s32 s6, $0x2  }
0x34: {  	s5 =	sadd.s32 s5, s14  }
0x35: {  	[spmem:s5] =	stream.linear.scatter [tilespmem:s26], [sflag:$0x1], $0x620, $0x38;
	[tilespmem:$0x1F2A0] =	vst v63  }
0x36: {  	s6 =	sadd.s32 $0x1880, s6;
	_ =	swait.ge [sflag:s28], $0x620  }
.LBB2_78:
0x37: {  	s5 =	sshra.s32 s6, $0x2;
	[sflag:s28] =	ssyncset.done $0x0;
	p1 =	sne.s32 s6, $0x60780  }
.Ltmp4:
0x38: {  	s5 =	sadd.s32 s5, s14;
	[sflag:s28] =	ssyncadd.s32 $0xFFFFF9E0;
	(pc) =	sbr.rel @p1 .LBB2_78-.Ltmp4, $3  }
0x39: {  	[spmem:s5] =	stream.linear.scatter [tilespmem:s26], [sflag:$0x1], $0x620, $0x38;
	[tilespmem:$0x1F2A0] =	vst v63  }
0x3a: {  	s6 =	sadd.s32 $0x1880, s6;
	_ =	sdelay $0x1  }
0x3b: {  	_ =	swait.ge [sflag:s28], $0x620  }
0x3c: {  	[sflag:s28] =	ssyncset.done $0x0  }
0x3d: {  	[sflag:s28] =	ssyncadd.s32 $0xFFFFF9E0  }
0x3e: {  	s6 =	simm.s32 $0x0;
	s7 =	simm.s32 $0x0;
	[bflag:$0x0] =	sbarrier.arrive $0xFFFF  }
.LBB2_80:
0x3f: {  	s5 =	sshll.u32 s7, $0xA  }
0x40: {  	s5 =	sadd.s32 s16, s5  }
0x41: {  	s5 =	sshrl.u32 s5, $0x3  }
0x42: {  	s8 =	sadd.s32 s10, s5  }
0x43: {  	[tilespmem:s29], [sflag:$0x1] =	stream.linear.gather [hbm4b:s8+s6], $0x400, $0x38;
	[tilespmem:$0x1F2A0] =	vst v63  }
0x44: {  	_ =	swait.ge [sflag:s28], $0x400  }
0x45: {  	[sflag:s28] =	ssyncset.done $0x0;
	s9 =	rddreg [dreg:$0x7]  }
0x46: {  	[sflag:s28] =	ssyncadd.s32 $0xFFFFFC00;
	s5 =	sadd.s32 s9, s5  }
0x47: {  	[tilespmem:s0], [sflag:$0x1] =	stream.strided.gather [hbm4b:s5+s30], $0x4000, s31, s30, $0x38;
	[tilespmem:$0x1F2A0] =	vst v63  }
0x48: {  	_ =	swait.ge [sflag:s28], $0x4000  }
0x49: {  	[sflag:s28] =	ssyncset.done $0x0  }
0x4a: {  	s8 =	simm.s32 $0x0;
	[sflag:s28] =	ssyncadd.s32 $0xFFFFC000  }
0x4b: {  	s9 =	simm.s32 $0x40;
	v1 =	vld [tilespmem:s8+$0x1E080]  }
.LBB2_81:
0x4c: {  	p1 =	sne.s32 s9, $0xFC0  }
.Ltmp5:
0x4d: {  	_ = 	snop;
	(pc) =	sbr.rel @p1 .LBB2_81-.Ltmp5, $3  }
0x4e: {  	_ =	sdelay $0x1  }
0x4f: {  	[tilespmem:s8+$0x1E480] =	vst v1;
	s8 =	sshra.s32 s9, $0x2;
	s9 =	sadd.s32 $0x40, s9  }
0x50: {  	v1 =	vld [tilespmem:s8+$0x1E080]  }
0x51: {  	_ =	sdelay $0x3  }
0x52: {  	[tilespmem:s8+$0x1E480] =	vst v1  }
0x53: {  	[spmem:s1] =	stream.indirect.scatter.add.f32 [tilespmem:s0], [sflag:$0x1], $0x1, s11, s30, $0xb8;
	[tilespmem:$0x1F2A0] =	vst v63  }
0x54: {  	_ =	swait.ge [sflag:s28], $0x400  }
0x55: {  	[sflag:s28] =	ssyncset.done $0x0  }
0x56: {  	s8 =	simm.s32 $0x0;
	[sflag:s28] =	ssyncadd.s32 $0xFFFFFC00  }
0x57: {  	s9 =	simm.s32 $0x40;
	v1 =	vld [tilespmem:s8+$0x1E080]  }
.LBB2_83:
0x58: {  	p1 =	sne.s32 s9, $0xFC0  }
.Ltmp6:
0x59: {  	_ = 	snop;
	(pc) =	sbr.rel @p1 .LBB2_83-.Ltmp6, $3  }
0x5a: {  	_ =	sdelay $0x1  }
0x5b: {  	s5 =	sshra.s32 s9, $0x2;
	s9 =	sadd.s32 $0x40, s9;
	v2 =	vadd.s32 $0x18800, v1  }
0x5c: {  	v1 =	vld [tilespmem:s5+$0x1E080];
	[tilespmem:s8+$0x1E480] =	vst v2;
	s8 =	smov.u32 s5  }
0x5d: {  	_ =	sdelay $0x3  }
0x5e: {  	v1 =	vadd.s32 $0x18800, v1  }
0x5f: {  	[tilespmem:s8+$0x1E480] =	vst v1  }
0x60: {  	[spmem:s1] =	stream.indirect.scatter.add.f32 [tilespmem:s17], [sflag:$0x1], $0x1, s11, s30, $0xb8;
	[tilespmem:$0x1F2A0] =	vst v63  }
0x61: {  	_ =	swait.ge [sflag:s28], $0x400  }
0x62: {  	[sflag:s28] =	ssyncset.done $0x0  }
0x63: {  	s8 =	simm.s32 $0x0;
	[sflag:s28] =	ssyncadd.s32 $0xFFFFFC00  }
0x64: {  	s9 =	simm.s32 $0x40;
	v1 =	vld [tilespmem:s8+$0x1E080]  }
.LBB2_85:
0x65: {  	p1 =	sne.s32 s9, $0xFC0  }
.Ltmp7:
0x66: {  	_ = 	snop;
	(pc) =	sbr.rel @p1 .LBB2_85-.Ltmp7, $3  }
0x67: {  	_ =	sdelay $0x1  }
0x68: {  	s5 =	sshra.s32 s9, $0x2;
	s9 =	sadd.s32 $0x40, s9;
	v2 =	vadd.s32 $0x31000, v1  }
0x69: {  	v1 =	vld [tilespmem:s5+$0x1E080];
	[tilespmem:s8+$0x1E480] =	vst v2;
	s8 =	smov.u32 s5  }
0x6a: {  	_ =	sdelay $0x3  }
0x6b: {  	v1 =	vadd.s32 $0x31000, v1  }
0x6c: {  	[tilespmem:s8+$0x1E480] =	vst v1  }
0x6d: {  	[spmem:s1] =	stream.indirect.scatter.add.f32 [tilespmem:s19], [sflag:$0x1], $0x1, s11, s30, $0xb8;
	[tilespmem:$0x1F2A0] =	vst v63  }
0x6e: {  	_ =	swait.ge [sflag:s28], $0x400  }
0x6f: {  	[sflag:s28] =	ssyncset.done $0x0  }
0x70: {  	s8 =	simm.s32 $0x0;
	[sflag:s28] =	ssyncadd.s32 $0xFFFFFC00  }
0x71: {  	s9 =	simm.s32 $0x40;
	v1 =	vld [tilespmem:s8+$0x1E080]  }
.LBB2_87:
0x72: {  	p1 =	sne.s32 s9, $0xFC0  }
.Ltmp8:
0x73: {  	_ = 	snop;
	(pc) =	sbr.rel @p1 .LBB2_87-.Ltmp8, $3  }
0x74: {  	_ =	sdelay $0x1  }
0x75: {  	s5 =	sshra.s32 s9, $0x2;
	s9 =	sadd.s32 $0x40, s9;
	v2 =	vadd.s32 $0x49800, v1  }
0x76: {  	v1 =	vld [tilespmem:s5+$0x1E080];
	[tilespmem:s8+$0x1E480] =	vst v2;
	s8 =	smov.u32 s5  }
0x77: {  	_ =	sdelay $0x3  }
0x78: {  	v1 =	vadd.s32 $0x49800, v1  }
0x79: {  	[tilespmem:s8+$0x1E480] =	vst v1  }
0x7a: {  	[spmem:s1] =	stream.indirect.scatter.add.f32 [tilespmem:s20], [sflag:$0x1], $0x1, s11, s30, $0xb8;
	[tilespmem:$0x1F2A0] =	vst v63  }
0x7b: {  	_ =	swait.ge [sflag:s28], $0x400  }
0x7c: {  	[sflag:s28] =	ssyncset.done $0x0  }
0x7d: {  	s8 =	simm.s32 $0x0;
	[sflag:s28] =	ssyncadd.s32 $0xFFFFFC00  }
0x7e: {  	s9 =	simm.s32 $0x40;
	v1 =	vld [tilespmem:s8+$0x1E080]  }
.LBB2_89:
0x7f: {  	p1 =	sne.s32 s9, $0xFC0  }
.Ltmp9:
0x80: {  	_ = 	snop;
	(pc) =	sbr.rel @p1 .LBB2_89-.Ltmp9, $3  }
0x81: {  	_ =	sdelay $0x1  }
0x82: {  	s5 =	sshra.s32 s9, $0x2;
	s9 =	sadd.s32 $0x40, s9;
	v2 =	vadd.s32 $0x62000, v1  }
0x83: {  	v1 =	vld [tilespmem:s5+$0x1E080];
	[tilespmem:s8+$0x1E480] =	vst v2;
	s8 =	smov.u32 s5  }
0x84: {  	_ =	sdelay $0x3  }
0x85: {  	v1 =	vadd.s32 $0x62000, v1  }
0x86: {  	[tilespmem:s8+$0x1E480] =	vst v1  }
0x87: {  	[spmem:s1] =	stream.indirect.scatter.add.f32 [tilespmem:s22], [sflag:$0x1], $0x1, s11, s30, $0xb8;
	[tilespmem:$0x1F2A0] =	vst v63  }
0x88: {  	_ =	swait.ge [sflag:s28], $0x400  }
0x89: {  	[sflag:s28] =	ssyncset.done $0x0  }
0x8a: {  	s8 =	simm.s32 $0x0;
	[sflag:s28] =	ssyncadd.s32 $0xFFFFFC00  }
0x8b: {  	s9 =	simm.s32 $0x40;
	v1 =	vld [tilespmem:s8+$0x1E080]  }
.LBB2_91:
0x8c: {  	p1 =	sne.s32 s9, $0xFC0  }
.Ltmp10:
0x8d: {  	_ = 	snop;
	(pc) =	sbr.rel @p1 .LBB2_91-.Ltmp10, $3  }
0x8e: {  	_ =	sdelay $0x1  }
0x8f: {  	s5 =	sshra.s32 s9, $0x2;
	s9 =	sadd.s32 $0x40, s9;
	v2 =	vadd.s32 $0x7A800, v1  }
0x90: {  	v1 =	vld [tilespmem:s5+$0x1E080];
	[tilespmem:s8+$0x1E480] =	vst v2;
	s8 =	smov.u32 s5  }
0x91: {  	_ =	sdelay $0x3  }
0x92: {  	v1 =	vadd.s32 $0x7A800, v1  }
0x93: {  	[tilespmem:s8+$0x1E480] =	vst v1  }
0x94: {  	[spmem:s1] =	stream.indirect.scatter.add.f32 [tilespmem:s23], [sflag:$0x1], $0x1, s11, s30, $0xb8;
	[tilespmem:$0x1F2A0] =	vst v63  }
0x95: {  	_ =	swait.ge [sflag:s28], $0x400  }
0x96: {  	[sflag:s28] =	ssyncset.done $0x0  }
0x97: {  	s8 =	simm.s32 $0x0;
	[sflag:s28] =	ssyncadd.s32 $0xFFFFFC00  }
0x98: {  	s9 =	simm.s32 $0x40;
	v1 =	vld [tilespmem:s8+$0x1E080]  }
.LBB2_93:
0x99: {  	p1 =	sne.s32 s9, $0xFC0  }
.Ltmp11:
0x9a: {  	_ = 	snop;
	(pc) =	sbr.rel @p1 .LBB2_93-.Ltmp11, $3  }
0x9b: {  	_ =	sdelay $0x1  }
0x9c: {  	s5 =	sshra.s32 s9, $0x2;
	s9 =	sadd.s32 $0x40, s9;
	v2 =	vadd.s32 $0x93000, v1  }
0x9d: {  	v1 =	vld [tilespmem:s5+$0x1E080];
	[tilespmem:s8+$0x1E480] =	vst v2;
	s8 =	smov.u32 s5  }
0x9e: {  	_ =	sdelay $0x3  }
0x9f: {  	v1 =	vadd.s32 $0x93000, v1  }
0xa0: {  	[tilespmem:s8+$0x1E480] =	vst v1  }
0xa1: {  	[spmem:s1] =	stream.indirect.scatter.add.f32 [tilespmem:s24], [sflag:$0x1], $0x1, s11, s30, $0xb8;
	[tilespmem:$0x1F2A0] =	vst v63  }
0xa2: {  	_ =	swait.ge [sflag:s28], $0x400  }
0xa3: {  	[sflag:s28] =	ssyncset.done $0x0  }
0xa4: {  	s8 =	simm.s32 $0x0;
	[sflag:s28] =	ssyncadd.s32 $0xFFFFFC00  }
0xa5: {  	s9 =	simm.s32 $0x40;
	v1 =	vld [tilespmem:s8+$0x1E080]  }
.LBB2_95:
0xa6: {  	p1 =	sne.s32 s9, $0xFC0  }
.Ltmp12:
0xa7: {  	_ = 	snop;
	(pc) =	sbr.rel @p1 .LBB2_95-.Ltmp12, $3  }
0xa8: {  	_ =	sdelay $0x1  }
0xa9: {  	s5 =	sshra.s32 s9, $0x2;
	s9 =	sadd.s32 $0x40, s9;
	v2 =	vadd.s32 $0xAB800, v1  }
0xaa: {  	v1 =	vld [tilespmem:s5+$0x1E080];
	[tilespmem:s8+$0x1E480] =	vst v2;
	s8 =	smov.u32 s5  }
0xab: {  	_ =	sdelay $0x3  }
0xac: {  	v1 =	vadd.s32 $0xAB800, v1  }
0xad: {  	[tilespmem:s8+$0x1E480] =	vst v1  }
0xae: {  	[spmem:s1] =	stream.indirect.scatter.add.f32 [tilespmem:s13], [sflag:$0x1], $0x1, s11, s30, $0xb8;
	[tilespmem:$0x1F2A0] =	vst v63  }
0xaf: {  	_ =	swait.ge [sflag:s28], $0x400  }
0xb0: {  	[sflag:s28] =	ssyncset.done $0x0  }
0xb1: {  	s8 =	simm.s32 $0x0;
	[sflag:s28] =	ssyncadd.s32 $0xFFFFFC00  }
0xb2: {  	s9 =	simm.s32 $0x40;
	v1 =	vld [tilespmem:s8+$0x1E080]  }
.LBB2_97:
0xb3: {  	p1 =	sne.s32 s9, $0xFC0  }
.Ltmp13:
0xb4: {  	_ = 	snop;
	(pc) =	sbr.rel @p1 .LBB2_97-.Ltmp13, $3  }
0xb5: {  	_ =	sdelay $0x1  }
0xb6: {  	s5 =	sshra.s32 s9, $0x2;
	s9 =	sadd.s32 $0x40, s9;
	v2 =	vadd.s32 $0xC4000, v1  }
0xb7: {  	v1 =	vld [tilespmem:s5+$0x1E080];
	[tilespmem:s8+$0x1E480] =	vst v2;
	s8 =	smov.u32 s5  }
0xb8: {  	_ =	sdelay $0x3  }
0xb9: {  	v1 =	vadd.s32 $0xC4000, v1  }
0xba: {  	[tilespmem:s8+$0x1E480] =	vst v1  }
0xbb: {  	[spmem:s1] =	stream.indirect.scatter.add.f32 [tilespmem:s25], [sflag:$0x1], $0x1, s11, s30, $0xb8;
	[tilespmem:$0x1F2A0] =	vst v63  }
0xbc: {  	_ =	swait.ge [sflag:s28], $0x400  }
0xbd: {  	[sflag:s28] =	ssyncset.done $0x0  }
0xbe: {  	s8 =	simm.s32 $0x0;
	[sflag:s28] =	ssyncadd.s32 $0xFFFFFC00  }
0xbf: {  	s9 =	simm.s32 $0x40;
	v1 =	vld [tilespmem:s8+$0x1E080]  }
.LBB2_99:
0xc0: {  	p1 =	sne.s32 s9, $0xFC0  }
.Ltmp14:
0xc1: {  	_ = 	snop;
	(pc) =	sbr.rel @p1 .LBB2_99-.Ltmp14, $3  }
0xc2: {  	_ =	sdelay $0x1  }
0xc3: {  	s5 =	sshra.s32 s9, $0x2;
	s9 =	sadd.s32 $0x40, s9;
	v2 =	vadd.s32 $0xDC800, v1  }
0xc4: {  	v1 =	vld [tilespmem:s5+$0x1E080];
	[tilespmem:s8+$0x1E480] =	vst v2;
	s8 =	smov.u32 s5  }
0xc5: {  	_ =	sdelay $0x3  }
0xc6: {  	v1 =	vadd.s32 $0xDC800, v1  }
0xc7: {  	[tilespmem:s8+$0x1E480] =	vst v1  }
0xc8: {  	[spmem:s1] =	stream.indirect.scatter.add.f32 [tilespmem:s4], [sflag:$0x1], $0x1, s11, s30, $0xb8;
	[tilespmem:$0x1F2A0] =	vst v63  }
0xc9: {  	_ =	swait.ge [sflag:s28], $0x400  }
0xca: {  	[sflag:s28] =	ssyncset.done $0x0  }
0xcb: {  	s8 =	simm.s32 $0x0;
	[sflag:s28] =	ssyncadd.s32 $0xFFFFFC00  }
0xcc: {  	s9 =	simm.s32 $0x40;
	v1 =	vld [tilespmem:s8+$0x1E080]  }
.LBB2_101:
0xcd: {  	p1 =	sne.s32 s9, $0xFC0  }
.Ltmp15:
0xce: {  	_ = 	snop;
	(pc) =	sbr.rel @p1 .LBB2_101-.Ltmp15, $3  }
0xcf: {  	_ =	sdelay $0x1  }
0xd0: {  	s5 =	sshra.s32 s9, $0x2;
	s9 =	sadd.s32 $0x40, s9;
	v2 =	vadd.s32 $0xF5000, v1  }
0xd1: {  	v1 =	vld [tilespmem:s5+$0x1E080];
	[tilespmem:s8+$0x1E480] =	vst v2;
	s8 =	smov.u32 s5  }
0xd2: {  	_ =	sdelay $0x3  }
0xd3: {  	v1 =	vadd.s32 $0xF5000, v1  }
0xd4: {  	[tilespmem:s8+$0x1E480] =	vst v1  }
0xd5: {  	[spmem:s1] =	stream.indirect.scatter.add.f32 [tilespmem:s15], [sflag:$0x1], $0x1, s11, s30, $0xb8;
	[tilespmem:$0x1F2A0] =	vst v63  }
0xd6: {  	_ =	swait.ge [sflag:s28], $0x400  }
0xd7: {  	[sflag:s28] =	ssyncset.done $0x0  }
0xd8: {  	s8 =	simm.s32 $0x0;
	[sflag:s28] =	ssyncadd.s32 $0xFFFFFC00  }
0xd9: {  	s9 =	simm.s32 $0x40;
	v1 =	vld [tilespmem:s8+$0x1E080]  }
.LBB2_103:
0xda: {  	p1 =	sne.s32 s9, $0xFC0  }
.Ltmp16:
0xdb: {  	_ = 	snop;
	(pc) =	sbr.rel @p1 .LBB2_103-.Ltmp16, $3  }
0xdc: {  	_ =	sdelay $0x1  }
0xdd: {  	s5 =	sshra.s32 s9, $0x2;
	s9 =	sadd.s32 $0x40, s9;
	v2 =	vadd.s32 $0x10D800, v1  }
0xde: {  	v1 =	vld [tilespmem:s5+$0x1E080];
	[tilespmem:s8+$0x1E480] =	vst v2;
	s8 =	smov.u32 s5  }
0xdf: {  	_ =	sdelay $0x3  }
0xe0: {  	v1 =	vadd.s32 $0x10D800, v1  }
0xe1: {  	[tilespmem:s8+$0x1E480] =	vst v1  }
0xe2: {  	[spmem:s1] =	stream.indirect.scatter.add.f32 [tilespmem:s21], [sflag:$0x1], $0x1, s11, s30, $0xb8;
	[tilespmem:$0x1F2A0] =	vst v63  }
0xe3: {  	_ =	swait.ge [sflag:s28], $0x400  }
0xe4: {  	[sflag:s28] =	ssyncset.done $0x0  }
0xe5: {  	s8 =	simm.s32 $0x0;
	[sflag:s28] =	ssyncadd.s32 $0xFFFFFC00  }
0xe6: {  	s9 =	simm.s32 $0x40;
	v1 =	vld [tilespmem:s8+$0x1E080]  }
.LBB2_105:
0xe7: {  	p1 =	sne.s32 s9, $0xFC0  }
.Ltmp17:
0xe8: {  	_ = 	snop;
	(pc) =	sbr.rel @p1 .LBB2_105-.Ltmp17, $3  }
0xe9: {  	_ =	sdelay $0x1  }
0xea: {  	s5 =	sshra.s32 s9, $0x2;
	s9 =	sadd.s32 $0x40, s9;
	v2 =	vadd.s32 $0x126000, v1  }
0xeb: {  	v1 =	vld [tilespmem:s5+$0x1E080];
	[tilespmem:s8+$0x1E480] =	vst v2;
	s8 =	smov.u32 s5  }
0xec: {  	_ =	sdelay $0x3  }
0xed: {  	v1 =	vadd.s32 $0x126000, v1  }
0xee: {  	[tilespmem:s8+$0x1E480] =	vst v1  }
0xef: {  	[spmem:s1] =	stream.indirect.scatter.add.f32 [tilespmem:s12], [sflag:$0x1], $0x1, s11, s30, $0xb8;
	[tilespmem:$0x1F2A0] =	vst v63  }
0xf0: {  	_ =	swait.ge [sflag:s28], $0x400  }
0xf1: {  	[sflag:s28] =	ssyncset.done $0x0  }
0xf2: {  	s8 =	simm.s32 $0x0;
	[sflag:s28] =	ssyncadd.s32 $0xFFFFFC00  }
0xf3: {  	s9 =	simm.s32 $0x40;
	v1 =	vld [tilespmem:s8+$0x1E080]  }
.LBB2_107:
0xf4: {  	p1 =	sne.s32 s9, $0xFC0  }
.Ltmp18:
0xf5: {  	_ = 	snop;
	(pc) =	sbr.rel @p1 .LBB2_107-.Ltmp18, $3  }
0xf6: {  	_ =	sdelay $0x1  }
0xf7: {  	s5 =	sshra.s32 s9, $0x2;
	s9 =	sadd.s32 $0x40, s9;
	v2 =	vadd.s32 $0x13E800, v1  }
0xf8: {  	v1 =	vld [tilespmem:s5+$0x1E080];
	[tilespmem:s8+$0x1E480] =	vst v2;
	s8 =	smov.u32 s5  }
0xf9: {  	_ =	sdelay $0x3  }
0xfa: {  	v1 =	vadd.s32 $0x13E800, v1  }
0xfb: {  	[tilespmem:s8+$0x1E480] =	vst v1  }
0xfc: {  	[spmem:s1] =	stream.indirect.scatter.add.f32 [tilespmem:s18], [sflag:$0x1], $0x1, s11, s30, $0xb8;
	[tilespmem:$0x1F2A0] =	vst v63  }
0xfd: {  	_ =	swait.ge [sflag:s28], $0x400  }
0xfe: {  	[sflag:s28] =	ssyncset.done $0x0  }
0xff: {  	s8 =	simm.s32 $0x0;
	[sflag:s28] =	ssyncadd.s32 $0xFFFFFC00  }
0x100: {  	s9 =	simm.s32 $0x40;
	v1 =	vld [tilespmem:s8+$0x1E080]  }
.LBB2_109:
0x101: {  	p1 =	sne.s32 s9, $0xFC0  }
.Ltmp19:
0x102: {  	_ = 	snop;
	(pc) =	sbr.rel @p1 .LBB2_109-.Ltmp19, $3  }
0x103: {  	_ =	sdelay $0x1  }
0x104: {  	s5 =	sshra.s32 s9, $0x2;
	s9 =	sadd.s32 $0x40, s9;
	v2 =	vadd.s32 $0x157000, v1  }
0x105: {  	v1 =	vld [tilespmem:s5+$0x1E080];
	[tilespmem:s8+$0x1E480] =	vst v2;
	s8 =	smov.u32 s5  }
0x106: {  	_ =	sdelay $0x3  }
0x107: {  	v1 =	vadd.s32 $0x157000, v1  }
0x108: {  	[tilespmem:s8+$0x1E480] =	vst v1  }
0x109: {  	[spmem:s1] =	stream.indirect.scatter.add.f32 [tilespmem:s3], [sflag:$0x1], $0x1, s11, s30, $0xb8;
	[tilespmem:$0x1F2A0] =	vst v63  }
0x10a: {  	_ =	swait.ge [sflag:s28], $0x400  }
0x10b: {  	[sflag:s28] =	ssyncset.done $0x0  }
0x10c: {  	s8 =	simm.s32 $0x0;
	[sflag:s28] =	ssyncadd.s32 $0xFFFFFC00  }
0x10d: {  	s9 =	simm.s32 $0x40;
	v1 =	vld [tilespmem:s8+$0x1E080]  }
.LBB2_111:
0x10e: {  	p1 =	sne.s32 s9, $0xFC0  }
.Ltmp20:
0x10f: {  	_ = 	snop;
	(pc) =	sbr.rel @p1 .LBB2_111-.Ltmp20, $3  }
0x110: {  	_ =	sdelay $0x1  }
0x111: {  	s5 =	sshra.s32 s9, $0x2;
	s9 =	sadd.s32 $0x40, s9;
	v2 =	vadd.s32 $0x16F800, v1  }
0x112: {  	v1 =	vld [tilespmem:s5+$0x1E080];
	[tilespmem:s8+$0x1E480] =	vst v2;
	s8 =	smov.u32 s5  }
0x113: {  	_ =	sdelay $0x2  }
0x114: {  	s7 =	sadd.s32 $0x1, s7  }
0x115: {  	p1 =	sne.s32 s7, $0x64;
	v1 =	vadd.s32 $0x16F800, v1  }
.Ltmp21:
0x116: {  	[tilespmem:s8+$0x1E480] =	vst v1;
	(pc) =	sbr.rel @p1 .LBB2_80-.Ltmp21, $4  }
0x117: {  	[spmem:s1] =	stream.indirect.scatter.add.f32 [tilespmem:s2], [sflag:$0x1], $0x1, s11, s30, $0xb8;
	[tilespmem:$0x1F2A0] =	vst v63  }
0x118: {  	_ =	swait.ge [sflag:s28], $0x400  }
0x119: {  	[sflag:s28] =	ssyncset.done $0x0  }
0x11a: {  	[sflag:s28] =	ssyncadd.s32 $0xFFFFFC00  }
0x11b: {  	s5 =	stileid.u32;
	[bflag:$0x0] =	sbarrier.arrive $0xFFFF  }
0x11c: {  	s5 =	sshll.u32 s5, $0x6;
	s8 =	rddreg [dreg:$0xf]  }
0x11d: {  	s6 =	rddreg [dreg:$0x11];
	s7 =	sor.u32 $0x1C01, s5  }
0x11e: {  	s5 =	sshrl.u32 s8, $0x3;
	[dreg:$0x17] =	wrdreg s7  }
0x11f: {  	[hbm:s6], [sflag:s7] =	dma.local [spmem:s5], $0x3100  }
0x120: {  	_ =	swait.ge [sflag:s28], $0x3100  }
0x121: {  	[sflag:s28] =	ssyncset.done $0x0  }
0x122: {  	[sflag:s28] =	ssyncadd.s32 $0xFFFFCF00  }
0x123: {  	s9 =	sadd.s32 $0x0, s14;
	[bflag:$0x0] =	sbarrier.arrive $0xFFFF  }
0x124: {  	[spmem:s9] =	stream.linear.scatter [tilespmem:s26], [sflag:$0x1], $0x620, $0x38;
	[tilespmem:$0x1F2A0] =	vst v63  }
0x125: {  	s6 =	simm.s32 $0x1880;
	_ =	swait.ge [sflag:s28], $0x620  }
.LBB2_114:
0x126: {  	s5 =	sshra.s32 s6, $0x2;
	[sflag:s28] =	ssyncset.done $0x0;
	p1 =	sne.s32 s6, $0x60780  }
.Ltmp22:
0x127: {  	s5 =	sadd.s32 s5, s14;
	[sflag:s28] =	ssyncadd.s32 $0xFFFFF9E0;
	(pc) =	sbr.rel @p1 .LBB2_114-.Ltmp22, $3  }
0x128: {  	[spmem:s5] =	stream.linear.scatter [tilespmem:s26], [sflag:$0x1], $0x620, $0x38;
	[tilespmem:$0x1F2A0] =	vst v63  }
0x129: {  	s6 =	sadd.s32 $0x1880, s6;
	_ =	sdelay $0x1  }
0x12a: {  	_ =	swait.ge [sflag:s28], $0x620  }
0x12b: {  	[sflag:s28] =	ssyncset.done $0x0  }
0x12c: {  	[sflag:s28] =	ssyncadd.s32 $0xFFFFF9E0  }
0x12d: {  	s6 =	simm.s32 $0x0;
	s7 =	simm.s32 $0x0;
	[bflag:$0x0] =	sbarrier.arrive $0xFFFF  }
.LBB2_116:
0x12e: {  	s5 =	sshll.u32 s7, $0xA  }
0x12f: {  	s5 =	sadd.s32 s16, s5  }
0x130: {  	s5 =	sshrl.u32 s5, $0x3  }
0x131: {  	s8 =	sadd.s32 s10, s5  }
0x132: {  	[tilespmem:s29], [sflag:$0x1] =	stream.linear.gather [hbm4b:s8+s6], $0x400, $0x38;
	[tilespmem:$0x1F2A0] =	vst v63  }
0x133: {  	_ =	swait.ge [sflag:s28], $0x400  }
0x134: {  	[sflag:s28] =	ssyncset.done $0x0;
	s9 =	rddreg [dreg:$0x8]  }
0x135: {  	[sflag:s28] =	ssyncadd.s32 $0xFFFFFC00;
	s5 =	sadd.s32 s9, s5  }
0x136: {  	[tilespmem:s0], [sflag:$0x1] =	stream.strided.gather [hbm4b:s5+s30], $0x4000, s31, s30, $0x38;
	[tilespmem:$0x1F2A0] =	vst v63  }
0x137: {  	_ =	swait.ge [sflag:s28], $0x4000  }
0x138: {  	[sflag:s28] =	ssyncset.done $0x0  }
0x139: {  	s8 =	simm.s32 $0x0;
	[sflag:s28] =	ssyncadd.s32 $0xFFFFC000  }
0x13a: {  	s9 =	simm.s32 $0x40;
	v1 =	vld [tilespmem:s8+$0x1E080]  }
.LBB2_117:
0x13b: {  	p1 =	sne.s32 s9, $0xFC0  }
.Ltmp23:
0x13c: {  	_ = 	snop;
	(pc) =	sbr.rel @p1 .LBB2_117-.Ltmp23, $3  }
0x13d: {  	_ =	sdelay $0x1  }
0x13e: {  	[tilespmem:s8+$0x1E480] =	vst v1;
	s8 =	sshra.s32 s9, $0x2;
	s9 =	sadd.s32 $0x40, s9  }
0x13f: {  	v1 =	vld [tilespmem:s8+$0x1E080]  }
0x140: {  	_ =	sdelay $0x3  }
0x141: {  	[tilespmem:s8+$0x1E480] =	vst v1  }
0x142: {  	[spmem:s1] =	stream.indirect.scatter.add.f32 [tilespmem:s0], [sflag:$0x1], $0x1, s11, s30, $0xb8;
	[tilespmem:$0x1F2A0] =	vst v63  }
0x143: {  	_ =	swait.ge [sflag:s28], $0x400  }
0x144: {  	[sflag:s28] =	ssyncset.done $0x0  }
0x145: {  	s8 =	simm.s32 $0x0;
	[sflag:s28] =	ssyncadd.s32 $0xFFFFFC00  }
0x146: {  	s9 =	simm.s32 $0x40;
	v1 =	vld [tilespmem:s8+$0x1E080]  }
.LBB2_119:
0x147: {  	p1 =	sne.s32 s9, $0xFC0  }
.Ltmp24:
0x148: {  	_ = 	snop;
	(pc) =	sbr.rel @p1 .LBB2_119-.Ltmp24, $3  }
0x149: {  	_ =	sdelay $0x1  }
0x14a: {  	s5 =	sshra.s32 s9, $0x2;
	s9 =	sadd.s32 $0x40, s9;
	v2 =	vadd.s32 $0x18800, v1  }
0x14b: {  	v1 =	vld [tilespmem:s5+$0x1E080];
	[tilespmem:s8+$0x1E480] =	vst v2;
	s8 =	smov.u32 s5  }
0x14c: {  	_ =	sdelay $0x3  }
0x14d: {  	v1 =	vadd.s32 $0x18800, v1  }
0x14e: {  	[tilespmem:s8+$0x1E480] =	vst v1  }
0x14f: {  	[spmem:s1] =	stream.indirect.scatter.add.f32 [tilespmem:s17], [sflag:$0x1], $0x1, s11, s30, $0xb8;
	[tilespmem:$0x1F2A0] =	vst v63  }
0x150: {  	_ =	swait.ge [sflag:s28], $0x400  }
0x151: {  	[sflag:s28] =	ssyncset.done $0x0  }
0x152: {  	s8 =	simm.s32 $0x0;
	[sflag:s28] =	ssyncadd.s32 $0xFFFFFC00  }
0x153: {  	s9 =	simm.s32 $0x40;
	v1 =	vld [tilespmem:s8+$0x1E080]  }
.LBB2_121:
0x154: {  	p1 =	sne.s32 s9, $0xFC0  }
.Ltmp25:
0x155: {  	_ = 	snop;
	(pc) =	sbr.rel @p1 .LBB2_121-.Ltmp25, $3  }
0x156: {  	_ =	sdelay $0x1  }
0x157: {  	s5 =	sshra.s32 s9, $0x2;
	s9 =	sadd.s32 $0x40, s9;
	v2 =	vadd.s32 $0x31000, v1  }
0x158: {  	v1 =	vld [tilespmem:s5+$0x1E080];
	[tilespmem:s8+$0x1E480] =	vst v2;
	s8 =	smov.u32 s5  }
0x159: {  	_ =	sdelay $0x3  }
0x15a: {  	v1 =	vadd.s32 $0x31000, v1  }
0x15b: {  	[tilespmem:s8+$0x1E480] =	vst v1  }
0x15c: {  	[spmem:s1] =	stream.indirect.scatter.add.f32 [tilespmem:s19], [sflag:$0x1], $0x1, s11, s30, $0xb8;
	[tilespmem:$0x1F2A0] =	vst v63  }
0x15d: {  	_ =	swait.ge [sflag:s28], $0x400  }
0x15e: {  	[sflag:s28] =	ssyncset.done $0x0  }
0x15f: {  	s8 =	simm.s32 $0x0;
	[sflag:s28] =	ssyncadd.s32 $0xFFFFFC00  }
0x160: {  	s9 =	simm.s32 $0x40;
	v1 =	vld [tilespmem:s8+$0x1E080]  }
.LBB2_123:
0x161: {  	p1 =	sne.s32 s9, $0xFC0  }
.Ltmp26:
0x162: {  	_ = 	snop;
	(pc) =	sbr.rel @p1 .LBB2_123-.Ltmp26, $3  }
0x163: {  	_ =	sdelay $0x1  }
0x164: {  	s5 =	sshra.s32 s9, $0x2;
	s9 =	sadd.s32 $0x40, s9;
	v2 =	vadd.s32 $0x49800, v1  }
0x165: {  	v1 =	vld [tilespmem:s5+$0x1E080];
	[tilespmem:s8+$0x1E480] =	vst v2;
	s8 =	smov.u32 s5  }
0x166: {  	_ =	sdelay $0x3  }
0x167: {  	v1 =	vadd.s32 $0x49800, v1  }
0x168: {  	[tilespmem:s8+$0x1E480] =	vst v1  }
0x169: {  	[spmem:s1] =	stream.indirect.scatter.add.f32 [tilespmem:s20], [sflag:$0x1], $0x1, s11, s30, $0xb8;
	[tilespmem:$0x1F2A0] =	vst v63  }
0x16a: {  	_ =	swait.ge [sflag:s28], $0x400  }
0x16b: {  	[sflag:s28] =	ssyncset.done $0x0  }
0x16c: {  	s8 =	simm.s32 $0x0;
	[sflag:s28] =	ssyncadd.s32 $0xFFFFFC00  }
0x16d: {  	s9 =	simm.s32 $0x40;
	v1 =	vld [tilespmem:s8+$0x1E080]  }
.LBB2_125:
0x16e: {  	p1 =	sne.s32 s9, $0xFC0  }
.Ltmp27:
0x16f: {  	_ = 	snop;
	(pc) =	sbr.rel @p1 .LBB2_125-.Ltmp27, $3  }
0x170: {  	_ =	sdelay $0x1  }
0x171: {  	s5 =	sshra.s32 s9, $0x2;
	s9 =	sadd.s32 $0x40, s9;
	v2 =	vadd.s32 $0x62000, v1  }
0x172: {  	v1 =	vld [tilespmem:s5+$0x1E080];
	[tilespmem:s8+$0x1E480] =	vst v2;
	s8 =	smov.u32 s5  }
0x173: {  	_ =	sdelay $0x3  }
0x174: {  	v1 =	vadd.s32 $0x62000, v1  }
0x175: {  	[tilespmem:s8+$0x1E480] =	vst v1  }
0x176: {  	[spmem:s1] =	stream.indirect.scatter.add.f32 [tilespmem:s22], [sflag:$0x1], $0x1, s11, s30, $0xb8;
	[tilespmem:$0x1F2A0] =	vst v63  }
0x177: {  	_ =	swait.ge [sflag:s28], $0x400  }
0x178: {  	[sflag:s28] =	ssyncset.done $0x0  }
0x179: {  	s8 =	simm.s32 $0x0;
	[sflag:s28] =	ssyncadd.s32 $0xFFFFFC00  }
0x17a: {  	s9 =	simm.s32 $0x40;
	v1 =	vld [tilespmem:s8+$0x1E080]  }
.LBB2_127:
0x17b: {  	p1 =	sne.s32 s9, $0xFC0  }
.Ltmp28:
0x17c: {  	_ = 	snop;
	(pc) =	sbr.rel @p1 .LBB2_127-.Ltmp28, $3  }
0x17d: {  	_ =	sdelay $0x1  }
0x17e: {  	s5 =	sshra.s32 s9, $0x2;
	s9 =	sadd.s32 $0x40, s9;
	v2 =	vadd.s32 $0x7A800, v1  }
0x17f: {  	v1 =	vld [tilespmem:s5+$0x1E080];
	[tilespmem:s8+$0x1E480] =	vst v2;
	s8 =	smov.u32 s5  }
0x180: {  	_ =	sdelay $0x3  }
0x181: {  	v1 =	vadd.s32 $0x7A800, v1  }
0x182: {  	[tilespmem:s8+$0x1E480] =	vst v1  }
0x183: {  	[spmem:s1] =	stream.indirect.scatter.add.f32 [tilespmem:s23], [sflag:$0x1], $0x1, s11, s30, $0xb8;
	[tilespmem:$0x1F2A0] =	vst v63  }
0x184: {  	_ =	swait.ge [sflag:s28], $0x400  }
0x185: {  	[sflag:s28] =	ssyncset.done $0x0  }
0x186: {  	s8 =	simm.s32 $0x0;
	[sflag:s28] =	ssyncadd.s32 $0xFFFFFC00  }
0x187: {  	s9 =	simm.s32 $0x40;
	v1 =	vld [tilespmem:s8+$0x1E080]  }
.LBB2_129:
0x188: {  	p1 =	sne.s32 s9, $0xFC0  }
.Ltmp29:
0x189: {  	_ = 	snop;
	(pc) =	sbr.rel @p1 .LBB2_129-.Ltmp29, $3  }
0x18a: {  	_ =	sdelay $0x1  }
0x18b: {  	s5 =	sshra.s32 s9, $0x2;
	s9 =	sadd.s32 $0x40, s9;
	v2 =	vadd.s32 $0x93000, v1  }
0x18c: {  	v1 =	vld [tilespmem:s5+$0x1E080];
	[tilespmem:s8+$0x1E480] =	vst v2;
	s8 =	smov.u32 s5  }
0x18d: {  	_ =	sdelay $0x3  }
0x18e: {  	v1 =	vadd.s32 $0x93000, v1  }
0x18f: {  	[tilespmem:s8+$0x1E480] =	vst v1  }
0x190: {  	[spmem:s1] =	stream.indirect.scatter.add.f32 [tilespmem:s24], [sflag:$0x1], $0x1, s11, s30, $0xb8;
	[tilespmem:$0x1F2A0] =	vst v63  }
0x191: {  	_ =	swait.ge [sflag:s28], $0x400  }
0x192: {  	[sflag:s28] =	ssyncset.done $0x0  }
0x193: {  	s8 =	simm.s32 $0x0;
	[sflag:s28] =	ssyncadd.s32 $0xFFFFFC00  }
0x194: {  	s9 =	simm.s32 $0x40;
	v1 =	vld [tilespmem:s8+$0x1E080]  }
.LBB2_131:
0x195: {  	p1 =	sne.s32 s9, $0xFC0  }
.Ltmp30:
0x196: {  	_ = 	snop;
	(pc) =	sbr.rel @p1 .LBB2_131-.Ltmp30, $3  }
0x197: {  	_ =	sdelay $0x1  }
0x198: {  	s5 =	sshra.s32 s9, $0x2;
	s9 =	sadd.s32 $0x40, s9;
	v2 =	vadd.s32 $0xAB800, v1  }
0x199: {  	v1 =	vld [tilespmem:s5+$0x1E080];
	[tilespmem:s8+$0x1E480] =	vst v2;
	s8 =	smov.u32 s5  }
0x19a: {  	_ =	sdelay $0x3  }
0x19b: {  	v1 =	vadd.s32 $0xAB800, v1  }
0x19c: {  	[tilespmem:s8+$0x1E480] =	vst v1  }
0x19d: {  	[spmem:s1] =	stream.indirect.scatter.add.f32 [tilespmem:s13], [sflag:$0x1], $0x1, s11, s30, $0xb8;
	[tilespmem:$0x1F2A0] =	vst v63  }
0x19e: {  	_ =	swait.ge [sflag:s28], $0x400  }
0x19f: {  	[sflag:s28] =	ssyncset.done $0x0  }
0x1a0: {  	s8 =	simm.s32 $0x0;
	[sflag:s28] =	ssyncadd.s32 $0xFFFFFC00  }
0x1a1: {  	s9 =	simm.s32 $0x40;
	v1 =	vld [tilespmem:s8+$0x1E080]  }
.LBB2_133:
0x1a2: {  	p1 =	sne.s32 s9, $0xFC0  }
.Ltmp31:
0x1a3: {  	_ = 	snop;
	(pc) =	sbr.rel @p1 .LBB2_133-.Ltmp31, $3  }
0x1a4: {  	_ =	sdelay $0x1  }
0x1a5: {  	s5 =	sshra.s32 s9, $0x2;
	s9 =	sadd.s32 $0x40, s9;
	v2 =	vadd.s32 $0xC4000, v1  }
0x1a6: {  	v1 =	vld [tilespmem:s5+$0x1E080];
	[tilespmem:s8+$0x1E480] =	vst v2;
	s8 =	smov.u32 s5  }
0x1a7: {  	_ =	sdelay $0x3  }
0x1a8: {  	v1 =	vadd.s32 $0xC4000, v1  }
0x1a9: {  	[tilespmem:s8+$0x1E480] =	vst v1  }
0x1aa: {  	[spmem:s1] =	stream.indirect.scatter.add.f32 [tilespmem:s25], [sflag:$0x1], $0x1, s11, s30, $0xb8;
	[tilespmem:$0x1F2A0] =	vst v63  }
0x1ab: {  	_ =	swait.ge [sflag:s28], $0x400  }
0x1ac: {  	[sflag:s28] =	ssyncset.done $0x0  }
0x1ad: {  	s8 =	simm.s32 $0x0;
	[sflag:s28] =	ssyncadd.s32 $0xFFFFFC00  }
0x1ae: {  	s9 =	simm.s32 $0x40;
	v1 =	vld [tilespmem:s8+$0x1E080]  }
.LBB2_135:
0x1af: {  	p1 =	sne.s32 s9, $0xFC0  }
.Ltmp32:
0x1b0: {  	_ = 	snop;
	(pc) =	sbr.rel @p1 .LBB2_135-.Ltmp32, $3  }
0x1b1: {  	_ =	sdelay $0x1  }
0x1b2: {  	s5 =	sshra.s32 s9, $0x2;
	s9 =	sadd.s32 $0x40, s9;
	v2 =	vadd.s32 $0xDC800, v1  }
0x1b3: {  	v1 =	vld [tilespmem:s5+$0x1E080];
	[tilespmem:s8+$0x1E480] =	vst v2;
	s8 =	smov.u32 s5  }
0x1b4: {  	_ =	sdelay $0x3  }
0x1b5: {  	v1 =	vadd.s32 $0xDC800, v1  }
0x1b6: {  	[tilespmem:s8+$0x1E480] =	vst v1  }
0x1b7: {  	[spmem:s1] =	stream.indirect.scatter.add.f32 [tilespmem:s4], [sflag:$0x1], $0x1, s11, s30, $0xb8;
	[tilespmem:$0x1F2A0] =	vst v63  }
0x1b8: {  	_ =	swait.ge [sflag:s28], $0x400  }
0x1b9: {  	[sflag:s28] =	ssyncset.done $0x0  }
0x1ba: {  	s8 =	simm.s32 $0x0;
	[sflag:s28] =	ssyncadd.s32 $0xFFFFFC00  }
0x1bb: {  	s9 =	simm.s32 $0x40;
	v1 =	vld [tilespmem:s8+$0x1E080]  }
.LBB2_137:
0x1bc: {  	p1 =	sne.s32 s9, $0xFC0  }
.Ltmp33:
0x1bd: {  	_ = 	snop;
	(pc) =	sbr.rel @p1 .LBB2_137-.Ltmp33, $3  }
0x1be: {  	_ =	sdelay $0x1  }
0x1bf: {  	s5 =	sshra.s32 s9, $0x2;
	s9 =	sadd.s32 $0x40, s9;
	v2 =	vadd.s32 $0xF5000, v1  }
0x1c0: {  	v1 =	vld [tilespmem:s5+$0x1E080];
	[tilespmem:s8+$0x1E480] =	vst v2;
	s8 =	smov.u32 s5  }
0x1c1: {  	_ =	sdelay $0x3  }
0x1c2: {  	v1 =	vadd.s32 $0xF5000, v1  }
0x1c3: {  	[tilespmem:s8+$0x1E480] =	vst v1  }
0x1c4: {  	[spmem:s1] =	stream.indirect.scatter.add.f32 [tilespmem:s15], [sflag:$0x1], $0x1, s11, s30, $0xb8;
	[tilespmem:$0x1F2A0] =	vst v63  }
0x1c5: {  	_ =	swait.ge [sflag:s28], $0x400  }
0x1c6: {  	[sflag:s28] =	ssyncset.done $0x0  }
0x1c7: {  	s8 =	simm.s32 $0x0;
	[sflag:s28] =	ssyncadd.s32 $0xFFFFFC00  }
0x1c8: {  	s9 =	simm.s32 $0x40;
	v1 =	vld [tilespmem:s8+$0x1E080]  }
.LBB2_139:
0x1c9: {  	p1 =	sne.s32 s9, $0xFC0  }
.Ltmp34:
0x1ca: {  	_ = 	snop;
	(pc) =	sbr.rel @p1 .LBB2_139-.Ltmp34, $3  }
0x1cb: {  	_ =	sdelay $0x1  }
0x1cc: {  	s5 =	sshra.s32 s9, $0x2;
	s9 =	sadd.s32 $0x40, s9;
	v2 =	vadd.s32 $0x10D800, v1  }
0x1cd: {  	v1 =	vld [tilespmem:s5+$0x1E080];
	[tilespmem:s8+$0x1E480] =	vst v2;
	s8 =	smov.u32 s5  }
0x1ce: {  	_ =	sdelay $0x3  }
0x1cf: {  	v1 =	vadd.s32 $0x10D800, v1  }
0x1d0: {  	[tilespmem:s8+$0x1E480] =	vst v1  }
0x1d1: {  	[spmem:s1] =	stream.indirect.scatter.add.f32 [tilespmem:s21], [sflag:$0x1], $0x1, s11, s30, $0xb8;
	[tilespmem:$0x1F2A0] =	vst v63  }
0x1d2: {  	_ =	swait.ge [sflag:s28], $0x400  }
0x1d3: {  	[sflag:s28] =	ssyncset.done $0x0  }
0x1d4: {  	s8 =	simm.s32 $0x0;
	[sflag:s28] =	ssyncadd.s32 $0xFFFFFC00  }
0x1d5: {  	s9 =	simm.s32 $0x40;
	v1 =	vld [tilespmem:s8+$0x1E080]  }
.LBB2_141:
0x1d6: {  	p1 =	sne.s32 s9, $0xFC0  }
.Ltmp35:
0x1d7: {  	_ = 	snop;
	(pc) =	sbr.rel @p1 .LBB2_141-.Ltmp35, $3  }
0x1d8: {  	_ =	sdelay $0x1  }
0x1d9: {  	s5 =	sshra.s32 s9, $0x2;
	s9 =	sadd.s32 $0x40, s9;
	v2 =	vadd.s32 $0x126000, v1  }
0x1da: {  	v1 =	vld [tilespmem:s5+$0x1E080];
	[tilespmem:s8+$0x1E480] =	vst v2;
	s8 =	smov.u32 s5  }
0x1db: {  	_ =	sdelay $0x3  }
0x1dc: {  	v1 =	vadd.s32 $0x126000, v1  }
0x1dd: {  	[tilespmem:s8+$0x1E480] =	vst v1  }
0x1de: {  	[spmem:s1] =	stream.indirect.scatter.add.f32 [tilespmem:s12], [sflag:$0x1], $0x1, s11, s30, $0xb8;
	[tilespmem:$0x1F2A0] =	vst v63  }
0x1df: {  	_ =	swait.ge [sflag:s28], $0x400  }
0x1e0: {  	[sflag:s28] =	ssyncset.done $0x0  }
0x1e1: {  	s8 =	simm.s32 $0x0;
	[sflag:s28] =	ssyncadd.s32 $0xFFFFFC00  }
0x1e2: {  	s9 =	simm.s32 $0x40;
	v1 =	vld [tilespmem:s8+$0x1E080]  }
.LBB2_143:
0x1e3: {  	p1 =	sne.s32 s9, $0xFC0  }
.Ltmp36:
0x1e4: {  	_ = 	snop;
	(pc) =	sbr.rel @p1 .LBB2_143-.Ltmp36, $3  }
0x1e5: {  	_ =	sdelay $0x1  }
0x1e6: {  	s5 =	sshra.s32 s9, $0x2;
	s9 =	sadd.s32 $0x40, s9;
	v2 =	vadd.s32 $0x13E800, v1  }
0x1e7: {  	v1 =	vld [tilespmem:s5+$0x1E080];
	[tilespmem:s8+$0x1E480] =	vst v2;
	s8 =	smov.u32 s5  }
0x1e8: {  	_ =	sdelay $0x3  }
0x1e9: {  	v1 =	vadd.s32 $0x13E800, v1  }
0x1ea: {  	[tilespmem:s8+$0x1E480] =	vst v1  }
0x1eb: {  	[spmem:s1] =	stream.indirect.scatter.add.f32 [tilespmem:s18], [sflag:$0x1], $0x1, s11, s30, $0xb8;
	[tilespmem:$0x1F2A0] =	vst v63  }
0x1ec: {  	_ =	swait.ge [sflag:s28], $0x400  }
0x1ed: {  	[sflag:s28] =	ssyncset.done $0x0  }
0x1ee: {  	s8 =	simm.s32 $0x0;
	[sflag:s28] =	ssyncadd.s32 $0xFFFFFC00  }
0x1ef: {  	s9 =	simm.s32 $0x40;
	v1 =	vld [tilespmem:s8+$0x1E080]  }
.LBB2_145:
0x1f0: {  	p1 =	sne.s32 s9, $0xFC0  }
.Ltmp37:
0x1f1: {  	_ = 	snop;
	(pc) =	sbr.rel @p1 .LBB2_145-.Ltmp37, $3  }
0x1f2: {  	_ =	sdelay $0x1  }
0x1f3: {  	s5 =	sshra.s32 s9, $0x2;
	s9 =	sadd.s32 $0x40, s9;
	v2 =	vadd.s32 $0x157000, v1  }
0x1f4: {  	v1 =	vld [tilespmem:s5+$0x1E080];
	[tilespmem:s8+$0x1E480] =	vst v2;
	s8 =	smov.u32 s5  }
0x1f5: {  	_ =	sdelay $0x3  }
0x1f6: {  	v1 =	vadd.s32 $0x157000, v1  }
0x1f7: {  	[tilespmem:s8+$0x1E480] =	vst v1  }
0x1f8: {  	[spmem:s1] =	stream.indirect.scatter.add.f32 [tilespmem:s3], [sflag:$0x1], $0x1, s11, s30, $0xb8;
	[tilespmem:$0x1F2A0] =	vst v63  }
0x1f9: {  	_ =	swait.ge [sflag:s28], $0x400  }
0x1fa: {  	[sflag:s28] =	ssyncset.done $0x0  }
0x1fb: {  	s8 =	simm.s32 $0x0;
	[sflag:s28] =	ssyncadd.s32 $0xFFFFFC00  }
0x1fc: {  	s9 =	simm.s32 $0x40;
	v1 =	vld [tilespmem:s8+$0x1E080]  }
.LBB2_147:
0x1fd: {  	p1 =	sne.s32 s9, $0xFC0  }
.Ltmp38:
0x1fe: {  	_ = 	snop;
	(pc) =	sbr.rel @p1 .LBB2_147-.Ltmp38, $3  }
0x1ff: {  	_ =	sdelay $0x1  }
0x200: {  	s5 =	sshra.s32 s9, $0x2;
	s9 =	sadd.s32 $0x40, s9;
	v2 =	vadd.s32 $0x16F800, v1  }
0x201: {  	v1 =	vld [tilespmem:s5+$0x1E080];
	[tilespmem:s8+$0x1E480] =	vst v2;
	s8 =	smov.u32 s5  }
0x202: {  	_ =	sdelay $0x2  }
0x203: {  	s7 =	sadd.s32 $0x1, s7  }
0x204: {  	p1 =	sne.s32 s7, $0x64;
	v1 =	vadd.s32 $0x16F800, v1  }
.Ltmp39:
0x205: {  	[tilespmem:s8+$0x1E480] =	vst v1;
	(pc) =	sbr.rel @p1 .LBB2_116-.Ltmp39, $4  }
0x206: {  	[spmem:s1] =	stream.indirect.scatter.add.f32 [tilespmem:s2], [sflag:$0x1], $0x1, s11, s30, $0xb8;
	[tilespmem:$0x1F2A0] =	vst v63  }
0x207: {  	_ =	swait.ge [sflag:s28], $0x400  }
0x208: {  	[sflag:s28] =	ssyncset.done $0x0  }
0x209: {  	[sflag:s28] =	ssyncadd.s32 $0xFFFFFC00  }
.Ltmp40:
0x20a: {  	(pc) =	sbr.rel .LBB2_150-.Ltmp40, $3  }
0x20b: {  	_ =	sdelay $0x1  }
0x20c: {  	s6 =	rddreg [dreg:$0xc]  }
0x20d: {  	s7 =	rddreg [dreg:$0x4]  }
.LBB2_4:
0x20e: {  	s7 =	sshra.s32 s6, $0x2  }
0x20f: {  	s7 =	sadd.s32 s7, s14  }
0x210: {  	[spmem:s7] =	stream.linear.scatter [tilespmem:s26], [sflag:$0x1], $0x620, $0x38;
	[tilespmem:$0x1F2A0] =	vst v63  }
0x211: {  	s6 =	sadd.s32 $0x1880, s6;
	_ =	swait.ge [sflag:s28], $0x620  }
.LBB2_5:
0x212: {  	s7 =	sshra.s32 s6, $0x2;
	[sflag:s28] =	ssyncset.done $0x0;
	p1 =	seq.s32 s6, $0x60780  }
.Ltmp41:
0x213: {  	s7 =	sadd.s32 s7, s14;
	[sflag:s28] =	ssyncadd.s32 $0xFFFFF9E0;
	(pc) =	sbr.rel @!p1 .LBB2_5-.Ltmp41, $3  }
0x214: {  	[spmem:s7] =	stream.linear.scatter [tilespmem:s26], [sflag:$0x1], $0x620, $0x38;
	[tilespmem:$0x1F2A0] =	vst v63  }
0x215: {  	s6 =	sadd.s32 $0x1880, s6;
	_ =	sdelay $0x1  }
0x216: {  	_ =	swait.ge [sflag:s28], $0x620  }
0x217: {  	[sflag:s28] =	ssyncset.done $0x0  }
0x218: {  	s5 =	rddreg [dreg:$0xd];
	[sflag:s28] =	ssyncadd.s32 $0xFFFFF9E0  }
0x219: {  	[spmem:s5] =	stream.linear.scatter [tilespmem:s26], [sflag:$0x1], $0x620, $0x38;
	[tilespmem:$0x1F2A0] =	vst v63  }
0x21a: {  	_ =	swait.ge [sflag:s28], $0x620  }
0x21b: {  	[sflag:s28] =	ssyncset.done $0x0  }
0x21c: {  	s7 =	rddreg [dreg:$0x13];
	[sflag:s28] =	ssyncadd.s32 $0xFFFFF9E0  }
0x21d: {  	[spmem:s7] =	stream.linear.scatter [tilespmem:s26], [sflag:$0x1], $0x620, $0x38;
	[tilespmem:$0x1F2A0] =	vst v63  }
0x21e: {  	_ =	swait.ge [sflag:s28], $0x620  }
0x21f: {  	[sflag:s28] =	ssyncset.done $0x0  }
0x220: {  	s8 =	rddreg [dreg:$0x14];
	[sflag:s28] =	ssyncadd.s32 $0xFFFFF9E0  }
0x221: {  	[spmem:s8] =	stream.linear.scatter [tilespmem:s26], [sflag:$0x1], $0x620, $0x38;
	[tilespmem:$0x1F2A0] =	vst v63  }
0x222: {  	_ =	swait.ge [sflag:s28], $0x620  }
0x223: {  	[sflag:s28] =	ssyncset.done $0x0  }
0x224: {  	s9 =	rddreg [dreg:$0x15];
	[sflag:s28] =	ssyncadd.s32 $0xFFFFF9E0  }
0x225: {  	[spmem:s9] =	stream.linear.scatter [tilespmem:s26], [sflag:$0x1], $0x620, $0x38;
	[tilespmem:$0x1F2A0] =	vst v63  }
0x226: {  	_ =	swait.ge [sflag:s28], $0x620  }
0x227: {  	[sflag:s28] =	ssyncset.done $0x0  }
0x228: {  	[sflag:s28] =	ssyncadd.s32 $0xFFFFF9E0  }
0x229: {  	s6 =	simm.s32 $0x0;
	s7 =	simm.s32 $0x0;
	[bflag:$0x0] =	sbarrier.arrive $0xFFFF  }
.LBB2_7:
0x22a: {  	s8 =	sshll.u32 s7, $0xA  }
0x22b: {  	s8 =	sadd.s32 s16, s8  }
0x22c: {  	s8 =	sshrl.u32 s8, $0x3  }
0x22d: {  	s9 =	sadd.s32 s10, s8  }
0x22e: {  	[tilespmem:s29], [sflag:$0x1] =	stream.linear.gather [hbm4b:s9+s6], $0x400, $0x38;
	[tilespmem:$0x1F2A0] =	vst v63  }
0x22f: {  	_ =	swait.ge [sflag:s28], $0x400  }
0x230: {  	[sflag:s28] =	ssyncset.done $0x0;
	s5 =	rddreg [dreg:$0x5]  }
0x231: {  	[sflag:s28] =	ssyncadd.s32 $0xFFFFFC00;
	s5 =	sadd.s32 s5, s8  }
0x232: {  	[tilespmem:s0], [sflag:$0x1] =	stream.strided.gather [hbm4b:s5+s30], $0x4000, s31, s30, $0x38;
	[tilespmem:$0x1F2A0] =	vst v63  }
0x233: {  	_ =	swait.ge [sflag:s28], $0x4000  }
0x234: {  	[sflag:s28] =	ssyncset.done $0x0;
	s9 =	rddreg [dreg:$0x9]  }
0x235: {  	s5 =	simm.s32 $0x1E880;
	[sflag:s28] =	ssyncadd.s32 $0xFFFFC000;
	s8 =	sadd.s32 s9, s8  }
0x236: {  	[tilespmem:s5], [sflag:$0x1] =	stream.linear.gather [hbm4b:s8+s6], $0x400, $0x38;
	[tilespmem:$0x1F2A0] =	vst v63  }
0x237: {  	_ =	swait.ge [sflag:s28], $0x400  }
0x238: {  	[sflag:s28] =	ssyncset.done $0x0  }
0x239: {  	[sflag:s28] =	ssyncadd.s32 $0xFFFFFC00  }
0x23a: {  	s8 =	rddreg [dreg:$0x2]  }
0x23b: {  	[spmem:s8] =	stream.indirect.scatter.add.f32 [tilespmem:s5], [sflag:$0x1], $0x1, s29, s30, $0xb8;
	[tilespmem:$0x1F2A0] =	vst v63  }
0x23c: {  	_ =	swait.ge [sflag:s28], $0x400  }
0x23d: {  	[sflag:s28] =	ssyncset.done $0x0  }
0x23e: {  	s8 =	simm.s32 $0x0;
	[sflag:s28] =	ssyncadd.s32 $0xFFFFFC00  }
0x23f: {  	s9 =	simm.s32 $0x40;
	v1 =	vld [tilespmem:s8+$0x1E080]  }
.LBB2_8:
0x240: {  	p1 =	sne.s32 s9, $0xFC0  }
.Ltmp42:
0x241: {  	_ = 	snop;
	(pc) =	sbr.rel @p1 .LBB2_8-.Ltmp42, $3  }
0x242: {  	_ =	sdelay $0x1  }
0x243: {  	[tilespmem:s8+$0x1E480] =	vst v1;
	s8 =	sshra.s32 s9, $0x2;
	s9 =	sadd.s32 $0x40, s9  }
0x244: {  	v1 =	vld [tilespmem:s8+$0x1E080]  }
0x245: {  	_ =	sdelay $0x3  }
0x246: {  	[tilespmem:s8+$0x1E480] =	vst v1  }
0x247: {  	[spmem:s1] =	stream.indirect.scatter.add.f32 [tilespmem:s0], [sflag:$0x1], $0x1, s11, s30, $0xb8;
	[tilespmem:$0x1F2A0] =	vst v63  }
0x248: {  	_ =	swait.ge [sflag:s28], $0x400  }
0x249: {  	[sflag:s28] =	ssyncset.done $0x0  }
0x24a: {  	s8 =	simm.s32 $0x0;
	[sflag:s28] =	ssyncadd.s32 $0xFFFFFC00  }
0x24b: {  	s9 =	simm.s32 $0x40;
	v1 =	vld [tilespmem:s8+$0x1E080]  }
.LBB2_10:
0x24c: {  	p1 =	sne.s32 s9, $0xFC0  }
.Ltmp43:
0x24d: {  	_ = 	snop;
	(pc) =	sbr.rel @p1 .LBB2_10-.Ltmp43, $3  }
0x24e: {  	_ =	sdelay $0x1  }
0x24f: {  	s5 =	sshra.s32 s9, $0x2;
	s9 =	sadd.s32 $0x40, s9;
	v2 =	vadd.s32 $0x18800, v1  }
0x250: {  	v1 =	vld [tilespmem:s5+$0x1E080];
	[tilespmem:s8+$0x1E480] =	vst v2;
	s8 =	smov.u32 s5  }
0x251: {  	_ =	sdelay $0x3  }
0x252: {  	v1 =	vadd.s32 $0x18800, v1  }
0x253: {  	[tilespmem:s8+$0x1E480] =	vst v1  }
0x254: {  	[spmem:s1] =	stream.indirect.scatter.add.f32 [tilespmem:s17], [sflag:$0x1], $0x1, s11, s30, $0xb8;
	[tilespmem:$0x1F2A0] =	vst v63  }
0x255: {  	_ =	swait.ge [sflag:s28], $0x400  }
0x256: {  	[sflag:s28] =	ssyncset.done $0x0  }
0x257: {  	s8 =	simm.s32 $0x0;
	[sflag:s28] =	ssyncadd.s32 $0xFFFFFC00  }
0x258: {  	s9 =	simm.s32 $0x40;
	v1 =	vld [tilespmem:s8+$0x1E080]  }
.LBB2_12:
0x259: {  	p1 =	sne.s32 s9, $0xFC0  }
.Ltmp44:
0x25a: {  	_ = 	snop;
	(pc) =	sbr.rel @p1 .LBB2_12-.Ltmp44, $3  }
0x25b: {  	_ =	sdelay $0x1  }
0x25c: {  	s5 =	sshra.s32 s9, $0x2;
	s9 =	sadd.s32 $0x40, s9;
	v2 =	vadd.s32 $0x31000, v1  }
0x25d: {  	v1 =	vld [tilespmem:s5+$0x1E080];
	[tilespmem:s8+$0x1E480] =	vst v2;
	s8 =	smov.u32 s5  }
0x25e: {  	_ =	sdelay $0x3  }
0x25f: {  	v1 =	vadd.s32 $0x31000, v1  }
0x260: {  	[tilespmem:s8+$0x1E480] =	vst v1  }
0x261: {  	[spmem:s1] =	stream.indirect.scatter.add.f32 [tilespmem:s19], [sflag:$0x1], $0x1, s11, s30, $0xb8;
	[tilespmem:$0x1F2A0] =	vst v63  }
0x262: {  	_ =	swait.ge [sflag:s28], $0x400  }
0x263: {  	[sflag:s28] =	ssyncset.done $0x0  }
0x264: {  	s8 =	simm.s32 $0x0;
	[sflag:s28] =	ssyncadd.s32 $0xFFFFFC00  }
0x265: {  	s9 =	simm.s32 $0x40;
	v1 =	vld [tilespmem:s8+$0x1E080]  }
.LBB2_14:
0x266: {  	p1 =	sne.s32 s9, $0xFC0  }
.Ltmp45:
0x267: {  	_ = 	snop;
	(pc) =	sbr.rel @p1 .LBB2_14-.Ltmp45, $3  }
0x268: {  	_ =	sdelay $0x1  }
0x269: {  	s5 =	sshra.s32 s9, $0x2;
	s9 =	sadd.s32 $0x40, s9;
	v2 =	vadd.s32 $0x49800, v1  }
0x26a: {  	v1 =	vld [tilespmem:s5+$0x1E080];
	[tilespmem:s8+$0x1E480] =	vst v2;
	s8 =	smov.u32 s5  }
0x26b: {  	_ =	sdelay $0x3  }
0x26c: {  	v1 =	vadd.s32 $0x49800, v1  }
0x26d: {  	[tilespmem:s8+$0x1E480] =	vst v1  }
0x26e: {  	[spmem:s1] =	stream.indirect.scatter.add.f32 [tilespmem:s20], [sflag:$0x1], $0x1, s11, s30, $0xb8;
	[tilespmem:$0x1F2A0] =	vst v63  }
0x26f: {  	_ =	swait.ge [sflag:s28], $0x400  }
0x270: {  	[sflag:s28] =	ssyncset.done $0x0  }
0x271: {  	s8 =	simm.s32 $0x0;
	[sflag:s28] =	ssyncadd.s32 $0xFFFFFC00  }
0x272: {  	s9 =	simm.s32 $0x40;
	v1 =	vld [tilespmem:s8+$0x1E080]  }
.LBB2_16:
0x273: {  	p1 =	sne.s32 s9, $0xFC0  }
.Ltmp46:
0x274: {  	_ = 	snop;
	(pc) =	sbr.rel @p1 .LBB2_16-.Ltmp46, $3  }
0x275: {  	_ =	sdelay $0x1  }
0x276: {  	s5 =	sshra.s32 s9, $0x2;
	s9 =	sadd.s32 $0x40, s9;
	v2 =	vadd.s32 $0x62000, v1  }
0x277: {  	v1 =	vld [tilespmem:s5+$0x1E080];
	[tilespmem:s8+$0x1E480] =	vst v2;
	s8 =	smov.u32 s5  }
0x278: {  	_ =	sdelay $0x3  }
0x279: {  	v1 =	vadd.s32 $0x62000, v1  }
0x27a: {  	[tilespmem:s8+$0x1E480] =	vst v1  }
0x27b: {  	[spmem:s1] =	stream.indirect.scatter.add.f32 [tilespmem:s22], [sflag:$0x1], $0x1, s11, s30, $0xb8;
	[tilespmem:$0x1F2A0] =	vst v63  }
0x27c: {  	_ =	swait.ge [sflag:s28], $0x400  }
0x27d: {  	[sflag:s28] =	ssyncset.done $0x0  }
0x27e: {  	s8 =	simm.s32 $0x0;
	[sflag:s28] =	ssyncadd.s32 $0xFFFFFC00  }
0x27f: {  	s9 =	simm.s32 $0x40;
	v1 =	vld [tilespmem:s8+$0x1E080]  }
.LBB2_18:
0x280: {  	p1 =	sne.s32 s9, $0xFC0  }
.Ltmp47:
0x281: {  	_ = 	snop;
	(pc) =	sbr.rel @p1 .LBB2_18-.Ltmp47, $3  }
0x282: {  	_ =	sdelay $0x1  }
0x283: {  	s5 =	sshra.s32 s9, $0x2;
	s9 =	sadd.s32 $0x40, s9;
	v2 =	vadd.s32 $0x7A800, v1  }
0x284: {  	v1 =	vld [tilespmem:s5+$0x1E080];
	[tilespmem:s8+$0x1E480] =	vst v2;
	s8 =	smov.u32 s5  }
0x285: {  	_ =	sdelay $0x3  }
0x286: {  	v1 =	vadd.s32 $0x7A800, v1  }
0x287: {  	[tilespmem:s8+$0x1E480] =	vst v1  }
0x288: {  	[spmem:s1] =	stream.indirect.scatter.add.f32 [tilespmem:s23], [sflag:$0x1], $0x1, s11, s30, $0xb8;
	[tilespmem:$0x1F2A0] =	vst v63  }
0x289: {  	_ =	swait.ge [sflag:s28], $0x400  }
0x28a: {  	[sflag:s28] =	ssyncset.done $0x0  }
0x28b: {  	s8 =	simm.s32 $0x0;
	[sflag:s28] =	ssyncadd.s32 $0xFFFFFC00  }
0x28c: {  	s9 =	simm.s32 $0x40;
	v1 =	vld [tilespmem:s8+$0x1E080]  }
.LBB2_20:
0x28d: {  	p1 =	sne.s32 s9, $0xFC0  }
.Ltmp48:
0x28e: {  	_ = 	snop;
	(pc) =	sbr.rel @p1 .LBB2_20-.Ltmp48, $3  }
0x28f: {  	_ =	sdelay $0x1  }
0x290: {  	s5 =	sshra.s32 s9, $0x2;
	s9 =	sadd.s32 $0x40, s9;
	v2 =	vadd.s32 $0x93000, v1  }
0x291: {  	v1 =	vld [tilespmem:s5+$0x1E080];
	[tilespmem:s8+$0x1E480] =	vst v2;
	s8 =	smov.u32 s5  }
0x292: {  	_ =	sdelay $0x3  }
0x293: {  	v1 =	vadd.s32 $0x93000, v1  }
0x294: {  	[tilespmem:s8+$0x1E480] =	vst v1  }
0x295: {  	[spmem:s1] =	stream.indirect.scatter.add.f32 [tilespmem:s24], [sflag:$0x1], $0x1, s11, s30, $0xb8;
	[tilespmem:$0x1F2A0] =	vst v63  }
0x296: {  	_ =	swait.ge [sflag:s28], $0x400  }
0x297: {  	[sflag:s28] =	ssyncset.done $0x0  }
0x298: {  	s8 =	simm.s32 $0x0;
	[sflag:s28] =	ssyncadd.s32 $0xFFFFFC00  }
0x299: {  	s9 =	simm.s32 $0x40;
	v1 =	vld [tilespmem:s8+$0x1E080]  }
.LBB2_22:
0x29a: {  	p1 =	sne.s32 s9, $0xFC0  }
.Ltmp49:
0x29b: {  	_ = 	snop;
	(pc) =	sbr.rel @p1 .LBB2_22-.Ltmp49, $3  }
0x29c: {  	_ =	sdelay $0x1  }
0x29d: {  	s5 =	sshra.s32 s9, $0x2;
	s9 =	sadd.s32 $0x40, s9;
	v2 =	vadd.s32 $0xAB800, v1  }
0x29e: {  	v1 =	vld [tilespmem:s5+$0x1E080];
	[tilespmem:s8+$0x1E480] =	vst v2;
	s8 =	smov.u32 s5  }
0x29f: {  	_ =	sdelay $0x3  }
0x2a0: {  	v1 =	vadd.s32 $0xAB800, v1  }
0x2a1: {  	[tilespmem:s8+$0x1E480] =	vst v1  }
0x2a2: {  	[spmem:s1] =	stream.indirect.scatter.add.f32 [tilespmem:s13], [sflag:$0x1], $0x1, s11, s30, $0xb8;
	[tilespmem:$0x1F2A0] =	vst v63  }
0x2a3: {  	_ =	swait.ge [sflag:s28], $0x400  }
0x2a4: {  	[sflag:s28] =	ssyncset.done $0x0  }
0x2a5: {  	s8 =	simm.s32 $0x0;
	[sflag:s28] =	ssyncadd.s32 $0xFFFFFC00  }
0x2a6: {  	s9 =	simm.s32 $0x40;
	v1 =	vld [tilespmem:s8+$0x1E080]  }
.LBB2_24:
0x2a7: {  	p1 =	sne.s32 s9, $0xFC0  }
.Ltmp50:
0x2a8: {  	_ = 	snop;
	(pc) =	sbr.rel @p1 .LBB2_24-.Ltmp50, $3  }
0x2a9: {  	_ =	sdelay $0x1  }
0x2aa: {  	s5 =	sshra.s32 s9, $0x2;
	s9 =	sadd.s32 $0x40, s9;
	v2 =	vadd.s32 $0xC4000, v1  }
0x2ab: {  	v1 =	vld [tilespmem:s5+$0x1E080];
	[tilespmem:s8+$0x1E480] =	vst v2;
	s8 =	smov.u32 s5  }
0x2ac: {  	_ =	sdelay $0x3  }
0x2ad: {  	v1 =	vadd.s32 $0xC4000, v1  }
0x2ae: {  	[tilespmem:s8+$0x1E480] =	vst v1  }
0x2af: {  	[spmem:s1] =	stream.indirect.scatter.add.f32 [tilespmem:s25], [sflag:$0x1], $0x1, s11, s30, $0xb8;
	[tilespmem:$0x1F2A0] =	vst v63  }
0x2b0: {  	_ =	swait.ge [sflag:s28], $0x400  }
0x2b1: {  	[sflag:s28] =	ssyncset.done $0x0  }
0x2b2: {  	s8 =	simm.s32 $0x0;
	[sflag:s28] =	ssyncadd.s32 $0xFFFFFC00  }
0x2b3: {  	s9 =	simm.s32 $0x40;
	v1 =	vld [tilespmem:s8+$0x1E080]  }
.LBB2_26:
0x2b4: {  	p1 =	sne.s32 s9, $0xFC0  }
.Ltmp51:
0x2b5: {  	_ = 	snop;
	(pc) =	sbr.rel @p1 .LBB2_26-.Ltmp51, $3  }
0x2b6: {  	_ =	sdelay $0x1  }
0x2b7: {  	s5 =	sshra.s32 s9, $0x2;
	s9 =	sadd.s32 $0x40, s9;
	v2 =	vadd.s32 $0xDC800, v1  }
0x2b8: {  	v1 =	vld [tilespmem:s5+$0x1E080];
	[tilespmem:s8+$0x1E480] =	vst v2;
	s8 =	smov.u32 s5  }
0x2b9: {  	_ =	sdelay $0x3  }
0x2ba: {  	v1 =	vadd.s32 $0xDC800, v1  }
0x2bb: {  	[tilespmem:s8+$0x1E480] =	vst v1  }
0x2bc: {  	[spmem:s1] =	stream.indirect.scatter.add.f32 [tilespmem:s4], [sflag:$0x1], $0x1, s11, s30, $0xb8;
	[tilespmem:$0x1F2A0] =	vst v63  }
0x2bd: {  	_ =	swait.ge [sflag:s28], $0x400  }
0x2be: {  	[sflag:s28] =	ssyncset.done $0x0  }
0x2bf: {  	s8 =	simm.s32 $0x0;
	[sflag:s28] =	ssyncadd.s32 $0xFFFFFC00  }
0x2c0: {  	s9 =	simm.s32 $0x40;
	v1 =	vld [tilespmem:s8+$0x1E080]  }
.LBB2_28:
0x2c1: {  	p1 =	sne.s32 s9, $0xFC0  }
.Ltmp52:
0x2c2: {  	_ = 	snop;
	(pc) =	sbr.rel @p1 .LBB2_28-.Ltmp52, $3  }
0x2c3: {  	_ =	sdelay $0x1  }
0x2c4: {  	s5 =	sshra.s32 s9, $0x2;
	s9 =	sadd.s32 $0x40, s9;
	v2 =	vadd.s32 $0xF5000, v1  }
0x2c5: {  	v1 =	vld [tilespmem:s5+$0x1E080];
	[tilespmem:s8+$0x1E480] =	vst v2;
	s8 =	smov.u32 s5  }
0x2c6: {  	_ =	sdelay $0x3  }
0x2c7: {  	v1 =	vadd.s32 $0xF5000, v1  }
0x2c8: {  	[tilespmem:s8+$0x1E480] =	vst v1  }
0x2c9: {  	[spmem:s1] =	stream.indirect.scatter.add.f32 [tilespmem:s15], [sflag:$0x1], $0x1, s11, s30, $0xb8;
	[tilespmem:$0x1F2A0] =	vst v63  }
0x2ca: {  	_ =	swait.ge [sflag:s28], $0x400  }
0x2cb: {  	[sflag:s28] =	ssyncset.done $0x0  }
0x2cc: {  	s8 =	simm.s32 $0x0;
	[sflag:s28] =	ssyncadd.s32 $0xFFFFFC00  }
0x2cd: {  	s9 =	simm.s32 $0x40;
	v1 =	vld [tilespmem:s8+$0x1E080]  }
.LBB2_30:
0x2ce: {  	p1 =	sne.s32 s9, $0xFC0  }
.Ltmp53:
0x2cf: {  	_ = 	snop;
	(pc) =	sbr.rel @p1 .LBB2_30-.Ltmp53, $3  }
0x2d0: {  	_ =	sdelay $0x1  }
0x2d1: {  	s5 =	sshra.s32 s9, $0x2;
	s9 =	sadd.s32 $0x40, s9;
	v2 =	vadd.s32 $0x10D800, v1  }
0x2d2: {  	v1 =	vld [tilespmem:s5+$0x1E080];
	[tilespmem:s8+$0x1E480] =	vst v2;
	s8 =	smov.u32 s5  }
0x2d3: {  	_ =	sdelay $0x3  }
0x2d4: {  	v1 =	vadd.s32 $0x10D800, v1  }
0x2d5: {  	[tilespmem:s8+$0x1E480] =	vst v1  }
0x2d6: {  	[spmem:s1] =	stream.indirect.scatter.add.f32 [tilespmem:s21], [sflag:$0x1], $0x1, s11, s30, $0xb8;
	[tilespmem:$0x1F2A0] =	vst v63  }
0x2d7: {  	_ =	swait.ge [sflag:s28], $0x400  }
0x2d8: {  	[sflag:s28] =	ssyncset.done $0x0  }
0x2d9: {  	s8 =	simm.s32 $0x0;
	[sflag:s28] =	ssyncadd.s32 $0xFFFFFC00  }
0x2da: {  	s9 =	simm.s32 $0x40;
	v1 =	vld [tilespmem:s8+$0x1E080]  }
.LBB2_32:
0x2db: {  	p1 =	sne.s32 s9, $0xFC0  }
.Ltmp54:
0x2dc: {  	_ = 	snop;
	(pc) =	sbr.rel @p1 .LBB2_32-.Ltmp54, $3  }
0x2dd: {  	_ =	sdelay $0x1  }
0x2de: {  	s5 =	sshra.s32 s9, $0x2;
	s9 =	sadd.s32 $0x40, s9;
	v2 =	vadd.s32 $0x126000, v1  }
0x2df: {  	v1 =	vld [tilespmem:s5+$0x1E080];
	[tilespmem:s8+$0x1E480] =	vst v2;
	s8 =	smov.u32 s5  }
0x2e0: {  	_ =	sdelay $0x3  }
0x2e1: {  	v1 =	vadd.s32 $0x126000, v1  }
0x2e2: {  	[tilespmem:s8+$0x1E480] =	vst v1  }
0x2e3: {  	[spmem:s1] =	stream.indirect.scatter.add.f32 [tilespmem:s12], [sflag:$0x1], $0x1, s11, s30, $0xb8;
	[tilespmem:$0x1F2A0] =	vst v63  }
0x2e4: {  	_ =	swait.ge [sflag:s28], $0x400  }
0x2e5: {  	[sflag:s28] =	ssyncset.done $0x0  }
0x2e6: {  	s8 =	simm.s32 $0x0;
	[sflag:s28] =	ssyncadd.s32 $0xFFFFFC00  }
0x2e7: {  	s9 =	simm.s32 $0x40;
	v1 =	vld [tilespmem:s8+$0x1E080]  }
.LBB2_34:
0x2e8: {  	p1 =	sne.s32 s9, $0xFC0  }
.Ltmp55:
0x2e9: {  	_ = 	snop;
	(pc) =	sbr.rel @p1 .LBB2_34-.Ltmp55, $3  }
0x2ea: {  	_ =	sdelay $0x1  }
0x2eb: {  	s5 =	sshra.s32 s9, $0x2;
	s9 =	sadd.s32 $0x40, s9;
	v2 =	vadd.s32 $0x13E800, v1  }
0x2ec: {  	v1 =	vld [tilespmem:s5+$0x1E080];
	[tilespmem:s8+$0x1E480] =	vst v2;
	s8 =	smov.u32 s5  }
0x2ed: {  	_ =	sdelay $0x3  }
0x2ee: {  	v1 =	vadd.s32 $0x13E800, v1  }
0x2ef: {  	[tilespmem:s8+$0x1E480] =	vst v1  }
0x2f0: {  	[spmem:s1] =	stream.indirect.scatter.add.f32 [tilespmem:s18], [sflag:$0x1], $0x1, s11, s30, $0xb8;
	[tilespmem:$0x1F2A0] =	vst v63  }
0x2f1: {  	_ =	swait.ge [sflag:s28], $0x400  }
0x2f2: {  	[sflag:s28] =	ssyncset.done $0x0  }
0x2f3: {  	s8 =	simm.s32 $0x0;
	[sflag:s28] =	ssyncadd.s32 $0xFFFFFC00  }
0x2f4: {  	s9 =	simm.s32 $0x40;
	v1 =	vld [tilespmem:s8+$0x1E080]  }
.LBB2_36:
0x2f5: {  	p1 =	sne.s32 s9, $0xFC0  }
.Ltmp56:
0x2f6: {  	_ = 	snop;
	(pc) =	sbr.rel @p1 .LBB2_36-.Ltmp56, $3  }
0x2f7: {  	_ =	sdelay $0x1  }
0x2f8: {  	s5 =	sshra.s32 s9, $0x2;
	s9 =	sadd.s32 $0x40, s9;
	v2 =	vadd.s32 $0x157000, v1  }
0x2f9: {  	v1 =	vld [tilespmem:s5+$0x1E080];
	[tilespmem:s8+$0x1E480] =	vst v2;
	s8 =	smov.u32 s5  }
0x2fa: {  	_ =	sdelay $0x3  }
0x2fb: {  	v1 =	vadd.s32 $0x157000, v1  }
0x2fc: {  	[tilespmem:s8+$0x1E480] =	vst v1  }
0x2fd: {  	[spmem:s1] =	stream.indirect.scatter.add.f32 [tilespmem:s3], [sflag:$0x1], $0x1, s11, s30, $0xb8;
	[tilespmem:$0x1F2A0] =	vst v63  }
0x2fe: {  	_ =	swait.ge [sflag:s28], $0x400  }
0x2ff: {  	[sflag:s28] =	ssyncset.done $0x0  }
0x300: {  	s8 =	simm.s32 $0x0;
	[sflag:s28] =	ssyncadd.s32 $0xFFFFFC00  }
0x301: {  	s9 =	simm.s32 $0x40;
	v1 =	vld [tilespmem:s8+$0x1E080]  }
.LBB2_38:
0x302: {  	p1 =	sne.s32 s9, $0xFC0  }
.Ltmp57:
0x303: {  	_ = 	snop;
	(pc) =	sbr.rel @p1 .LBB2_38-.Ltmp57, $3  }
0x304: {  	_ =	sdelay $0x1  }
0x305: {  	s5 =	sshra.s32 s9, $0x2;
	s9 =	sadd.s32 $0x40, s9;
	v2 =	vadd.s32 $0x16F800, v1  }
0x306: {  	v1 =	vld [tilespmem:s5+$0x1E080];
	[tilespmem:s8+$0x1E480] =	vst v2;
	s8 =	smov.u32 s5  }
0x307: {  	_ =	sdelay $0x2  }
0x308: {  	s7 =	sadd.s32 $0x1, s7  }
0x309: {  	p1 =	sne.s32 s7, $0x64;
	v1 =	vadd.s32 $0x16F800, v1  }
.Ltmp58:
0x30a: {  	[tilespmem:s8+$0x1E480] =	vst v1;
	(pc) =	sbr.rel @p1 .LBB2_7-.Ltmp58, $4  }
0x30b: {  	[spmem:s1] =	stream.indirect.scatter.add.f32 [tilespmem:s2], [sflag:$0x1], $0x1, s11, s30, $0xb8;
	[tilespmem:$0x1F2A0] =	vst v63  }
0x30c: {  	_ =	swait.ge [sflag:s28], $0x400  }
0x30d: {  	[sflag:s28] =	ssyncset.done $0x0  }
0x30e: {  	[sflag:s28] =	ssyncadd.s32 $0xFFFFFC00  }
0x30f: {  	s5 =	stileid.u32;
	[bflag:$0x0] =	sbarrier.arrive $0xFFFF  }
0x310: {  	s5 =	sshll.u32 s5, $0x6;
	s9 =	rddreg [dreg:$0xf]  }
0x311: {  	s6 =	rddreg [dreg:$0xe];
	s7 =	sor.u32 $0x1C01, s5;
	s5 =	sshrl.u32 s9, $0x3  }
0x312: {  	[hbm:s6], [sflag:s7] =	dma.local [spmem:s5], $0x3100  }
0x313: {  	_ =	swait.ge [sflag:s28], $0x3100;
	[dreg:$0x17] =	wrdreg s7  }
0x314: {  	[sflag:s28] =	ssyncset.done $0x0;
	s6 =	rddreg [dreg:$0x10]  }
0x315: {  	s8 =	rddreg [dreg:$0x16];
	[sflag:s28] =	ssyncadd.s32 $0xFFFFCF00  }
0x316: {  	[hbm:s6], [sflag:s7] =	dma.local [spmem:s8], $0x310  }
0x317: {  	_ =	swait.ge [sflag:s28], $0x310  }
0x318: {  	[sflag:s28] =	ssyncset.done $0x0  }
0x319: {  	[sflag:s28] =	ssyncadd.s32 $0xFFFFFCF0  }
0x31a: {  	s9 =	sadd.s32 $0x0, s14;
	[bflag:$0x0] =	sbarrier.arrive $0xFFFF  }
0x31b: {  	[spmem:s9] =	stream.linear.scatter [tilespmem:s26], [sflag:$0x1], $0x620, $0x38;
	[tilespmem:$0x1F2A0] =	vst v63  }
0x31c: {  	s6 =	simm.s32 $0x1880;
	_ =	swait.ge [sflag:s28], $0x620  }
.LBB2_41:
0x31d: {  	s5 =	sshra.s32 s6, $0x2;
	[sflag:s28] =	ssyncset.done $0x0;
	p1 =	sne.s32 s6, $0x60780  }
.Ltmp59:
0x31e: {  	s5 =	sadd.s32 s5, s14;
	[sflag:s28] =	ssyncadd.s32 $0xFFFFF9E0;
	(pc) =	sbr.rel @p1 .LBB2_41-.Ltmp59, $3  }
0x31f: {  	[spmem:s5] =	stream.linear.scatter [tilespmem:s26], [sflag:$0x1], $0x620, $0x38;
	[tilespmem:$0x1F2A0] =	vst v63  }
0x320: {  	s6 =	sadd.s32 $0x1880, s6;
	_ =	sdelay $0x1  }
0x321: {  	_ =	swait.ge [sflag:s28], $0x620  }
0x322: {  	[sflag:s28] =	ssyncset.done $0x0  }
0x323: {  	[sflag:s28] =	ssyncadd.s32 $0xFFFFF9E0  }
0x324: {  	s6 =	simm.s32 $0x0;
	s7 =	simm.s32 $0x0;
	[bflag:$0x0] =	sbarrier.arrive $0xFFFF  }
.LBB2_43:
0x325: {  	s5 =	sshll.u32 s7, $0xA  }
0x326: {  	s5 =	sadd.s32 s16, s5  }
0x327: {  	s5 =	sshrl.u32 s5, $0x3  }
0x328: {  	s8 =	sadd.s32 s10, s5  }
0x329: {  	[tilespmem:s29], [sflag:$0x1] =	stream.linear.gather [hbm4b:s8+s6], $0x400, $0x38;
	[tilespmem:$0x1F2A0] =	vst v63  }
0x32a: {  	_ =	swait.ge [sflag:s28], $0x400  }
0x32b: {  	[sflag:s28] =	ssyncset.done $0x0;
	s9 =	rddreg [dreg:$0x6]  }
0x32c: {  	[sflag:s28] =	ssyncadd.s32 $0xFFFFFC00;
	s5 =	sadd.s32 s9, s5  }
0x32d: {  	[tilespmem:s0], [sflag:$0x1] =	stream.strided.gather [hbm4b:s5+s30], $0x4000, s31, s30, $0x38;
	[tilespmem:$0x1F2A0] =	vst v63  }
0x32e: {  	_ =	swait.ge [sflag:s28], $0x4000  }
0x32f: {  	[sflag:s28] =	ssyncset.done $0x0  }
0x330: {  	s8 =	simm.s32 $0x0;
	[sflag:s28] =	ssyncadd.s32 $0xFFFFC000  }
0x331: {  	s9 =	simm.s32 $0x40;
	v1 =	vld [tilespmem:s8+$0x1E080]  }
.LBB2_44:
0x332: {  	p1 =	sne.s32 s9, $0xFC0  }
.Ltmp60:
0x333: {  	_ = 	snop;
	(pc) =	sbr.rel @p1 .LBB2_44-.Ltmp60, $3  }
0x334: {  	_ =	sdelay $0x1  }
0x335: {  	[tilespmem:s8+$0x1E480] =	vst v1;
	s8 =	sshra.s32 s9, $0x2;
	s9 =	sadd.s32 $0x40, s9  }
0x336: {  	v1 =	vld [tilespmem:s8+$0x1E080]  }
0x337: {  	_ =	sdelay $0x3  }
0x338: {  	[tilespmem:s8+$0x1E480] =	vst v1  }
0x339: {  	[spmem:s1] =	stream.indirect.scatter.add.f32 [tilespmem:s0], [sflag:$0x1], $0x1, s11, s30, $0xb8;
	[tilespmem:$0x1F2A0] =	vst v63  }
0x33a: {  	_ =	swait.ge [sflag:s28], $0x400  }
0x33b: {  	[sflag:s28] =	ssyncset.done $0x0  }
0x33c: {  	s8 =	simm.s32 $0x0;
	[sflag:s28] =	ssyncadd.s32 $0xFFFFFC00  }
0x33d: {  	s9 =	simm.s32 $0x40;
	v1 =	vld [tilespmem:s8+$0x1E080]  }
.LBB2_46:
0x33e: {  	p1 =	sne.s32 s9, $0xFC0  }
.Ltmp61:
0x33f: {  	_ = 	snop;
	(pc) =	sbr.rel @p1 .LBB2_46-.Ltmp61, $3  }
0x340: {  	_ =	sdelay $0x1  }
0x341: {  	s5 =	sshra.s32 s9, $0x2;
	s9 =	sadd.s32 $0x40, s9;
	v2 =	vadd.s32 $0x18800, v1  }
0x342: {  	v1 =	vld [tilespmem:s5+$0x1E080];
	[tilespmem:s8+$0x1E480] =	vst v2;
	s8 =	smov.u32 s5  }
0x343: {  	_ =	sdelay $0x3  }
0x344: {  	v1 =	vadd.s32 $0x18800, v1  }
0x345: {  	[tilespmem:s8+$0x1E480] =	vst v1  }
0x346: {  	[spmem:s1] =	stream.indirect.scatter.add.f32 [tilespmem:s17], [sflag:$0x1], $0x1, s11, s30, $0xb8;
	[tilespmem:$0x1F2A0] =	vst v63  }
0x347: {  	_ =	swait.ge [sflag:s28], $0x400  }
0x348: {  	[sflag:s28] =	ssyncset.done $0x0  }
0x349: {  	s8 =	simm.s32 $0x0;
	[sflag:s28] =	ssyncadd.s32 $0xFFFFFC00  }
0x34a: {  	s9 =	simm.s32 $0x40;
	v1 =	vld [tilespmem:s8+$0x1E080]  }
.LBB2_48:
0x34b: {  	p1 =	sne.s32 s9, $0xFC0  }
.Ltmp62:
0x34c: {  	_ = 	snop;
	(pc) =	sbr.rel @p1 .LBB2_48-.Ltmp62, $3  }
0x34d: {  	_ =	sdelay $0x1  }
0x34e: {  	s5 =	sshra.s32 s9, $0x2;
	s9 =	sadd.s32 $0x40, s9;
	v2 =	vadd.s32 $0x31000, v1  }
0x34f: {  	v1 =	vld [tilespmem:s5+$0x1E080];
	[tilespmem:s8+$0x1E480] =	vst v2;
	s8 =	smov.u32 s5  }
0x350: {  	_ =	sdelay $0x3  }
0x351: {  	v1 =	vadd.s32 $0x31000, v1  }
0x352: {  	[tilespmem:s8+$0x1E480] =	vst v1  }
0x353: {  	[spmem:s1] =	stream.indirect.scatter.add.f32 [tilespmem:s19], [sflag:$0x1], $0x1, s11, s30, $0xb8;
	[tilespmem:$0x1F2A0] =	vst v63  }
0x354: {  	_ =	swait.ge [sflag:s28], $0x400  }
0x355: {  	[sflag:s28] =	ssyncset.done $0x0  }
0x356: {  	s8 =	simm.s32 $0x0;
	[sflag:s28] =	ssyncadd.s32 $0xFFFFFC00  }
0x357: {  	s9 =	simm.s32 $0x40;
	v1 =	vld [tilespmem:s8+$0x1E080]  }
.LBB2_50:
0x358: {  	p1 =	sne.s32 s9, $0xFC0  }
.Ltmp63:
0x359: {  	_ = 	snop;
	(pc) =	sbr.rel @p1 .LBB2_50-.Ltmp63, $3  }
0x35a: {  	_ =	sdelay $0x1  }
0x35b: {  	s5 =	sshra.s32 s9, $0x2;
	s9 =	sadd.s32 $0x40, s9;
	v2 =	vadd.s32 $0x49800, v1  }
0x35c: {  	v1 =	vld [tilespmem:s5+$0x1E080];
	[tilespmem:s8+$0x1E480] =	vst v2;
	s8 =	smov.u32 s5  }
0x35d: {  	_ =	sdelay $0x3  }
0x35e: {  	v1 =	vadd.s32 $0x49800, v1  }
0x35f: {  	[tilespmem:s8+$0x1E480] =	vst v1  }
0x360: {  	[spmem:s1] =	stream.indirect.scatter.add.f32 [tilespmem:s20], [sflag:$0x1], $0x1, s11, s30, $0xb8;
	[tilespmem:$0x1F2A0] =	vst v63  }
0x361: {  	_ =	swait.ge [sflag:s28], $0x400  }
0x362: {  	[sflag:s28] =	ssyncset.done $0x0  }
0x363: {  	s8 =	simm.s32 $0x0;
	[sflag:s28] =	ssyncadd.s32 $0xFFFFFC00  }
0x364: {  	s9 =	simm.s32 $0x40;
	v1 =	vld [tilespmem:s8+$0x1E080]  }
.LBB2_52:
0x365: {  	p1 =	sne.s32 s9, $0xFC0  }
.Ltmp64:
0x366: {  	_ = 	snop;
	(pc) =	sbr.rel @p1 .LBB2_52-.Ltmp64, $3  }
0x367: {  	_ =	sdelay $0x1  }
0x368: {  	s5 =	sshra.s32 s9, $0x2;
	s9 =	sadd.s32 $0x40, s9;
	v2 =	vadd.s32 $0x62000, v1  }
0x369: {  	v1 =	vld [tilespmem:s5+$0x1E080];
	[tilespmem:s8+$0x1E480] =	vst v2;
	s8 =	smov.u32 s5  }
0x36a: {  	_ =	sdelay $0x3  }
0x36b: {  	v1 =	vadd.s32 $0x62000, v1  }
0x36c: {  	[tilespmem:s8+$0x1E480] =	vst v1  }
0x36d: {  	[spmem:s1] =	stream.indirect.scatter.add.f32 [tilespmem:s22], [sflag:$0x1], $0x1, s11, s30, $0xb8;
	[tilespmem:$0x1F2A0] =	vst v63  }
0x36e: {  	_ =	swait.ge [sflag:s28], $0x400  }
0x36f: {  	[sflag:s28] =	ssyncset.done $0x0  }
0x370: {  	s8 =	simm.s32 $0x0;
	[sflag:s28] =	ssyncadd.s32 $0xFFFFFC00  }
0x371: {  	s9 =	simm.s32 $0x40;
	v1 =	vld [tilespmem:s8+$0x1E080]  }
.LBB2_54:
0x372: {  	p1 =	sne.s32 s9, $0xFC0  }
.Ltmp65:
0x373: {  	_ = 	snop;
	(pc) =	sbr.rel @p1 .LBB2_54-.Ltmp65, $3  }
0x374: {  	_ =	sdelay $0x1  }
0x375: {  	s5 =	sshra.s32 s9, $0x2;
	s9 =	sadd.s32 $0x40, s9;
	v2 =	vadd.s32 $0x7A800, v1  }
0x376: {  	v1 =	vld [tilespmem:s5+$0x1E080];
	[tilespmem:s8+$0x1E480] =	vst v2;
	s8 =	smov.u32 s5  }
0x377: {  	_ =	sdelay $0x3  }
0x378: {  	v1 =	vadd.s32 $0x7A800, v1  }
0x379: {  	[tilespmem:s8+$0x1E480] =	vst v1  }
0x37a: {  	[spmem:s1] =	stream.indirect.scatter.add.f32 [tilespmem:s23], [sflag:$0x1], $0x1, s11, s30, $0xb8;
	[tilespmem:$0x1F2A0] =	vst v63  }
0x37b: {  	_ =	swait.ge [sflag:s28], $0x400  }
0x37c: {  	[sflag:s28] =	ssyncset.done $0x0  }
0x37d: {  	s8 =	simm.s32 $0x0;
	[sflag:s28] =	ssyncadd.s32 $0xFFFFFC00  }
0x37e: {  	s9 =	simm.s32 $0x40;
	v1 =	vld [tilespmem:s8+$0x1E080]  }
.LBB2_56:
0x37f: {  	p1 =	sne.s32 s9, $0xFC0  }
.Ltmp66:
0x380: {  	_ = 	snop;
	(pc) =	sbr.rel @p1 .LBB2_56-.Ltmp66, $3  }
0x381: {  	_ =	sdelay $0x1  }
0x382: {  	s5 =	sshra.s32 s9, $0x2;
	s9 =	sadd.s32 $0x40, s9;
	v2 =	vadd.s32 $0x93000, v1  }
0x383: {  	v1 =	vld [tilespmem:s5+$0x1E080];
	[tilespmem:s8+$0x1E480] =	vst v2;
	s8 =	smov.u32 s5  }
0x384: {  	_ =	sdelay $0x3  }
0x385: {  	v1 =	vadd.s32 $0x93000, v1  }
0x386: {  	[tilespmem:s8+$0x1E480] =	vst v1  }
0x387: {  	[spmem:s1] =	stream.indirect.scatter.add.f32 [tilespmem:s24], [sflag:$0x1], $0x1, s11, s30, $0xb8;
	[tilespmem:$0x1F2A0] =	vst v63  }
0x388: {  	_ =	swait.ge [sflag:s28], $0x400  }
0x389: {  	[sflag:s28] =	ssyncset.done $0x0  }
0x38a: {  	s8 =	simm.s32 $0x0;
	[sflag:s28] =	ssyncadd.s32 $0xFFFFFC00  }
0x38b: {  	s9 =	simm.s32 $0x40;
	v1 =	vld [tilespmem:s8+$0x1E080]  }
.LBB2_58:
0x38c: {  	p1 =	sne.s32 s9, $0xFC0  }
.Ltmp67:
0x38d: {  	_ = 	snop;
	(pc) =	sbr.rel @p1 .LBB2_58-.Ltmp67, $3  }
0x38e: {  	_ =	sdelay $0x1  }
0x38f: {  	s5 =	sshra.s32 s9, $0x2;
	s9 =	sadd.s32 $0x40, s9;
	v2 =	vadd.s32 $0xAB800, v1  }
0x390: {  	v1 =	vld [tilespmem:s5+$0x1E080];
	[tilespmem:s8+$0x1E480] =	vst v2;
	s8 =	smov.u32 s5  }
0x391: {  	_ =	sdelay $0x3  }
0x392: {  	v1 =	vadd.s32 $0xAB800, v1  }
0x393: {  	[tilespmem:s8+$0x1E480] =	vst v1  }
0x394: {  	[spmem:s1] =	stream.indirect.scatter.add.f32 [tilespmem:s13], [sflag:$0x1], $0x1, s11, s30, $0xb8;
	[tilespmem:$0x1F2A0] =	vst v63  }
0x395: {  	_ =	swait.ge [sflag:s28], $0x400  }
0x396: {  	[sflag:s28] =	ssyncset.done $0x0  }
0x397: {  	s8 =	simm.s32 $0x0;
	[sflag:s28] =	ssyncadd.s32 $0xFFFFFC00  }
0x398: {  	s9 =	simm.s32 $0x40;
	v1 =	vld [tilespmem:s8+$0x1E080]  }
.LBB2_60:
0x399: {  	p1 =	sne.s32 s9, $0xFC0  }
.Ltmp68:
0x39a: {  	_ = 	snop;
	(pc) =	sbr.rel @p1 .LBB2_60-.Ltmp68, $3  }
0x39b: {  	_ =	sdelay $0x1  }
0x39c: {  	s5 =	sshra.s32 s9, $0x2;
	s9 =	sadd.s32 $0x40, s9;
	v2 =	vadd.s32 $0xC4000, v1  }
0x39d: {  	v1 =	vld [tilespmem:s5+$0x1E080];
	[tilespmem:s8+$0x1E480] =	vst v2;
	s8 =	smov.u32 s5  }
0x39e: {  	_ =	sdelay $0x3  }
0x39f: {  	v1 =	vadd.s32 $0xC4000, v1  }
0x3a0: {  	[tilespmem:s8+$0x1E480] =	vst v1  }
0x3a1: {  	[spmem:s1] =	stream.indirect.scatter.add.f32 [tilespmem:s25], [sflag:$0x1], $0x1, s11, s30, $0xb8;
	[tilespmem:$0x1F2A0] =	vst v63  }
0x3a2: {  	_ =	swait.ge [sflag:s28], $0x400  }
0x3a3: {  	[sflag:s28] =	ssyncset.done $0x0  }
0x3a4: {  	s8 =	simm.s32 $0x0;
	[sflag:s28] =	ssyncadd.s32 $0xFFFFFC00  }
0x3a5: {  	s9 =	simm.s32 $0x40;
	v1 =	vld [tilespmem:s8+$0x1E080]  }
.LBB2_62:
0x3a6: {  	p1 =	sne.s32 s9, $0xFC0  }
.Ltmp69:
0x3a7: {  	_ = 	snop;
	(pc) =	sbr.rel @p1 .LBB2_62-.Ltmp69, $3  }
0x3a8: {  	_ =	sdelay $0x1  }
0x3a9: {  	s5 =	sshra.s32 s9, $0x2;
	s9 =	sadd.s32 $0x40, s9;
	v2 =	vadd.s32 $0xDC800, v1  }
0x3aa: {  	v1 =	vld [tilespmem:s5+$0x1E080];
	[tilespmem:s8+$0x1E480] =	vst v2;
	s8 =	smov.u32 s5  }
0x3ab: {  	_ =	sdelay $0x3  }
0x3ac: {  	v1 =	vadd.s32 $0xDC800, v1  }
0x3ad: {  	[tilespmem:s8+$0x1E480] =	vst v1  }
0x3ae: {  	[spmem:s1] =	stream.indirect.scatter.add.f32 [tilespmem:s4], [sflag:$0x1], $0x1, s11, s30, $0xb8;
	[tilespmem:$0x1F2A0] =	vst v63  }
0x3af: {  	_ =	swait.ge [sflag:s28], $0x400  }
0x3b0: {  	[sflag:s28] =	ssyncset.done $0x0  }
0x3b1: {  	s8 =	simm.s32 $0x0;
	[sflag:s28] =	ssyncadd.s32 $0xFFFFFC00  }
0x3b2: {  	s9 =	simm.s32 $0x40;
	v1 =	vld [tilespmem:s8+$0x1E080]  }
.LBB2_64:
0x3b3: {  	p1 =	sne.s32 s9, $0xFC0  }
.Ltmp70:
0x3b4: {  	_ = 	snop;
	(pc) =	sbr.rel @p1 .LBB2_64-.Ltmp70, $3  }
0x3b5: {  	_ =	sdelay $0x1  }
0x3b6: {  	s5 =	sshra.s32 s9, $0x2;
	s9 =	sadd.s32 $0x40, s9;
	v2 =	vadd.s32 $0xF5000, v1  }
0x3b7: {  	v1 =	vld [tilespmem:s5+$0x1E080];
	[tilespmem:s8+$0x1E480] =	vst v2;
	s8 =	smov.u32 s5  }
0x3b8: {  	_ =	sdelay $0x3  }
0x3b9: {  	v1 =	vadd.s32 $0xF5000, v1  }
0x3ba: {  	[tilespmem:s8+$0x1E480] =	vst v1  }
0x3bb: {  	[spmem:s1] =	stream.indirect.scatter.add.f32 [tilespmem:s15], [sflag:$0x1], $0x1, s11, s30, $0xb8;
	[tilespmem:$0x1F2A0] =	vst v63  }
0x3bc: {  	_ =	swait.ge [sflag:s28], $0x400  }
0x3bd: {  	[sflag:s28] =	ssyncset.done $0x0  }
0x3be: {  	s8 =	simm.s32 $0x0;
	[sflag:s28] =	ssyncadd.s32 $0xFFFFFC00  }
0x3bf: {  	s9 =	simm.s32 $0x40;
	v1 =	vld [tilespmem:s8+$0x1E080]  }
.LBB2_66:
0x3c0: {  	p1 =	sne.s32 s9, $0xFC0  }
.Ltmp71:
0x3c1: {  	_ = 	snop;
	(pc) =	sbr.rel @p1 .LBB2_66-.Ltmp71, $3  }
0x3c2: {  	_ =	sdelay $0x1  }
0x3c3: {  	s5 =	sshra.s32 s9, $0x2;
	s9 =	sadd.s32 $0x40, s9;
	v2 =	vadd.s32 $0x10D800, v1  }
0x3c4: {  	v1 =	vld [tilespmem:s5+$0x1E080];
	[tilespmem:s8+$0x1E480] =	vst v2;
	s8 =	smov.u32 s5  }
0x3c5: {  	_ =	sdelay $0x3  }
0x3c6: {  	v1 =	vadd.s32 $0x10D800, v1  }
0x3c7: {  	[tilespmem:s8+$0x1E480] =	vst v1  }
0x3c8: {  	[spmem:s1] =	stream.indirect.scatter.add.f32 [tilespmem:s21], [sflag:$0x1], $0x1, s11, s30, $0xb8;
	[tilespmem:$0x1F2A0] =	vst v63  }
0x3c9: {  	_ =	swait.ge [sflag:s28], $0x400  }
0x3ca: {  	[sflag:s28] =	ssyncset.done $0x0  }
0x3cb: {  	s8 =	simm.s32 $0x0;
	[sflag:s28] =	ssyncadd.s32 $0xFFFFFC00  }
0x3cc: {  	s9 =	simm.s32 $0x40;
	v1 =	vld [tilespmem:s8+$0x1E080]  }
.LBB2_68:
0x3cd: {  	p1 =	sne.s32 s9, $0xFC0  }
.Ltmp72:
0x3ce: {  	_ = 	snop;
	(pc) =	sbr.rel @p1 .LBB2_68-.Ltmp72, $3  }
0x3cf: {  	_ =	sdelay $0x1  }
0x3d0: {  	s5 =	sshra.s32 s9, $0x2;
	s9 =	sadd.s32 $0x40, s9;
	v2 =	vadd.s32 $0x126000, v1  }
0x3d1: {  	v1 =	vld [tilespmem:s5+$0x1E080];
	[tilespmem:s8+$0x1E480] =	vst v2;
	s8 =	smov.u32 s5  }
0x3d2: {  	_ =	sdelay $0x3  }
0x3d3: {  	v1 =	vadd.s32 $0x126000, v1  }
0x3d4: {  	[tilespmem:s8+$0x1E480] =	vst v1  }
0x3d5: {  	[spmem:s1] =	stream.indirect.scatter.add.f32 [tilespmem:s12], [sflag:$0x1], $0x1, s11, s30, $0xb8;
	[tilespmem:$0x1F2A0] =	vst v63  }
0x3d6: {  	_ =	swait.ge [sflag:s28], $0x400  }
0x3d7: {  	[sflag:s28] =	ssyncset.done $0x0  }
0x3d8: {  	s8 =	simm.s32 $0x0;
	[sflag:s28] =	ssyncadd.s32 $0xFFFFFC00  }
0x3d9: {  	s9 =	simm.s32 $0x40;
	v1 =	vld [tilespmem:s8+$0x1E080]  }
.LBB2_70:
0x3da: {  	p1 =	sne.s32 s9, $0xFC0  }
.Ltmp73:
0x3db: {  	_ = 	snop;
	(pc) =	sbr.rel @p1 .LBB2_70-.Ltmp73, $3  }
0x3dc: {  	_ =	sdelay $0x1  }
0x3dd: {  	s5 =	sshra.s32 s9, $0x2;
	s9 =	sadd.s32 $0x40, s9;
	v2 =	vadd.s32 $0x13E800, v1  }
0x3de: {  	v1 =	vld [tilespmem:s5+$0x1E080];
	[tilespmem:s8+$0x1E480] =	vst v2;
	s8 =	smov.u32 s5  }
0x3df: {  	_ =	sdelay $0x3  }
0x3e0: {  	v1 =	vadd.s32 $0x13E800, v1  }
0x3e1: {  	[tilespmem:s8+$0x1E480] =	vst v1  }
0x3e2: {  	[spmem:s1] =	stream.indirect.scatter.add.f32 [tilespmem:s18], [sflag:$0x1], $0x1, s11, s30, $0xb8;
	[tilespmem:$0x1F2A0] =	vst v63  }
0x3e3: {  	_ =	swait.ge [sflag:s28], $0x400  }
0x3e4: {  	[sflag:s28] =	ssyncset.done $0x0  }
0x3e5: {  	s8 =	simm.s32 $0x0;
	[sflag:s28] =	ssyncadd.s32 $0xFFFFFC00  }
0x3e6: {  	s9 =	simm.s32 $0x40;
	v1 =	vld [tilespmem:s8+$0x1E080]  }
.LBB2_72:
0x3e7: {  	p1 =	sne.s32 s9, $0xFC0  }
.Ltmp74:
0x3e8: {  	_ = 	snop;
	(pc) =	sbr.rel @p1 .LBB2_72-.Ltmp74, $3  }
0x3e9: {  	_ =	sdelay $0x1  }
0x3ea: {  	s5 =	sshra.s32 s9, $0x2;
	s9 =	sadd.s32 $0x40, s9;
	v2 =	vadd.s32 $0x157000, v1  }
0x3eb: {  	v1 =	vld [tilespmem:s5+$0x1E080];
	[tilespmem:s8+$0x1E480] =	vst v2;
	s8 =	smov.u32 s5  }
0x3ec: {  	_ =	sdelay $0x3  }
0x3ed: {  	v1 =	vadd.s32 $0x157000, v1  }
0x3ee: {  	[tilespmem:s8+$0x1E480] =	vst v1  }
0x3ef: {  	[spmem:s1] =	stream.indirect.scatter.add.f32 [tilespmem:s3], [sflag:$0x1], $0x1, s11, s30, $0xb8;
	[tilespmem:$0x1F2A0] =	vst v63  }
0x3f0: {  	_ =	swait.ge [sflag:s28], $0x400  }
0x3f1: {  	[sflag:s28] =	ssyncset.done $0x0  }
0x3f2: {  	s8 =	simm.s32 $0x0;
	[sflag:s28] =	ssyncadd.s32 $0xFFFFFC00  }
0x3f3: {  	s9 =	simm.s32 $0x40;
	v1 =	vld [tilespmem:s8+$0x1E080]  }
.LBB2_74:
0x3f4: {  	p1 =	sne.s32 s9, $0xFC0  }
.Ltmp75:
0x3f5: {  	_ = 	snop;
	(pc) =	sbr.rel @p1 .LBB2_74-.Ltmp75, $3  }
0x3f6: {  	_ =	sdelay $0x1  }
0x3f7: {  	s5 =	sshra.s32 s9, $0x2;
	s9 =	sadd.s32 $0x40, s9;
	v2 =	vadd.s32 $0x16F800, v1  }
0x3f8: {  	v1 =	vld [tilespmem:s5+$0x1E080];
	[tilespmem:s8+$0x1E480] =	vst v2;
	s8 =	smov.u32 s5  }
0x3f9: {  	_ =	sdelay $0x2  }
0x3fa: {  	s7 =	sadd.s32 $0x1, s7  }
0x3fb: {  	p1 =	seq.s32 s7, $0x64;
	v1 =	vadd.s32 $0x16F800, v1  }
.Ltmp76:
0x3fc: {  	[tilespmem:s8+$0x1E480] =	vst v1;
	(pc) =	sbr.rel @!p1 .LBB2_43-.Ltmp76, $4  }
0x3fd: {  	[spmem:s1] =	stream.indirect.scatter.add.f32 [tilespmem:s2], [sflag:$0x1], $0x1, s11, s30, $0xb8;
	[tilespmem:$0x1F2A0] =	vst v63  }
0x3fe: {  	_ =	swait.ge [sflag:s28], $0x400  }
0x3ff: {  	[sflag:s28] =	ssyncset.done $0x0  }
0x400: {  	[sflag:s28] =	ssyncadd.s32 $0xFFFFFC00  }
.Ltmp77:
0x401: {  	(pc) =	sbr.rel .LBB2_150-.Ltmp77, $3  }
0x402: {  	_ =	sdelay $0x1  }
0x403: {  	s6 =	rddreg [dreg:$0xa]  }
0x404: {  	s7 =	rddreg [dreg:$0x4]  }
.LBB2_151:
0x405: {  	_ =	sfence.sel $0x180000  }
0x406: {  	[bflag:$0x0] =	sbarrier.arrive $0xFFFF  }
0x407: {  	_ =	strace $0x90000056  }
0x408: {  	s0 =	stileid.u32;
	[bflag:$0x2] =	sbarrier.arrive $0xFFFF  }
0x409: {  	p0 =	sne.s32 s0, $0x0;
	s0 =	rddreg [dreg:$0x3]  }
0x40a: {  	s0 =	sadd.s32 @!p0 $0x100000, s0  }
0x40b: {  	[sflag:s0] =	ssyncadd.tile.s32 @!p0 $0x1;
	_ =	shalt  }
.Lfunc_end2:
_tile_overlayer_lowered:
.L_overlay_start_2:
0x40c: {  	(tag) =	ssettag $0x2  }
0x40d: {  	s0 =	rddreg [dreg:$0x0];
	s2 =	stileid.u32  }
0x40e: {  	s1 =	rddreg [dreg:$0x1];
	p0 =	sne.s32 s2, $0x0  }
0x40f: {  	s3 =	rddreg [dreg:$0x2];
	[bflag:$0x3] =	sbarrier.arrive $0xFFFF;
	s2 =	simm.s32 @!p0 $0x1C01  }
0x410: {  	[timem:s3], [sflag:s2] =	dma.local @!p0 [hbm:s0], s1  }
0x411: {  	s0 =	simm.s32 @!p0 $0x1  }
0x412: {  	_ =	swait.ge @!p0 [sflag:s0], s1  }
0x413: {  	s1 =	ssub.s32 @!p0 $0x0, s1;
	[sflag:s0] =	ssyncset.done @!p0 $0x0  }
0x414: {  	[sflag:s0] =	ssyncadd.s32 @!p0 s1  }
0x415: {  	[bflag:$0x3] =	sbarrier.arrive $0xFFFF  }
0x416: {  	_ =	shalt  }

// kernel: kernel.9.cloned.1.call-start
scs
__scs_entry_jumppad:
0x0: {  	(pc) =	sbr.rel $0x88, $3  }
0x1: {  	(tag) =	ssettag $0x0;
	lr =	simm.s32 $0x1  }
0x2: {  	[smem:$0x3F89] =	sst lr;
	_ =	strace $0xD0000000  }
0x3: {  	_ = 	snop  }
0x4: {  	_ = 	snop  }
0x5: {  	_ = 	snop  }
0x6: {  	_ = 	snop  }
0x7: {  	_ = 	snop  }
__scs_overlays_trampoline_lowered:
0x8: {  	[smem:$0x3F98] =	sst s0  }
0x9: {  	[smem:$0x3F99] =	sst s1  }
0xa: {  	[smem:$0x3F9A] =	sst s2  }
0xb: {  	[smem:$0x3F9B] =	sst s3  }
0xc: {  	[smem:$0x3F9C] =	sst s4  }
0xd: {  	[smem:$0x3F9D] =	sst s5  }
0xe: {  	[smem:$0x3F9E] =	sst s6  }
0xf: {  	[smem:$0x3F9F] =	sst s7  }
0x10: {  	[smem:$0x3FA0] =	sst s8  }
0x11: {  	[smem:$0x3FA1] =	sst s9;
	s0 =	simm.s32 @!p0 $0x0  }
0x12: {  	s1 =	sld [smem:$0x3F87];
	s0 =	simm.s32 @p0 $0x1  }
0x13: {  	[smem:$0x3FA2] =	sst s0;
	s0 =	simm.s32 @!p1 $0x0  }
0x14: {  	s2 =	sld [smem:$0x3F86];
	s0 =	simm.s32 @p1 $0x1  }
0x15: {  	[smem:$0x3FA3] =	sst s0;
	s0 =	simm.s32 @!p2 $0x0  }
0x16: {  	s3 =	sld [smem:$0x3FDB];
	s0 =	simm.s32 @p2 $0x1  }
0x17: {  	s4 =	simm.s32 $0x1BF5;
	[smem:$0x3FA5] =	sst s0  }
0x18: {  	s0 =	sld [smem:$0x3F88];
	_ =	swait.ge [sflag:s4], $0x0  }
0x19: {  	s7 =	sld [smem:$0x3F89]  }
0x1a: {  	s8 =	sadd.s32 $0xFFFFE003, lr  }
0x1b: {  	s9 =	sadd.s32 $0xFFFFFEF7, lr;
	s5 =	simm.s32 $0xFFFFFFFF;
	p2 =	slt.u32 s8, $0xFFFFF086  }
0x1c: {  	p1 =	slt.u32 s9, $0xF7A;
	s5 =	simm.s32 @!p2 $0x0  }
0x1d: {  	s5 =	simm.s32 @p1 $0x1;
	p0 =	seq.s32 s7, s2  }
0x1e: {  	s7 =	smul.u32 @!p0 $0xF7A, s2;
	p2 =	seq.s32 @!p0 s5, $0x0  }
0x1f: {  	s9 =	smul.u32 $0xF7A, s1;
	s8 =	simm.s32 @!p0 $0x1BF5;
	p2 =	por !p2, p0  }
0x20: {  	[sflag:s8] =	ssyncset.s32 @!p0 $0xFFFFF086;
	s6 =	sadd.s32 @!p0 s3, s7;
	s7 =	simm.s32 @!p0 $0x108  }
0x21: {  	s3 =	sadd.s32 s3, s9;
	s6 =	sadd.s32 @!p0 $0x88, s6;
	s7 =	simm.s32 @p2 $0x1082  }
0x22: {  	[simem:s7], [sflag:s8] =	dma.local @!p0 [hbm:s6], $0xF7A  }
0x23: {  	s9 =	sor.u32 $0xD0000000, s2;
	s6 =	simm.s32 $0x108;
	_ =	swait.ge @!p0 [sflag:s8], $0x0  }
0x24: {  	s3 =	sadd.s32 $0x88, s3;
	s6 =	simm.s32 @!p1 $0x1082;
	[sflag:s4] =	ssyncset.s32 $0xFFFFF086  }
0x25: {  	[simem:s6], [sflag:s4] =	dma.local [hbm:s3], $0xF7A  }
0x26: {  	[smem:$0x3F89] =	sst s1;
	(tag) =	ssettag s2;
	_ =	strace s9  }
0x27: {  	s1 =	sld [smem:$0x3F99]  }
0x28: {  	s2 =	sld [smem:$0x3F9A]  }
0x29: {  	s4 =	sld [smem:$0x3F9C]  }
0x2a: {  	p0 =	seq.s32 s5, $0x0;
	s5 =	sld [smem:$0x3F9D]  }
0x2b: {  	s6 =	sld [smem:$0x3F9E]  }
0x2c: {  	s7 =	sld [smem:$0x3F9F]  }
0x2d: {  	s3 =	simm.s32 $0x108;
	s8 =	sld [smem:$0x3FA0]  }
0x2e: {  	s3 =	simm.s32 @!p0 $0x1082;
	s9 =	sld [smem:$0x3FA1]  }
0x2f: {  	lr =	sadd.s32 s0, s3;
	s0 =	sld [smem:$0x3F98]  }
0x30: {  	s3 =	sld [smem:$0x3F9B]  }
0x31: {  	[smem:$0x3FA4] =	sst s10  }
0x32: {  	s10 =	sld [smem:$0x3FA2];
	_ =	sdelay $0x3  }
0x33: {  	p0 =	seq.s32 s10, $0x1;
	s10 =	sld [smem:$0x3FA4];
	_ =	sdelay $0x3  }
0x34: {  	[smem:$0x3FA4] =	sst s10  }
0x35: {  	s10 =	sld [smem:$0x3FA3];
	_ =	sdelay $0x3  }
0x36: {  	p1 =	seq.s32 s10, $0x1;
	s10 =	sld [smem:$0x3FA4];
	_ =	sdelay $0x3  }
0x37: {  	[smem:$0x3FA4] =	sst s10  }
0x38: {  	s10 =	sld [smem:$0x3FA5]  }
0x39: {  	_ = 	snop;
	(pc) =	sbr.ind lr, $3  }
0x3a: {  	_ = 	snop  }
0x3b: {  	_ = 	snop  }
0x3c: {  	p2 =	seq.s32 s10, $0x1;
	s10 =	sld [smem:$0x3FA4]  }
0x3d: {  	_ =	shalt  }
0x3e: {  	_ =	shalt  }
0x3f: {  	_ =	shalt  }
0x40: {  	_ =	shalt  }
0x41: {  	_ =	shalt  }
0x42: {  	_ =	shalt  }
0x43: {  	_ =	shalt  }
0x44: {  	_ =	shalt  }
0x45: {  	_ =	shalt  }
0x46: {  	_ =	shalt  }
0x47: {  	_ =	shalt  }
0x48: {  	_ =	shalt  }
0x49: {  	_ =	shalt  }
0x4a: {  	_ =	shalt  }
0x4b: {  	_ =	shalt  }
0x4c: {  	_ =	shalt  }
0x4d: {  	_ =	shalt  }
0x4e: {  	_ =	shalt  }
0x4f: {  	_ =	shalt  }
0x50: {  	_ =	shalt  }
0x51: {  	_ =	shalt  }
0x52: {  	_ =	shalt  }
0x53: {  	_ =	shalt  }
0x54: {  	_ =	shalt  }
0x55: {  	_ =	shalt  }
0x56: {  	_ =	shalt  }
0x57: {  	_ =	shalt  }
0x58: {  	_ =	shalt  }
0x59: {  	_ =	shalt  }
0x5a: {  	_ =	shalt  }
0x5b: {  	_ =	shalt  }
0x5c: {  	_ =	shalt  }
0x5d: {  	_ =	shalt  }
0x5e: {  	_ =	shalt  }
0x5f: {  	_ =	shalt  }
0x60: {  	_ =	shalt  }
0x61: {  	_ =	shalt  }
0x62: {  	_ =	shalt  }
0x63: {  	_ =	shalt  }
0x64: {  	_ =	shalt  }
0x65: {  	_ =	shalt  }
0x66: {  	_ =	shalt  }
0x67: {  	_ =	shalt  }
0x68: {  	_ =	shalt  }
0x69: {  	_ =	shalt  }
0x6a: {  	_ =	shalt  }
0x6b: {  	_ =	shalt  }
0x6c: {  	_ =	shalt  }
0x6d: {  	_ =	shalt  }
0x6e: {  	_ =	shalt  }
0x6f: {  	_ =	shalt  }
0x70: {  	_ =	shalt  }
0x71: {  	_ =	shalt  }
0x72: {  	_ =	shalt  }
0x73: {  	_ =	shalt  }
0x74: {  	_ =	shalt  }
0x75: {  	_ =	shalt  }
0x76: {  	_ =	shalt  }
0x77: {  	_ =	shalt  }
0x78: {  	_ =	shalt  }
0x79: {  	_ =	shalt  }
0x7a: {  	_ =	shalt  }
0x7b: {  	_ =	shalt  }
0x7c: {  	_ =	shalt  }
0x7d: {  	_ =	shalt  }
0x7e: {  	_ =	shalt  }
0x7f: {  	_ =	shalt  }
0x80: {  	_ =	shalt  }
0x81: {  	_ =	shalt  }
0x82: {  	_ =	shalt  }
0x83: {  	_ =	shalt  }
0x84: {  	_ =	shalt  }
0x85: {  	_ =	shalt  }
0x86: {  	_ =	shalt  }
0x87: {  	_ =	shalt  }
.Lfunc_end0:
.L_simem_size_0:
called_computation.4_lowered:
.L_overlay_start_0:
0x88: {  	s2 =	sld [smem:$0x3FD9]  }
0x89: {  	s3 =	sld [smem:$0x3FFE];
	_ =	sdelay $0x1  }
0x8a: {  	s1 =	srdreg.scid  }
0x8b: {  	s0 =	sand.u32 $0x1, s1  }
0x8c: {  	s16 =	sshll.u32 s0, $0xA;
	s2 =	sadd.s32 s3, s2  }
0x8d: {  	s2 =	sadd.s32 s2, s16  }
0x8e: {  	[smem:$0x3FB0] =	sst s2  }
0x8f: {  	_ = 	snop  }
0x90: {  	(tm) =	ssettm $0x1  }
0x91: {  	s17 =	sld [smem:$0x3FFB];
	_ =	sdelay $0x3  }
0x92: {  	_ =	strace s17  }
0x93: {  	s2 =	sld [smem:$0x3FFC];
	_ =	sdelay $0x3  }
0x94: {  	_ =	strace s2  }
0x95: {  	s2 =	sld [smem:$0x3FFD];
	_ =	sdelay $0x3  }
0x96: {  	_ =	strace s2  }
0x97: {  	_ =	strace $0x8FFFFFFF  }
0x98: {  	s18 =	sld [smem:$0x3FDB];
	_ =	sdelay $0x1  }
0x99: {  	s19 =	simm.s32 $_scs_section_size  }
0x9a: {  	s4 =	simm.s32 $_size__tile_overlayer_lowered;
	s5 =	simm.s32 $_tile_overlayer_lowered  }
0x9b: {  	s22 =	simm.s32 $0x1BFF;
	s21 =	sshll.u32 s5, $0x1;
	s2 =	sadd.s32 s19, s18  }
0x9c: {  	s6 =	simm.s32 $0x0;
	s20 =	sshll.u32 s4, $0x1;
	s4 =	sadd.s32 s21, s2  }
0x9d: {  	[timem:s6], [sflag:s22] =	dma.local [hbm:s4], s20  }
0x9e: {  	_ =	swait.ge [sflag:s22], s20  }
0x9f: {  	s3 =	ssub.s32 $0x0, s20;
	[sflag:s22] =	ssyncset.done $0x0  }
0xa0: {  	[sflag:s22] =	ssyncadd.s32 s3;
	_ =	sdelay $0x1  }
0xa1: {  	s23 =	simm.s32 $0x1B8B  }
0xa2: {  	_ =	swait.ge [sflag:s23], $0x1  }
0xa3: {  	[sflag:s23] =	ssyncset.done $0x0  }
0xa4: {  	s25 =	simm.s32 $0x1B8E;
	s24 =	sld [smem:$0x3FFE];
	[sflag:s23] =	ssyncadd.s32 $0xFFFFFFFF  }
0xa5: {  	s26 =	simm.s32 $execute0_lowered;
	[smem:$0x3FD2] =	sst s25  }
0xa6: {  	s4 =	sshll.u32 s26, $0x1;
	_ =	strace $0x80000046;
	[dreg:$0x1] =	wrdreg $0xFFFFFFFF  }
0xa7: {  	s28 =	simm.s32 $_size_execute0_lowered;
	s2 =	sadd.s32 s2, s4;
	[dreg:$0x0] =	wrdreg $0x0  }
0xa8: {  	s4 =	sshll.u32 s28, $0x1;
	[dreg:$0x2] =	wrdreg s2  }
0xa9: {  	[dreg:$0x3] =	wrdreg s4  }
0xaa: {  	[dreg:$0x4] =	wrdreg $0xC0  }
0xab: {  	_ =	task [dreg:s6], $0x5FFFF  }
0xac: {  	[dreg:$0x1] =	wrdreg $0xFFFFFFFF  }
0xad: {  	[dreg:$0x0] =	wrdreg $0x60  }
0xae: {  	[dreg:$0x2] =	wrdreg s24  }
0xaf: {  	[dreg:$0x3] =	wrdreg $0x9  }
0xb0: {  	_ =	task.clear_ibuf [dreg:s6], $0x4FFFF;
	_ =	strace $0x90000046  }
0xb1: {  	s29 =	simm.s32 $0x9;
	_ =	strace $0x80000048  }
0xb2: {  	_ =	swait.ge [sflag:s29], $0x1  }
0xb3: {  	[sflag:s29] =	ssyncadd.s32 $0xFFFFFFFF  }
0xb4: {  	_ =	strace $0x90000048  }
0xb5: {  	_ =	sfence  }
0xb6: {  	s30 =	sld [smem:$0x0];
	_ =	sdelay $0x2  }
0xb7: {  	s31 =	sshll.u32 s1, $0xD;
	s1 =	sshrl.u32 s1, $0x2  }
0xb8: {  	s3 =	sand.u32 $0x4000, s31;
	s1 =	sadd.s32 s1, s30  }
0xb9: {  	s0 =	sor.u32 s3, s0;
	s1 =	sshll.u32 s1, $0x11  }
0xba: {  	s0 =	sor.u32 s1, s0  }
0xbb: {  	s0 =	sadd.s32 $0x8F2B, s0  }
0xbc: {  	[sflag:s0] =	ssyncadd.remote.s32 $0x1  }
0xbd: {  	_ =	sfence.sel $0xFFFF  }
0xbe: {  	[dreg:$0x0] =	wrdreg $0xFFFFFFFF;
	(pc) =	sbr.abs _section_cstart, $3  }
0xbf: {  	[dreg:$0x1] =	wrdreg $0xFFFFFFFF  }
0xc0: {  	_ =	task.clear_ibuf [dreg:s6], $0x2FFFF;
	_ =	strace $0x9FFFFFFF  }
0xc1: {  	(tm) =	ssettm $0x7FFFFFFF  }
tec
execute0_lowered:
.L_overlay_start_1:
0x0: {  	(tag) =	ssettag $0x1  }
0x1: {  	s1 =	srdreg.scid  }
0x2: {  	s0 =	stileid.u32;
	s5 =	rddreg [dreg:$0x0]  }
0x3: {  	s2 =	simm.s32 $0x0;
	s3 =	sand.u32 $0x1, s1;
	s4 =	smul.u32 $0x19000, s0  }
0x4: {  	s10 =	simm.s32 $0x2;
	s11 =	simm.s32 $0x800;
	s6 =	smul.u32 $0xC800, s3  }
0x5: {  	s12 =	simm.s32 $0x1;
	s13 =	simm.s32 $0x0;
	s1 =	rddreg [dreg:$0x1]  }
0x6: {  	[smem:$0x7FF] =	sst s2;
	s30 =	ssub.s32 $0x2, s3;
	s4 =	sadd.s32 s6, s4  }
0x7: {  	_ =	strace $0x80000047;
	s8 =	sshrl.u32 s30, $0x1;
	s7 =	sshrl.u32 s4, $0x3  }
0x8: {  	s3 =	sadd.s32 $0x5A00, s5;
	s31 =	ssub.s32 s30, s8;
	s9 =	sadd.s32 s7, s5  }
0x9: {  	s4 =	sadd.s32 $0x6CC00, s5;
	s5 =	smax.u32 s31, $0x1;
	s6 =	sadd.s32 $0xA1E00, s9  }
0xa: {  	s7 =	sadd.s32 $0x8C00, s9;
	s8 =	sadd.s32 $0x6FE00, s9;
	s9 =	sadd.s32 $0x3AC00, s9  }
.LBB2_1:
0xb: {  	s14 =	sadd.s32 $0x0, s9  }
0xc: {  	[tilespmem:s2], [sflag:$0x2] =	stream.linear.gather [hbm4b:s14+s2], $0x800, $0x38;
	[tilespmem:$0x1000] =	vst v63  }
0xd: {  	_ =	swait.ge [sflag:s10], $0x800  }
0xe: {  	[sflag:s10] =	ssyncset.done $0x0  }
0xf: {  	[sflag:s10] =	ssyncadd.s32 $0xFFFFF800  }
0x10: {  	[tilespmem:s11], [sflag:$0x1] =	stream.indirect.gather [hbm4b:s3+s11], $0x1, s2, s11, $0xb8;
	[tilespmem:$0x1000] =	vst v63  }
0x11: {  	_ =	swait.ge [sflag:s12], $0x800  }
0x12: {  	[sflag:s12] =	ssyncset.done $0x0  }
0x13: {  	s29 =	sadd.s32 $0x0, s8;
	[sflag:s12] =	ssyncadd.s32 $0xFFFFF800  }
0x14: {  	[hbm4b:s29+s2] =	stream.linear.scatter [tilespmem:s11], [sflag:$0x2], $0x800, $0x38;
	[tilespmem:$0x1000] =	vst v63  }
0x15: {  	_ =	swait.ge [sflag:s10], $0x800  }
0x16: {  	[sflag:s10] =	ssyncset.done $0x0  }
0x17: {  	s30 =	sadd.s32 $0x0, s7;
	[sflag:s10] =	ssyncadd.s32 $0xFFFFF800  }
0x18: {  	[tilespmem:s2], [sflag:$0x2] =	stream.linear.gather [hbm4b:s30+s2], $0x800, $0x38;
	[tilespmem:$0x1000] =	vst v63  }
0x19: {  	_ =	swait.ge [sflag:s10], $0x800  }
0x1a: {  	[sflag:s10] =	ssyncset.done $0x0  }
0x1b: {  	[sflag:s10] =	ssyncadd.s32 $0xFFFFF800  }
0x1c: {  	[tilespmem:s11], [sflag:$0x1] =	stream.indirect.gather [hbm4b:s4+s11], $0x1, s2, s11, $0xb8;
	[tilespmem:$0x1000] =	vst v63  }
0x1d: {  	_ =	swait.ge [sflag:s12], $0x800  }
0x1e: {  	[sflag:s12] =	ssyncset.done $0x0  }
0x1f: {  	s31 =	sadd.s32 $0x0, s6;
	[sflag:s12] =	ssyncadd.s32 $0xFFFFF800  }
0x20: {  	[hbm4b:s31+s2] =	stream.linear.scatter [tilespmem:s11], [sflag:$0x2], $0x800, $0x38;
	[tilespmem:$0x1000] =	vst v63  }
0x21: {  	_ =	swait.ge [sflag:s10], $0x800  }
0x22: {  	s15 =	simm.s32 $0x200;
	s14 =	simm.s32 $0x100;
	[sflag:s10] =	ssyncset.done $0x0  }
.LBB2_2:
0x23: {  	s16 =	sadd.s32 s14, s9  }
0x24: {  	[sflag:s10] =	ssyncadd.s32 $0xFFFFF800;
	s17 =	smov.u32 s15;
	s18 =	sadd.s32 $0x100, s15  }
0x25: {  	[tilespmem:s2], [sflag:$0x2] =	stream.linear.gather [hbm4b:s16+s2], $0x800, $0x38;
	[tilespmem:$0x1000] =	vst v63  }
0x26: {  	p0 =	sne.s32 s15, $0x1800;
	_ =	swait.ge [sflag:s10], $0x800  }
0x27: {  	[sflag:s10] =	ssyncset.done $0x0  }
0x28: {  	[sflag:s10] =	ssyncadd.s32 $0xFFFFF800  }
0x29: {  	[tilespmem:s11], [sflag:$0x1] =	stream.indirect.gather [hbm4b:s3+s11], $0x1, s2, s11, $0xb8;
	[tilespmem:$0x1000] =	vst v63  }
0x2a: {  	_ =	swait.ge [sflag:s12], $0x800  }
0x2b: {  	[sflag:s12] =	ssyncset.done $0x0  }
0x2c: {  	s15 =	sadd.s32 s14, s8;
	[sflag:s12] =	ssyncadd.s32 $0xFFFFF800  }
0x2d: {  	[hbm4b:s15+s2] =	stream.linear.scatter [tilespmem:s11], [sflag:$0x2], $0x800, $0x38;
	[tilespmem:$0x1000] =	vst v63  }
0x2e: {  	_ =	swait.ge [sflag:s10], $0x800  }
0x2f: {  	[sflag:s10] =	ssyncset.done $0x0  }
0x30: {  	s15 =	sadd.s32 s14, s7;
	[sflag:s10] =	ssyncadd.s32 $0xFFFFF800  }
0x31: {  	[tilespmem:s2], [sflag:$0x2] =	stream.linear.gather [hbm4b:s15+s2], $0x800, $0x38;
	[tilespmem:$0x1000] =	vst v63  }
0x32: {  	_ =	swait.ge [sflag:s10], $0x800  }
0x33: {  	[sflag:s10] =	ssyncset.done $0x0  }
0x34: {  	[sflag:s10] =	ssyncadd.s32 $0xFFFFF800  }
0x35: {  	[tilespmem:s11], [sflag:$0x1] =	stream.indirect.gather [hbm4b:s4+s11], $0x1, s2, s11, $0xb8;
	[tilespmem:$0x1000] =	vst v63  }
0x36: {  	_ =	swait.ge [sflag:s12], $0x800  }
.Ltmp0:
0x37: {  	[sflag:s12] =	ssyncset.done $0x0;
	(pc) =	sbr.rel @p0 .LBB2_2-.Ltmp0, $4  }
0x38: {  	s15 =	sadd.s32 s14, s6;
	s14 =	smov.u32 s17;
	[sflag:s12] =	ssyncadd.s32 $0xFFFFF800  }
0x39: {  	[hbm4b:s15+s2] =	stream.linear.scatter [tilespmem:s11], [sflag:$0x2], $0x800, $0x38;
	[tilespmem:$0x1000] =	vst v63  }
0x3a: {  	_ =	swait.ge [sflag:s10], $0x800  }
0x3b: {  	s15 =	smov.u32 s18;
	[sflag:s10] =	ssyncset.done $0x0  }
0x3c: {  	s15 =	sadd.s32 s14, s9;
	[sflag:s10] =	ssyncadd.s32 $0xFFFFF800  }
0x3d: {  	[tilespmem:s2], [sflag:$0x2] =	stream.linear.gather [hbm4b:s15+s2], $0x800, $0x38;
	[tilespmem:$0x1000] =	vst v63  }
0x3e: {  	_ =	swait.ge [sflag:s10], $0x800  }
0x3f: {  	[sflag:s10] =	ssyncset.done $0x0  }
0x40: {  	[sflag:s10] =	ssyncadd.s32 $0xFFFFF800  }
0x41: {  	[tilespmem:s11], [sflag:$0x1] =	stream.indirect.gather [hbm4b:s3+s11], $0x1, s2, s11, $0xb8;
	[tilespmem:$0x1000] =	vst v63  }
0x42: {  	_ =	swait.ge [sflag:s12], $0x800  }
0x43: {  	[sflag:s12] =	ssyncset.done $0x0  }
0x44: {  	s29 =	sadd.s32 s14, s8;
	[sflag:s12] =	ssyncadd.s32 $0xFFFFF800  }
0x45: {  	[hbm4b:s29+s2] =	stream.linear.scatter [tilespmem:s11], [sflag:$0x2], $0x800, $0x38;
	[tilespmem:$0x1000] =	vst v63  }
0x46: {  	_ =	swait.ge [sflag:s10], $0x800  }
0x47: {  	[sflag:s10] =	ssyncset.done $0x0  }
0x48: {  	s30 =	sadd.s32 s14, s7;
	[sflag:s10] =	ssyncadd.s32 $0xFFFFF800  }
0x49: {  	[tilespmem:s2], [sflag:$0x2] =	stream.linear.gather [hbm4b:s30+s2], $0x800, $0x38;
	[tilespmem:$0x1000] =	vst v63  }
0x4a: {  	_ =	swait.ge [sflag:s10], $0x800  }
0x4b: {  	[sflag:s10] =	ssyncset.done $0x0  }
0x4c: {  	[sflag:s10] =	ssyncadd.s32 $0xFFFFF800  }
0x4d: {  	[tilespmem:s11], [sflag:$0x1] =	stream.indirect.gather [hbm4b:s4+s11], $0x1, s2, s11, $0xb8;
	[tilespmem:$0x1000] =	vst v63  }
0x4e: {  	s13 =	sadd.s32 $0x1, s13;
	_ =	swait.ge [sflag:s12], $0x800  }
0x4f: {  	p0 =	sne.s32 s13, s5;
	[sflag:s12] =	ssyncset.done $0x0  }
.Ltmp1:
0x50: {  	s31 =	sadd.s32 s14, s6;
	[sflag:s12] =	ssyncadd.s32 $0xFFFFF800;
	(pc) =	sbr.rel @p0 .LBB2_1-.Ltmp1, $4  }
0x51: {  	[hbm4b:s31+s2] =	stream.linear.scatter [tilespmem:s11], [sflag:$0x2], $0x800, $0x38;
	[tilespmem:$0x1000] =	vst v63  }
0x52: {  	_ =	swait.ge [sflag:s10], $0x800  }
0x53: {  	[sflag:s10] =	ssyncset.done $0x0  }
0x54: {  	[sflag:s10] =	ssyncadd.s32 $0xFFFFF800  }
0x55: {  	_ =	sfence.sel $0x180000  }
0x56: {  	[bflag:$0x0] =	sbarrier.arrive $0xFFFF  }
0x57: {  	p0 =	sne.s32 s0, $0x0;
	_ =	strace $0x90000047  }
0x58: {  	s0 =	sadd.s32 @!p0 $0x100000, s1;
	[bflag:$0x2] =	sbarrier.arrive $0xFFFF  }
0x59: {  	[sflag:s0] =	ssyncadd.tile.s32 @!p0 $0x1;
	_ =	shalt  }
.Lfunc_end2:
_tile_overlayer_lowered:
.L_overlay_start_2:
0x5a: {  	(tag) =	ssettag $0x2  }
0x5b: {  	s0 =	rddreg [dreg:$0x0];
	s2 =	stileid.u32  }
0x5c: {  	s1 =	rddreg [dreg:$0x1];
	p0 =	sne.s32 s2, $0x0  }
0x5d: {  	s3 =	rddreg [dreg:$0x2];
	[bflag:$0x3] =	sbarrier.arrive $0xFFFF;
	s2 =	simm.s32 @!p0 $0x1C02  }
0x5e: {  	[timem:s3], [sflag:s2] =	dma.local @!p0 [hbm:s0], s1  }
0x5f: {  	s0 =	simm.s32 @!p0 $0x2  }
0x60: {  	_ =	swait.ge @!p0 [sflag:s0], s1  }
0x61: {  	s1 =	ssub.s32 @!p0 $0x0, s1;
	[sflag:s0] =	ssyncset.done @!p0 $0x0  }
0x62: {  	[sflag:s0] =	ssyncadd.s32 @!p0 s1  }
0x63: {  	[bflag:$0x3] =	sbarrier.arrive $0xFFFF  }
0x64: {  	_ =	shalt  }

// kernel: sparse-core-data-format-call.1.cloned.1.call-start
scs
called_computation.1_lowered:
.L_overlay_start_0:
0x0: {  	s2 =	sld [smem:$0x3FD9]  }
0x1: {  	s3 =	sld [smem:$0x3FFE];
	_ =	sdelay $0x1  }
0x2: {  	s1 =	srdreg.scid  }
0x3: {  	s0 =	sand.u32 $0x1, s1  }
0x4: {  	s18 =	sshll.u32 s0, $0xA;
	s2 =	sadd.s32 s3, s2  }
0x5: {  	s2 =	sadd.s32 s2, s18  }
0x6: {  	[smem:$0x3FB0] =	sst s2  }
0x7: {  	_ = 	snop  }
0x8: {  	(tm) =	ssettm $0x1  }
0x9: {  	s19 =	sld [smem:$0x3FFB];
	_ =	sdelay $0x3  }
0xa: {  	_ =	strace s19  }
0xb: {  	s2 =	sld [smem:$0x3FFC];
	_ =	sdelay $0x3  }
0xc: {  	_ =	strace s2  }
0xd: {  	s2 =	sld [smem:$0x3FFD];
	_ =	sdelay $0x3  }
0xe: {  	_ =	strace s2  }
0xf: {  	_ =	strace $0x8FFFFFFF  }
0x10: {  	s20 =	sld [smem:$0x3FDB];
	_ =	sdelay $0x1  }
0x11: {  	s21 =	simm.s32 $_scs_section_size  }
0x12: {  	s4 =	simm.s32 $_size__tile_overlayer_lowered;
	s5 =	simm.s32 $_tile_overlayer_lowered  }
0x13: {  	s6 =	simm.s32 $0x1BFF;
	s22 =	sshll.u32 s5, $0x1;
	s3 =	sadd.s32 s21, s20  }
0x14: {  	s23 =	simm.s32 $0x0;
	s4 =	sshll.u32 s4, $0x1;
	s5 =	sadd.s32 s22, s3  }
0x15: {  	[timem:s23], [sflag:s6] =	dma.local [hbm:s5], s4  }
0x16: {  	_ =	swait.ge [sflag:s6], s4  }
0x17: {  	s4 =	ssub.s32 $0x0, s4;
	[sflag:s6] =	ssyncset.done $0x0  }
0x18: {  	[sflag:s6] =	ssyncadd.s32 s4;
	_ =	sdelay $0x1  }
0x19: {  	s24 =	simm.s32 $0x1B8B  }
0x1a: {  	_ =	swait.ge [sflag:s24], $0x1  }
0x1b: {  	[sflag:s24] =	ssyncset.done $0x0  }
0x1c: {  	[sflag:s24] =	ssyncadd.s32 $0xFFFFFFFF  }
0x1d: {  	s4 =	sld [smem:$0x0]  }
0x1e: {  	s5 =	sand.u32 $0xFFFFFFFE, s1  }
0x1f: {  	p0 =	sne.s32 s1, s5  }
0x20: {  	s5 =	sshll.u32 @p0 s5, $0xE  }
0x21: {  	s5 =	sadd.s32 @p0 $0x11B8D, s5;
	s6 =	sshll.u32 @p0 s4, $0x11  }
0x22: {  	s5 =	sor.u32 @p0 s6, s5  }
0x23: {  	[sflag:s5] =	ssyncadd.remote.s32 @p0 $0x1;
	_ =	sdelay $0x1  }
0x24: {  	s5 =	simm.s32 @p0 $0x1B8D  }
0x25: {  	_ =	swait.eq @p0 [sflag:s5], $0x1  }
0x26: {  	[sflag:s5] =	ssyncadd.s32 @p0 $0xFFFFFFFF  }
0x27: {  	s6 =	sshll.u32 @!p0 s1, $0xE  }
0x28: {  	s6 =	sor.u32 @!p0 $0x4000, s6;
	s5 =	simm.s32 @!p0 $0x1B8D  }
0x29: {  	s4 =	sshll.u32 @!p0 s4, $0x11;
	s6 =	sadd.s32 @!p0 $0x11B8D, s6;
	_ =	swait.eq @!p0 [sflag:s5], $0x1  }
0x2a: {  	s4 =	sor.u32 @!p0 s4, s6;
	[sflag:s5] =	ssyncadd.s32 @!p0 $0xFFFFFFFF  }
0x2b: {  	s26 =	simm.s32 $0x1B8E;
	s25 =	sld [smem:$0x3FFE];
	[sflag:s4] =	ssyncadd.remote.s32 @!p0 $0x1  }
0x2c: {  	s27 =	simm.s32 $execute0_lowered;
	[smem:$0x3FD2] =	sst s26  }
0x2d: {  	s5 =	sshll.u32 s27, $0x1;
	_ =	strace $0x8000004F;
	[dreg:$0x1] =	wrdreg $0xFFFFFFFF  }
0x2e: {  	s28 =	simm.s32 $_size_execute0_lowered;
	s3 =	sadd.s32 s3, s5;
	[dreg:$0x0] =	wrdreg $0x0  }
0x2f: {  	s5 =	sshll.u32 s28, $0x1;
	[dreg:$0x2] =	wrdreg s3  }
0x30: {  	[dreg:$0x3] =	wrdreg s5  }
0x31: {  	[dreg:$0x4] =	wrdreg $0xC0  }
0x32: {  	_ =	task [dreg:s23], $0x5FFFF  }
0x33: {  	[dreg:$0x1] =	wrdreg $0xFFFFFFFF  }
0x34: {  	[dreg:$0x0] =	wrdreg $0x60  }
0x35: {  	[dreg:$0x2] =	wrdreg s25  }
0x36: {  	[dreg:$0x3] =	wrdreg $0xA  }
0x37: {  	_ =	task.clear_ibuf [dreg:s23], $0x4FFFF;
	_ =	strace $0x9000004F  }
0x38: {  	s29 =	simm.s32 $0xA;
	_ =	strace $0x80000051  }
0x39: {  	_ =	swait.ge [sflag:s29], $0x1  }
0x3a: {  	[sflag:s29] =	ssyncadd.s32 $0xFFFFFFFF  }
0x3b: {  	_ =	strace $0x90000051  }
0x3c: {  	_ =	sfence  }
0x3d: {  	s30 =	sld [smem:$0x0];
	_ =	sdelay $0x2  }
0x3e: {  	s31 =	sshll.u32 s1, $0xD;
	s1 =	sshrl.u32 s1, $0x2  }
0x3f: {  	s4 =	sand.u32 $0x4000, s31;
	s1 =	sadd.s32 s1, s30  }
0x40: {  	s0 =	sor.u32 s4, s0;
	s1 =	sshll.u32 s1, $0x11  }
0x41: {  	s0 =	sor.u32 s1, s0  }
0x42: {  	s0 =	sadd.s32 $0x8F2B, s0  }
0x43: {  	[sflag:s0] =	ssyncadd.remote.s32 $0x1  }
0x44: {  	_ =	sfence.sel $0xFFFF  }
0x45: {  	[dreg:$0x0] =	wrdreg $0xFFFFFFFF;
	(pc) =	sbr.abs _section_cstart, $3  }
0x46: {  	[dreg:$0x1] =	wrdreg $0xFFFFFFFF  }
0x47: {  	_ =	task.clear_ibuf [dreg:s23], $0x2FFFF;
	_ =	strace $0x9FFFFFFF  }
0x48: {  	(tm) =	ssettm $0x7FFFFFFF  }
0x49: {  	_ =	shalt  }
tec
execute0_lowered:
.L_overlay_start_1:
0x0: {  	(tag) =	ssettag $0x1  }
0x1: {  	s0 =	stileid.u32;
	s1 =	srdreg.scid  }
0x2: {  	s7 =	rddreg [dreg:$0x0];
	s31 =	simm.s32 $0x2;
	s15 =	simm.s32 $0x0  }
0x3: {  	s9 =	simm.s32 $0x800;
	s2 =	sshll.u32 s0, $0x3;
	s1 =	sshll.u32 s1, $0x7  }
0x4: {  	s10 =	simm.s32 $0x190000;
	s1 =	sor.u32 s2, s1;
	s2 =	sand.u32 $0x1, s0  }
0x5: {  	s11 =	simm.s32 $0x0;
	s1 =	sand.u32 $0xF0, s1;
	s4 =	ssub.s32 $0x2, s2  }
0x6: {  	s16 =	simm.s32 $0x0;
	s3 =	ssub.s32 $0x3200, s1;
	s6 =	sshrl.u32 s4, $0x1  }
0x7: {  	s4 =	sand.u32 $0x1, s4;
	s5 =	sand.u32 $0xF0, s3;
	s8 =	sshrl.u32 s3, $0x8  }
0x8: {  	s3 =	rddreg [dreg:$0x1];
	p0 =	sne.s32 s5, $0x0;
	s5 =	simm.s32 $0x1  }
.Ltmp0:
0x9: {  	s6 =	sadd.s32 s4, s6;
	s5 =	simm.s32 @!p0 $0x0;
	(pc) =	sbr.rel .LBB1_1-.Ltmp0, $4  }
0xa: {  	_ =	strace $0x80000050;
	s4 =	simm.s32 $0x1;
	s5 =	sadd.s32 s5, s8  }
0xb: {  	s14 =	simm.s32 $0x0;
	[sflag:s4] =	ssyncpa.u1 $0x0;
	s5 =	smul.u32 s6, s5  }
0xc: {  	s13 =	smov.u32 s2;
	s12 =	smov.u32 s1;
	[sflag:s31] =	ssyncpa.u1 $0x0  }
0xd: {  	s6 =	sadd.s32 $0x745E00, s7;
	s7 =	sadd.s32 $0x13C5E00, s7;
	s8 =	sadd.s32 $0x1, s5  }
.LBB1_7:
0xe: {  	s17 =	sadd.s32 $0x100, s12  }
0xf: {  	s15 =	sadd.s32 $0x2, s13;
	s19 =	smov.u32 s13;
	p1 =	sgt.s32 s17, $0x31FF  }
0x10: {  	s19 =	smov.u32 @p1 s15  }
0x11: {  	s17 =	smov.u32 @p1 s1;
	p1 =	sgt.s32 s19, $0x1  }
0x12: {  	s19 =	smov.u32 @p1 s2;
	p1 =	sne.s32 s14, s8  }
.Ltmp1:
0x13: {  	p0 =	slt.u32 s14, $0x2;
	(pc) =	sbr.rel @!p1 .LBB1_8-.Ltmp1, $4  }
0x14: {  	s18 =	simm.s32 @!p0 $0x2  }
0x15: {  	s16 =	smov.u32 s13;
	s11 =	sadd.s32 $0x4000, s11;
	_ =	swait.ge @!p0 [sflag:s18], $0x4000  }
0x16: {  	s15 =	smov.u32 s12;
	[sflag:s18] =	ssyncset.done @!p0 $0x0;
	s12 =	smov.u32 s17  }
0x17: {  	s14 =	sadd.s32 $0x1, s14;
	[sflag:s18] =	ssyncadd.s32 @!p0 $0xFFFFC000;
	s13 =	smov.u32 s19  }
.LBB1_1:
0x18: {  	p0 =	sge.u32 s14, s5  }
0x19: {  	s17 =	smul.u32 @!p0 $0x190000, s13  }
0x1a: {  	s31 =	sadd.s32 $0xFFFFFFFF, s14;
	s18 =	sxor.u32 @!p0 $0xFFFFFFFF, s14  }
0x1b: {  	s19 =	sshll.u32 @!p0 s12, $0x7;
	s18 =	sshll.u32 @!p0 s18, $0xE;
	s17 =	sadd.s32 @!p0 s6, s17  }
0x1c: {  	s18 =	sand.u32 @!p0 $0x4000, s18;
	s17 =	sadd.s32 @!p0 s19, s17;
	s19 =	simm.s32 @!p0 $0x0  }
0x1d: {  	[tilespmem:s18], [sflag:$0x1] =	stream.linear.gather @!p0 [hbm4b:s17+s19], $0x4000, $0x38;
	[tilespmem:$0x10000] =	vst v63  }
0x1e: {  	p0 =	sge.u32 s31, s5  }
.Ltmp2:
0x1f: {  	_ = 	snop;
	(pc) =	sbr.rel @p0 .LBB1_7-.Ltmp2, $1  }
0x20: {  	_ =	sdelay $0x3  }
0x21: {  	s17 =	sand.u32 $0x4000, s11  }
0x22: {  	_ =	swait.ge [sflag:s4], $0x4000;
	s20 =	sshll.u32 s14, $0xE;
	s18 =	sor.u32 $0x8040, s17  }
0x23: {  	s19 =	sor.u32 $0x40, s17;
	[sflag:s4] =	ssyncset.done $0x0;
	s31 =	sand.u32 $0x4000, s20  }
0x24: {  	s20 =	simm.s32 $0x0;
	[sflag:s4] =	ssyncadd.s32 $0xFFFFC000;
	s17 =	sor.u32 $0x8000, s31  }
.LBB1_3:
0x25: {  	v0 =	vmov s19;
	_ =	sdelay $0x3  }
0x26: {  	s22 =	simm.s32 $0x0  }
0x27: {  	v6 =	vld.idx.msk [tilespmem:v0+s22+$0x30 ss:$0x1], $0xffff  }
0x28: {  	v7 =	vld.idx.msk [tilespmem:v0+s22+$0xFFFFFFC0 ss:$0x1], $0xffff  }
0x29: {  	v5 =	vld.idx.msk [tilespmem:v0+s22+$0xFFFFFFD0 ss:$0x1], $0xffff  }
0x2a: {  	v4 =	vld.idx.msk [tilespmem:v0+s22+$0xFFFFFFE0 ss:$0x1], $0xffff  }
0x2b: {  	v3 =	vld.idx.msk [tilespmem:v0+s22+$0xFFFFFFF0 ss:$0x1], $0xffff  }
0x2c: {  	v1 =	vld.idx.msk [tilespmem:v0+s22+$0x0 ss:$0x1], $0xffff  }
0x2d: {  	v2 =	vld.idx.msk [tilespmem:v0+s22+$0x10 ss:$0x1], $0xffff;
	[tilespmem:s18+$0x30] =	vst v6  }
0x2e: {  	s21 =	simm.s32 $0x80;
	s23 =	simm.s32 $0x400;
	[tilespmem:s18+$0xFFFFFFC0] =	vst v7;
	v6 =	vld.idx.msk [tilespmem:v0+s22+$0x20 ss:$0x1], $0xffff;
	s22 =	smov.u32 s18  }
.LBB1_4:
0x2f: {  	p0 =	sne.s32 s23, $0xE00;
	v7 =	vld.idx.msk [tilespmem:v0+s21+$0x30 ss:$0x1], $0xffff;
	[tilespmem:s22+$0xFFFFFFD0] =	vst v5  }
0x30: {  	v8 =	vld.idx.msk [tilespmem:v0+s21+$0xFFFFFFC0 ss:$0x1], $0xffff;
	[tilespmem:s22+$0xFFFFFFE0] =	vst v4  }
0x31: {  	v5 =	vld.idx.msk [tilespmem:v0+s21+$0xFFFFFFD0 ss:$0x1], $0xffff;
	[tilespmem:s22+$0xFFFFFFF0] =	vst v3  }
.Ltmp3:
0x32: {  	v4 =	vld.idx.msk [tilespmem:v0+s21+$0xFFFFFFE0 ss:$0x1], $0xffff;
	[tilespmem:s22+$0x0] =	vst v1;
	(pc) =	sbr.rel @p0 .LBB1_4-.Ltmp3, $4  }
0x33: {  	v3 =	vld.idx.msk [tilespmem:v0+s21+$0xFFFFFFF0 ss:$0x1], $0xffff;
	[tilespmem:s22+$0x10] =	vst v2  }
0x34: {  	v1 =	vld.idx.msk [tilespmem:v0+s21+$0x0 ss:$0x1], $0xffff;
	[tilespmem:s22+$0x20] =	vst v6;
	s22 =	sadd.s32 $0x800, s22  }
0x35: {  	v2 =	vld.idx.msk [tilespmem:v0+s21+$0x10 ss:$0x1], $0xffff;
	[tilespmem:s22+$0x30] =	vst v7  }
0x36: {  	[tilespmem:s22+$0xFFFFFFC0] =	vst v8;
	v6 =	vld.idx.msk [tilespmem:v0+s21+$0x20 ss:$0x1], $0xffff;
	s21 =	sshra.s32 s23, $0x2;
	s23 =	sadd.s32 $0x200, s23  }
0x37: {  	_ =	sdelay $0x2  }
0x38: {  	[tilespmem:s22+$0xFFFFFFD0] =	vst v5  }
0x39: {  	v56 =	vld.idx.msk [tilespmem:v0+s21+$0x30 ss:$0x1], $0xffff;
	[tilespmem:s22+$0xFFFFFFE0] =	vst v4  }
0x3a: {  	v57 =	vld.idx.msk [tilespmem:v0+s21+$0xFFFFFFC0 ss:$0x1], $0xffff;
	[tilespmem:s22+$0xFFFFFFF0] =	vst v3  }
0x3b: {  	v58 =	vld.idx.msk [tilespmem:v0+s21+$0xFFFFFFD0 ss:$0x1], $0xffff;
	[tilespmem:s22+$0x0] =	vst v1  }
0x3c: {  	v59 =	vld.idx.msk [tilespmem:v0+s21+$0xFFFFFFE0 ss:$0x1], $0xffff;
	[tilespmem:s22+$0x10] =	vst v2  }
0x3d: {  	v60 =	vld.idx.msk [tilespmem:v0+s21+$0xFFFFFFF0 ss:$0x1], $0xffff;
	s31 =	sadd.s32 $0x800, s22;
	[tilespmem:s22+$0x20] =	vst v6  }
0x3e: {  	v61 =	vld.idx.msk [tilespmem:v0+s21+$0x0 ss:$0x1], $0xffff;
	[tilespmem:s31+$0x30] =	vst v56  }
0x3f: {  	v62 =	vld.idx.msk [tilespmem:v0+s21+$0x10 ss:$0x1], $0xffff;
	s20 =	sadd.s32 $0x1, s20;
	[tilespmem:s31+$0xFFFFFFC0] =	vst v57  }
0x40: {  	v63 =	vld.idx.msk [tilespmem:v0+s21+$0x20 ss:$0x1], $0xffff;
	p0 =	sne.s32 s20, $0x10;
	[tilespmem:s31+$0xFFFFFFD0] =	vst v58  }
.Ltmp4:
0x41: {  	[tilespmem:s31+$0xFFFFFFE0] =	vst v59;
	(pc) =	sbr.rel @p0 .LBB1_3-.Ltmp4, $4  }
0x42: {  	[tilespmem:s31+$0xFFFFFFF0] =	vst v60  }
0x43: {  	[tilespmem:s31+$0x0] =	vst v61  }
0x44: {  	[tilespmem:s31+$0x10] =	vst v62  }
0x45: {  	s18 =	sadd.s32 $0x80, s18;
	s19 =	sadd.s32 $0x400, s19;
	[tilespmem:s31+$0x20] =	vst v63  }
0x46: {  	s15 =	sand.u32 $0x1FFFFFF, s15  }
0x47: {  	s18 =	smulhi.u32 $0x147AE15, s15;
	_ =	sdelay $0x1  }
0x48: {  	s16 =	smul.u32 $0x190000, s16;
	s18 =	sshrl.u32 s18, $0x6  }
0x49: {  	s18 =	smul.u32 $0x3200, s18  }
.Ltmp5:
0x4a: {  	_ = 	snop;
	(pc) =	sbr.rel .LBB1_7-.Ltmp5, $4  }
0x4b: {  	s15 =	ssub.s32 s15, s18  }
0x4c: {  	s16 =	sadd.s32 s7, s16;
	s15 =	sshll.u32 s15, $0x4  }
0x4d: {  	s15 =	sadd.s32 s15, s16  }
0x4e: {  	[hbm4b:s15+s9] =	stream.strided.scatter [tilespmem:s17], [sflag:$0x2], $0x4000, s10, s9, $0x38;
	[tilespmem:$0x10000] =	vst v63  }
.LBB1_8:
0x4f: {  	_ =	sfence.sel $0x180000  }
0x50: {  	s1 =	simm.s32 $0x1;
	[bflag:$0x0] =	sbarrier.arrive $0xFFFF  }
0x51: {  	s31 =	simm.s32 $0x2;
	[sflag:s1] =	ssyncpa.u1 $0x1  }
0x52: {  	[sflag:s31] =	ssyncpa.u1 $0x1  }
0x53: {  	p0 =	sne.s32 s0, $0x0;
	_ =	strace $0x90000050  }
0x54: {  	s0 =	sadd.s32 @!p0 $0x100000, s3;
	[bflag:$0x2] =	sbarrier.arrive $0xFFFF  }
0x55: {  	[sflag:s0] =	ssyncadd.tile.s32 @!p0 $0x1;
	_ =	shalt  }
.Lfunc_end1:
_tile_overlayer_lowered:
.L_overlay_start_2:
0x56: {  	(tag) =	ssettag $0x2  }
0x57: {  	s0 =	rddreg [dreg:$0x0];
	s2 =	stileid.u32  }
0x58: {  	s1 =	rddreg [dreg:$0x1];
	p0 =	sne.s32 s2, $0x0  }
0x59: {  	s3 =	rddreg [dreg:$0x2];
	[bflag:$0x3] =	sbarrier.arrive $0xFFFF;
	s2 =	simm.s32 @!p0 $0x1C01  }
0x5a: {  	[timem:s3], [sflag:s2] =	dma.local @!p0 [hbm:s0], s1  }
0x5b: {  	s0 =	simm.s32 @!p0 $0x1  }
0x5c: {  	_ =	swait.ge @!p0 [sflag:s0], s1  }
0x5d: {  	s1 =	ssub.s32 @!p0 $0x0, s1;
	[sflag:s0] =	ssyncset.done @!p0 $0x0  }
0x5e: {  	[sflag:s0] =	ssyncadd.s32 @!p0 s1  }
0x5f: {  	[bflag:$0x3] =	sbarrier.arrive $0xFFFF  }
0x60: {  	_ =	shalt  }

// kernel: sparse-core-data-format-call.2.cloned.1.call-start
scs
called_computation.2_lowered:
.L_overlay_start_0:
0x0: {  	s2 =	sld [smem:$0x3FD9]  }
0x1: {  	s3 =	sld [smem:$0x3FFE];
	_ =	sdelay $0x1  }
0x2: {  	s1 =	srdreg.scid  }
0x3: {  	s0 =	sand.u32 $0x1, s1  }
0x4: {  	s18 =	sshll.u32 s0, $0xA;
	s2 =	sadd.s32 s3, s2  }
0x5: {  	s2 =	sadd.s32 s2, s18  }
0x6: {  	[smem:$0x3FB0] =	sst s2  }
0x7: {  	_ = 	snop  }
0x8: {  	(tm) =	ssettm $0x1  }
0x9: {  	s19 =	sld [smem:$0x3FFB];
	_ =	sdelay $0x3  }
0xa: {  	_ =	strace s19  }
0xb: {  	s2 =	sld [smem:$0x3FFC];
	_ =	sdelay $0x3  }
0xc: {  	_ =	strace s2  }
0xd: {  	s2 =	sld [smem:$0x3FFD];
	_ =	sdelay $0x3  }
0xe: {  	_ =	strace s2  }
0xf: {  	_ =	strace $0x8FFFFFFF  }
0x10: {  	s20 =	sld [smem:$0x3FDB];
	_ =	sdelay $0x1  }
0x11: {  	s21 =	simm.s32 $_scs_section_size  }
0x12: {  	s4 =	simm.s32 $_size__tile_overlayer_lowered;
	s5 =	simm.s32 $_tile_overlayer_lowered  }
0x13: {  	s6 =	simm.s32 $0x1BFF;
	s22 =	sshll.u32 s5, $0x1;
	s3 =	sadd.s32 s21, s20  }
0x14: {  	s23 =	simm.s32 $0x0;
	s4 =	sshll.u32 s4, $0x1;
	s5 =	sadd.s32 s22, s3  }
0x15: {  	[timem:s23], [sflag:s6] =	dma.local [hbm:s5], s4  }
0x16: {  	_ =	swait.ge [sflag:s6], s4  }
0x17: {  	s4 =	ssub.s32 $0x0, s4;
	[sflag:s6] =	ssyncset.done $0x0  }
0x18: {  	[sflag:s6] =	ssyncadd.s32 s4;
	_ =	sdelay $0x1  }
0x19: {  	s24 =	simm.s32 $0x1B8B  }
0x1a: {  	_ =	swait.ge [sflag:s24], $0x1  }
0x1b: {  	[sflag:s24] =	ssyncset.done $0x0  }
0x1c: {  	[sflag:s24] =	ssyncadd.s32 $0xFFFFFFFF  }
0x1d: {  	s4 =	sld [smem:$0x0]  }
0x1e: {  	s5 =	sand.u32 $0xFFFFFFFE, s1  }
0x1f: {  	p0 =	sne.s32 s1, s5  }
0x20: {  	s5 =	sshll.u32 @p0 s5, $0xE  }
0x21: {  	s5 =	sadd.s32 @p0 $0x11B8D, s5;
	s6 =	sshll.u32 @p0 s4, $0x11  }
0x22: {  	s5 =	sor.u32 @p0 s6, s5  }
0x23: {  	[sflag:s5] =	ssyncadd.remote.s32 @p0 $0x1;
	_ =	sdelay $0x1  }
0x24: {  	s5 =	simm.s32 @p0 $0x1B8D  }
0x25: {  	_ =	swait.eq @p0 [sflag:s5], $0x1  }
0x26: {  	[sflag:s5] =	ssyncadd.s32 @p0 $0xFFFFFFFF  }
0x27: {  	s6 =	sshll.u32 @!p0 s1, $0xE  }
0x28: {  	s6 =	sor.u32 @!p0 $0x4000, s6;
	s5 =	simm.s32 @!p0 $0x1B8D  }
0x29: {  	s4 =	sshll.u32 @!p0 s4, $0x11;
	s6 =	sadd.s32 @!p0 $0x11B8D, s6;
	_ =	swait.eq @!p0 [sflag:s5], $0x1  }
0x2a: {  	s4 =	sor.u32 @!p0 s4, s6;
	[sflag:s5] =	ssyncadd.s32 @!p0 $0xFFFFFFFF  }
0x2b: {  	s26 =	simm.s32 $0x1B8E;
	s25 =	sld [smem:$0x3FFE];
	[sflag:s4] =	ssyncadd.remote.s32 @!p0 $0x1  }
0x2c: {  	s27 =	simm.s32 $execute0_lowered;
	[smem:$0x3FD2] =	sst s26  }
0x2d: {  	s5 =	sshll.u32 s27, $0x1;
	_ =	strace $0x80000052;
	[dreg:$0x1] =	wrdreg $0xFFFFFFFF  }
0x2e: {  	s28 =	simm.s32 $_size_execute0_lowered;
	s3 =	sadd.s32 s3, s5;
	[dreg:$0x0] =	wrdreg $0x0  }
0x2f: {  	s5 =	sshll.u32 s28, $0x1;
	[dreg:$0x2] =	wrdreg s3  }
0x30: {  	[dreg:$0x3] =	wrdreg s5  }
0x31: {  	[dreg:$0x4] =	wrdreg $0xC0  }
0x32: {  	_ =	task [dreg:s23], $0x5FFFF  }
0x33: {  	[dreg:$0x1] =	wrdreg $0xFFFFFFFF  }
0x34: {  	[dreg:$0x0] =	wrdreg $0x60  }
0x35: {  	[dreg:$0x2] =	wrdreg s25  }
0x36: {  	[dreg:$0x3] =	wrdreg $0xB  }
0x37: {  	_ =	task.clear_ibuf [dreg:s23], $0x4FFFF;
	_ =	strace $0x90000052  }
0x38: {  	s29 =	simm.s32 $0xB;
	_ =	strace $0x80000054  }
0x39: {  	_ =	swait.ge [sflag:s29], $0x1  }
0x3a: {  	[sflag:s29] =	ssyncadd.s32 $0xFFFFFFFF  }
0x3b: {  	_ =	strace $0x90000054  }
0x3c: {  	_ =	sfence  }
0x3d: {  	s30 =	sld [smem:$0x0];
	_ =	sdelay $0x2  }
0x3e: {  	s31 =	sshll.u32 s1, $0xD;
	s1 =	sshrl.u32 s1, $0x2  }
0x3f: {  	s4 =	sand.u32 $0x4000, s31;
	s1 =	sadd.s32 s1, s30  }
0x40: {  	s0 =	sor.u32 s4, s0;
	s1 =	sshll.u32 s1, $0x11  }
0x41: {  	s0 =	sor.u32 s1, s0  }
0x42: {  	s0 =	sadd.s32 $0x8F2B, s0  }
0x43: {  	[sflag:s0] =	ssyncadd.remote.s32 $0x1  }
0x44: {  	_ =	sfence.sel $0xFFFF  }
0x45: {  	[dreg:$0x0] =	wrdreg $0xFFFFFFFF;
	(pc) =	sbr.abs _section_cstart, $3  }
0x46: {  	[dreg:$0x1] =	wrdreg $0xFFFFFFFF  }
0x47: {  	_ =	task.clear_ibuf [dreg:s23], $0x2FFFF;
	_ =	strace $0x9FFFFFFF  }
0x48: {  	(tm) =	ssettm $0x7FFFFFFF  }
0x49: {  	_ =	shalt  }
tec
execute0_lowered:
.L_overlay_start_1:
0x0: {  	(tag) =	ssettag $0x1  }
0x1: {  	s0 =	stileid.u32;
	s1 =	srdreg.scid  }
0x2: {  	s7 =	rddreg [dreg:$0x0];
	s31 =	simm.s32 $0x2;
	s15 =	simm.s32 $0x0  }
0x3: {  	s9 =	simm.s32 $0x800;
	s2 =	sshll.u32 s0, $0x3;
	s1 =	sshll.u32 s1, $0x7  }
0x4: {  	s10 =	simm.s32 $0x190000;
	s1 =	sor.u32 s2, s1;
	s2 =	sand.u32 $0x1, s0  }
0x5: {  	s11 =	simm.s32 $0x0;
	s1 =	sand.u32 $0xF0, s1;
	s4 =	ssub.s32 $0x2, s2  }
0x6: {  	s16 =	simm.s32 $0x0;
	s3 =	ssub.s32 $0x3200, s1;
	s6 =	sshrl.u32 s4, $0x1  }
0x7: {  	s4 =	sand.u32 $0x1, s4;
	s5 =	sand.u32 $0xF0, s3;
	s8 =	sshrl.u32 s3, $0x8  }
0x8: {  	s3 =	rddreg [dreg:$0x1];
	p0 =	sne.s32 s5, $0x0;
	s5 =	simm.s32 $0x1  }
.Ltmp0:
0x9: {  	s6 =	sadd.s32 s4, s6;
	s5 =	simm.s32 @!p0 $0x0;
	(pc) =	sbr.rel .LBB1_1-.Ltmp0, $4  }
0xa: {  	_ =	strace $0x80000053;
	s4 =	simm.s32 $0x1;
	s5 =	sadd.s32 s5, s8  }
0xb: {  	s14 =	simm.s32 $0x0;
	[sflag:s4] =	ssyncpa.u1 $0x0;
	s5 =	smul.u32 s6, s5  }
0xc: {  	s13 =	smov.u32 s2;
	s12 =	smov.u32 s1;
	[sflag:s31] =	ssyncpa.u1 $0x0  }
0xd: {  	s6 =	sadd.s32 $0xA65E00, s7;
	s7 =	sadd.s32 $0x16E5E00, s7;
	s8 =	sadd.s32 $0x1, s5  }
.LBB1_7:
0xe: {  	s17 =	sadd.s32 $0x100, s12  }
0xf: {  	s15 =	sadd.s32 $0x2, s13;
	s19 =	smov.u32 s13;
	p1 =	sgt.s32 s17, $0x31FF  }
0x10: {  	s19 =	smov.u32 @p1 s15  }
0x11: {  	s17 =	smov.u32 @p1 s1;
	p1 =	sgt.s32 s19, $0x1  }
0x12: {  	s19 =	smov.u32 @p1 s2;
	p1 =	sne.s32 s14, s8  }
.Ltmp1:
0x13: {  	p0 =	slt.u32 s14, $0x2;
	(pc) =	sbr.rel @!p1 .LBB1_8-.Ltmp1, $4  }
0x14: {  	s18 =	simm.s32 @!p0 $0x2  }
0x15: {  	s16 =	smov.u32 s13;
	s11 =	sadd.s32 $0x4000, s11;
	_ =	swait.ge @!p0 [sflag:s18], $0x4000  }
0x16: {  	s15 =	smov.u32 s12;
	[sflag:s18] =	ssyncset.done @!p0 $0x0;
	s12 =	smov.u32 s17  }
0x17: {  	s14 =	sadd.s32 $0x1, s14;
	[sflag:s18] =	ssyncadd.s32 @!p0 $0xFFFFC000;
	s13 =	smov.u32 s19  }
.LBB1_1:
0x18: {  	p0 =	sge.u32 s14, s5  }
0x19: {  	s17 =	smul.u32 @!p0 $0x190000, s13  }
0x1a: {  	s31 =	sadd.s32 $0xFFFFFFFF, s14;
	s18 =	sxor.u32 @!p0 $0xFFFFFFFF, s14  }
0x1b: {  	s19 =	sshll.u32 @!p0 s12, $0x7;
	s18 =	sshll.u32 @!p0 s18, $0xE;
	s17 =	sadd.s32 @!p0 s6, s17  }
0x1c: {  	s18 =	sand.u32 @!p0 $0x4000, s18;
	s17 =	sadd.s32 @!p0 s19, s17;
	s19 =	simm.s32 @!p0 $0x0  }
0x1d: {  	[tilespmem:s18], [sflag:$0x1] =	stream.linear.gather @!p0 [hbm4b:s17+s19], $0x4000, $0x38;
	[tilespmem:$0x10000] =	vst v63  }
0x1e: {  	p0 =	sge.u32 s31, s5  }
.Ltmp2:
0x1f: {  	_ = 	snop;
	(pc) =	sbr.rel @p0 .LBB1_7-.Ltmp2, $1  }
0x20: {  	_ =	sdelay $0x3  }
0x21: {  	s17 =	sand.u32 $0x4000, s11  }
0x22: {  	_ =	swait.ge [sflag:s4], $0x4000;
	s20 =	sshll.u32 s14, $0xE;
	s18 =	sor.u32 $0x8040, s17  }
0x23: {  	s19 =	sor.u32 $0x40, s17;
	[sflag:s4] =	ssyncset.done $0x0;
	s31 =	sand.u32 $0x4000, s20  }
0x24: {  	s20 =	simm.s32 $0x0;
	[sflag:s4] =	ssyncadd.s32 $0xFFFFC000;
	s17 =	sor.u32 $0x8000, s31  }
.LBB1_3:
0x25: {  	v0 =	vmov s19;
	_ =	sdelay $0x3  }
0x26: {  	s22 =	simm.s32 $0x0  }
0x27: {  	v6 =	vld.idx.msk [tilespmem:v0+s22+$0x30 ss:$0x1], $0xffff  }
0x28: {  	v7 =	vld.idx.msk [tilespmem:v0+s22+$0xFFFFFFC0 ss:$0x1], $0xffff  }
0x29: {  	v5 =	vld.idx.msk [tilespmem:v0+s22+$0xFFFFFFD0 ss:$0x1], $0xffff  }
0x2a: {  	v4 =	vld.idx.msk [tilespmem:v0+s22+$0xFFFFFFE0 ss:$0x1], $0xffff  }
0x2b: {  	v3 =	vld.idx.msk [tilespmem:v0+s22+$0xFFFFFFF0 ss:$0x1], $0xffff  }
0x2c: {  	v1 =	vld.idx.msk [tilespmem:v0+s22+$0x0 ss:$0x1], $0xffff  }
0x2d: {  	v2 =	vld.idx.msk [tilespmem:v0+s22+$0x10 ss:$0x1], $0xffff;
	[tilespmem:s18+$0x30] =	vst v6  }
0x2e: {  	s21 =	simm.s32 $0x80;
	s23 =	simm.s32 $0x400;
	[tilespmem:s18+$0xFFFFFFC0] =	vst v7;
	v6 =	vld.idx.msk [tilespmem:v0+s22+$0x20 ss:$0x1], $0xffff;
	s22 =	smov.u32 s18  }
.LBB1_4:
0x2f: {  	p0 =	sne.s32 s23, $0xE00;
	v7 =	vld.idx.msk [tilespmem:v0+s21+$0x30 ss:$0x1], $0xffff;
	[tilespmem:s22+$0xFFFFFFD0] =	vst v5  }
0x30: {  	v8 =	vld.idx.msk [tilespmem:v0+s21+$0xFFFFFFC0 ss:$0x1], $0xffff;
	[tilespmem:s22+$0xFFFFFFE0] =	vst v4  }
0x31: {  	v5 =	vld.idx.msk [tilespmem:v0+s21+$0xFFFFFFD0 ss:$0x1], $0xffff;
	[tilespmem:s22+$0xFFFFFFF0] =	vst v3  }
.Ltmp3:
0x32: {  	v4 =	vld.idx.msk [tilespmem:v0+s21+$0xFFFFFFE0 ss:$0x1], $0xffff;
	[tilespmem:s22+$0x0] =	vst v1;
	(pc) =	sbr.rel @p0 .LBB1_4-.Ltmp3, $4  }
0x33: {  	v3 =	vld.idx.msk [tilespmem:v0+s21+$0xFFFFFFF0 ss:$0x1], $0xffff;
	[tilespmem:s22+$0x10] =	vst v2  }
0x34: {  	v1 =	vld.idx.msk [tilespmem:v0+s21+$0x0 ss:$0x1], $0xffff;
	[tilespmem:s22+$0x20] =	vst v6;
	s22 =	sadd.s32 $0x800, s22  }
0x35: {  	v2 =	vld.idx.msk [tilespmem:v0+s21+$0x10 ss:$0x1], $0xffff;
	[tilespmem:s22+$0x30] =	vst v7  }
0x36: {  	[tilespmem:s22+$0xFFFFFFC0] =	vst v8;
	v6 =	vld.idx.msk [tilespmem:v0+s21+$0x20 ss:$0x1], $0xffff;
	s21 =	sshra.s32 s23, $0x2;
	s23 =	sadd.s32 $0x200, s23  }
0x37: {  	_ =	sdelay $0x2  }
0x38: {  	[tilespmem:s22+$0xFFFFFFD0] =	vst v5  }
0x39: {  	v56 =	vld.idx.msk [tilespmem:v0+s21+$0x30 ss:$0x1], $0xffff;
	[tilespmem:s22+$0xFFFFFFE0] =	vst v4  }
0x3a: {  	v57 =	vld.idx.msk [tilespmem:v0+s21+$0xFFFFFFC0 ss:$0x1], $0xffff;
	[tilespmem:s22+$0xFFFFFFF0] =	vst v3  }
0x3b: {  	v58 =	vld.idx.msk [tilespmem:v0+s21+$0xFFFFFFD0 ss:$0x1], $0xffff;
	[tilespmem:s22+$0x0] =	vst v1  }
0x3c: {  	v59 =	vld.idx.msk [tilespmem:v0+s21+$0xFFFFFFE0 ss:$0x1], $0xffff;
	[tilespmem:s22+$0x10] =	vst v2  }
0x3d: {  	v60 =	vld.idx.msk [tilespmem:v0+s21+$0xFFFFFFF0 ss:$0x1], $0xffff;
	s31 =	sadd.s32 $0x800, s22;
	[tilespmem:s22+$0x20] =	vst v6  }
0x3e: {  	v61 =	vld.idx.msk [tilespmem:v0+s21+$0x0 ss:$0x1], $0xffff;
	[tilespmem:s31+$0x30] =	vst v56  }
0x3f: {  	v62 =	vld.idx.msk [tilespmem:v0+s21+$0x10 ss:$0x1], $0xffff;
	s20 =	sadd.s32 $0x1, s20;
	[tilespmem:s31+$0xFFFFFFC0] =	vst v57  }
0x40: {  	v63 =	vld.idx.msk [tilespmem:v0+s21+$0x20 ss:$0x1], $0xffff;
	p0 =	sne.s32 s20, $0x10;
	[tilespmem:s31+$0xFFFFFFD0] =	vst v58  }
.Ltmp4:
0x41: {  	[tilespmem:s31+$0xFFFFFFE0] =	vst v59;
	(pc) =	sbr.rel @p0 .LBB1_3-.Ltmp4, $4  }
0x42: {  	[tilespmem:s31+$0xFFFFFFF0] =	vst v60  }
0x43: {  	[tilespmem:s31+$0x0] =	vst v61  }
0x44: {  	[tilespmem:s31+$0x10] =	vst v62  }
0x45: {  	s18 =	sadd.s32 $0x80, s18;
	s19 =	sadd.s32 $0x400, s19;
	[tilespmem:s31+$0x20] =	vst v63  }
0x46: {  	s15 =	sand.u32 $0x1FFFFFF, s15  }
0x47: {  	s18 =	smulhi.u32 $0x147AE15, s15;
	_ =	sdelay $0x1  }
0x48: {  	s16 =	smul.u32 $0x190000, s16;
	s18 =	sshrl.u32 s18, $0x6  }
0x49: {  	s18 =	smul.u32 $0x3200, s18  }
.Ltmp5:
0x4a: {  	_ = 	snop;
	(pc) =	sbr.rel .LBB1_7-.Ltmp5, $4  }
0x4b: {  	s15 =	ssub.s32 s15, s18  }
0x4c: {  	s16 =	sadd.s32 s7, s16;
	s15 =	sshll.u32 s15, $0x4  }
0x4d: {  	s15 =	sadd.s32 s15, s16  }
0x4e: {  	[hbm4b:s15+s9] =	stream.strided.scatter [tilespmem:s17], [sflag:$0x2], $0x4000, s10, s9, $0x38;
	[tilespmem:$0x10000] =	vst v63  }
.LBB1_8:
0x4f: {  	_ =	sfence.sel $0x180000  }
0x50: {  	s1 =	simm.s32 $0x1;
	[bflag:$0x0] =	sbarrier.arrive $0xFFFF  }
0x51: {  	s31 =	simm.s32 $0x2;
	[sflag:s1] =	ssyncpa.u1 $0x1  }
0x52: {  	[sflag:s31] =	ssyncpa.u1 $0x1  }
0x53: {  	p0 =	sne.s32 s0, $0x0;
	_ =	strace $0x90000053  }
0x54: {  	s0 =	sadd.s32 @!p0 $0x100000, s3;
	[bflag:$0x2] =	sbarrier.arrive $0xFFFF  }
0x55: {  	[sflag:s0] =	ssyncadd.tile.s32 @!p0 $0x1;
	_ =	shalt  }
.Lfunc_end1:
_tile_overlayer_lowered:
.L_overlay_start_2:
0x56: {  	(tag) =	ssettag $0x2  }
0x57: {  	s0 =	rddreg [dreg:$0x0];
	s2 =	stileid.u32  }
0x58: {  	s1 =	rddreg [dreg:$0x1];
	p0 =	sne.s32 s2, $0x0  }
0x59: {  	s3 =	rddreg [dreg:$0x2];
	[bflag:$0x3] =	sbarrier.arrive $0xFFFF;
	s2 =	simm.s32 @!p0 $0x1C01  }
0x5a: {  	[timem:s3], [sflag:s2] =	dma.local @!p0 [hbm:s0], s1  }
0x5b: {  	s0 =	simm.s32 @!p0 $0x1  }
0x5c: {  	_ =	swait.ge @!p0 [sflag:s0], s1  }
0x5d: {  	s1 =	ssub.s32 @!p0 $0x0, s1;
	[sflag:s0] =	ssyncset.done @!p0 $0x0  }
0x5e: {  	[sflag:s0] =	ssyncadd.s32 @!p0 s1  }
0x5f: {  	[bflag:$0x3] =	sbarrier.arrive $0xFFFF  }
0x60: {  	_ =	shalt  }

// kernel: sparse-core-data-format-call.3.cloned.1.call-start
scs
called_computation.3_lowered:
.L_overlay_start_0:
0x0: {  	s1 =	sld [smem:$0x3FD9]  }
0x1: {  	s2 =	sld [smem:$0x3FFE];
	_ =	sdelay $0x1  }
0x2: {  	s3 =	srdreg.scid  }
0x3: {  	s0 =	sand.u32 $0x1, s3  }
0x4: {  	s17 =	sshll.u32 s0, $0xA;
	s1 =	sadd.s32 s2, s1  }
0x5: {  	s1 =	sadd.s32 s1, s17  }
0x6: {  	[smem:$0x3FB0] =	sst s1  }
0x7: {  	_ = 	snop  }
0x8: {  	(tm) =	ssettm $0x1  }
0x9: {  	s18 =	sld [smem:$0x3FFB];
	_ =	sdelay $0x3  }
0xa: {  	_ =	strace s18  }
0xb: {  	s1 =	sld [smem:$0x3FFC];
	_ =	sdelay $0x3  }
0xc: {  	_ =	strace s1  }
0xd: {  	s1 =	sld [smem:$0x3FFD];
	_ =	sdelay $0x3  }
0xe: {  	_ =	strace s1  }
0xf: {  	_ =	strace $0x8FFFFFFF  }
0x10: {  	s19 =	sld [smem:$0x3FDB];
	_ =	sdelay $0x1  }
0x11: {  	s20 =	simm.s32 $_scs_section_size  }
0x12: {  	s4 =	simm.s32 $_size__tile_overlayer_lowered;
	s5 =	simm.s32 $_tile_overlayer_lowered  }
0x13: {  	s23 =	simm.s32 $0x1BFF;
	s22 =	sshll.u32 s5, $0x1;
	s1 =	sadd.s32 s20, s19  }
0x14: {  	s6 =	simm.s32 $0x0;
	s21 =	sshll.u32 s4, $0x1;
	s4 =	sadd.s32 s22, s1  }
0x15: {  	[timem:s6], [sflag:s23] =	dma.local [hbm:s4], s21  }
0x16: {  	_ =	swait.ge [sflag:s23], s21  }
0x17: {  	s2 =	ssub.s32 $0x0, s21;
	[sflag:s23] =	ssyncset.done $0x0  }
0x18: {  	[sflag:s23] =	ssyncadd.s32 s2;
	_ =	sdelay $0x1  }
0x19: {  	s24 =	simm.s32 $0x1B8B  }
0x1a: {  	_ =	swait.ge [sflag:s24], $0x1  }
0x1b: {  	[sflag:s24] =	ssyncset.done $0x0  }
0x1c: {  	s26 =	simm.s32 $0x1B8E;
	s25 =	sld [smem:$0x3FFE];
	[sflag:s24] =	ssyncadd.s32 $0xFFFFFFFF  }
0x1d: {  	s27 =	simm.s32 $execute0_lowered;
	[smem:$0x3FD2] =	sst s26  }
0x1e: {  	s4 =	sshll.u32 s27, $0x1;
	_ =	strace $0x80000049;
	[dreg:$0x1] =	wrdreg $0xFFFFFFFF  }
0x1f: {  	s28 =	simm.s32 $_size_execute0_lowered;
	s1 =	sadd.s32 s1, s4;
	[dreg:$0x0] =	wrdreg $0x0  }
0x20: {  	s4 =	sshll.u32 s28, $0x1;
	[dreg:$0x2] =	wrdreg s1  }
0x21: {  	[dreg:$0x3] =	wrdreg s4  }
0x22: {  	[dreg:$0x4] =	wrdreg $0xC0  }
0x23: {  	_ =	task [dreg:s6], $0x5FFFF  }
0x24: {  	[dreg:$0x1] =	wrdreg $0xFFFFFFFF  }
0x25: {  	[dreg:$0x0] =	wrdreg $0x60  }
0x26: {  	[dreg:$0x2] =	wrdreg s25  }
0x27: {  	[dreg:$0x3] =	wrdreg $0xC  }
0x28: {  	_ =	task.clear_ibuf [dreg:s6], $0x4FFFF;
	_ =	strace $0x90000049  }
0x29: {  	s29 =	simm.s32 $0xC;
	_ =	strace $0x8000004B  }
0x2a: {  	_ =	swait.ge [sflag:s29], $0x1  }
0x2b: {  	[sflag:s29] =	ssyncadd.s32 $0xFFFFFFFF  }
0x2c: {  	_ =	strace $0x9000004B  }
0x2d: {  	_ =	sfence  }
0x2e: {  	s30 =	sld [smem:$0x0];
	_ =	sdelay $0x2  }
0x2f: {  	s31 =	sshll.u32 s3, $0xD;
	s3 =	sshrl.u32 s3, $0x2  }
0x30: {  	s2 =	sand.u32 $0x4000, s31;
	s1 =	sadd.s32 s3, s30  }
0x31: {  	s0 =	sor.u32 s2, s0;
	s1 =	sshll.u32 s1, $0x11  }
0x32: {  	s0 =	sor.u32 s1, s0  }
0x33: {  	s0 =	sadd.s32 $0x8F2B, s0  }
0x34: {  	[sflag:s0] =	ssyncadd.remote.s32 $0x1  }
0x35: {  	_ =	sfence.sel $0xFFFF  }
0x36: {  	[dreg:$0x0] =	wrdreg $0xFFFFFFFF;
	(pc) =	sbr.abs _section_cstart, $3  }
0x37: {  	[dreg:$0x1] =	wrdreg $0xFFFFFFFF  }
0x38: {  	_ =	task.clear_ibuf [dreg:s6], $0x2FFFF;
	_ =	strace $0x9FFFFFFF  }
0x39: {  	(tm) =	ssettm $0x7FFFFFFF  }
tec
execute0_lowered:
.L_overlay_start_1:
0x0: {  	(tag) =	ssettag $0x1  }
0x1: {  	s0 =	stileid.u32;
	s1 =	srdreg.scid  }
0x2: {  	s7 =	rddreg [dreg:$0x0];
	s31 =	simm.s32 $0x2;
	s15 =	simm.s32 $0x0  }
0x3: {  	s9 =	simm.s32 $0x800;
	s2 =	sshll.u32 s0, $0x3;
	s1 =	sshll.u32 s1, $0x7  }
0x4: {  	s10 =	simm.s32 $0x190000;
	s1 =	sor.u32 s2, s1;
	s2 =	sand.u32 $0x1, s0  }
0x5: {  	s11 =	simm.s32 $0x0;
	s1 =	sand.u32 $0xF0, s1;
	s4 =	ssub.s32 $0x2, s2  }
0x6: {  	s16 =	simm.s32 $0x0;
	s3 =	ssub.s32 $0x3200, s1;
	s6 =	sshrl.u32 s4, $0x1  }
0x7: {  	s4 =	sand.u32 $0x1, s4;
	s5 =	sand.u32 $0xF0, s3;
	s8 =	sshrl.u32 s3, $0x8  }
0x8: {  	s3 =	rddreg [dreg:$0x1];
	p0 =	sne.s32 s5, $0x0;
	s5 =	simm.s32 $0x1  }
.Ltmp0:
0x9: {  	s6 =	sadd.s32 s4, s6;
	s5 =	simm.s32 @!p0 $0x0;
	(pc) =	sbr.rel .LBB1_1-.Ltmp0, $4  }
0xa: {  	_ =	strace $0x8000004A;
	s4 =	simm.s32 $0x1;
	s5 =	sadd.s32 s5, s8  }
0xb: {  	s14 =	simm.s32 $0x0;
	[sflag:s4] =	ssyncpa.u1 $0x0;
	s5 =	smul.u32 s6, s5  }
0xc: {  	s13 =	smov.u32 s2;
	s12 =	smov.u32 s1;
	[sflag:s31] =	ssyncpa.u1 $0x0  }
0xd: {  	s6 =	sadd.s32 $0x105E00, s7;
	s7 =	sadd.s32 $0xD85E00, s7;
	s8 =	sadd.s32 $0x1, s5  }
.LBB1_7:
0xe: {  	s17 =	sadd.s32 $0x100, s12  }
0xf: {  	s15 =	sadd.s32 $0x2, s13;
	s19 =	smov.u32 s13;
	p1 =	sgt.s32 s17, $0x31FF  }
0x10: {  	s19 =	smov.u32 @p1 s15  }
0x11: {  	s17 =	smov.u32 @p1 s1;
	p1 =	sgt.s32 s19, $0x1  }
0x12: {  	s19 =	smov.u32 @p1 s2;
	p1 =	sne.s32 s14, s8  }
.Ltmp1:
0x13: {  	p0 =	slt.u32 s14, $0x2;
	(pc) =	sbr.rel @!p1 .LBB1_8-.Ltmp1, $4  }
0x14: {  	s18 =	simm.s32 @!p0 $0x2  }
0x15: {  	s16 =	smov.u32 s13;
	s11 =	sadd.s32 $0x4000, s11;
	_ =	swait.ge @!p0 [sflag:s18], $0x4000  }
0x16: {  	s15 =	smov.u32 s12;
	[sflag:s18] =	ssyncset.done @!p0 $0x0;
	s12 =	smov.u32 s17  }
0x17: {  	s14 =	sadd.s32 $0x1, s14;
	[sflag:s18] =	ssyncadd.s32 @!p0 $0xFFFFC000;
	s13 =	smov.u32 s19  }
.LBB1_1:
0x18: {  	p0 =	sge.u32 s14, s5  }
0x19: {  	s17 =	smul.u32 @!p0 $0x190000, s13  }
0x1a: {  	s31 =	sadd.s32 $0xFFFFFFFF, s14;
	s18 =	sxor.u32 @!p0 $0xFFFFFFFF, s14  }
0x1b: {  	s19 =	sshll.u32 @!p0 s12, $0x7;
	s18 =	sshll.u32 @!p0 s18, $0xE;
	s17 =	sadd.s32 @!p0 s6, s17  }
0x1c: {  	s18 =	sand.u32 @!p0 $0x4000, s18;
	s17 =	sadd.s32 @!p0 s19, s17;
	s19 =	simm.s32 @!p0 $0x0  }
0x1d: {  	[tilespmem:s18], [sflag:$0x1] =	stream.linear.gather @!p0 [hbm4b:s17+s19], $0x4000, $0x38;
	[tilespmem:$0x10000] =	vst v63  }
0x1e: {  	p0 =	sge.u32 s31, s5  }
.Ltmp2:
0x1f: {  	_ = 	snop;
	(pc) =	sbr.rel @p0 .LBB1_7-.Ltmp2, $1  }
0x20: {  	_ =	sdelay $0x3  }
0x21: {  	s17 =	sand.u32 $0x4000, s11  }
0x22: {  	_ =	swait.ge [sflag:s4], $0x4000;
	s20 =	sshll.u32 s14, $0xE;
	s18 =	sor.u32 $0x8040, s17  }
0x23: {  	s19 =	sor.u32 $0x40, s17;
	[sflag:s4] =	ssyncset.done $0x0;
	s31 =	sand.u32 $0x4000, s20  }
0x24: {  	s20 =	simm.s32 $0x0;
	[sflag:s4] =	ssyncadd.s32 $0xFFFFC000;
	s17 =	sor.u32 $0x8000, s31  }
.LBB1_3:
0x25: {  	v0 =	vmov s19;
	_ =	sdelay $0x3  }
0x26: {  	s22 =	simm.s32 $0x0  }
0x27: {  	v6 =	vld.idx.msk [tilespmem:v0+s22+$0x30 ss:$0x1], $0xffff  }
0x28: {  	v7 =	vld.idx.msk [tilespmem:v0+s22+$0xFFFFFFC0 ss:$0x1], $0xffff  }
0x29: {  	v5 =	vld.idx.msk [tilespmem:v0+s22+$0xFFFFFFD0 ss:$0x1], $0xffff  }
0x2a: {  	v4 =	vld.idx.msk [tilespmem:v0+s22+$0xFFFFFFE0 ss:$0x1], $0xffff  }
0x2b: {  	v3 =	vld.idx.msk [tilespmem:v0+s22+$0xFFFFFFF0 ss:$0x1], $0xffff  }
0x2c: {  	v1 =	vld.idx.msk [tilespmem:v0+s22+$0x0 ss:$0x1], $0xffff  }
0x2d: {  	v2 =	vld.idx.msk [tilespmem:v0+s22+$0x10 ss:$0x1], $0xffff;
	[tilespmem:s18+$0x30] =	vst v6  }
0x2e: {  	s21 =	simm.s32 $0x80;
	s23 =	simm.s32 $0x400;
	[tilespmem:s18+$0xFFFFFFC0] =	vst v7;
	v6 =	vld.idx.msk [tilespmem:v0+s22+$0x20 ss:$0x1], $0xffff;
	s22 =	smov.u32 s18  }
.LBB1_4:
0x2f: {  	p0 =	sne.s32 s23, $0xE00;
	v7 =	vld.idx.msk [tilespmem:v0+s21+$0x30 ss:$0x1], $0xffff;
	[tilespmem:s22+$0xFFFFFFD0] =	vst v5  }
0x30: {  	v8 =	vld.idx.msk [tilespmem:v0+s21+$0xFFFFFFC0 ss:$0x1], $0xffff;
	[tilespmem:s22+$0xFFFFFFE0] =	vst v4  }
0x31: {  	v5 =	vld.idx.msk [tilespmem:v0+s21+$0xFFFFFFD0 ss:$0x1], $0xffff;
	[tilespmem:s22+$0xFFFFFFF0] =	vst v3  }
.Ltmp3:
0x32: {  	v4 =	vld.idx.msk [tilespmem:v0+s21+$0xFFFFFFE0 ss:$0x1], $0xffff;
	[tilespmem:s22+$0x0] =	vst v1;
	(pc) =	sbr.rel @p0 .LBB1_4-.Ltmp3, $4  }
0x33: {  	v3 =	vld.idx.msk [tilespmem:v0+s21+$0xFFFFFFF0 ss:$0x1], $0xffff;
	[tilespmem:s22+$0x10] =	vst v2  }
0x34: {  	v1 =	vld.idx.msk [tilespmem:v0+s21+$0x0 ss:$0x1], $0xffff;
	[tilespmem:s22+$0x20] =	vst v6;
	s22 =	sadd.s32 $0x800, s22  }
0x35: {  	v2 =	vld.idx.msk [tilespmem:v0+s21+$0x10 ss:$0x1], $0xffff;
	[tilespmem:s22+$0x30] =	vst v7  }
0x36: {  	[tilespmem:s22+$0xFFFFFFC0] =	vst v8;
	v6 =	vld.idx.msk [tilespmem:v0+s21+$0x20 ss:$0x1], $0xffff;
	s21 =	sshra.s32 s23, $0x2;
	s23 =	sadd.s32 $0x200, s23  }
0x37: {  	_ =	sdelay $0x2  }
0x38: {  	[tilespmem:s22+$0xFFFFFFD0] =	vst v5  }
0x39: {  	v56 =	vld.idx.msk [tilespmem:v0+s21+$0x30 ss:$0x1], $0xffff;
	[tilespmem:s22+$0xFFFFFFE0] =	vst v4  }
0x3a: {  	v57 =	vld.idx.msk [tilespmem:v0+s21+$0xFFFFFFC0 ss:$0x1], $0xffff;
	[tilespmem:s22+$0xFFFFFFF0] =	vst v3  }
0x3b: {  	v58 =	vld.idx.msk [tilespmem:v0+s21+$0xFFFFFFD0 ss:$0x1], $0xffff;
	[tilespmem:s22+$0x0] =	vst v1  }
0x3c: {  	v59 =	vld.idx.msk [tilespmem:v0+s21+$0xFFFFFFE0 ss:$0x1], $0xffff;
	[tilespmem:s22+$0x10] =	vst v2  }
0x3d: {  	v60 =	vld.idx.msk [tilespmem:v0+s21+$0xFFFFFFF0 ss:$0x1], $0xffff;
	s31 =	sadd.s32 $0x800, s22;
	[tilespmem:s22+$0x20] =	vst v6  }
0x3e: {  	v61 =	vld.idx.msk [tilespmem:v0+s21+$0x0 ss:$0x1], $0xffff;
	[tilespmem:s31+$0x30] =	vst v56  }
0x3f: {  	v62 =	vld.idx.msk [tilespmem:v0+s21+$0x10 ss:$0x1], $0xffff;
	s20 =	sadd.s32 $0x1, s20;
	[tilespmem:s31+$0xFFFFFFC0] =	vst v57  }
0x40: {  	v63 =	vld.idx.msk [tilespmem:v0+s21+$0x20 ss:$0x1], $0xffff;
	p0 =	sne.s32 s20, $0x10;
	[tilespmem:s31+$0xFFFFFFD0] =	vst v58  }
.Ltmp4:
0x41: {  	[tilespmem:s31+$0xFFFFFFE0] =	vst v59;
	(pc) =	sbr.rel @p0 .LBB1_3-.Ltmp4, $4  }
0x42: {  	[tilespmem:s31+$0xFFFFFFF0] =	vst v60  }
0x43: {  	[tilespmem:s31+$0x0] =	vst v61  }
0x44: {  	[tilespmem:s31+$0x10] =	vst v62  }
0x45: {  	s18 =	sadd.s32 $0x80, s18;
	s19 =	sadd.s32 $0x400, s19;
	[tilespmem:s31+$0x20] =	vst v63  }
0x46: {  	s15 =	sand.u32 $0x1FFFFFF, s15  }
0x47: {  	s18 =	smulhi.u32 $0x147AE15, s15;
	_ =	sdelay $0x1  }
0x48: {  	s16 =	smul.u32 $0x190000, s16;
	s18 =	sshrl.u32 s18, $0x6  }
0x49: {  	s18 =	smul.u32 $0x3200, s18  }
.Ltmp5:
0x4a: {  	_ = 	snop;
	(pc) =	sbr.rel .LBB1_7-.Ltmp5, $4  }
0x4b: {  	s15 =	ssub.s32 s15, s18  }
0x4c: {  	s16 =	sadd.s32 s7, s16;
	s15 =	sshll.u32 s15, $0x4  }
0x4d: {  	s15 =	sadd.s32 s15, s16  }
0x4e: {  	[hbm4b:s15+s9] =	stream.strided.scatter [tilespmem:s17], [sflag:$0x2], $0x4000, s10, s9, $0x38;
	[tilespmem:$0x10000] =	vst v63  }
.LBB1_8:
0x4f: {  	_ =	sfence.sel $0x180000  }
0x50: {  	s1 =	simm.s32 $0x1;
	[bflag:$0x0] =	sbarrier.arrive $0xFFFF  }
0x51: {  	s31 =	simm.s32 $0x2;
	[sflag:s1] =	ssyncpa.u1 $0x1  }
0x52: {  	[sflag:s31] =	ssyncpa.u1 $0x1  }
0x53: {  	p0 =	sne.s32 s0, $0x0;
	_ =	strace $0x9000004A  }
0x54: {  	s0 =	sadd.s32 @!p0 $0x100000, s3;
	[bflag:$0x2] =	sbarrier.arrive $0xFFFF  }
0x55: {  	[sflag:s0] =	ssyncadd.tile.s32 @!p0 $0x1;
	_ =	shalt  }
.Lfunc_end1:
_tile_overlayer_lowered:
.L_overlay_start_2:
0x56: {  	(tag) =	ssettag $0x2  }
0x57: {  	s0 =	rddreg [dreg:$0x0];
	s2 =	stileid.u32  }
0x58: {  	s1 =	rddreg [dreg:$0x1];
	p0 =	sne.s32 s2, $0x0  }
0x59: {  	s3 =	rddreg [dreg:$0x2];
	[bflag:$0x3] =	sbarrier.arrive $0xFFFF;
	s2 =	simm.s32 @!p0 $0x1C01  }
0x5a: {  	[timem:s3], [sflag:s2] =	dma.local @!p0 [hbm:s0], s1  }
0x5b: {  	s0 =	simm.s32 @!p0 $0x1  }
0x5c: {  	_ =	swait.ge @!p0 [sflag:s0], s1  }
0x5d: {  	s1 =	ssub.s32 @!p0 $0x0, s1;
	[sflag:s0] =	ssyncset.done @!p0 $0x0  }
0x5e: {  	[sflag:s0] =	ssyncadd.s32 @!p0 s1  }
0x5f: {  	[bflag:$0x3] =	sbarrier.arrive $0xFFFF  }
0x60: {  	_ =	shalt  }

// kernel: sparse-core-data-format-call.cloned.1.call-start
scs
called_computation_lowered:
.L_overlay_start_0:
0x0: {  	s2 =	sld [smem:$0x3FD9]  }
0x1: {  	s3 =	sld [smem:$0x3FFE];
	_ =	sdelay $0x1  }
0x2: {  	s1 =	srdreg.scid  }
0x3: {  	s0 =	sand.u32 $0x1, s1  }
0x4: {  	s18 =	sshll.u32 s0, $0xA;
	s2 =	sadd.s32 s3, s2  }
0x5: {  	s2 =	sadd.s32 s2, s18  }
0x6: {  	[smem:$0x3FB0] =	sst s2  }
0x7: {  	_ = 	snop  }
0x8: {  	(tm) =	ssettm $0x1  }
0x9: {  	s19 =	sld [smem:$0x3FFB];
	_ =	sdelay $0x3  }
0xa: {  	_ =	strace s19  }
0xb: {  	s2 =	sld [smem:$0x3FFC];
	_ =	sdelay $0x3  }
0xc: {  	_ =	strace s2  }
0xd: {  	s2 =	sld [smem:$0x3FFD];
	_ =	sdelay $0x3  }
0xe: {  	_ =	strace s2  }
0xf: {  	_ =	strace $0x8FFFFFFF  }
0x10: {  	s20 =	sld [smem:$0x3FDB];
	_ =	sdelay $0x1  }
0x11: {  	s21 =	simm.s32 $_scs_section_size  }
0x12: {  	s4 =	simm.s32 $_size__tile_overlayer_lowered;
	s5 =	simm.s32 $_tile_overlayer_lowered  }
0x13: {  	s6 =	simm.s32 $0x1BFF;
	s22 =	sshll.u32 s5, $0x1;
	s3 =	sadd.s32 s21, s20  }
0x14: {  	s23 =	simm.s32 $0x0;
	s4 =	sshll.u32 s4, $0x1;
	s5 =	sadd.s32 s22, s3  }
0x15: {  	[timem:s23], [sflag:s6] =	dma.local [hbm:s5], s4  }
0x16: {  	_ =	swait.ge [sflag:s6], s4  }
0x17: {  	s4 =	ssub.s32 $0x0, s4;
	[sflag:s6] =	ssyncset.done $0x0  }
0x18: {  	[sflag:s6] =	ssyncadd.s32 s4;
	_ =	sdelay $0x1  }
0x19: {  	s24 =	simm.s32 $0x1B8B  }
0x1a: {  	_ =	swait.ge [sflag:s24], $0x1  }
0x1b: {  	[sflag:s24] =	ssyncset.done $0x0  }
0x1c: {  	[sflag:s24] =	ssyncadd.s32 $0xFFFFFFFF  }
0x1d: {  	s4 =	sld [smem:$0x0]  }
0x1e: {  	s5 =	sand.u32 $0xFFFFFFFE, s1  }
0x1f: {  	p0 =	sne.s32 s1, s5  }
0x20: {  	s5 =	sshll.u32 @p0 s5, $0xE  }
0x21: {  	s5 =	sadd.s32 @p0 $0x11B8D, s5;
	s6 =	sshll.u32 @p0 s4, $0x11  }
0x22: {  	s5 =	sor.u32 @p0 s6, s5  }
0x23: {  	[sflag:s5] =	ssyncadd.remote.s32 @p0 $0x1;
	_ =	sdelay $0x1  }
0x24: {  	s5 =	simm.s32 @p0 $0x1B8D  }
0x25: {  	_ =	swait.eq @p0 [sflag:s5], $0x1  }
0x26: {  	[sflag:s5] =	ssyncadd.s32 @p0 $0xFFFFFFFF  }
0x27: {  	s6 =	sshll.u32 @!p0 s1, $0xE  }
0x28: {  	s6 =	sor.u32 @!p0 $0x4000, s6;
	s5 =	simm.s32 @!p0 $0x1B8D  }
0x29: {  	s4 =	sshll.u32 @!p0 s4, $0x11;
	s6 =	sadd.s32 @!p0 $0x11B8D, s6;
	_ =	swait.eq @!p0 [sflag:s5], $0x1  }
0x2a: {  	s4 =	sor.u32 @!p0 s4, s6;
	[sflag:s5] =	ssyncadd.s32 @!p0 $0xFFFFFFFF  }
0x2b: {  	s26 =	simm.s32 $0x1B8E;
	s25 =	sld [smem:$0x3FFE];
	[sflag:s4] =	ssyncadd.remote.s32 @!p0 $0x1  }
0x2c: {  	s27 =	simm.s32 $execute0_lowered;
	[smem:$0x3FD2] =	sst s26  }
0x2d: {  	s5 =	sshll.u32 s27, $0x1;
	_ =	strace $0x8000004C;
	[dreg:$0x1] =	wrdreg $0xFFFFFFFF  }
0x2e: {  	s28 =	simm.s32 $_size_execute0_lowered;
	s3 =	sadd.s32 s3, s5;
	[dreg:$0x0] =	wrdreg $0x0  }
0x2f: {  	s5 =	sshll.u32 s28, $0x1;
	[dreg:$0x2] =	wrdreg s3  }
0x30: {  	[dreg:$0x3] =	wrdreg s5  }
0x31: {  	[dreg:$0x4] =	wrdreg $0xC0  }
0x32: {  	_ =	task [dreg:s23], $0x5FFFF  }
0x33: {  	[dreg:$0x1] =	wrdreg $0xFFFFFFFF  }
0x34: {  	[dreg:$0x0] =	wrdreg $0x60  }
0x35: {  	[dreg:$0x2] =	wrdreg s25  }
0x36: {  	[dreg:$0x3] =	wrdreg $0x9  }
0x37: {  	_ =	task.clear_ibuf [dreg:s23], $0x4FFFF;
	_ =	strace $0x9000004C  }
0x38: {  	s29 =	simm.s32 $0x9;
	_ =	strace $0x8000004E  }
0x39: {  	_ =	swait.ge [sflag:s29], $0x1  }
0x3a: {  	[sflag:s29] =	ssyncadd.s32 $0xFFFFFFFF  }
0x3b: {  	_ =	strace $0x9000004E  }
0x3c: {  	_ =	sfence  }
0x3d: {  	s30 =	sld [smem:$0x0];
	_ =	sdelay $0x2  }
0x3e: {  	s31 =	sshll.u32 s1, $0xD;
	s1 =	sshrl.u32 s1, $0x2  }
0x3f: {  	s4 =	sand.u32 $0x4000, s31;
	s1 =	sadd.s32 s1, s30  }
0x40: {  	s0 =	sor.u32 s4, s0;
	s1 =	sshll.u32 s1, $0x11  }
0x41: {  	s0 =	sor.u32 s1, s0  }
0x42: {  	s0 =	sadd.s32 $0x8F2B, s0  }
0x43: {  	[sflag:s0] =	ssyncadd.remote.s32 $0x1  }
0x44: {  	_ =	sfence.sel $0xFFFF  }
0x45: {  	[dreg:$0x0] =	wrdreg $0xFFFFFFFF;
	(pc) =	sbr.abs _section_cstart, $3  }
0x46: {  	[dreg:$0x1] =	wrdreg $0xFFFFFFFF  }
0x47: {  	_ =	task.clear_ibuf [dreg:s23], $0x2FFFF;
	_ =	strace $0x9FFFFFFF  }
0x48: {  	(tm) =	ssettm $0x7FFFFFFF  }
0x49: {  	_ =	shalt  }
tec
execute0_lowered:
.L_overlay_start_1:
0x0: {  	(tag) =	ssettag $0x1  }
0x1: {  	s0 =	stileid.u32;
	s1 =	srdreg.scid  }
0x2: {  	s7 =	rddreg [dreg:$0x0];
	s31 =	simm.s32 $0x2;
	s15 =	simm.s32 $0x0  }
0x3: {  	s9 =	simm.s32 $0x800;
	s2 =	sshll.u32 s0, $0x3;
	s1 =	sshll.u32 s1, $0x7  }
0x4: {  	s10 =	simm.s32 $0x190000;
	s1 =	sor.u32 s2, s1;
	s2 =	sand.u32 $0x1, s0  }
0x5: {  	s11 =	simm.s32 $0x0;
	s1 =	sand.u32 $0xF0, s1;
	s4 =	ssub.s32 $0x2, s2  }
0x6: {  	s16 =	simm.s32 $0x0;
	s3 =	ssub.s32 $0x3200, s1;
	s6 =	sshrl.u32 s4, $0x1  }
0x7: {  	s4 =	sand.u32 $0x1, s4;
	s5 =	sand.u32 $0xF0, s3;
	s8 =	sshrl.u32 s3, $0x8  }
0x8: {  	s3 =	rddreg [dreg:$0x1];
	p0 =	sne.s32 s5, $0x0;
	s5 =	simm.s32 $0x1  }
.Ltmp0:
0x9: {  	s6 =	sadd.s32 s4, s6;
	s5 =	simm.s32 @!p0 $0x0;
	(pc) =	sbr.rel .LBB1_1-.Ltmp0, $4  }
0xa: {  	_ =	strace $0x8000004D;
	s4 =	simm.s32 $0x1;
	s5 =	sadd.s32 s5, s8  }
0xb: {  	s14 =	simm.s32 $0x0;
	[sflag:s4] =	ssyncpa.u1 $0x0;
	s5 =	smul.u32 s6, s5  }
0xc: {  	s13 =	smov.u32 s2;
	s12 =	smov.u32 s1;
	[sflag:s31] =	ssyncpa.u1 $0x0  }
0xd: {  	s6 =	sadd.s32 $0x425E00, s7;
	s7 =	sadd.s32 $0x10A5E00, s7;
	s8 =	sadd.s32 $0x1, s5  }
.LBB1_7:
0xe: {  	s17 =	sadd.s32 $0x100, s12  }
0xf: {  	s15 =	sadd.s32 $0x2, s13;
	s19 =	smov.u32 s13;
	p1 =	sgt.s32 s17, $0x31FF  }
0x10: {  	s19 =	smov.u32 @p1 s15  }
0x11: {  	s17 =	smov.u32 @p1 s1;
	p1 =	sgt.s32 s19, $0x1  }
0x12: {  	s19 =	smov.u32 @p1 s2;
	p1 =	sne.s32 s14, s8  }
.Ltmp1:
0x13: {  	p0 =	slt.u32 s14, $0x2;
	(pc) =	sbr.rel @!p1 .LBB1_8-.Ltmp1, $4  }
0x14: {  	s18 =	simm.s32 @!p0 $0x2  }
0x15: {  	s16 =	smov.u32 s13;
	s11 =	sadd.s32 $0x4000, s11;
	_ =	swait.ge @!p0 [sflag:s18], $0x4000  }
0x16: {  	s15 =	smov.u32 s12;
	[sflag:s18] =	ssyncset.done @!p0 $0x0;
	s12 =	smov.u32 s17  }
0x17: {  	s14 =	sadd.s32 $0x1, s14;
	[sflag:s18] =	ssyncadd.s32 @!p0 $0xFFFFC000;
	s13 =	smov.u32 s19  }
.LBB1_1:
0x18: {  	p0 =	sge.u32 s14, s5  }
0x19: {  	s17 =	smul.u32 @!p0 $0x190000, s13  }
0x1a: {  	s31 =	sadd.s32 $0xFFFFFFFF, s14;
	s18 =	sxor.u32 @!p0 $0xFFFFFFFF, s14  }
0x1b: {  	s19 =	sshll.u32 @!p0 s12, $0x7;
	s18 =	sshll.u32 @!p0 s18, $0xE;
	s17 =	sadd.s32 @!p0 s6, s17  }
0x1c: {  	s18 =	sand.u32 @!p0 $0x4000, s18;
	s17 =	sadd.s32 @!p0 s19, s17;
	s19 =	simm.s32 @!p0 $0x0  }
0x1d: {  	[tilespmem:s18], [sflag:$0x1] =	stream.linear.gather @!p0 [hbm4b:s17+s19], $0x4000, $0x38;
	[tilespmem:$0x10000] =	vst v63  }
0x1e: {  	p0 =	sge.u32 s31, s5  }
.Ltmp2:
0x1f: {  	_ = 	snop;
	(pc) =	sbr.rel @p0 .LBB1_7-.Ltmp2, $1  }
0x20: {  	_ =	sdelay $0x3  }
0x21: {  	s17 =	sand.u32 $0x4000, s11  }
0x22: {  	_ =	swait.ge [sflag:s4], $0x4000;
	s20 =	sshll.u32 s14, $0xE;
	s18 =	sor.u32 $0x8040, s17  }
0x23: {  	s19 =	sor.u32 $0x40, s17;
	[sflag:s4] =	ssyncset.done $0x0;
	s31 =	sand.u32 $0x4000, s20  }
0x24: {  	s20 =	simm.s32 $0x0;
	[sflag:s4] =	ssyncadd.s32 $0xFFFFC000;
	s17 =	sor.u32 $0x8000, s31  }
.LBB1_3:
0x25: {  	v0 =	vmov s19;
	_ =	sdelay $0x3  }
0x26: {  	s22 =	simm.s32 $0x0  }
0x27: {  	v6 =	vld.idx.msk [tilespmem:v0+s22+$0x30 ss:$0x1], $0xffff  }
0x28: {  	v7 =	vld.idx.msk [tilespmem:v0+s22+$0xFFFFFFC0 ss:$0x1], $0xffff  }
0x29: {  	v5 =	vld.idx.msk [tilespmem:v0+s22+$0xFFFFFFD0 ss:$0x1], $0xffff  }
0x2a: {  	v4 =	vld.idx.msk [tilespmem:v0+s22+$0xFFFFFFE0 ss:$0x1], $0xffff  }
0x2b: {  	v3 =	vld.idx.msk [tilespmem:v0+s22+$0xFFFFFFF0 ss:$0x1], $0xffff  }
0x2c: {  	v1 =	vld.idx.msk [tilespmem:v0+s22+$0x0 ss:$0x1], $0xffff  }
0x2d: {  	v2 =	vld.idx.msk [tilespmem:v0+s22+$0x10 ss:$0x1], $0xffff;
	[tilespmem:s18+$0x30] =	vst v6  }
0x2e: {  	s21 =	simm.s32 $0x80;
	s23 =	simm.s32 $0x400;
	[tilespmem:s18+$0xFFFFFFC0] =	vst v7;
	v6 =	vld.idx.msk [tilespmem:v0+s22+$0x20 ss:$0x1], $0xffff;
	s22 =	smov.u32 s18  }
.LBB1_4:
0x2f: {  	p0 =	sne.s32 s23, $0xE00;
	v7 =	vld.idx.msk [tilespmem:v0+s21+$0x30 ss:$0x1], $0xffff;
	[tilespmem:s22+$0xFFFFFFD0] =	vst v5  }
0x30: {  	v8 =	vld.idx.msk [tilespmem:v0+s21+$0xFFFFFFC0 ss:$0x1], $0xffff;
	[tilespmem:s22+$0xFFFFFFE0] =	vst v4  }
0x31: {  	v5 =	vld.idx.msk [tilespmem:v0+s21+$0xFFFFFFD0 ss:$0x1], $0xffff;
	[tilespmem:s22+$0xFFFFFFF0] =	vst v3  }
.Ltmp3:
0x32: {  	v4 =	vld.idx.msk [tilespmem:v0+s21+$0xFFFFFFE0 ss:$0x1], $0xffff;
	[tilespmem:s22+$0x0] =	vst v1;
	(pc) =	sbr.rel @p0 .LBB1_4-.Ltmp3, $4  }
0x33: {  	v3 =	vld.idx.msk [tilespmem:v0+s21+$0xFFFFFFF0 ss:$0x1], $0xffff;
	[tilespmem:s22+$0x10] =	vst v2  }
0x34: {  	v1 =	vld.idx.msk [tilespmem:v0+s21+$0x0 ss:$0x1], $0xffff;
	[tilespmem:s22+$0x20] =	vst v6;
	s22 =	sadd.s32 $0x800, s22  }
0x35: {  	v2 =	vld.idx.msk [tilespmem:v0+s21+$0x10 ss:$0x1], $0xffff;
	[tilespmem:s22+$0x30] =	vst v7  }
0x36: {  	[tilespmem:s22+$0xFFFFFFC0] =	vst v8;
	v6 =	vld.idx.msk [tilespmem:v0+s21+$0x20 ss:$0x1], $0xffff;
	s21 =	sshra.s32 s23, $0x2;
	s23 =	sadd.s32 $0x200, s23  }
0x37: {  	_ =	sdelay $0x2  }
0x38: {  	[tilespmem:s22+$0xFFFFFFD0] =	vst v5  }
0x39: {  	v56 =	vld.idx.msk [tilespmem:v0+s21+$0x30 ss:$0x1], $0xffff;
	[tilespmem:s22+$0xFFFFFFE0] =	vst v4  }
0x3a: {  	v57 =	vld.idx.msk [tilespmem:v0+s21+$0xFFFFFFC0 ss:$0x1], $0xffff;
	[tilespmem:s22+$0xFFFFFFF0] =	vst v3  }
0x3b: {  	v58 =	vld.idx.msk [tilespmem:v0+s21+$0xFFFFFFD0 ss:$0x1], $0xffff;
	[tilespmem:s22+$0x0] =	vst v1  }
0x3c: {  	v59 =	vld.idx.msk [tilespmem:v0+s21+$0xFFFFFFE0 ss:$0x1], $0xffff;
	[tilespmem:s22+$0x10] =	vst v2  }
0x3d: {  	v60 =	vld.idx.msk [tilespmem:v0+s21+$0xFFFFFFF0 ss:$0x1], $0xffff;
	s31 =	sadd.s32 $0x800, s22;
	[tilespmem:s22+$0x20] =	vst v6  }
0x3e: {  	v61 =	vld.idx.msk [tilespmem:v0+s21+$0x0 ss:$0x1], $0xffff;
	[tilespmem:s31+$0x30] =	vst v56  }
0x3f: {  	v62 =	vld.idx.msk [tilespmem:v0+s21+$0x10 ss:$0x1], $0xffff;
	s20 =	sadd.s32 $0x1, s20;
	[tilespmem:s31+$0xFFFFFFC0] =	vst v57  }
0x40: {  	v63 =	vld.idx.msk [tilespmem:v0+s21+$0x20 ss:$0x1], $0xffff;
	p0 =	sne.s32 s20, $0x10;
	[tilespmem:s31+$0xFFFFFFD0] =	vst v58  }
.Ltmp4:
0x41: {  	[tilespmem:s31+$0xFFFFFFE0] =	vst v59;
	(pc) =	sbr.rel @p0 .LBB1_3-.Ltmp4, $4  }
0x42: {  	[tilespmem:s31+$0xFFFFFFF0] =	vst v60  }
0x43: {  	[tilespmem:s31+$0x0] =	vst v61  }
0x44: {  	[tilespmem:s31+$0x10] =	vst v62  }
0x45: {  	s18 =	sadd.s32 $0x80, s18;
	s19 =	sadd.s32 $0x400, s19;
	[tilespmem:s31+$0x20] =	vst v63  }
0x46: {  	s15 =	sand.u32 $0x1FFFFFF, s15  }
0x47: {  	s18 =	smulhi.u32 $0x147AE15, s15;
	_ =	sdelay $0x1  }
0x48: {  	s16 =	smul.u32 $0x190000, s16;
	s18 =	sshrl.u32 s18, $0x6  }
0x49: {  	s18 =	smul.u32 $0x3200, s18  }
.Ltmp5:
0x4a: {  	_ = 	snop;
	(pc) =	sbr.rel .LBB1_7-.Ltmp5, $4  }
0x4b: {  	s15 =	ssub.s32 s15, s18  }
0x4c: {  	s16 =	sadd.s32 s7, s16;
	s15 =	sshll.u32 s15, $0x4  }
0x4d: {  	s15 =	sadd.s32 s15, s16  }
0x4e: {  	[hbm4b:s15+s9] =	stream.strided.scatter [tilespmem:s17], [sflag:$0x2], $0x4000, s10, s9, $0x38;
	[tilespmem:$0x10000] =	vst v63  }
.LBB1_8:
0x4f: {  	_ =	sfence.sel $0x180000  }
0x50: {  	s1 =	simm.s32 $0x1;
	[bflag:$0x0] =	sbarrier.arrive $0xFFFF  }
0x51: {  	s31 =	simm.s32 $0x2;
	[sflag:s1] =	ssyncpa.u1 $0x1  }
0x52: {  	[sflag:s31] =	ssyncpa.u1 $0x1  }
0x53: {  	p0 =	sne.s32 s0, $0x0;
	_ =	strace $0x9000004D  }
0x54: {  	s0 =	sadd.s32 @!p0 $0x100000, s3;
	[bflag:$0x2] =	sbarrier.arrive $0xFFFF  }
0x55: {  	[sflag:s0] =	ssyncadd.tile.s32 @!p0 $0x1;
	_ =	shalt  }
.Lfunc_end1:
_tile_overlayer_lowered:
.L_overlay_start_2:
0x56: {  	(tag) =	ssettag $0x2  }
0x57: {  	s0 =	rddreg [dreg:$0x0];
	s2 =	stileid.u32  }
0x58: {  	s1 =	rddreg [dreg:$0x1];
	p0 =	sne.s32 s2, $0x0  }
0x59: {  	s3 =	rddreg [dreg:$0x2];
	[bflag:$0x3] =	sbarrier.arrive $0xFFFF;
	s2 =	simm.s32 @!p0 $0x1C01  }
0x5a: {  	[timem:s3], [sflag:s2] =	dma.local @!p0 [hbm:s0], s1  }
0x5b: {  	s0 =	simm.s32 @!p0 $0x1  }
0x5c: {  	_ =	swait.ge @!p0 [sflag:s0], s1  }
0x5d: {  	s1 =	ssub.s32 @!p0 $0x0, s1;
	[sflag:s0] =	ssyncset.done @!p0 $0x0  }
0x5e: {  	[sflag:s0] =	ssyncadd.s32 @!p0 s1  }
0x5f: {  	[bflag:$0x3] =	sbarrier.arrive $0xFFFF  }
0x60: {  	_ =	shalt  }

</sc_bundles>
